<compile_context>
chip_gen: v7x
topology: tpu7x:2x2x1
jax: 0.10.2.dev20260603
libtpu: 0.0.44.dev20260713+nightly
codegen_flags: <defaults>
</compile_context>

<pallas_src>
import functools

import numpy as np

import jax
import jax.numpy as jnp
from jax import lax
from jax.experimental import pallas as pl
from jax.experimental.pallas import tpu as pltpu
from jax.experimental.pallas import tpu_sc as plsc

_N = 10000
_E = 320000
_D = 128
_DE = 16
_DW = _D // 2

_NODE_BLK = 1000
_EDGE_BLK = 4000

_NC = 2
_NS = 16
_NW = _NC * _NS
_EPW = _E // _NW
_C = 40
_NCHUNK = _EPW // _C
_NPAD = 10240
_RPS = _NPAD // _NS

_PERM = (np.arange(0, 128, 32)[:, None]
         + np.concatenate([np.arange(0, 32, 2), np.arange(1, 32, 2)])[None, :]
         ).reshape(-1)
_INV = np.argsort(_PERM)


def _pack_cols(lo, hi):
    ue = lax.bitcast_convert_type(lo.astype(jnp.bfloat16), jnp.uint16)
    uo = lax.bitcast_convert_type(hi.astype(jnp.bfloat16), jnp.uint16)
    word = ue.astype(jnp.uint32) | (uo.astype(jnp.uint32) << 16)
    return lax.bitcast_convert_type(word, jnp.int32)


def _node_mm_body(x_ref, w_ref, b_ref, k_ref, qv_ref, s_ref):
    acc = jnp.dot(x_ref[...], w_ref[...], preferred_element_type=jnp.float32)
    acc = acc + b_ref[...]
    k_ref[...] = acc[:, 0:128]
    qv_ref[:, 0:64] = _pack_cols(acc[:, 128:192], acc[:, 192:256])
    qv_ref[:, 64:128] = _pack_cols(acc[:, 256:320], acc[:, 320:384])
    s_ref[...] = acc[:, 384:512]


def _node_matmuls(x, w_cat, b_cat):
    nspec = pl.BlockSpec((_NODE_BLK, _D), lambda i: (i, 0))
    return pl.pallas_call(
        _node_mm_body,
        grid=(_N // _NODE_BLK,),
        in_specs=[
            pl.BlockSpec((_NODE_BLK, _D), lambda i: (i, 0)),
            pl.BlockSpec((_D, 4 * _D), lambda i: (0, 0)),
            pl.BlockSpec((1, 4 * _D), lambda i: (0, 0)),
        ],
        out_specs=[nspec, nspec, nspec],
        out_shape=[jax.ShapeDtypeStruct((_N, _D), jnp.float32),
                   jax.ShapeDtypeStruct((_N, _D), jnp.int32),
                   jax.ShapeDtypeStruct((_N, _D), jnp.float32)],
    )(x, w_cat, b_cat)


def _edge_mm_body(a_ref, w_ref, b_ref, o_ref):
    acc = jnp.dot(a_ref[...], w_ref[...], preferred_element_type=jnp.float32)
    acc = acc + b_ref[...]
    o_ref[...] = _pack_cols(acc[:, 0:64], acc[:, 64:128])


def _edge_matmul(edge_attr, we_cat, be_cat):
    return pl.pallas_call(
        _edge_mm_body,
        grid=(_E // _EDGE_BLK,),
        in_specs=[
            pl.BlockSpec((_EDGE_BLK, _DE), lambda i: (i, 0)),
            pl.BlockSpec((_DE, _D), lambda i: (0, 0)),
            pl.BlockSpec((1, _D), lambda i: (0, 0)),
        ],
        out_specs=pl.BlockSpec((_EDGE_BLK, _DW), lambda i: (i, 0)),
        out_shape=jax.ShapeDtypeStruct((_E, _DW), jnp.int32),
    )(edge_attr, we_cat, be_cat)


def _sc_edge_body(k_hbm, qv_hbm, e_hbm, src_hbm, dst_hbm,
                  out0_hbm, out1_hbm,
                  srcv0, srcv1, srcv2, srcv3, dstv0, dstv1, dstv2, dstv3,
                  kb0, kb1, qvb0, qvb1, eb0, eb1, eb2, eb3, mb0,
                  aggsh, semG0, semG1,
                  semE0, semE1, semE2, semE3, semS0):
    cid = lax.axis_index("c")
    sid = lax.axis_index("s")
    wid = sid * _NC + cid
    ebase = wid * _EPW

    srcv = (srcv0, srcv1, srcv2, srcv3)
    dstv = (dstv0, dstv1, dstv2, dstv3)
    kb = (kb0, kb1)
    qvb = (qvb0, qvb1)
    eb = (eb0, eb1, eb2, eb3)
    semG = (semG0, semG1)
    semE = (semE0, semE1, semE2, semE3)

    zero = jnp.zeros((16,), jnp.float32)

    def zrow(i, _):
        for r in range(_D // 16):
            mb0[i, pl.ds(r * 16, 16)] = zero
        return 0

    lax.fori_loop(0, _C, zrow, 0)
    zbase = pl.multiple_of(sid * _RPS, 8)
    for m in range(_RPS // _C):
        pltpu.sync_copy(mb0, aggsh.at[pl.ds(zbase + m * _C, _C)])
    plsc.subcore_barrier()

    def chunk_off(t):
        return pl.multiple_of(ebase + t * _C, 8)

    def issue_pre(t, s):
        off = chunk_off(t)
        pltpu.async_copy(e_hbm.at[pl.ds(off, _C)], eb[s], semE[s])
        pltpu.async_copy(src_hbm.at[pl.ds(off, _C)], srcv[s], semE[s])
        pltpu.async_copy(dst_hbm.at[pl.ds(off, _C)], dstv[s], semE[s])

    def wait_pre(s):
        pltpu.make_async_copy(e_hbm.at[pl.ds(0, _C)], eb[s], semE[s]).wait()
        pltpu.make_async_copy(src_hbm.at[pl.ds(0, _C)], srcv[s], semE[s]).wait()
        pltpu.make_async_copy(dst_hbm.at[pl.ds(0, _C)], dstv[s], semE[s]).wait()

    def issue_gathers(b, s):
        pltpu.async_copy(k_hbm.at[dstv[s]], kb[b], semG[b])
        pltpu.async_copy(qv_hbm.at[srcv[s]], qvb[b], semG[b])

    def wait_gathers(b):
        pltpu.make_async_copy(k_hbm.at[pl.ds(0, _C)], kb[b], semG[b]).wait()
        pltpu.make_async_copy(qv_hbm.at[pl.ds(0, _C)], qvb[b], semG[b]).wait()

    def compute(b, s):
        kp, qvp, ep, mp = kb[b], qvb[b], eb[s], mb0

        mask = jnp.int32(-65536)

        def unpk(w):
            lo = lax.bitcast_convert_type(w << 16, jnp.float32)
            hi = lax.bitcast_convert_type(w & mask, jnp.float32)
            return lo, hi

        @plsc.parallel_loop(0, _C, 1)
        def row(i):
            for g in range(_DW // 16):
                slw = pl.ds(g * 16, 16)
                ea, eo = unpk(ep[i, slw])
                qa, qo = unpk(qvp[i, slw])
                va, vo = unpk(qvp[i, pl.ds(64 + g * 16, 16)])
                za = kp[i, pl.ds(g * 32, 16)] + ea + qa
                zo = kp[i, pl.ds(g * 32 + 16, 16)] + eo + qo
                mp[i, pl.ds(g * 32, 16)] = va / (1.0 + jnp.exp(-za))
                mp[i, pl.ds(g * 32 + 16, 16)] = vo / (1.0 + jnp.exp(-zo))

    def issue_scatter(s):
        pltpu.async_copy(mb0, aggsh.at[dstv[s]], semS0, add=True)

    def wait_scatter():
        pltpu.make_async_copy(out0_hbm.at[pl.ds(0, _C)], mb0, semS0).wait()

    def steady(t, j, pre2=True, gat1=True):
        p = j & 1
        q = 1 - p
        if gat1:
            wait_pre((j + 1) % 4)
            issue_gathers(q, (j + 1) % 4)
        if pre2:
            issue_pre(t + 2, (j + 2) % 4)
        wait_gathers(p)
        wait_scatter()
        compute(p, j)
        issue_scatter(j)

    pltpu.sync_copy(src_hbm.at[pl.ds(chunk_off(0), _C)], srcv0)
    pltpu.sync_copy(dst_hbm.at[pl.ds(chunk_off(0), _C)], dstv0)
    pltpu.sync_copy(e_hbm.at[pl.ds(chunk_off(0), _C)], eb0)
    issue_gathers(0, 0)
    issue_pre(1, 1)
    pltpu.async_copy(out0_hbm.at[pl.ds(0, _C)], mb0, semS0)

    def quad(u, _):
        t0 = 4 * u
        steady(t0, 0)
        steady(t0 + 1, 1)
        steady(t0 + 2, 2)
        steady(t0 + 3, 3)
        return 0

    lax.fori_loop(0, (_NCHUNK - 2) // 4, quad, 0)
    steady(_NCHUNK - 2, 0, pre2=False)
    steady(_NCHUNK - 1, 1, pre2=False, gat1=False)
    wait_scatter()
    plsc.subcore_barrier()

    @pl.when(cid == 0)
    def _():
        pltpu.sync_copy(aggsh.at[pl.ds(zbase, _RPS)],
                        out0_hbm.at[pl.ds(zbase, _RPS)])

    @pl.when(cid == 1)
    def _():
        pltpu.sync_copy(aggsh.at[pl.ds(zbase, _RPS)],
                        out1_hbm.at[pl.ds(zbase, _RPS)])


def _sc_edge(k, qv, e, src, dst):
    mesh = plsc.VectorSubcoreMesh(core_axis_name="c", subcore_axis_name="s")
    f = pl.kernel(
        _sc_edge_body,
        out_type=(jax.ShapeDtypeStruct((_NPAD, _D), jnp.float32),
                  jax.ShapeDtypeStruct((_NPAD, _D), jnp.float32)),
        mesh=mesh,
        scratch_types=(
            [pltpu.VMEM((_C,), jnp.int32)] * 8
            + [pltpu.VMEM((_C, _D), jnp.float32)] * 2
            + [pltpu.VMEM((_C, _D), jnp.int32)] * 2
            + [pltpu.VMEM((_C, _DW), jnp.int32)] * 4
            + [pltpu.VMEM((_C, _D), jnp.float32)] * 1
            + [pltpu.VMEM_SHARED((_NPAD, _D), jnp.float32)]
            + [pltpu.SemaphoreType.DMA] * 7
        ),
    )
    return f(k, qv, e, src, dst)


def _epilogue_body(p0_ref, p1_ref, skip_ref, g_ref, b_ref, o_ref):
    out = p0_ref[...] + p1_ref[...] + skip_ref[...]
    mu = jnp.mean(out, axis=-1, keepdims=True)
    var = jnp.mean((out - mu) ** 2, axis=-1, keepdims=True)
    out = (out - mu) * jax.lax.rsqrt(var + 1e-5) * g_ref[...] + b_ref[...]
    o_ref[...] = out * 0.5 * (1.0 + jax.lax.erf(out / jnp.sqrt(2.0).astype(jnp.float32)))


def _epilogue(p0, p1, skip, ln_g_row, ln_b_row):
    return pl.pallas_call(
        _epilogue_body,
        grid=(_N // _NODE_BLK,),
        in_specs=[
            pl.BlockSpec((_NODE_BLK, _D), lambda i: (i, 0)),
            pl.BlockSpec((_NODE_BLK, _D), lambda i: (i, 0)),
            pl.BlockSpec((_NODE_BLK, _D), lambda i: (i, 0)),
            pl.BlockSpec((1, _D), lambda i: (0, 0)),
            pl.BlockSpec((1, _D), lambda i: (0, 0)),
        ],
        out_specs=pl.BlockSpec((_NODE_BLK, _D), lambda i: (i, 0)),
        out_shape=jax.ShapeDtypeStruct((_N, _D), jnp.float32),
    )(p0, p1, skip, ln_g_row, ln_b_row)


def kernel(x, edge_index, edge_attr, Wk, bk, Wq, bq, Wv, bv, We, be, Wskip,
           bias, ln_g, ln_b):
    src = edge_index[0].astype(jnp.int32)
    dst = edge_index[1].astype(jnp.int32)

    w_cat = jnp.concatenate(
        [Wk[_PERM].T, Wq[0::2].T, Wq[1::2].T,
         Wv[0::2].T, Wv[1::2].T, Wskip[_PERM].T], axis=1)
    b_cat = jnp.concatenate(
        [bk[_PERM], bq[0::2], bq[1::2],
         bv[0::2], bv[1::2], bias[_PERM]])[None, :]
    k, qv, skip = _node_matmuls(x, w_cat, b_cat)

    we_cat = jnp.concatenate([We[0::2], We[1::2]], axis=0).T
    be_cat = jnp.concatenate([be[0::2], be[1::2]])[None, :]
    e = _edge_matmul(edge_attr, we_cat, be_cat)

    p0, p1 = _sc_edge(k, qv, e, src, dst)

    out = _epilogue(p0, p1, skip, ln_g[_PERM][None, :], ln_b[_PERM][None, :])
    return out[:, _INV]

# --- scband reference (transcript-rebuilt; emitter-appended) ---
"""Pipeline reference for scband-block-11364483465797 (READ-ONLY COPY).

The authoritative reference and input builder live on the scoring server;
editing this copy changes nothing except your own understanding.
"""

import jax, jax.numpy as jnp
import numpy as np

N = 10000
E = 320000
D = 128
DE = 16


def setup_inputs(seed: int = 0) -> dict:
    key = jax.random.key(seed)
    ks = jax.random.split(key, 14)
    s = 1.0 / np.sqrt(D)
    se = 1.0 / np.sqrt(DE)
    return {
        "x": jax.random.normal(ks[0], (N, D), dtype=jnp.float32),
        "edge_index": jax.random.randint(ks[1], (2, E), 0, N).astype(jnp.int64),
        "edge_attr": jax.random.normal(ks[2], (E, DE), dtype=jnp.float32),
        "Wk": jax.random.uniform(ks[3], (D, D), jnp.float32, -s, s),
        "bk": jax.random.uniform(ks[4], (D,), jnp.float32, -s, s),
        "Wq": jax.random.uniform(ks[5], (D, D), jnp.float32, -s, s),
        "bq": jax.random.uniform(ks[6], (D,), jnp.float32, -s, s),
        "Wv": jax.random.uniform(ks[7], (D, D), jnp.float32, -s, s),
        "bv": jax.random.uniform(ks[8], (D,), jnp.float32, -s, s),
        "We": jax.random.uniform(ks[9], (D, DE), jnp.float32, -se, se),
        "be": jax.random.uniform(ks[10], (D,), jnp.float32, -se, se),
        "Wskip": jax.random.uniform(ks[11], (D, D), jnp.float32, -s, s),
        "bias": jax.random.uniform(ks[12], (D,), jnp.float32, -s, s),
        "ln_g": jnp.ones((D,), dtype=jnp.float32),
        "ln_b": jnp.zeros((D,), dtype=jnp.float32),
    }


def reference(x, edge_index, edge_attr, Wk, bk, Wq, bq, Wv, bv, We, be, Wskip, bias, ln_g, ln_b):
    src = edge_index[0]
    dst = edge_index[1]
    # ResGatedGraphConv (PyG): k from target nodes, q/v from source nodes
    k = x @ Wk.T + bk
    q = x @ Wq.T + bq
    v = x @ Wv.T + bv
    e = edge_attr @ We.T + be
    # message: eta = sigmoid(k_i + lin_edge(edge_attr) + q_j); msg = eta * v_j
    eta = jax.nn.sigmoid(k[dst] + e + q[src])
    msg = eta * v[src]
    # aggr='add' over incoming edges at destination nodes
    agg = jax.ops.segment_sum(msg, dst, num_segments=x.shape[0])
    out = agg + x @ Wskip.T + bias  # root_weight skip (no bias) + conv bias
    # LayerNorm
    mu = jnp.mean(out, axis=-1, keepdims=True)
    var = jnp.mean((out - mu) ** 2, axis=-1, keepdims=True)
    out = (out - mu) / jnp.sqrt(var + 1e-5) * ln_g + ln_b
    # GELU (exact, matching torch nn.GELU default)
    out = jax.nn.gelu(out, approximate=False)
    return out

if __name__ == "__main__":
    import jax
    _d = setup_inputs()
    print(jax.jit(kernel)(*tuple(_d.values())))

</pallas_src>

<mosaic_0001>
#map = affine_map<(d0, d1) -> (0, 0)>
#map1 = affine_map<(d0, d1) -> (0)>
module attributes {stable_mosaic.version = 14 : i64} {
  func.func @_sc_edge_body(%arg0: i32, %arg1: i32, %arg2: memref<10000x128xf32, #tpu.memory_space<hbm>>, %arg3: memref<10000x128xi32, #tpu.memory_space<hbm>>, %arg4: memref<320000x64xi32, #tpu.memory_space<hbm>>, %arg5: memref<320000xi32, #tpu.memory_space<hbm>>, %arg6: memref<320000xi32, #tpu.memory_space<hbm>>, %arg7: memref<10240x128xf32, #tpu.memory_space<hbm>>, %arg8: memref<10240x128xf32, #tpu.memory_space<hbm>>, %arg9: memref<40xi32, #tpu.memory_space<vmem>>, %arg10: memref<40xi32, #tpu.memory_space<vmem>>, %arg11: memref<40xi32, #tpu.memory_space<vmem>>, %arg12: memref<40xi32, #tpu.memory_space<vmem>>, %arg13: memref<40xi32, #tpu.memory_space<vmem>>, %arg14: memref<40xi32, #tpu.memory_space<vmem>>, %arg15: memref<40xi32, #tpu.memory_space<vmem>>, %arg16: memref<40xi32, #tpu.memory_space<vmem>>, %arg17: memref<40x128xf32, #tpu.memory_space<vmem>>, %arg18: memref<40x128xf32, #tpu.memory_space<vmem>>, %arg19: memref<40x128xi32, #tpu.memory_space<vmem>>, %arg20: memref<40x128xi32, #tpu.memory_space<vmem>>, %arg21: memref<40x64xi32, #tpu.memory_space<vmem>>, %arg22: memref<40x64xi32, #tpu.memory_space<vmem>>, %arg23: memref<40x64xi32, #tpu.memory_space<vmem>>, %arg24: memref<40x64xi32, #tpu.memory_space<vmem>>, %arg25: memref<40x128xf32, #tpu.memory_space<vmem>>, %arg26: memref<10240x128xf32, #tpu.memory_space<vmem_shared>>, %arg27: memref<!tpu.dma_semaphore, #tpu.memory_space<semaphore_mem>>, %arg28: memref<!tpu.dma_semaphore, #tpu.memory_space<semaphore_mem>>, %arg29: memref<!tpu.dma_semaphore, #tpu.memory_space<semaphore_mem>>, %arg30: memref<!tpu.dma_semaphore, #tpu.memory_space<semaphore_mem>>, %arg31: memref<!tpu.dma_semaphore, #tpu.memory_space<semaphore_mem>>, %arg32: memref<!tpu.dma_semaphore, #tpu.memory_space<semaphore_mem>>, %arg33: memref<!tpu.dma_semaphore, #tpu.memory_space<semaphore_mem>>) attributes {dimension_semantics = [#tpu.dimension_semantics<core_parallel>, #tpu.dimension_semantics<subcore_parallel>], iteration_bounds = array<i64: 2, 16>, scalar_prefetch = 0 : i64, scratch_operands = 25 : i64, tpu.core_type = #tpu.core_type<sc_vector_subcore>, window_params = [{transform_indices = #map}, {transform_indices = #map}, {transform_indices = #map}, {transform_indices = #map1}, {transform_indices = #map1}, {transform_indices = #map}, {transform_indices = #map}]} {
    %mul3A = arith.constant 2 : i32
    %mul3A_0 = arith.muli %arg1, %mul3A : i32
    %add3A = arith.addi %mul3A_0, %arg0 : i32
    %mul3A_1 = arith.constant 10000 : i32
    %mul3A_2 = arith.muli %add3A, %mul3A_1 : i32
    %broadcast_in_dim3A = arith.constant 0.000000e+00 : f32
    %broadcast_in_dim3A_3 = vector.broadcast %broadcast_in_dim3A : f32 to vector<16xf32>
    %scan3A = arith.constant 0 : i32
    %scan3A_4 = arith.constant 0 : i32
    %scan3A_5 = arith.constant 40 : i32
    %scan3A_6 = arith.addi %scan3A_4, %scan3A_5 : i32
    %scan3A_7 = arith.constant 1 : i32
    %scan3A_8 = scf.for %scan3A_164 = %scan3A_4 to %scan3A_6 step %scan3A_7 iter_args(%scan3A_165 = %scan3A) -> (i32)  : i32 {
      %swap3A = arith.index_cast %scan3A_164 : i32 to index
      %swap3A_166 = arith.constant 0 : index
      %swap3A_167 = tpu.vector_load %arg25[%swap3A, %swap3A_166] {strides = array<i32>} : memref<40x128xf32, #tpu.memory_space<vmem>>, vector<1x16xf32>,
      %swap3A_168 = vector.shape_cast %swap3A_167 : vector<1x16xf32> to vector<16xf32>
      %swap3A_169 = vector.shape_cast %broadcast_in_dim3A_3 : vector<16xf32> to vector<1x16xf32>
      tpu.vector_store %arg25[%swap3A, %swap3A_166], %swap3A_169 {strides = array<i32>} : memref<40x128xf32, #tpu.memory_space<vmem>>, vector<1x16xf32>,
      %swap3A_170 = arith.index_cast %scan3A_164 : i32 to index
      %swap3A_171 = arith.constant 16 : index
      %swap3A_172 = tpu.vector_load %arg25[%swap3A_170, %swap3A_171] {strides = array<i32>} : memref<40x128xf32, #tpu.memory_space<vmem>>, vector<1x16xf32>,
      %swap3A_173 = vector.shape_cast %swap3A_172 : vector<1x16xf32> to vector<16xf32>
      %swap3A_174 = vector.shape_cast %broadcast_in_dim3A_3 : vector<16xf32> to vector<1x16xf32>
      tpu.vector_store %arg25[%swap3A_170, %swap3A_171], %swap3A_174 {strides = array<i32>} : memref<40x128xf32, #tpu.memory_space<vmem>>, vector<1x16xf32>,
      %swap3A_175 = arith.index_cast %scan3A_164 : i32 to index
      %swap3A_176 = arith.constant 32 : index
      %swap3A_177 = tpu.vector_load %arg25[%swap3A_175, %swap3A_176] {strides = array<i32>} : memref<40x128xf32, #tpu.memory_space<vmem>>, vector<1x16xf32>,
      %swap3A_178 = vector.shape_cast %swap3A_177 : vector<1x16xf32> to vector<16xf32>
      %swap3A_179 = vector.shape_cast %broadcast_in_dim3A_3 : vector<16xf32> to vector<1x16xf32>
      tpu.vector_store %arg25[%swap3A_175, %swap3A_176], %swap3A_179 {strides = array<i32>} : memref<40x128xf32, #tpu.memory_space<vmem>>, vector<1x16xf32>,
      %swap3A_180 = arith.index_cast %scan3A_164 : i32 to index
      %swap3A_181 = arith.constant 48 : index
      %swap3A_182 = tpu.vector_load %arg25[%swap3A_180, %swap3A_181] {strides = array<i32>} : memref<40x128xf32, #tpu.memory_space<vmem>>, vector<1x16xf32>,
      %swap3A_183 = vector.shape_cast %swap3A_182 : vector<1x16xf32> to vector<16xf32>
      %swap3A_184 = vector.shape_cast %broadcast_in_dim3A_3 : vector<16xf32> to vector<1x16xf32>
      tpu.vector_store %arg25[%swap3A_180, %swap3A_181], %swap3A_184 {strides = array<i32>} : memref<40x128xf32, #tpu.memory_space<vmem>>, vector<1x16xf32>,
      %swap3A_185 = arith.index_cast %scan3A_164 : i32 to index
      %swap3A_186 = arith.constant 64 : index
      %swap3A_187 = tpu.vector_load %arg25[%swap3A_185, %swap3A_186] {strides = array<i32>} : memref<40x128xf32, #tpu.memory_space<vmem>>, vector<1x16xf32>,
      %swap3A_188 = vector.shape_cast %swap3A_187 : vector<1x16xf32> to vector<16xf32>
      %swap3A_189 = vector.shape_cast %broadcast_in_dim3A_3 : vector<16xf32> to vector<1x16xf32>
      tpu.vector_store %arg25[%swap3A_185, %swap3A_186], %swap3A_189 {strides = array<i32>} : memref<40x128xf32, #tpu.memory_space<vmem>>, vector<1x16xf32>,
      %swap3A_190 = arith.index_cast %scan3A_164 : i32 to index
      %swap3A_191 = arith.constant 80 : index
      %swap3A_192 = tpu.vector_load %arg25[%swap3A_190, %swap3A_191] {strides = array<i32>} : memref<40x128xf32, #tpu.memory_space<vmem>>, vector<1x16xf32>,
      %swap3A_193 = vector.shape_cast %swap3A_192 : vector<1x16xf32> to vector<16xf32>
      %swap3A_194 = vector.shape_cast %broadcast_in_dim3A_3 : vector<16xf32> to vector<1x16xf32>
      tpu.vector_store %arg25[%swap3A_190, %swap3A_191], %swap3A_194 {strides = array<i32>} : memref<40x128xf32, #tpu.memory_space<vmem>>, vector<1x16xf32>,
      %swap3A_195 = arith.index_cast %scan3A_164 : i32 to index
      %swap3A_196 = arith.constant 96 : index
      %swap3A_197 = tpu.vector_load %arg25[%swap3A_195, %swap3A_196] {strides = array<i32>} : memref<40x128xf32, #tpu.memory_space<vmem>>, vector<1x16xf32>,
      %swap3A_198 = vector.shape_cast %swap3A_197 : vector<1x16xf32> to vector<16xf32>
      %swap3A_199 = vector.shape_cast %broadcast_in_dim3A_3 : vector<16xf32> to vector<1x16xf32>
      tpu.vector_store %arg25[%swap3A_195, %swap3A_196], %swap3A_199 {strides = array<i32>} : memref<40x128xf32, #tpu.memory_space<vmem>>, vector<1x16xf32>,
      %swap3A_200 = arith.index_cast %scan3A_164 : i32 to index
      %swap3A_201 = arith.constant 112 : index
      %swap3A_202 = tpu.vector_load %arg25[%swap3A_200, %swap3A_201] {strides = array<i32>} : memref<40x128xf32, #tpu.memory_space<vmem>>, vector<1x16xf32>,
      %swap3A_203 = vector.shape_cast %swap3A_202 : vector<1x16xf32> to vector<16xf32>
      %swap3A_204 = vector.shape_cast %broadcast_in_dim3A_3 : vector<16xf32> to vector<1x16xf32>
      tpu.vector_store %arg25[%swap3A_200, %swap3A_201], %swap3A_204 {strides = array<i32>} : memref<40x128xf32, #tpu.memory_space<vmem>>, vector<1x16xf32>,
      %scan3A_205 = arith.constant 0 : i32
      scf.yield %scan3A_205 : i32
    }
    %scan3A_9 = arith.constant 40 : i32
    %mul3A_10 = arith.constant 640 : i32
    %mul3A_11 = arith.muli %arg1, %mul3A_10 : i32
    %multiple_of3A = tpu.assume_multiple %mul3A_11, 8 : i32
    %add3A_12 = arith.constant 0 : i32
    %add3A_13 = arith.addi %multiple_of3A, %add3A_12 : i32
    "tpu.region"() ({
      %run_scoped3A = tpu.sem_alloc : memref<!tpu.dma_semaphore, #tpu.memory_space<semaphore_mem>>
      %dma_start3A_164 = arith.constant 0 : i32
      %dma_start3A_165 = tpu.memref_slice %arg26[%add3A_13, %dma_start3A_164] : memref<10240x128xf32, #tpu.memory_space<vmem_shared>> -> memref<40x128xf32, #tpu.memory_space<vmem_shared>>
      %dma_start3A_166 = arith.constant 0 : i32
      %dma_start3A_167 = tpu.memref_slice %arg26[%add3A_13, %dma_start3A_166] : memref<10240x128xf32, #tpu.memory_space<vmem_shared>> -> memref<40x128xf32, #tpu.memory_space<vmem_shared>>
      tpu.enqueue_dma source(%arg25 : memref<40x128xf32, #tpu.memory_space<vmem>>) target(%dma_start3A_167 : memref<40x128xf32, #tpu.memory_space<vmem_shared>>) target_semaphore(%run_scoped3A : memref<!tpu.dma_semaphore, #tpu.memory_space<semaphore_mem>>)
      %dma_wait3A_168 = arith.constant 0 : i32
      %dma_wait3A_169 = tpu.memref_slice %arg26[%add3A_13, %dma_wait3A_168] : memref<10240x128xf32, #tpu.memory_space<vmem_shared>> -> memref<40x128xf32, #tpu.memory_space<vmem_shared>>
      %dma_wait3A_170 = arith.constant 0 : i32
      %dma_wait3A_171 = tpu.memref_slice %arg26[%add3A_13, %dma_wait3A_170] : memref<10240x128xf32, #tpu.memory_space<vmem_shared>> -> memref<40x128xf32, #tpu.memory_space<vmem_shared>>
      tpu.wait_dma2 semaphore(%run_scoped3A : memref<!tpu.dma_semaphore, #tpu.memory_space<semaphore_mem>>) src(%arg25 : memref<40x128xf32, #tpu.memory_space<vmem>>) dst(%dma_wait3A_171 : memref<40x128xf32, #tpu.memory_space<vmem_shared>>)
      tpu.yield
    }) : () -> ()
    %add3A_14 = arith.constant 40 : i32
    %add3A_15 = arith.addi %multiple_of3A, %add3A_14 : i32
    "tpu.region"() ({
      %run_scoped3A = tpu.sem_alloc : memref<!tpu.dma_semaphore, #tpu.memory_space<semaphore_mem>>
      %dma_start3A_164 = arith.constant 0 : i32
      %dma_start3A_165 = tpu.memref_slice %arg26[%add3A_15, %dma_start3A_164] : memref<10240x128xf32, #tpu.memory_space<vmem_shared>> -> memref<40x128xf32, #tpu.memory_space<vmem_shared>>
      %dma_start3A_166 = arith.constant 0 : i32
      %dma_start3A_167 = tpu.memref_slice %arg26[%add3A_15, %dma_start3A_166] : memref<10240x128xf32, #tpu.memory_space<vmem_shared>> -> memref<40x128xf32, #tpu.memory_space<vmem_shared>>
      tpu.enqueue_dma source(%arg25 : memref<40x128xf32, #tpu.memory_space<vmem>>) target(%dma_start3A_167 : memref<40x128xf32, #tpu.memory_space<vmem_shared>>) target_semaphore(%run_scoped3A : memref<!tpu.dma_semaphore, #tpu.memory_space<semaphore_mem>>)
      %dma_wait3A_168 = arith.constant 0 : i32
      %dma_wait3A_169 = tpu.memref_slice %arg26[%add3A_15, %dma_wait3A_168] : memref<10240x128xf32, #tpu.memory_space<vmem_shared>> -> memref<40x128xf32, #tpu.memory_space<vmem_shared>>
      %dma_wait3A_170 = arith.constant 0 : i32
      %dma_wait3A_171 = tpu.memref_slice %arg26[%add3A_15, %dma_wait3A_170] : memref<10240x128xf32, #tpu.memory_space<vmem_shared>> -> memref<40x128xf32, #tpu.memory_space<vmem_shared>>
      tpu.wait_dma2 semaphore(%run_scoped3A : memref<!tpu.dma_semaphore, #tpu.memory_space<semaphore_mem>>) src(%arg25 : memref<40x128xf32, #tpu.memory_space<vmem>>) dst(%dma_wait3A_171 : memref<40x128xf32, #tpu.memory_space<vmem_shared>>)
      tpu.yield
    }) : () -> ()
    %add3A_16 = arith.constant 80 : i32
    %add3A_17 = arith.addi %multiple_of3A, %add3A_16 : i32
    "tpu.region"() ({
      %run_scoped3A = tpu.sem_alloc : memref<!tpu.dma_semaphore, #tpu.memory_space<semaphore_mem>>
      %dma_start3A_164 = arith.constant 0 : i32
      %dma_start3A_165 = tpu.memref_slice %arg26[%add3A_17, %dma_start3A_164] : memref<10240x128xf32, #tpu.memory_space<vmem_shared>> -> memref<40x128xf32, #tpu.memory_space<vmem_shared>>
      %dma_start3A_166 = arith.constant 0 : i32
      %dma_start3A_167 = tpu.memref_slice %arg26[%add3A_17, %dma_start3A_166] : memref<10240x128xf32, #tpu.memory_space<vmem_shared>> -> memref<40x128xf32, #tpu.memory_space<vmem_shared>>
      tpu.enqueue_dma source(%arg25 : memref<40x128xf32, #tpu.memory_space<vmem>>) target(%dma_start3A_167 : memref<40x128xf32, #tpu.memory_space<vmem_shared>>) target_semaphore(%run_scoped3A : memref<!tpu.dma_semaphore, #tpu.memory_space<semaphore_mem>>)
      %dma_wait3A_168 = arith.constant 0 : i32
      %dma_wait3A_169 = tpu.memref_slice %arg26[%add3A_17, %dma_wait3A_168] : memref<10240x128xf32, #tpu.memory_space<vmem_shared>> -> memref<40x128xf32, #tpu.memory_space<vmem_shared>>
      %dma_wait3A_170 = arith.constant 0 : i32
      %dma_wait3A_171 = tpu.memref_slice %arg26[%add3A_17, %dma_wait3A_170] : memref<10240x128xf32, #tpu.memory_space<vmem_shared>> -> memref<40x128xf32, #tpu.memory_space<vmem_shared>>
      tpu.wait_dma2 semaphore(%run_scoped3A : memref<!tpu.dma_semaphore, #tpu.memory_space<semaphore_mem>>) src(%arg25 : memref<40x128xf32, #tpu.memory_space<vmem>>) dst(%dma_wait3A_171 : memref<40x128xf32, #tpu.memory_space<vmem_shared>>)
      tpu.yield
    }) : () -> ()
    %add3A_18 = arith.constant 120 : i32
    %add3A_19 = arith.addi %multiple_of3A, %add3A_18 : i32
    "tpu.region"() ({
      %run_scoped3A = tpu.sem_alloc : memref<!tpu.dma_semaphore, #tpu.memory_space<semaphore_mem>>
      %dma_start3A_164 = arith.constant 0 : i32
      %dma_start3A_165 = tpu.memref_slice %arg26[%add3A_19, %dma_start3A_164] : memref<10240x128xf32, #tpu.memory_space<vmem_shared>> -> memref<40x128xf32, #tpu.memory_space<vmem_shared>>
      %dma_start3A_166 = arith.constant 0 : i32
      %dma_start3A_167 = tpu.memref_slice %arg26[%add3A_19, %dma_start3A_166] : memref<10240x128xf32, #tpu.memory_space<vmem_shared>> -> memref<40x128xf32, #tpu.memory_space<vmem_shared>>
      tpu.enqueue_dma source(%arg25 : memref<40x128xf32, #tpu.memory_space<vmem>>) target(%dma_start3A_167 : memref<40x128xf32, #tpu.memory_space<vmem_shared>>) target_semaphore(%run_scoped3A : memref<!tpu.dma_semaphore, #tpu.memory_space<semaphore_mem>>)
      %dma_wait3A_168 = arith.constant 0 : i32
      %dma_wait3A_169 = tpu.memref_slice %arg26[%add3A_19, %dma_wait3A_168] : memref<10240x128xf32, #tpu.memory_space<vmem_shared>> -> memref<40x128xf32, #tpu.memory_space<vmem_shared>>
      %dma_wait3A_170 = arith.constant 0 : i32
      %dma_wait3A_171 = tpu.memref_slice %arg26[%add3A_19, %dma_wait3A_170] : memref<10240x128xf32, #tpu.memory_space<vmem_shared>> -> memref<40x128xf32, #tpu.memory_space<vmem_shared>>
      tpu.wait_dma2 semaphore(%run_scoped3A : memref<!tpu.dma_semaphore, #tpu.memory_space<semaphore_mem>>) src(%arg25 : memref<40x128xf32, #tpu.memory_space<vmem>>) dst(%dma_wait3A_171 : memref<40x128xf32, #tpu.memory_space<vmem_shared>>)
      tpu.yield
    }) : () -> ()
    %add3A_20 = arith.constant 160 : i32
    %add3A_21 = arith.addi %multiple_of3A, %add3A_20 : i32
    "tpu.region"() ({
      %run_scoped3A = tpu.sem_alloc : memref<!tpu.dma_semaphore, #tpu.memory_space<semaphore_mem>>
      %dma_start3A_164 = arith.constant 0 : i32
      %dma_start3A_165 = tpu.memref_slice %arg26[%add3A_21, %dma_start3A_164] : memref<10240x128xf32, #tpu.memory_space<vmem_shared>> -> memref<40x128xf32, #tpu.memory_space<vmem_shared>>
      %dma_start3A_166 = arith.constant 0 : i32
      %dma_start3A_167 = tpu.memref_slice %arg26[%add3A_21, %dma_start3A_166] : memref<10240x128xf32, #tpu.memory_space<vmem_shared>> -> memref<40x128xf32, #tpu.memory_space<vmem_shared>>
      tpu.enqueue_dma source(%arg25 : memref<40x128xf32, #tpu.memory_space<vmem>>) target(%dma_start3A_167 : memref<40x128xf32, #tpu.memory_space<vmem_shared>>) target_semaphore(%run_scoped3A : memref<!tpu.dma_semaphore, #tpu.memory_space<semaphore_mem>>)
      %dma_wait3A_168 = arith.constant 0 : i32
      %dma_wait3A_169 = tpu.memref_slice %arg26[%add3A_21, %dma_wait3A_168] : memref<10240x128xf32, #tpu.memory_space<vmem_shared>> -> memref<40x128xf32, #tpu.memory_space<vmem_shared>>
      %dma_wait3A_170 = arith.constant 0 : i32
      %dma_wait3A_171 = tpu.memref_slice %arg26[%add3A_21, %dma_wait3A_170] : memref<10240x128xf32, #tpu.memory_space<vmem_shared>> -> memref<40x128xf32, #tpu.memory_space<vmem_shared>>
      tpu.wait_dma2 semaphore(%run_scoped3A : memref<!tpu.dma_semaphore, #tpu.memory_space<semaphore_mem>>) src(%arg25 : memref<40x128xf32, #tpu.memory_space<vmem>>) dst(%dma_wait3A_171 : memref<40x128xf32, #tpu.memory_space<vmem_shared>>)
      tpu.yield
    }) : () -> ()
    %add3A_22 = arith.constant 200 : i32
    %add3A_23 = arith.addi %multiple_of3A, %add3A_22 : i32
    "tpu.region"() ({
      %run_scoped3A = tpu.sem_alloc : memref<!tpu.dma_semaphore, #tpu.memory_space<semaphore_mem>>
      %dma_start3A_164 = arith.constant 0 : i32
      %dma_start3A_165 = tpu.memref_slice %arg26[%add3A_23, %dma_start3A_164] : memref<10240x128xf32, #tpu.memory_space<vmem_shared>> -> memref<40x128xf32, #tpu.memory_space<vmem_shared>>
      %dma_start3A_166 = arith.constant 0 : i32
      %dma_start3A_167 = tpu.memref_slice %arg26[%add3A_23, %dma_start3A_166] : memref<10240x128xf32, #tpu.memory_space<vmem_shared>> -> memref<40x128xf32, #tpu.memory_space<vmem_shared>>
      tpu.enqueue_dma source(%arg25 : memref<40x128xf32, #tpu.memory_space<vmem>>) target(%dma_start3A_167 : memref<40x128xf32, #tpu.memory_space<vmem_shared>>) target_semaphore(%run_scoped3A : memref<!tpu.dma_semaphore, #tpu.memory_space<semaphore_mem>>)
      %dma_wait3A_168 = arith.constant 0 : i32
      %dma_wait3A_169 = tpu.memref_slice %arg26[%add3A_23, %dma_wait3A_168] : memref<10240x128xf32, #tpu.memory_space<vmem_shared>> -> memref<40x128xf32, #tpu.memory_space<vmem_shared>>
      %dma_wait3A_170 = arith.constant 0 : i32
      %dma_wait3A_171 = tpu.memref_slice %arg26[%add3A_23, %dma_wait3A_170] : memref<10240x128xf32, #tpu.memory_space<vmem_shared>> -> memref<40x128xf32, #tpu.memory_space<vmem_shared>>
      tpu.wait_dma2 semaphore(%run_scoped3A : memref<!tpu.dma_semaphore, #tpu.memory_space<semaphore_mem>>) src(%arg25 : memref<40x128xf32, #tpu.memory_space<vmem>>) dst(%dma_wait3A_171 : memref<40x128xf32, #tpu.memory_space<vmem_shared>>)
      tpu.yield
    }) : () -> ()
    %add3A_24 = arith.constant 240 : i32
    %add3A_25 = arith.addi %multiple_of3A, %add3A_24 : i32
    "tpu.region"() ({
      %run_scoped3A = tpu.sem_alloc : memref<!tpu.dma_semaphore, #tpu.memory_space<semaphore_mem>>
      %dma_start3A_164 = arith.constant 0 : i32
      %dma_start3A_165 = tpu.memref_slice %arg26[%add3A_25, %dma_start3A_164] : memref<10240x128xf32, #tpu.memory_space<vmem_shared>> -> memref<40x128xf32, #tpu.memory_space<vmem_shared>>
      %dma_start3A_166 = arith.constant 0 : i32
      %dma_start3A_167 = tpu.memref_slice %arg26[%add3A_25, %dma_start3A_166] : memref<10240x128xf32, #tpu.memory_space<vmem_shared>> -> memref<40x128xf32, #tpu.memory_space<vmem_shared>>
      tpu.enqueue_dma source(%arg25 : memref<40x128xf32, #tpu.memory_space<vmem>>) target(%dma_start3A_167 : memref<40x128xf32, #tpu.memory_space<vmem_shared>>) target_semaphore(%run_scoped3A : memref<!tpu.dma_semaphore, #tpu.memory_space<semaphore_mem>>)
      %dma_wait3A_168 = arith.constant 0 : i32
      %dma_wait3A_169 = tpu.memref_slice %arg26[%add3A_25, %dma_wait3A_168] : memref<10240x128xf32, #tpu.memory_space<vmem_shared>> -> memref<40x128xf32, #tpu.memory_space<vmem_shared>>
      %dma_wait3A_170 = arith.constant 0 : i32
      %dma_wait3A_171 = tpu.memref_slice %arg26[%add3A_25, %dma_wait3A_170] : memref<10240x128xf32, #tpu.memory_space<vmem_shared>> -> memref<40x128xf32, #tpu.memory_space<vmem_shared>>
      tpu.wait_dma2 semaphore(%run_scoped3A : memref<!tpu.dma_semaphore, #tpu.memory_space<semaphore_mem>>) src(%arg25 : memref<40x128xf32, #tpu.memory_space<vmem>>) dst(%dma_wait3A_171 : memref<40x128xf32, #tpu.memory_space<vmem_shared>>)
      tpu.yield
    }) : () -> ()
    %add3A_26 = arith.constant 280 : i32
    %add3A_27 = arith.addi %multiple_of3A, %add3A_26 : i32
    "tpu.region"() ({
      %run_scoped3A = tpu.sem_alloc : memref<!tpu.dma_semaphore, #tpu.memory_space<semaphore_mem>>
      %dma_start3A_164 = arith.constant 0 : i32
      %dma_start3A_165 = tpu.memref_slice %arg26[%add3A_27, %dma_start3A_164] : memref<10240x128xf32, #tpu.memory_space<vmem_shared>> -> memref<40x128xf32, #tpu.memory_space<vmem_shared>>
      %dma_start3A_166 = arith.constant 0 : i32
      %dma_start3A_167 = tpu.memref_slice %arg26[%add3A_27, %dma_start3A_166] : memref<10240x128xf32, #tpu.memory_space<vmem_shared>> -> memref<40x128xf32, #tpu.memory_space<vmem_shared>>
      tpu.enqueue_dma source(%arg25 : memref<40x128xf32, #tpu.memory_space<vmem>>) target(%dma_start3A_167 : memref<40x128xf32, #tpu.memory_space<vmem_shared>>) target_semaphore(%run_scoped3A : memref<!tpu.dma_semaphore, #tpu.memory_space<semaphore_mem>>)
      %dma_wait3A_168 = arith.constant 0 : i32
      %dma_wait3A_169 = tpu.memref_slice %arg26[%add3A_27, %dma_wait3A_168] : memref<10240x128xf32, #tpu.memory_space<vmem_shared>> -> memref<40x128xf32, #tpu.memory_space<vmem_shared>>
      %dma_wait3A_170 = arith.constant 0 : i32
      %dma_wait3A_171 = tpu.memref_slice %arg26[%add3A_27, %dma_wait3A_170] : memref<10240x128xf32, #tpu.memory_space<vmem_shared>> -> memref<40x128xf32, #tpu.memory_space<vmem_shared>>
      tpu.wait_dma2 semaphore(%run_scoped3A : memref<!tpu.dma_semaphore, #tpu.memory_space<semaphore_mem>>) src(%arg25 : memref<40x128xf32, #tpu.memory_space<vmem>>) dst(%dma_wait3A_171 : memref<40x128xf32, #tpu.memory_space<vmem_shared>>)
      tpu.yield
    }) : () -> ()
    %add3A_28 = arith.constant 320 : i32
    %add3A_29 = arith.addi %multiple_of3A, %add3A_28 : i32
    "tpu.region"() ({
      %run_scoped3A = tpu.sem_alloc : memref<!tpu.dma_semaphore, #tpu.memory_space<semaphore_mem>>
      %dma_start3A_164 = arith.constant 0 : i32
      %dma_start3A_165 = tpu.memref_slice %arg26[%add3A_29, %dma_start3A_164] : memref<10240x128xf32, #tpu.memory_space<vmem_shared>> -> memref<40x128xf32, #tpu.memory_space<vmem_shared>>
      %dma_start3A_166 = arith.constant 0 : i32
      %dma_start3A_167 = tpu.memref_slice %arg26[%add3A_29, %dma_start3A_166] : memref<10240x128xf32, #tpu.memory_space<vmem_shared>> -> memref<40x128xf32, #tpu.memory_space<vmem_shared>>
      tpu.enqueue_dma source(%arg25 : memref<40x128xf32, #tpu.memory_space<vmem>>) target(%dma_start3A_167 : memref<40x128xf32, #tpu.memory_space<vmem_shared>>) target_semaphore(%run_scoped3A : memref<!tpu.dma_semaphore, #tpu.memory_space<semaphore_mem>>)
      %dma_wait3A_168 = arith.constant 0 : i32
      %dma_wait3A_169 = tpu.memref_slice %arg26[%add3A_29, %dma_wait3A_168] : memref<10240x128xf32, #tpu.memory_space<vmem_shared>> -> memref<40x128xf32, #tpu.memory_space<vmem_shared>>
      %dma_wait3A_170 = arith.constant 0 : i32
      %dma_wait3A_171 = tpu.memref_slice %arg26[%add3A_29, %dma_wait3A_170] : memref<10240x128xf32, #tpu.memory_space<vmem_shared>> -> memref<40x128xf32, #tpu.memory_space<vmem_shared>>
      tpu.wait_dma2 semaphore(%run_scoped3A : memref<!tpu.dma_semaphore, #tpu.memory_space<semaphore_mem>>) src(%arg25 : memref<40x128xf32, #tpu.memory_space<vmem>>) dst(%dma_wait3A_171 : memref<40x128xf32, #tpu.memory_space<vmem_shared>>)
      tpu.yield
    }) : () -> ()
    %add3A_30 = arith.constant 360 : i32
    %add3A_31 = arith.addi %multiple_of3A, %add3A_30 : i32
    "tpu.region"() ({
      %run_scoped3A = tpu.sem_alloc : memref<!tpu.dma_semaphore, #tpu.memory_space<semaphore_mem>>
      %dma_start3A_164 = arith.constant 0 : i32
      %dma_start3A_165 = tpu.memref_slice %arg26[%add3A_31, %dma_start3A_164] : memref<10240x128xf32, #tpu.memory_space<vmem_shared>> -> memref<40x128xf32, #tpu.memory_space<vmem_shared>>
      %dma_start3A_166 = arith.constant 0 : i32
      %dma_start3A_167 = tpu.memref_slice %arg26[%add3A_31, %dma_start3A_166] : memref<10240x128xf32, #tpu.memory_space<vmem_shared>> -> memref<40x128xf32, #tpu.memory_space<vmem_shared>>
      tpu.enqueue_dma source(%arg25 : memref<40x128xf32, #tpu.memory_space<vmem>>) target(%dma_start3A_167 : memref<40x128xf32, #tpu.memory_space<vmem_shared>>) target_semaphore(%run_scoped3A : memref<!tpu.dma_semaphore, #tpu.memory_space<semaphore_mem>>)
      %dma_wait3A_168 = arith.constant 0 : i32
      %dma_wait3A_169 = tpu.memref_slice %arg26[%add3A_31, %dma_wait3A_168] : memref<10240x128xf32, #tpu.memory_space<vmem_shared>> -> memref<40x128xf32, #tpu.memory_space<vmem_shared>>
      %dma_wait3A_170 = arith.constant 0 : i32
      %dma_wait3A_171 = tpu.memref_slice %arg26[%add3A_31, %dma_wait3A_170] : memref<10240x128xf32, #tpu.memory_space<vmem_shared>> -> memref<40x128xf32, #tpu.memory_space<vmem_shared>>
      tpu.wait_dma2 semaphore(%run_scoped3A : memref<!tpu.dma_semaphore, #tpu.memory_space<semaphore_mem>>) src(%arg25 : memref<40x128xf32, #tpu.memory_space<vmem>>) dst(%dma_wait3A_171 : memref<40x128xf32, #tpu.memory_space<vmem_shared>>)
      tpu.yield
    }) : () -> ()
    %add3A_32 = arith.constant 400 : i32
    %add3A_33 = arith.addi %multiple_of3A, %add3A_32 : i32
    "tpu.region"() ({
      %run_scoped3A = tpu.sem_alloc : memref<!tpu.dma_semaphore, #tpu.memory_space<semaphore_mem>>
      %dma_start3A_164 = arith.constant 0 : i32
      %dma_start3A_165 = tpu.memref_slice %arg26[%add3A_33, %dma_start3A_164] : memref<10240x128xf32, #tpu.memory_space<vmem_shared>> -> memref<40x128xf32, #tpu.memory_space<vmem_shared>>
      %dma_start3A_166 = arith.constant 0 : i32
      %dma_start3A_167 = tpu.memref_slice %arg26[%add3A_33, %dma_start3A_166] : memref<10240x128xf32, #tpu.memory_space<vmem_shared>> -> memref<40x128xf32, #tpu.memory_space<vmem_shared>>
      tpu.enqueue_dma source(%arg25 : memref<40x128xf32, #tpu.memory_space<vmem>>) target(%dma_start3A_167 : memref<40x128xf32, #tpu.memory_space<vmem_shared>>) target_semaphore(%run_scoped3A : memref<!tpu.dma_semaphore, #tpu.memory_space<semaphore_mem>>)
      %dma_wait3A_168 = arith.constant 0 : i32
      %dma_wait3A_169 = tpu.memref_slice %arg26[%add3A_33, %dma_wait3A_168] : memref<10240x128xf32, #tpu.memory_space<vmem_shared>> -> memref<40x128xf32, #tpu.memory_space<vmem_shared>>
      %dma_wait3A_170 = arith.constant 0 : i32
      %dma_wait3A_171 = tpu.memref_slice %arg26[%add3A_33, %dma_wait3A_170] : memref<10240x128xf32, #tpu.memory_space<vmem_shared>> -> memref<40x128xf32, #tpu.memory_space<vmem_shared>>
      tpu.wait_dma2 semaphore(%run_scoped3A : memref<!tpu.dma_semaphore, #tpu.memory_space<semaphore_mem>>) src(%arg25 : memref<40x128xf32, #tpu.memory_space<vmem>>) dst(%dma_wait3A_171 : memref<40x128xf32, #tpu.memory_space<vmem_shared>>)
      tpu.yield
    }) : () -> ()
    %add3A_34 = arith.constant 440 : i32
    %add3A_35 = arith.addi %multiple_of3A, %add3A_34 : i32
    "tpu.region"() ({
      %run_scoped3A = tpu.sem_alloc : memref<!tpu.dma_semaphore, #tpu.memory_space<semaphore_mem>>
      %dma_start3A_164 = arith.constant 0 : i32
      %dma_start3A_165 = tpu.memref_slice %arg26[%add3A_35, %dma_start3A_164] : memref<10240x128xf32, #tpu.memory_space<vmem_shared>> -> memref<40x128xf32, #tpu.memory_space<vmem_shared>>
      %dma_start3A_166 = arith.constant 0 : i32
      %dma_start3A_167 = tpu.memref_slice %arg26[%add3A_35, %dma_start3A_166] : memref<10240x128xf32, #tpu.memory_space<vmem_shared>> -> memref<40x128xf32, #tpu.memory_space<vmem_shared>>
      tpu.enqueue_dma source(%arg25 : memref<40x128xf32, #tpu.memory_space<vmem>>) target(%dma_start3A_167 : memref<40x128xf32, #tpu.memory_space<vmem_shared>>) target_semaphore(%run_scoped3A : memref<!tpu.dma_semaphore, #tpu.memory_space<semaphore_mem>>)
      %dma_wait3A_168 = arith.constant 0 : i32
      %dma_wait3A_169 = tpu.memref_slice %arg26[%add3A_35, %dma_wait3A_168] : memref<10240x128xf32, #tpu.memory_space<vmem_shared>> -> memref<40x128xf32, #tpu.memory_space<vmem_shared>>
      %dma_wait3A_170 = arith.constant 0 : i32
      %dma_wait3A_171 = tpu.memref_slice %arg26[%add3A_35, %dma_wait3A_170] : memref<10240x128xf32, #tpu.memory_space<vmem_shared>> -> memref<40x128xf32, #tpu.memory_space<vmem_shared>>
      tpu.wait_dma2 semaphore(%run_scoped3A : memref<!tpu.dma_semaphore, #tpu.memory_space<semaphore_mem>>) src(%arg25 : memref<40x128xf32, #tpu.memory_space<vmem>>) dst(%dma_wait3A_171 : memref<40x128xf32, #tpu.memory_space<vmem_shared>>)
      tpu.yield
    }) : () -> ()
    %add3A_36 = arith.constant 480 : i32
    %add3A_37 = arith.addi %multiple_of3A, %add3A_36 : i32
    "tpu.region"() ({
      %run_scoped3A = tpu.sem_alloc : memref<!tpu.dma_semaphore, #tpu.memory_space<semaphore_mem>>
      %dma_start3A_164 = arith.constant 0 : i32
      %dma_start3A_165 = tpu.memref_slice %arg26[%add3A_37, %dma_start3A_164] : memref<10240x128xf32, #tpu.memory_space<vmem_shared>> -> memref<40x128xf32, #tpu.memory_space<vmem_shared>>
      %dma_start3A_166 = arith.constant 0 : i32
      %dma_start3A_167 = tpu.memref_slice %arg26[%add3A_37, %dma_start3A_166] : memref<10240x128xf32, #tpu.memory_space<vmem_shared>> -> memref<40x128xf32, #tpu.memory_space<vmem_shared>>
      tpu.enqueue_dma source(%arg25 : memref<40x128xf32, #tpu.memory_space<vmem>>) target(%dma_start3A_167 : memref<40x128xf32, #tpu.memory_space<vmem_shared>>) target_semaphore(%run_scoped3A : memref<!tpu.dma_semaphore, #tpu.memory_space<semaphore_mem>>)
      %dma_wait3A_168 = arith.constant 0 : i32
      %dma_wait3A_169 = tpu.memref_slice %arg26[%add3A_37, %dma_wait3A_168] : memref<10240x128xf32, #tpu.memory_space<vmem_shared>> -> memref<40x128xf32, #tpu.memory_space<vmem_shared>>
      %dma_wait3A_170 = arith.constant 0 : i32
      %dma_wait3A_171 = tpu.memref_slice %arg26[%add3A_37, %dma_wait3A_170] : memref<10240x128xf32, #tpu.memory_space<vmem_shared>> -> memref<40x128xf32, #tpu.memory_space<vmem_shared>>
      tpu.wait_dma2 semaphore(%run_scoped3A : memref<!tpu.dma_semaphore, #tpu.memory_space<semaphore_mem>>) src(%arg25 : memref<40x128xf32, #tpu.memory_space<vmem>>) dst(%dma_wait3A_171 : memref<40x128xf32, #tpu.memory_space<vmem_shared>>)
      tpu.yield
    }) : () -> ()
    %add3A_38 = arith.constant 520 : i32
    %add3A_39 = arith.addi %multiple_of3A, %add3A_38 : i32
    "tpu.region"() ({
      %run_scoped3A = tpu.sem_alloc : memref<!tpu.dma_semaphore, #tpu.memory_space<semaphore_mem>>
      %dma_start3A_164 = arith.constant 0 : i32
      %dma_start3A_165 = tpu.memref_slice %arg26[%add3A_39, %dma_start3A_164] : memref<10240x128xf32, #tpu.memory_space<vmem_shared>> -> memref<40x128xf32, #tpu.memory_space<vmem_shared>>
      %dma_start3A_166 = arith.constant 0 : i32
      %dma_start3A_167 = tpu.memref_slice %arg26[%add3A_39, %dma_start3A_166] : memref<10240x128xf32, #tpu.memory_space<vmem_shared>> -> memref<40x128xf32, #tpu.memory_space<vmem_shared>>
      tpu.enqueue_dma source(%arg25 : memref<40x128xf32, #tpu.memory_space<vmem>>) target(%dma_start3A_167 : memref<40x128xf32, #tpu.memory_space<vmem_shared>>) target_semaphore(%run_scoped3A : memref<!tpu.dma_semaphore, #tpu.memory_space<semaphore_mem>>)
      %dma_wait3A_168 = arith.constant 0 : i32
      %dma_wait3A_169 = tpu.memref_slice %arg26[%add3A_39, %dma_wait3A_168] : memref<10240x128xf32, #tpu.memory_space<vmem_shared>> -> memref<40x128xf32, #tpu.memory_space<vmem_shared>>
      %dma_wait3A_170 = arith.constant 0 : i32
      %dma_wait3A_171 = tpu.memref_slice %arg26[%add3A_39, %dma_wait3A_170] : memref<10240x128xf32, #tpu.memory_space<vmem_shared>> -> memref<40x128xf32, #tpu.memory_space<vmem_shared>>
      tpu.wait_dma2 semaphore(%run_scoped3A : memref<!tpu.dma_semaphore, #tpu.memory_space<semaphore_mem>>) src(%arg25 : memref<40x128xf32, #tpu.memory_space<vmem>>) dst(%dma_wait3A_171 : memref<40x128xf32, #tpu.memory_space<vmem_shared>>)
      tpu.yield
    }) : () -> ()
    %add3A_40 = arith.constant 560 : i32
    %add3A_41 = arith.addi %multiple_of3A, %add3A_40 : i32
    "tpu.region"() ({
      %run_scoped3A = tpu.sem_alloc : memref<!tpu.dma_semaphore, #tpu.memory_space<semaphore_mem>>
      %dma_start3A_164 = arith.constant 0 : i32
      %dma_start3A_165 = tpu.memref_slice %arg26[%add3A_41, %dma_start3A_164] : memref<10240x128xf32, #tpu.memory_space<vmem_shared>> -> memref<40x128xf32, #tpu.memory_space<vmem_shared>>
      %dma_start3A_166 = arith.constant 0 : i32
      %dma_start3A_167 = tpu.memref_slice %arg26[%add3A_41, %dma_start3A_166] : memref<10240x128xf32, #tpu.memory_space<vmem_shared>> -> memref<40x128xf32, #tpu.memory_space<vmem_shared>>
      tpu.enqueue_dma source(%arg25 : memref<40x128xf32, #tpu.memory_space<vmem>>) target(%dma_start3A_167 : memref<40x128xf32, #tpu.memory_space<vmem_shared>>) target_semaphore(%run_scoped3A : memref<!tpu.dma_semaphore, #tpu.memory_space<semaphore_mem>>)
      %dma_wait3A_168 = arith.constant 0 : i32
      %dma_wait3A_169 = tpu.memref_slice %arg26[%add3A_41, %dma_wait3A_168] : memref<10240x128xf32, #tpu.memory_space<vmem_shared>> -> memref<40x128xf32, #tpu.memory_space<vmem_shared>>
      %dma_wait3A_170 = arith.constant 0 : i32
      %dma_wait3A_171 = tpu.memref_slice %arg26[%add3A_41, %dma_wait3A_170] : memref<10240x128xf32, #tpu.memory_space<vmem_shared>> -> memref<40x128xf32, #tpu.memory_space<vmem_shared>>
      tpu.wait_dma2 semaphore(%run_scoped3A : memref<!tpu.dma_semaphore, #tpu.memory_space<semaphore_mem>>) src(%arg25 : memref<40x128xf32, #tpu.memory_space<vmem>>) dst(%dma_wait3A_171 : memref<40x128xf32, #tpu.memory_space<vmem_shared>>)
      tpu.yield
    }) : () -> ()
    %add3A_42 = arith.constant 600 : i32
    %add3A_43 = arith.addi %multiple_of3A, %add3A_42 : i32
    "tpu.region"() ({
      %run_scoped3A = tpu.sem_alloc : memref<!tpu.dma_semaphore, #tpu.memory_space<semaphore_mem>>
      %dma_start3A_164 = arith.constant 0 : i32
      %dma_start3A_165 = tpu.memref_slice %arg26[%add3A_43, %dma_start3A_164] : memref<10240x128xf32, #tpu.memory_space<vmem_shared>> -> memref<40x128xf32, #tpu.memory_space<vmem_shared>>
      %dma_start3A_166 = arith.constant 0 : i32
      %dma_start3A_167 = tpu.memref_slice %arg26[%add3A_43, %dma_start3A_166] : memref<10240x128xf32, #tpu.memory_space<vmem_shared>> -> memref<40x128xf32, #tpu.memory_space<vmem_shared>>
      tpu.enqueue_dma source(%arg25 : memref<40x128xf32, #tpu.memory_space<vmem>>) target(%dma_start3A_167 : memref<40x128xf32, #tpu.memory_space<vmem_shared>>) target_semaphore(%run_scoped3A : memref<!tpu.dma_semaphore, #tpu.memory_space<semaphore_mem>>)
      %dma_wait3A_168 = arith.constant 0 : i32
      %dma_wait3A_169 = tpu.memref_slice %arg26[%add3A_43, %dma_wait3A_168] : memref<10240x128xf32, #tpu.memory_space<vmem_shared>> -> memref<40x128xf32, #tpu.memory_space<vmem_shared>>
      %dma_wait3A_170 = arith.constant 0 : i32
      %dma_wait3A_171 = tpu.memref_slice %arg26[%add3A_43, %dma_wait3A_170] : memref<10240x128xf32, #tpu.memory_space<vmem_shared>> -> memref<40x128xf32, #tpu.memory_space<vmem_shared>>
      tpu.wait_dma2 semaphore(%run_scoped3A : memref<!tpu.dma_semaphore, #tpu.memory_space<semaphore_mem>>) src(%arg25 : memref<40x128xf32, #tpu.memory_space<vmem>>) dst(%dma_wait3A_171 : memref<40x128xf32, #tpu.memory_space<vmem_shared>>)
      tpu.yield
    }) : () -> ()
    %barrier3A = arith.constant 0 : index
    tpu.barrier barrier_id(%barrier3A)
    %add3A_44 = arith.constant 0 : i32
    %add3A_45 = arith.addi %mul3A_2, %add3A_44 : i32
    %multiple_of3A_46 = tpu.assume_multiple %add3A_45, 8 : i32
    "tpu.region"() ({
      %run_scoped3A = tpu.sem_alloc : memref<!tpu.dma_semaphore, #tpu.memory_space<semaphore_mem>>
      %dma_start3A_164 = tpu.memref_slice %arg5[%multiple_of3A_46] : memref<320000xi32, #tpu.memory_space<hbm>> -> memref<40xi32, #tpu.memory_space<hbm>>
      %dma_start3A_165 = tpu.memref_slice %arg5[%multiple_of3A_46] : memref<320000xi32, #tpu.memory_space<hbm>> -> memref<40xi32, #tpu.memory_space<hbm>>
      tpu.enqueue_dma source(%dma_start3A_165 : memref<40xi32, #tpu.memory_space<hbm>>) target(%arg9 : memref<40xi32, #tpu.memory_space<vmem>>) target_semaphore(%run_scoped3A : memref<!tpu.dma_semaphore, #tpu.memory_space<semaphore_mem>>)
      %dma_wait3A_166 = tpu.memref_slice %arg5[%multiple_of3A_46] : memref<320000xi32, #tpu.memory_space<hbm>> -> memref<40xi32, #tpu.memory_space<hbm>>
      %dma_wait3A_167 = tpu.memref_slice %arg5[%multiple_of3A_46] : memref<320000xi32, #tpu.memory_space<hbm>> -> memref<40xi32, #tpu.memory_space<hbm>>
      tpu.wait_dma2 semaphore(%run_scoped3A : memref<!tpu.dma_semaphore, #tpu.memory_space<semaphore_mem>>) src(%dma_wait3A_167 : memref<40xi32, #tpu.memory_space<hbm>>) dst(%arg9 : memref<40xi32, #tpu.memory_space<vmem>>)
      tpu.yield
    }) : () -> ()
    %add3A_47 = arith.constant 0 : i32
    %add3A_48 = arith.addi %mul3A_2, %add3A_47 : i32
    %multiple_of3A_49 = tpu.assume_multiple %add3A_48, 8 : i32
    "tpu.region"() ({
      %run_scoped3A = tpu.sem_alloc : memref<!tpu.dma_semaphore, #tpu.memory_space<semaphore_mem>>
      %dma_start3A_164 = tpu.memref_slice %arg6[%multiple_of3A_49] : memref<320000xi32, #tpu.memory_space<hbm>> -> memref<40xi32, #tpu.memory_space<hbm>>
      %dma_start3A_165 = tpu.memref_slice %arg6[%multiple_of3A_49] : memref<320000xi32, #tpu.memory_space<hbm>> -> memref<40xi32, #tpu.memory_space<hbm>>
      tpu.enqueue_dma source(%dma_start3A_165 : memref<40xi32, #tpu.memory_space<hbm>>) target(%arg13 : memref<40xi32, #tpu.memory_space<vmem>>) target_semaphore(%run_scoped3A : memref<!tpu.dma_semaphore, #tpu.memory_space<semaphore_mem>>)
      %dma_wait3A_166 = tpu.memref_slice %arg6[%multiple_of3A_49] : memref<320000xi32, #tpu.memory_space<hbm>> -> memref<40xi32, #tpu.memory_space<hbm>>
      %dma_wait3A_167 = tpu.memref_slice %arg6[%multiple_of3A_49] : memref<320000xi32, #tpu.memory_space<hbm>> -> memref<40xi32, #tpu.memory_space<hbm>>
      tpu.wait_dma2 semaphore(%run_scoped3A : memref<!tpu.dma_semaphore, #tpu.memory_space<semaphore_mem>>) src(%dma_wait3A_167 : memref<40xi32, #tpu.memory_space<hbm>>) dst(%arg13 : memref<40xi32, #tpu.memory_space<vmem>>)
      tpu.yield
    }) : () -> ()
    %add3A_50 = arith.constant 0 : i32
    %add3A_51 = arith.addi %mul3A_2, %add3A_50 : i32
    %multiple_of3A_52 = tpu.assume_multiple %add3A_51, 8 : i32
    "tpu.region"() ({
      %run_scoped3A = tpu.sem_alloc : memref<!tpu.dma_semaphore, #tpu.memory_space<semaphore_mem>>
      %dma_start3A_164 = arith.constant 0 : i32
      %dma_start3A_165 = tpu.memref_slice %arg4[%multiple_of3A_52, %dma_start3A_164] : memref<320000x64xi32, #tpu.memory_space<hbm>> -> memref<40x64xi32, #tpu.memory_space<hbm>>
      %dma_start3A_166 = arith.constant 0 : i32
      %dma_start3A_167 = tpu.memref_slice %arg4[%multiple_of3A_52, %dma_start3A_166] : memref<320000x64xi32, #tpu.memory_space<hbm>> -> memref<40x64xi32, #tpu.memory_space<hbm>>
      tpu.enqueue_dma source(%dma_start3A_167 : memref<40x64xi32, #tpu.memory_space<hbm>>) target(%arg21 : memref<40x64xi32, #tpu.memory_space<vmem>>) target_semaphore(%run_scoped3A : memref<!tpu.dma_semaphore, #tpu.memory_space<semaphore_mem>>)
      %dma_wait3A_168 = arith.constant 0 : i32
      %dma_wait3A_169 = tpu.memref_slice %arg4[%multiple_of3A_52, %dma_wait3A_168] : memref<320000x64xi32, #tpu.memory_space<hbm>> -> memref<40x64xi32, #tpu.memory_space<hbm>>
      %dma_wait3A_170 = arith.constant 0 : i32
      %dma_wait3A_171 = tpu.memref_slice %arg4[%multiple_of3A_52, %dma_wait3A_170] : memref<320000x64xi32, #tpu.memory_space<hbm>> -> memref<40x64xi32, #tpu.memory_space<hbm>>
      tpu.wait_dma2 semaphore(%run_scoped3A : memref<!tpu.dma_semaphore, #tpu.memory_space<semaphore_mem>>) src(%dma_wait3A_171 : memref<40x64xi32, #tpu.memory_space<hbm>>) dst(%arg21 : memref<40x64xi32, #tpu.memory_space<vmem>>)
      tpu.yield
    }) : () -> ()
    %dma_start3A = arith.constant 0 : i32
    %dma_start3A_53 = arith.constant 0 : i32
    %dma_start3A_54 = tpu.memref_slice %arg2[%dma_start3A, %dma_start3A_53] : memref<10000x128xf32, #tpu.memory_space<hbm>> -> memref<10000x128xf32, #tpu.memory_space<hbm>>
    tpu.enqueue_indirect_dma source(%dma_start3A_54 : memref<10000x128xf32, #tpu.memory_space<hbm>>) target(%arg17 : memref<40x128xf32, #tpu.memory_space<vmem>>) offsets(%arg13 : memref<40xi32, #tpu.memory_space<vmem>>) semaphore(%arg27 : memref<!tpu.dma_semaphore, #tpu.memory_space<semaphore_mem>>)
    %dma_start3A_55 = arith.constant 0 : i32
    %dma_start3A_56 = arith.constant 0 : i32
    %dma_start3A_57 = tpu.memref_slice %arg3[%dma_start3A_55, %dma_start3A_56] : memref<10000x128xi32, #tpu.memory_space<hbm>> -> memref<10000x128xi32, #tpu.memory_space<hbm>>
    tpu.enqueue_indirect_dma source(%dma_start3A_57 : memref<10000x128xi32, #tpu.memory_space<hbm>>) target(%arg19 : memref<40x128xi32, #tpu.memory_space<vmem>>) offsets(%arg9 : memref<40xi32, #tpu.memory_space<vmem>>) semaphore(%arg27 : memref<!tpu.dma_semaphore, #tpu.memory_space<semaphore_mem>>)
    %add3A_58 = arith.constant 40 : i32
    %add3A_59 = arith.addi %mul3A_2, %add3A_58 : i32
    %multiple_of3A_60 = tpu.assume_multiple %add3A_59, 8 : i32
    %dma_start3A_61 = arith.constant 0 : i32
    %dma_start3A_62 = tpu.memref_slice %arg4[%multiple_of3A_60, %dma_start3A_61] : memref<320000x64xi32, #tpu.memory_space<hbm>> -> memref<40x64xi32, #tpu.memory_space<hbm>>
    %dma_start3A_63 = arith.constant 0 : i32
    %dma_start3A_64 = tpu.memref_slice %arg4[%multiple_of3A_60, %dma_start3A_63] : memref<320000x64xi32, #tpu.memory_space<hbm>> -> memref<40x64xi32, #tpu.memory_space<hbm>>
    tpu.enqueue_dma source(%dma_start3A_64 : memref<40x64xi32, #tpu.memory_space<hbm>>) target(%arg22 : memref<40x64xi32, #tpu.memory_space<vmem>>) target_semaphore(%arg30 : memref<!tpu.dma_semaphore, #tpu.memory_space<semaphore_mem>>)
    %dma_start3A_65 = tpu.memref_slice %arg5[%multiple_of3A_60] : memref<320000xi32, #tpu.memory_space<hbm>> -> memref<40xi32, #tpu.memory_space<hbm>>
    %dma_start3A_66 = tpu.memref_slice %arg5[%multiple_of3A_60] : memref<320000xi32, #tpu.memory_space<hbm>> -> memref<40xi32, #tpu.memory_space<hbm>>
    tpu.enqueue_dma source(%dma_start3A_66 : memref<40xi32, #tpu.memory_space<hbm>>) target(%arg10 : memref<40xi32, #tpu.memory_space<vmem>>) target_semaphore(%arg30 : memref<!tpu.dma_semaphore, #tpu.memory_space<semaphore_mem>>)
    %dma_start3A_67 = tpu.memref_slice %arg6[%multiple_of3A_60] : memref<320000xi32, #tpu.memory_space<hbm>> -> memref<40xi32, #tpu.memory_space<hbm>>
    %dma_start3A_68 = tpu.memref_slice %arg6[%multiple_of3A_60] : memref<320000xi32, #tpu.memory_space<hbm>> -> memref<40xi32, #tpu.memory_space<hbm>>
    tpu.enqueue_dma source(%dma_start3A_68 : memref<40xi32, #tpu.memory_space<hbm>>) target(%arg14 : memref<40xi32, #tpu.memory_space<vmem>>) target_semaphore(%arg30 : memref<!tpu.dma_semaphore, #tpu.memory_space<semaphore_mem>>)
    %dma_start3A_69 = arith.constant 0 : i32
    %dma_start3A_70 = arith.constant 0 : i32
    %dma_start3A_71 = tpu.memref_slice %arg7[%dma_start3A_69, %dma_start3A_70] : memref<10240x128xf32, #tpu.memory_space<hbm>> -> memref<40x128xf32, #tpu.memory_space<hbm>>
    %dma_start3A_72 = arith.constant 0 : i32
    %dma_start3A_73 = arith.constant 0 : i32
    %dma_start3A_74 = tpu.memref_slice %arg7[%dma_start3A_72, %dma_start3A_73] : memref<10240x128xf32, #tpu.memory_space<hbm>> -> memref<40x128xf32, #tpu.memory_space<hbm>>
    tpu.enqueue_dma source(%dma_start3A_74 : memref<40x128xf32, #tpu.memory_space<hbm>>) target(%arg25 : memref<40x128xf32, #tpu.memory_space<vmem>>) target_semaphore(%arg33 : memref<!tpu.dma_semaphore, #tpu.memory_space<semaphore_mem>>)
    %scan3A_75 = arith.constant 0 : i32
    %scan3A_76 = arith.constant 0 : i32
    %scan3A_77 = arith.constant 62 : i32
    %scan3A_78 = arith.addi %scan3A_76, %scan3A_77 : i32
    %scan3A_79 = arith.constant 1 : i32
    %scan3A_80 = scf.for %scan3A_164 = %scan3A_76 to %scan3A_78 step %scan3A_79 iter_args(%scan3A_165 = %scan3A_75) -> (i32)  : i32 {
      %mul3A_166 = arith.constant 4 : i32
      %mul3A_167 = arith.muli %mul3A_166, %scan3A_164 : i32
      %dma_wait3A_168 = arith.constant 0 : i32
      %dma_wait3A_169 = arith.constant 0 : i32
      %dma_wait3A_170 = tpu.memref_slice %arg4[%dma_wait3A_168, %dma_wait3A_169] : memref<320000x64xi32, #tpu.memory_space<hbm>> -> memref<40x64xi32, #tpu.memory_space<hbm>>
      %dma_wait3A_171 = arith.constant 0 : i32
      %dma_wait3A_172 = arith.constant 0 : i32
      %dma_wait3A_173 = tpu.memref_slice %arg4[%dma_wait3A_171, %dma_wait3A_172] : memref<320000x64xi32, #tpu.memory_space<hbm>> -> memref<40x64xi32, #tpu.memory_space<hbm>>
      tpu.wait_dma2 semaphore(%arg30 : memref<!tpu.dma_semaphore, #tpu.memory_space<semaphore_mem>>) src(%dma_wait3A_173 : memref<40x64xi32, #tpu.memory_space<hbm>>) dst(%arg22 : memref<40x64xi32, #tpu.memory_space<vmem>>)
      %dma_wait3A_174 = arith.constant 0 : i32
      %dma_wait3A_175 = tpu.memref_slice %arg5[%dma_wait3A_174] : memref<320000xi32, #tpu.memory_space<hbm>> -> memref<40xi32, #tpu.memory_space<hbm>>
      %dma_wait3A_176 = arith.constant 0 : i32
      %dma_wait3A_177 = tpu.memref_slice %arg5[%dma_wait3A_176] : memref<320000xi32, #tpu.memory_space<hbm>> -> memref<40xi32, #tpu.memory_space<hbm>>
      tpu.wait_dma2 semaphore(%arg30 : memref<!tpu.dma_semaphore, #tpu.memory_space<semaphore_mem>>) src(%dma_wait3A_177 : memref<40xi32, #tpu.memory_space<hbm>>) dst(%arg10 : memref<40xi32, #tpu.memory_space<vmem>>)
      %dma_wait3A_178 = arith.constant 0 : i32
      %dma_wait3A_179 = tpu.memref_slice %arg6[%dma_wait3A_178] : memref<320000xi32, #tpu.memory_space<hbm>> -> memref<40xi32, #tpu.memory_space<hbm>>
      %dma_wait3A_180 = arith.constant 0 : i32
      %dma_wait3A_181 = tpu.memref_slice %arg6[%dma_wait3A_180] : memref<320000xi32, #tpu.memory_space<hbm>> -> memref<40xi32, #tpu.memory_space<hbm>>
      tpu.wait_dma2 semaphore(%arg30 : memref<!tpu.dma_semaphore, #tpu.memory_space<semaphore_mem>>) src(%dma_wait3A_181 : memref<40xi32, #tpu.memory_space<hbm>>) dst(%arg14 : memref<40xi32, #tpu.memory_space<vmem>>)
      %dma_start3A_182 = arith.constant 0 : i32
      %dma_start3A_183 = arith.constant 0 : i32
      %dma_start3A_184 = tpu.memref_slice %arg2[%dma_start3A_182, %dma_start3A_183] : memref<10000x128xf32, #tpu.memory_space<hbm>> -> memref<10000x128xf32, #tpu.memory_space<hbm>>
      tpu.enqueue_indirect_dma source(%dma_start3A_184 : memref<10000x128xf32, #tpu.memory_space<hbm>>) target(%arg18 : memref<40x128xf32, #tpu.memory_space<vmem>>) offsets(%arg14 : memref<40xi32, #tpu.memory_space<vmem>>) semaphore(%arg28 : memref<!tpu.dma_semaphore, #tpu.memory_space<semaphore_mem>>)
      %dma_start3A_185 = arith.constant 0 : i32
      %dma_start3A_186 = arith.constant 0 : i32
      %dma_start3A_187 = tpu.memref_slice %arg3[%dma_start3A_185, %dma_start3A_186] : memref<10000x128xi32, #tpu.memory_space<hbm>> -> memref<10000x128xi32, #tpu.memory_space<hbm>>
      tpu.enqueue_indirect_dma source(%dma_start3A_187 : memref<10000x128xi32, #tpu.memory_space<hbm>>) target(%arg20 : memref<40x128xi32, #tpu.memory_space<vmem>>) offsets(%arg10 : memref<40xi32, #tpu.memory_space<vmem>>) semaphore(%arg28 : memref<!tpu.dma_semaphore, #tpu.memory_space<semaphore_mem>>)
      %add3A_188 = arith.constant 2 : i32
      %add3A_189 = arith.addi %mul3A_167, %add3A_188 : i32
      %mul3A_190 = arith.constant 40 : i32
      %mul3A_191 = arith.muli %add3A_189, %mul3A_190 : i32
      %add3A_192 = arith.addi %mul3A_2, %mul3A_191 : i32
      %multiple_of3A_193 = tpu.assume_multiple %add3A_192, 8 : i32
      %dma_start3A_194 = arith.constant 0 : i32
      %dma_start3A_195 = tpu.memref_slice %arg4[%multiple_of3A_193, %dma_start3A_194] : memref<320000x64xi32, #tpu.memory_space<hbm>> -> memref<40x64xi32, #tpu.memory_space<hbm>>
      %dma_start3A_196 = arith.constant 0 : i32
      %dma_start3A_197 = tpu.memref_slice %arg4[%multiple_of3A_193, %dma_start3A_196] : memref<320000x64xi32, #tpu.memory_space<hbm>> -> memref<40x64xi32, #tpu.memory_space<hbm>>
      tpu.enqueue_dma source(%dma_start3A_197 : memref<40x64xi32, #tpu.memory_space<hbm>>) target(%arg23 : memref<40x64xi32, #tpu.memory_space<vmem>>) target_semaphore(%arg31 : memref<!tpu.dma_semaphore, #tpu.memory_space<semaphore_mem>>)
      %dma_start3A_198 = tpu.memref_slice %arg5[%multiple_of3A_193] : memref<320000xi32, #tpu.memory_space<hbm>> -> memref<40xi32, #tpu.memory_space<hbm>>
      %dma_start3A_199 = tpu.memref_slice %arg5[%multiple_of3A_193] : memref<320000xi32, #tpu.memory_space<hbm>> -> memref<40xi32, #tpu.memory_space<hbm>>
      tpu.enqueue_dma source(%dma_start3A_199 : memref<40xi32, #tpu.memory_space<hbm>>) target(%arg11 : memref<40xi32, #tpu.memory_space<vmem>>) target_semaphore(%arg31 : memref<!tpu.dma_semaphore, #tpu.memory_space<semaphore_mem>>)
      %dma_start3A_200 = tpu.memref_slice %arg6[%multiple_of3A_193] : memref<320000xi32, #tpu.memory_space<hbm>> -> memref<40xi32, #tpu.memory_space<hbm>>
      %dma_start3A_201 = tpu.memref_slice %arg6[%multiple_of3A_193] : memref<320000xi32, #tpu.memory_space<hbm>> -> memref<40xi32, #tpu.memory_space<hbm>>
      tpu.enqueue_dma source(%dma_start3A_201 : memref<40xi32, #tpu.memory_space<hbm>>) target(%arg15 : memref<40xi32, #tpu.memory_space<vmem>>) target_semaphore(%arg31 : memref<!tpu.dma_semaphore, #tpu.memory_space<semaphore_mem>>)
      %dma_wait3A_202 = arith.constant 0 : i32
      %dma_wait3A_203 = arith.constant 0 : i32
      %dma_wait3A_204 = tpu.memref_slice %arg2[%dma_wait3A_202, %dma_wait3A_203] : memref<10000x128xf32, #tpu.memory_space<hbm>> -> memref<40x128xf32, #tpu.memory_space<hbm>>
      %dma_wait3A_205 = arith.constant 0 : i32
      %dma_wait3A_206 = arith.constant 0 : i32
      %dma_wait3A_207 = tpu.memref_slice %arg2[%dma_wait3A_205, %dma_wait3A_206] : memref<10000x128xf32, #tpu.memory_space<hbm>> -> memref<40x128xf32, #tpu.memory_space<hbm>>
      tpu.wait_dma2 semaphore(%arg27 : memref<!tpu.dma_semaphore, #tpu.memory_space<semaphore_mem>>) src(%dma_wait3A_207 : memref<40x128xf32, #tpu.memory_space<hbm>>) dst(%arg17 : memref<40x128xf32, #tpu.memory_space<vmem>>)
      %dma_wait3A_208 = arith.constant 0 : i32
      %dma_wait3A_209 = arith.constant 0 : i32
      %dma_wait3A_210 = tpu.memref_slice %arg3[%dma_wait3A_208, %dma_wait3A_209] : memref<10000x128xi32, #tpu.memory_space<hbm>> -> memref<40x128xi32, #tpu.memory_space<hbm>>
      %dma_wait3A_211 = arith.constant 0 : i32
      %dma_wait3A_212 = arith.constant 0 : i32
      %dma_wait3A_213 = tpu.memref_slice %arg3[%dma_wait3A_211, %dma_wait3A_212] : memref<10000x128xi32, #tpu.memory_space<hbm>> -> memref<40x128xi32, #tpu.memory_space<hbm>>
      tpu.wait_dma2 semaphore(%arg27 : memref<!tpu.dma_semaphore, #tpu.memory_space<semaphore_mem>>) src(%dma_wait3A_213 : memref<40x128xi32, #tpu.memory_space<hbm>>) dst(%arg19 : memref<40x128xi32, #tpu.memory_space<vmem>>)
      %dma_wait3A_214 = arith.constant 0 : i32
      %dma_wait3A_215 = arith.constant 0 : i32
      %dma_wait3A_216 = tpu.memref_slice %arg7[%dma_wait3A_214, %dma_wait3A_215] : memref<10240x128xf32, #tpu.memory_space<hbm>> -> memref<40x128xf32, #tpu.memory_space<hbm>>
      %dma_wait3A_217 = arith.constant 0 : i32
      %dma_wait3A_218 = arith.constant 0 : i32
      %dma_wait3A_219 = tpu.memref_slice %arg7[%dma_wait3A_217, %dma_wait3A_218] : memref<10240x128xf32, #tpu.memory_space<hbm>> -> memref<40x128xf32, #tpu.memory_space<hbm>>
      tpu.wait_dma2 semaphore(%arg33 : memref<!tpu.dma_semaphore, #tpu.memory_space<semaphore_mem>>) src(%dma_wait3A_219 : memref<40x128xf32, #tpu.memory_space<hbm>>) dst(%arg25 : memref<40x128xf32, #tpu.memory_space<vmem>>)
      %parallel_loop3A_220 = arith.constant 0 : i32
      %parallel_loop3A_221 = arith.constant 40 : i32
      %parallel_loop3A_222 = arith.constant 1 : i32
      %parallel_loop3A_223 = arith.constant -65536 : i32
      scf.for %parallel_loop3A_411 = %parallel_loop3A_220 to %parallel_loop3A_221 step %parallel_loop3A_222  : i32 {
        %parallel_loop3A_412 = arith.index_cast %parallel_loop3A_411 : i32 to index
        %parallel_loop3A_413 = arith.constant 0 : index
        %parallel_loop3A_414 = tpu.vector_load %arg21[%parallel_loop3A_412, %parallel_loop3A_413] {strides = array<i32>} : memref<40x64xi32, #tpu.memory_space<vmem>>, vector<1x16xi32>,
        %parallel_loop3A_415 = vector.shape_cast %parallel_loop3A_414 : vector<1x16xi32> to vector<16xi32>
        %parallel_loop3A_416 = arith.constant 16 : i32
        %parallel_loop3A_417 = vector.broadcast %parallel_loop3A_416 : i32 to vector<16xi32>
        %parallel_loop3A_418 = arith.shli %parallel_loop3A_415, %parallel_loop3A_417 : vector<16xi32>
        %parallel_loop3A_419 = tpu.bitcast %parallel_loop3A_418 : vector<16xi32> -> vector<16xf32>
        %parallel_loop3A_420 = vector.broadcast %parallel_loop3A_223 : i32 to vector<16xi32>
        %parallel_loop3A_421 = arith.andi %parallel_loop3A_415, %parallel_loop3A_420 : vector<16xi32>
        %parallel_loop3A_422 = tpu.bitcast %parallel_loop3A_421 : vector<16xi32> -> vector<16xf32>
        %parallel_loop3A_423 = arith.index_cast %parallel_loop3A_411 : i32 to index
        %parallel_loop3A_424 = arith.constant 0 : index
        %parallel_loop3A_425 = tpu.vector_load %arg19[%parallel_loop3A_423, %parallel_loop3A_424] {strides = array<i32>} : memref<40x128xi32, #tpu.memory_space<vmem>>, vector<1x16xi32>,
        %parallel_loop3A_426 = vector.shape_cast %parallel_loop3A_425 : vector<1x16xi32> to vector<16xi32>
        %parallel_loop3A_427 = arith.constant 16 : i32
        %parallel_loop3A_428 = vector.broadcast %parallel_loop3A_427 : i32 to vector<16xi32>
        %parallel_loop3A_429 = arith.shli %parallel_loop3A_426, %parallel_loop3A_428 : vector<16xi32>
        %parallel_loop3A_430 = tpu.bitcast %parallel_loop3A_429 : vector<16xi32> -> vector<16xf32>
        %parallel_loop3A_431 = vector.broadcast %parallel_loop3A_223 : i32 to vector<16xi32>
        %parallel_loop3A_432 = arith.andi %parallel_loop3A_426, %parallel_loop3A_431 : vector<16xi32>
        %parallel_loop3A_433 = tpu.bitcast %parallel_loop3A_432 : vector<16xi32> -> vector<16xf32>
        %parallel_loop3A_434 = arith.index_cast %parallel_loop3A_411 : i32 to index
        %parallel_loop3A_435 = arith.constant 64 : index
        %parallel_loop3A_436 = tpu.vector_load %arg19[%parallel_loop3A_434, %parallel_loop3A_435] {strides = array<i32>} : memref<40x128xi32, #tpu.memory_space<vmem>>, vector<1x16xi32>,
        %parallel_loop3A_437 = vector.shape_cast %parallel_loop3A_436 : vector<1x16xi32> to vector<16xi32>
        %parallel_loop3A_438 = arith.constant 16 : i32
        %parallel_loop3A_439 = vector.broadcast %parallel_loop3A_438 : i32 to vector<16xi32>
        %parallel_loop3A_440 = arith.shli %parallel_loop3A_437, %parallel_loop3A_439 : vector<16xi32>
        %parallel_loop3A_441 = tpu.bitcast %parallel_loop3A_440 : vector<16xi32> -> vector<16xf32>
        %parallel_loop3A_442 = vector.broadcast %parallel_loop3A_223 : i32 to vector<16xi32>
        %parallel_loop3A_443 = arith.andi %parallel_loop3A_437, %parallel_loop3A_442 : vector<16xi32>
        %parallel_loop3A_444 = tpu.bitcast %parallel_loop3A_443 : vector<16xi32> -> vector<16xf32>
        %parallel_loop3A_445 = arith.index_cast %parallel_loop3A_411 : i32 to index
        %parallel_loop3A_446 = arith.constant 0 : index
        %parallel_loop3A_447 = tpu.vector_load %arg17[%parallel_loop3A_445, %parallel_loop3A_446] {strides = array<i32>} : memref<40x128xf32, #tpu.memory_space<vmem>>, vector<1x16xf32>,
        %parallel_loop3A_448 = vector.shape_cast %parallel_loop3A_447 : vector<1x16xf32> to vector<16xf32>
        %parallel_loop3A_449 = arith.addf %parallel_loop3A_448, %parallel_loop3A_419 : vector<16xf32>
        %parallel_loop3A_450 = arith.addf %parallel_loop3A_449, %parallel_loop3A_430 : vector<16xf32>
        %parallel_loop3A_451 = arith.index_cast %parallel_loop3A_411 : i32 to index
        %parallel_loop3A_452 = arith.constant 16 : index
        %parallel_loop3A_453 = tpu.vector_load %arg17[%parallel_loop3A_451, %parallel_loop3A_452] {strides = array<i32>} : memref<40x128xf32, #tpu.memory_space<vmem>>, vector<1x16xf32>,
        %parallel_loop3A_454 = vector.shape_cast %parallel_loop3A_453 : vector<1x16xf32> to vector<16xf32>
        %parallel_loop3A_455 = arith.addf %parallel_loop3A_454, %parallel_loop3A_422 : vector<16xf32>
        %parallel_loop3A_456 = arith.addf %parallel_loop3A_455, %parallel_loop3A_433 : vector<16xf32>
        %parallel_loop3A_457 = arith.constant 0.000000e+00 : f32
        %parallel_loop3A_458 = vector.broadcast %parallel_loop3A_457 : f32 to vector<16xf32>
        %parallel_loop3A_459 = arith.subf %parallel_loop3A_458, %parallel_loop3A_450 : vector<16xf32>
        %parallel_loop3A_460 = math.exp %parallel_loop3A_459 : vector<16xf32>
        %parallel_loop3A_461 = arith.constant 1.000000e+00 : f32
        %parallel_loop3A_462 = vector.broadcast %parallel_loop3A_461 : f32 to vector<16xf32>
        %parallel_loop3A_463 = arith.addf %parallel_loop3A_462, %parallel_loop3A_460 : vector<16xf32>
        %parallel_loop3A_464 = arith.divf %parallel_loop3A_441, %parallel_loop3A_463 : vector<16xf32>
        %parallel_loop3A_465 = arith.index_cast %parallel_loop3A_411 : i32 to index
        %parallel_loop3A_466 = arith.constant 0 : index
        %parallel_loop3A_467 = tpu.vector_load %arg25[%parallel_loop3A_465, %parallel_loop3A_466] {strides = array<i32>} : memref<40x128xf32, #tpu.memory_space<vmem>>, vector<1x16xf32>,
        %parallel_loop3A_468 = vector.shape_cast %parallel_loop3A_467 : vector<1x16xf32> to vector<16xf32>
        %parallel_loop3A_469 = vector.shape_cast %parallel_loop3A_464 : vector<16xf32> to vector<1x16xf32>
        tpu.vector_store %arg25[%parallel_loop3A_465, %parallel_loop3A_466], %parallel_loop3A_469 {strides = array<i32>} : memref<40x128xf32, #tpu.memory_space<vmem>>, vector<1x16xf32>,
        %parallel_loop3A_470 = arith.constant 0.000000e+00 : f32
        %parallel_loop3A_471 = vector.broadcast %parallel_loop3A_470 : f32 to vector<16xf32>
        %parallel_loop3A_472 = arith.subf %parallel_loop3A_471, %parallel_loop3A_456 : vector<16xf32>
        %parallel_loop3A_473 = math.exp %parallel_loop3A_472 : vector<16xf32>
        %parallel_loop3A_474 = arith.constant 1.000000e+00 : f32
        %parallel_loop3A_475 = vector.broadcast %parallel_loop3A_474 : f32 to vector<16xf32>
        %parallel_loop3A_476 = arith.addf %parallel_loop3A_475, %parallel_loop3A_473 : vector<16xf32>
        %parallel_loop3A_477 = arith.divf %parallel_loop3A_444, %parallel_loop3A_476 : vector<16xf32>
        %parallel_loop3A_478 = arith.index_cast %parallel_loop3A_411 : i32 to index
        %parallel_loop3A_479 = arith.constant 16 : index
        %parallel_loop3A_480 = tpu.vector_load %arg25[%parallel_loop3A_478, %parallel_loop3A_479] {strides = array<i32>} : memref<40x128xf32, #tpu.memory_space<vmem>>, vector<1x16xf32>,
        %parallel_loop3A_481 = vector.shape_cast %parallel_loop3A_480 : vector<1x16xf32> to vector<16xf32>
        %parallel_loop3A_482 = vector.shape_cast %parallel_loop3A_477 : vector<16xf32> to vector<1x16xf32>
        tpu.vector_store %arg25[%parallel_loop3A_478, %parallel_loop3A_479], %parallel_loop3A_482 {strides = array<i32>} : memref<40x128xf32, #tpu.memory_space<vmem>>, vector<1x16xf32>,
        %parallel_loop3A_483 = arith.index_cast %parallel_loop3A_411 : i32 to index
        %parallel_loop3A_484 = arith.constant 16 : index
        %parallel_loop3A_485 = tpu.vector_load %arg21[%parallel_loop3A_483, %parallel_loop3A_484] {strides = array<i32>} : memref<40x64xi32, #tpu.memory_space<vmem>>, vector<1x16xi32>,
        %parallel_loop3A_486 = vector.shape_cast %parallel_loop3A_485 : vector<1x16xi32> to vector<16xi32>
        %parallel_loop3A_487 = arith.constant 16 : i32
        %parallel_loop3A_488 = vector.broadcast %parallel_loop3A_487 : i32 to vector<16xi32>
        %parallel_loop3A_489 = arith.shli %parallel_loop3A_486, %parallel_loop3A_488 : vector<16xi32>
        %parallel_loop3A_490 = tpu.bitcast %parallel_loop3A_489 : vector<16xi32> -> vector<16xf32>
        %parallel_loop3A_491 = vector.broadcast %parallel_loop3A_223 : i32 to vector<16xi32>
        %parallel_loop3A_492 = arith.andi %parallel_loop3A_486, %parallel_loop3A_491 : vector<16xi32>
        %parallel_loop3A_493 = tpu.bitcast %parallel_loop3A_492 : vector<16xi32> -> vector<16xf32>
        %parallel_loop3A_494 = arith.index_cast %parallel_loop3A_411 : i32 to index
        %parallel_loop3A_495 = arith.constant 16 : index
        %parallel_loop3A_496 = tpu.vector_load %arg19[%parallel_loop3A_494, %parallel_loop3A_495] {strides = array<i32>} : memref<40x128xi32, #tpu.memory_space<vmem>>, vector<1x16xi32>,
        %parallel_loop3A_497 = vector.shape_cast %parallel_loop3A_496 : vector<1x16xi32> to vector<16xi32>
        %parallel_loop3A_498 = arith.constant 16 : i32
        %parallel_loop3A_499 = vector.broadcast %parallel_loop3A_498 : i32 to vector<16xi32>
        %parallel_loop3A_500 = arith.shli %parallel_loop3A_497, %parallel_loop3A_499 : vector<16xi32>
        %parallel_loop3A_501 = tpu.bitcast %parallel_loop3A_500 : vector<16xi32> -> vector<16xf32>
        %parallel_loop3A_502 = vector.broadcast %parallel_loop3A_223 : i32 to vector<16xi32>
        %parallel_loop3A_503 = arith.andi %parallel_loop3A_497, %parallel_loop3A_502 : vector<16xi32>
        %parallel_loop3A_504 = tpu.bitcast %parallel_loop3A_503 : vector<16xi32> -> vector<16xf32>
        %parallel_loop3A_505 = arith.index_cast %parallel_loop3A_411 : i32 to index
        %parallel_loop3A_506 = arith.constant 80 : index
        %parallel_loop3A_507 = tpu.vector_load %arg19[%parallel_loop3A_505, %parallel_loop3A_506] {strides = array<i32>} : memref<40x128xi32, #tpu.memory_space<vmem>>, vector<1x16xi32>,
        %parallel_loop3A_508 = vector.shape_cast %parallel_loop3A_507 : vector<1x16xi32> to vector<16xi32>
        %parallel_loop3A_509 = arith.constant 16 : i32
        %parallel_loop3A_510 = vector.broadcast %parallel_loop3A_509 : i32 to vector<16xi32>
        %parallel_loop3A_511 = arith.shli %parallel_loop3A_508, %parallel_loop3A_510 : vector<16xi32>
        %parallel_loop3A_512 = tpu.bitcast %parallel_loop3A_511 : vector<16xi32> -> vector<16xf32>
        %parallel_loop3A_513 = vector.broadcast %parallel_loop3A_223 : i32 to vector<16xi32>
        %parallel_loop3A_514 = arith.andi %parallel_loop3A_508, %parallel_loop3A_513 : vector<16xi32>
        %parallel_loop3A_515 = tpu.bitcast %parallel_loop3A_514 : vector<16xi32> -> vector<16xf32>
        %parallel_loop3A_516 = arith.index_cast %parallel_loop3A_411 : i32 to index
        %parallel_loop3A_517 = arith.constant 32 : index
        %parallel_loop3A_518 = tpu.vector_load %arg17[%parallel_loop3A_516, %parallel_loop3A_517] {strides = array<i32>} : memref<40x128xf32, #tpu.memory_space<vmem>>, vector<1x16xf32>,
        %parallel_loop3A_519 = vector.shape_cast %parallel_loop3A_518 : vector<1x16xf32> to vector<16xf32>
        %parallel_loop3A_520 = arith.addf %parallel_loop3A_519, %parallel_loop3A_490 : vector<16xf32>
        %parallel_loop3A_521 = arith.addf %parallel_loop3A_520, %parallel_loop3A_501 : vector<16xf32>
        %parallel_loop3A_522 = arith.index_cast %parallel_loop3A_411 : i32 to index
        %parallel_loop3A_523 = arith.constant 48 : index
        %parallel_loop3A_524 = tpu.vector_load %arg17[%parallel_loop3A_522, %parallel_loop3A_523] {strides = array<i32>} : memref<40x128xf32, #tpu.memory_space<vmem>>, vector<1x16xf32>,
        %parallel_loop3A_525 = vector.shape_cast %parallel_loop3A_524 : vector<1x16xf32> to vector<16xf32>
        %parallel_loop3A_526 = arith.addf %parallel_loop3A_525, %parallel_loop3A_493 : vector<16xf32>
        %parallel_loop3A_527 = arith.addf %parallel_loop3A_526, %parallel_loop3A_504 : vector<16xf32>
        %parallel_loop3A_528 = arith.constant 0.000000e+00 : f32
        %parallel_loop3A_529 = vector.broadcast %parallel_loop3A_528 : f32 to vector<16xf32>
        %parallel_loop3A_530 = arith.subf %parallel_loop3A_529, %parallel_loop3A_521 : vector<16xf32>
        %parallel_loop3A_531 = math.exp %parallel_loop3A_530 : vector<16xf32>
        %parallel_loop3A_532 = arith.constant 1.000000e+00 : f32
        %parallel_loop3A_533 = vector.broadcast %parallel_loop3A_532 : f32 to vector<16xf32>
        %parallel_loop3A_534 = arith.addf %parallel_loop3A_533, %parallel_loop3A_531 : vector<16xf32>
        %parallel_loop3A_535 = arith.divf %parallel_loop3A_512, %parallel_loop3A_534 : vector<16xf32>
        %parallel_loop3A_536 = arith.index_cast %parallel_loop3A_411 : i32 to index
        %parallel_loop3A_537 = arith.constant 32 : index
        %parallel_loop3A_538 = tpu.vector_load %arg25[%parallel_loop3A_536, %parallel_loop3A_537] {strides = array<i32>} : memref<40x128xf32, #tpu.memory_space<vmem>>, vector<1x16xf32>,
        %parallel_loop3A_539 = vector.shape_cast %parallel_loop3A_538 : vector<1x16xf32> to vector<16xf32>
        %parallel_loop3A_540 = vector.shape_cast %parallel_loop3A_535 : vector<16xf32> to vector<1x16xf32>
        tpu.vector_store %arg25[%parallel_loop3A_536, %parallel_loop3A_537], %parallel_loop3A_540 {strides = array<i32>} : memref<40x128xf32, #tpu.memory_space<vmem>>, vector<1x16xf32>,
        %parallel_loop3A_541 = arith.constant 0.000000e+00 : f32
        %parallel_loop3A_542 = vector.broadcast %parallel_loop3A_541 : f32 to vector<16xf32>
        %parallel_loop3A_543 = arith.subf %parallel_loop3A_542, %parallel_loop3A_527 : vector<16xf32>
        %parallel_loop3A_544 = math.exp %parallel_loop3A_543 : vector<16xf32>
        %parallel_loop3A_545 = arith.constant 1.000000e+00 : f32
        %parallel_loop3A_546 = vector.broadcast %parallel_loop3A_545 : f32 to vector<16xf32>
        %parallel_loop3A_547 = arith.addf %parallel_loop3A_546, %parallel_loop3A_544 : vector<16xf32>
        %parallel_loop3A_548 = arith.divf %parallel_loop3A_515, %parallel_loop3A_547 : vector<16xf32>
        %parallel_loop3A_549 = arith.index_cast %parallel_loop3A_411 : i32 to index
        %parallel_loop3A_550 = arith.constant 48 : index
        %parallel_loop3A_551 = tpu.vector_load %arg25[%parallel_loop3A_549, %parallel_loop3A_550] {strides = array<i32>} : memref<40x128xf32, #tpu.memory_space<vmem>>, vector<1x16xf32>,
        %parallel_loop3A_552 = vector.shape_cast %parallel_loop3A_551 : vector<1x16xf32> to vector<16xf32>
        %parallel_loop3A_553 = vector.shape_cast %parallel_loop3A_548 : vector<16xf32> to vector<1x16xf32>
        tpu.vector_store %arg25[%parallel_loop3A_549, %parallel_loop3A_550], %parallel_loop3A_553 {strides = array<i32>} : memref<40x128xf32, #tpu.memory_space<vmem>>, vector<1x16xf32>,
        %parallel_loop3A_554 = arith.index_cast %parallel_loop3A_411 : i32 to index
        %parallel_loop3A_555 = arith.constant 32 : index
        %parallel_loop3A_556 = tpu.vector_load %arg21[%parallel_loop3A_554, %parallel_loop3A_555] {strides = array<i32>} : memref<40x64xi32, #tpu.memory_space<vmem>>, vector<1x16xi32>,
        %parallel_loop3A_557 = vector.shape_cast %parallel_loop3A_556 : vector<1x16xi32> to vector<16xi32>
        %parallel_loop3A_558 = arith.constant 16 : i32
        %parallel_loop3A_559 = vector.broadcast %parallel_loop3A_558 : i32 to vector<16xi32>
        %parallel_loop3A_560 = arith.shli %parallel_loop3A_557, %parallel_loop3A_559 : vector<16xi32>
        %parallel_loop3A_561 = tpu.bitcast %parallel_loop3A_560 : vector<16xi32> -> vector<16xf32>
        %parallel_loop3A_562 = vector.broadcast %parallel_loop3A_223 : i32 to vector<16xi32>
        %parallel_loop3A_563 = arith.andi %parallel_loop3A_557, %parallel_loop3A_562 : vector<16xi32>
        %parallel_loop3A_564 = tpu.bitcast %parallel_loop3A_563 : vector<16xi32> -> vector<16xf32>
        %parallel_loop3A_565 = arith.index_cast %parallel_loop3A_411 : i32 to index
        %parallel_loop3A_566 = arith.constant 32 : index
        %parallel_loop3A_567 = tpu.vector_load %arg19[%parallel_loop3A_565, %parallel_loop3A_566] {strides = array<i32>} : memref<40x128xi32, #tpu.memory_space<vmem>>, vector<1x16xi32>,
        %parallel_loop3A_568 = vector.shape_cast %parallel_loop3A_567 : vector<1x16xi32> to vector<16xi32>
        %parallel_loop3A_569 = arith.constant 16 : i32
        %parallel_loop3A_570 = vector.broadcast %parallel_loop3A_569 : i32 to vector<16xi32>
        %parallel_loop3A_571 = arith.shli %parallel_loop3A_568, %parallel_loop3A_570 : vector<16xi32>
        %parallel_loop3A_572 = tpu.bitcast %parallel_loop3A_571 : vector<16xi32> -> vector<16xf32>
        %parallel_loop3A_573 = vector.broadcast %parallel_loop3A_223 : i32 to vector<16xi32>
        %parallel_loop3A_574 = arith.andi %parallel_loop3A_568, %parallel_loop3A_573 : vector<16xi32>
        %parallel_loop3A_575 = tpu.bitcast %parallel_loop3A_574 : vector<16xi32> -> vector<16xf32>
        %parallel_loop3A_576 = arith.index_cast %parallel_loop3A_411 : i32 to index
        %parallel_loop3A_577 = arith.constant 96 : index
        %parallel_loop3A_578 = tpu.vector_load %arg19[%parallel_loop3A_576, %parallel_loop3A_577] {strides = array<i32>} : memref<40x128xi32, #tpu.memory_space<vmem>>, vector<1x16xi32>,
        %parallel_loop3A_579 = vector.shape_cast %parallel_loop3A_578 : vector<1x16xi32> to vector<16xi32>
        %parallel_loop3A_580 = arith.constant 16 : i32
        %parallel_loop3A_581 = vector.broadcast %parallel_loop3A_580 : i32 to vector<16xi32>
        %parallel_loop3A_582 = arith.shli %parallel_loop3A_579, %parallel_loop3A_581 : vector<16xi32>
        %parallel_loop3A_583 = tpu.bitcast %parallel_loop3A_582 : vector<16xi32> -> vector<16xf32>
        %parallel_loop3A_584 = vector.broadcast %parallel_loop3A_223 : i32 to vector<16xi32>
        %parallel_loop3A_585 = arith.andi %parallel_loop3A_579, %parallel_loop3A_584 : vector<16xi32>
        %parallel_loop3A_586 = tpu.bitcast %parallel_loop3A_585 : vector<16xi32> -> vector<16xf32>
        %parallel_loop3A_587 = arith.index_cast %parallel_loop3A_411 : i32 to index
        %parallel_loop3A_588 = arith.constant 64 : index
        %parallel_loop3A_589 = tpu.vector_load %arg17[%parallel_loop3A_587, %parallel_loop3A_588] {strides = array<i32>} : memref<40x128xf32, #tpu.memory_space<vmem>>, vector<1x16xf32>,
        %parallel_loop3A_590 = vector.shape_cast %parallel_loop3A_589 : vector<1x16xf32> to vector<16xf32>
        %parallel_loop3A_591 = arith.addf %parallel_loop3A_590, %parallel_loop3A_561 : vector<16xf32>
        %parallel_loop3A_592 = arith.addf %parallel_loop3A_591, %parallel_loop3A_572 : vector<16xf32>
        %parallel_loop3A_593 = arith.index_cast %parallel_loop3A_411 : i32 to index
        %parallel_loop3A_594 = arith.constant 80 : index
        %parallel_loop3A_595 = tpu.vector_load %arg17[%parallel_loop3A_593, %parallel_loop3A_594] {strides = array<i32>} : memref<40x128xf32, #tpu.memory_space<vmem>>, vector<1x16xf32>,
        %parallel_loop3A_596 = vector.shape_cast %parallel_loop3A_595 : vector<1x16xf32> to vector<16xf32>
        %parallel_loop3A_597 = arith.addf %parallel_loop3A_596, %parallel_loop3A_564 : vector<16xf32>
        %parallel_loop3A_598 = arith.addf %parallel_loop3A_597, %parallel_loop3A_575 : vector<16xf32>
        %parallel_loop3A_599 = arith.constant 0.000000e+00 : f32
        %parallel_loop3A_600 = vector.broadcast %parallel_loop3A_599 : f32 to vector<16xf32>
        %parallel_loop3A_601 = arith.subf %parallel_loop3A_600, %parallel_loop3A_592 : vector<16xf32>
        %parallel_loop3A_602 = math.exp %parallel_loop3A_601 : vector<16xf32>
        %parallel_loop3A_603 = arith.constant 1.000000e+00 : f32
        %parallel_loop3A_604 = vector.broadcast %parallel_loop3A_603 : f32 to vector<16xf32>
        %parallel_loop3A_605 = arith.addf %parallel_loop3A_604, %parallel_loop3A_602 : vector<16xf32>
        %parallel_loop3A_606 = arith.divf %parallel_loop3A_583, %parallel_loop3A_605 : vector<16xf32>
        %parallel_loop3A_607 = arith.index_cast %parallel_loop3A_411 : i32 to index
        %parallel_loop3A_608 = arith.constant 64 : index
        %parallel_loop3A_609 = tpu.vector_load %arg25[%parallel_loop3A_607, %parallel_loop3A_608] {strides = array<i32>} : memref<40x128xf32, #tpu.memory_space<vmem>>, vector<1x16xf32>,
        %parallel_loop3A_610 = vector.shape_cast %parallel_loop3A_609 : vector<1x16xf32> to vector<16xf32>
        %parallel_loop3A_611 = vector.shape_cast %parallel_loop3A_606 : vector<16xf32> to vector<1x16xf32>
        tpu.vector_store %arg25[%parallel_loop3A_607, %parallel_loop3A_608], %parallel_loop3A_611 {strides = array<i32>} : memref<40x128xf32, #tpu.memory_space<vmem>>, vector<1x16xf32>,
        %parallel_loop3A_612 = arith.constant 0.000000e+00 : f32
        %parallel_loop3A_613 = vector.broadcast %parallel_loop3A_612 : f32 to vector<16xf32>
        %parallel_loop3A_614 = arith.subf %parallel_loop3A_613, %parallel_loop3A_598 : vector<16xf32>
        %parallel_loop3A_615 = math.exp %parallel_loop3A_614 : vector<16xf32>
        %parallel_loop3A_616 = arith.constant 1.000000e+00 : f32
        %parallel_loop3A_617 = vector.broadcast %parallel_loop3A_616 : f32 to vector<16xf32>
        %parallel_loop3A_618 = arith.addf %parallel_loop3A_617, %parallel_loop3A_615 : vector<16xf32>
        %parallel_loop3A_619 = arith.divf %parallel_loop3A_586, %parallel_loop3A_618 : vector<16xf32>
        %parallel_loop3A_620 = arith.index_cast %parallel_loop3A_411 : i32 to index
        %parallel_loop3A_621 = arith.constant 80 : index
        %parallel_loop3A_622 = tpu.vector_load %arg25[%parallel_loop3A_620, %parallel_loop3A_621] {strides = array<i32>} : memref<40x128xf32, #tpu.memory_space<vmem>>, vector<1x16xf32>,
        %parallel_loop3A_623 = vector.shape_cast %parallel_loop3A_622 : vector<1x16xf32> to vector<16xf32>
        %parallel_loop3A_624 = vector.shape_cast %parallel_loop3A_619 : vector<16xf32> to vector<1x16xf32>
        tpu.vector_store %arg25[%parallel_loop3A_620, %parallel_loop3A_621], %parallel_loop3A_624 {strides = array<i32>} : memref<40x128xf32, #tpu.memory_space<vmem>>, vector<1x16xf32>,
        %parallel_loop3A_625 = arith.index_cast %parallel_loop3A_411 : i32 to index
        %parallel_loop3A_626 = arith.constant 48 : index
        %parallel_loop3A_627 = tpu.vector_load %arg21[%parallel_loop3A_625, %parallel_loop3A_626] {strides = array<i32>} : memref<40x64xi32, #tpu.memory_space<vmem>>, vector<1x16xi32>,
        %parallel_loop3A_628 = vector.shape_cast %parallel_loop3A_627 : vector<1x16xi32> to vector<16xi32>
        %parallel_loop3A_629 = arith.constant 16 : i32
        %parallel_loop3A_630 = vector.broadcast %parallel_loop3A_629 : i32 to vector<16xi32>
        %parallel_loop3A_631 = arith.shli %parallel_loop3A_628, %parallel_loop3A_630 : vector<16xi32>
        %parallel_loop3A_632 = tpu.bitcast %parallel_loop3A_631 : vector<16xi32> -> vector<16xf32>
        %parallel_loop3A_633 = vector.broadcast %parallel_loop3A_223 : i32 to vector<16xi32>
        %parallel_loop3A_634 = arith.andi %parallel_loop3A_628, %parallel_loop3A_633 : vector<16xi32>
        %parallel_loop3A_635 = tpu.bitcast %parallel_loop3A_634 : vector<16xi32> -> vector<16xf32>
        %parallel_loop3A_636 = arith.index_cast %parallel_loop3A_411 : i32 to index
        %parallel_loop3A_637 = arith.constant 48 : index
        %parallel_loop3A_638 = tpu.vector_load %arg19[%parallel_loop3A_636, %parallel_loop3A_637] {strides = array<i32>} : memref<40x128xi32, #tpu.memory_space<vmem>>, vector<1x16xi32>,
        %parallel_loop3A_639 = vector.shape_cast %parallel_loop3A_638 : vector<1x16xi32> to vector<16xi32>
        %parallel_loop3A_640 = arith.constant 16 : i32
        %parallel_loop3A_641 = vector.broadcast %parallel_loop3A_640 : i32 to vector<16xi32>
        %parallel_loop3A_642 = arith.shli %parallel_loop3A_639, %parallel_loop3A_641 : vector<16xi32>
        %parallel_loop3A_643 = tpu.bitcast %parallel_loop3A_642 : vector<16xi32> -> vector<16xf32>
        %parallel_loop3A_644 = vector.broadcast %parallel_loop3A_223 : i32 to vector<16xi32>
        %parallel_loop3A_645 = arith.andi %parallel_loop3A_639, %parallel_loop3A_644 : vector<16xi32>
        %parallel_loop3A_646 = tpu.bitcast %parallel_loop3A_645 : vector<16xi32> -> vector<16xf32>
        %parallel_loop3A_647 = arith.index_cast %parallel_loop3A_411 : i32 to index
        %parallel_loop3A_648 = arith.constant 112 : index
        %parallel_loop3A_649 = tpu.vector_load %arg19[%parallel_loop3A_647, %parallel_loop3A_648] {strides = array<i32>} : memref<40x128xi32, #tpu.memory_space<vmem>>, vector<1x16xi32>,
        %parallel_loop3A_650 = vector.shape_cast %parallel_loop3A_649 : vector<1x16xi32> to vector<16xi32>
        %parallel_loop3A_651 = arith.constant 16 : i32
        %parallel_loop3A_652 = vector.broadcast %parallel_loop3A_651 : i32 to vector<16xi32>
        %parallel_loop3A_653 = arith.shli %parallel_loop3A_650, %parallel_loop3A_652 : vector<16xi32>
        %parallel_loop3A_654 = tpu.bitcast %parallel_loop3A_653 : vector<16xi32> -> vector<16xf32>
        %parallel_loop3A_655 = vector.broadcast %parallel_loop3A_223 : i32 to vector<16xi32>
        %parallel_loop3A_656 = arith.andi %parallel_loop3A_650, %parallel_loop3A_655 : vector<16xi32>
        %parallel_loop3A_657 = tpu.bitcast %parallel_loop3A_656 : vector<16xi32> -> vector<16xf32>
        %parallel_loop3A_658 = arith.index_cast %parallel_loop3A_411 : i32 to index
        %parallel_loop3A_659 = arith.constant 96 : index
        %parallel_loop3A_660 = tpu.vector_load %arg17[%parallel_loop3A_658, %parallel_loop3A_659] {strides = array<i32>} : memref<40x128xf32, #tpu.memory_space<vmem>>, vector<1x16xf32>,
        %parallel_loop3A_661 = vector.shape_cast %parallel_loop3A_660 : vector<1x16xf32> to vector<16xf32>
        %parallel_loop3A_662 = arith.addf %parallel_loop3A_661, %parallel_loop3A_632 : vector<16xf32>
        %parallel_loop3A_663 = arith.addf %parallel_loop3A_662, %parallel_loop3A_643 : vector<16xf32>
        %parallel_loop3A_664 = arith.index_cast %parallel_loop3A_411 : i32 to index
        %parallel_loop3A_665 = arith.constant 112 : index
        %parallel_loop3A_666 = tpu.vector_load %arg17[%parallel_loop3A_664, %parallel_loop3A_665] {strides = array<i32>} : memref<40x128xf32, #tpu.memory_space<vmem>>, vector<1x16xf32>,
        %parallel_loop3A_667 = vector.shape_cast %parallel_loop3A_666 : vector<1x16xf32> to vector<16xf32>
        %parallel_loop3A_668 = arith.addf %parallel_loop3A_667, %parallel_loop3A_635 : vector<16xf32>
        %parallel_loop3A_669 = arith.addf %parallel_loop3A_668, %parallel_loop3A_646 : vector<16xf32>
        %parallel_loop3A_670 = arith.constant 0.000000e+00 : f32
        %parallel_loop3A_671 = vector.broadcast %parallel_loop3A_670 : f32 to vector<16xf32>
        %parallel_loop3A_672 = arith.subf %parallel_loop3A_671, %parallel_loop3A_663 : vector<16xf32>
        %parallel_loop3A_673 = math.exp %parallel_loop3A_672 : vector<16xf32>
        %parallel_loop3A_674 = arith.constant 1.000000e+00 : f32
        %parallel_loop3A_675 = vector.broadcast %parallel_loop3A_674 : f32 to vector<16xf32>
        %parallel_loop3A_676 = arith.addf %parallel_loop3A_675, %parallel_loop3A_673 : vector<16xf32>
        %parallel_loop3A_677 = arith.divf %parallel_loop3A_654, %parallel_loop3A_676 : vector<16xf32>
        %parallel_loop3A_678 = arith.index_cast %parallel_loop3A_411 : i32 to index
        %parallel_loop3A_679 = arith.constant 96 : index
        %parallel_loop3A_680 = tpu.vector_load %arg25[%parallel_loop3A_678, %parallel_loop3A_679] {strides = array<i32>} : memref<40x128xf32, #tpu.memory_space<vmem>>, vector<1x16xf32>,
        %parallel_loop3A_681 = vector.shape_cast %parallel_loop3A_680 : vector<1x16xf32> to vector<16xf32>
        %parallel_loop3A_682 = vector.shape_cast %parallel_loop3A_677 : vector<16xf32> to vector<1x16xf32>
        tpu.vector_store %arg25[%parallel_loop3A_678, %parallel_loop3A_679], %parallel_loop3A_682 {strides = array<i32>} : memref<40x128xf32, #tpu.memory_space<vmem>>, vector<1x16xf32>,
        %parallel_loop3A_683 = arith.constant 0.000000e+00 : f32
        %parallel_loop3A_684 = vector.broadcast %parallel_loop3A_683 : f32 to vector<16xf32>
        %parallel_loop3A_685 = arith.subf %parallel_loop3A_684, %parallel_loop3A_669 : vector<16xf32>
        %parallel_loop3A_686 = math.exp %parallel_loop3A_685 : vector<16xf32>
        %parallel_loop3A_687 = arith.constant 1.000000e+00 : f32
        %parallel_loop3A_688 = vector.broadcast %parallel_loop3A_687 : f32 to vector<16xf32>
        %parallel_loop3A_689 = arith.addf %parallel_loop3A_688, %parallel_loop3A_686 : vector<16xf32>
        %parallel_loop3A_690 = arith.divf %parallel_loop3A_657, %parallel_loop3A_689 : vector<16xf32>
        %parallel_loop3A_691 = arith.index_cast %parallel_loop3A_411 : i32 to index
        %parallel_loop3A_692 = arith.constant 112 : index
        %parallel_loop3A_693 = tpu.vector_load %arg25[%parallel_loop3A_691, %parallel_loop3A_692] {strides = array<i32>} : memref<40x128xf32, #tpu.memory_space<vmem>>, vector<1x16xf32>,
        %parallel_loop3A_694 = vector.shape_cast %parallel_loop3A_693 : vector<1x16xf32> to vector<16xf32>
        %parallel_loop3A_695 = vector.shape_cast %parallel_loop3A_690 : vector<16xf32> to vector<1x16xf32>
        tpu.vector_store %arg25[%parallel_loop3A_691, %parallel_loop3A_692], %parallel_loop3A_695 {strides = array<i32>} : memref<40x128xf32, #tpu.memory_space<vmem>>, vector<1x16xf32>,
      } {sc.loop_unroll_factor = 1 : i64, sc.parallel_access}
      %dma_start3A_224 = arith.constant 0 : i32
      %dma_start3A_225 = arith.constant 0 : i32
      %dma_start3A_226 = tpu.memref_slice %arg26[%dma_start3A_224, %dma_start3A_225] : memref<10240x128xf32, #tpu.memory_space<vmem_shared>> -> memref<10240x128xf32, #tpu.memory_space<vmem_shared>>
      tpu.enqueue_indirect_dma source(%arg25 : memref<40x128xf32, #tpu.memory_space<vmem>>) target(%dma_start3A_226 : memref<10240x128xf32, #tpu.memory_space<vmem_shared>>) offsets(%arg13 : memref<40xi32, #tpu.memory_space<vmem>>) semaphore(%arg33 : memref<!tpu.dma_semaphore, #tpu.memory_space<semaphore_mem>>) {add = true}
      %add3A_227 = arith.constant 1 : i32
      %add3A_228 = arith.addi %mul3A_167, %add3A_227 : i32
      %dma_wait3A_229 = arith.constant 0 : i32
      %dma_wait3A_230 = arith.constant 0 : i32
      %dma_wait3A_231 = tpu.memref_slice %arg4[%dma_wait3A_229, %dma_wait3A_230] : memref<320000x64xi32, #tpu.memory_space<hbm>> -> memref<40x64xi32, #tpu.memory_space<hbm>>
      %dma_wait3A_232 = arith.constant 0 : i32
      %dma_wait3A_233 = arith.constant 0 : i32
      %dma_wait3A_234 = tpu.memref_slice %arg4[%dma_wait3A_232, %dma_wait3A_233] : memref<320000x64xi32, #tpu.memory_space<hbm>> -> memref<40x64xi32, #tpu.memory_space<hbm>>
      tpu.wait_dma2 semaphore(%arg31 : memref<!tpu.dma_semaphore, #tpu.memory_space<semaphore_mem>>) src(%dma_wait3A_234 : memref<40x64xi32, #tpu.memory_space<hbm>>) dst(%arg23 : memref<40x64xi32, #tpu.memory_space<vmem>>)
      %dma_wait3A_235 = arith.constant 0 : i32
      %dma_wait3A_236 = tpu.memref_slice %arg5[%dma_wait3A_235] : memref<320000xi32, #tpu.memory_space<hbm>> -> memref<40xi32, #tpu.memory_space<hbm>>
      %dma_wait3A_237 = arith.constant 0 : i32
      %dma_wait3A_238 = tpu.memref_slice %arg5[%dma_wait3A_237] : memref<320000xi32, #tpu.memory_space<hbm>> -> memref<40xi32, #tpu.memory_space<hbm>>
      tpu.wait_dma2 semaphore(%arg31 : memref<!tpu.dma_semaphore, #tpu.memory_space<semaphore_mem>>) src(%dma_wait3A_238 : memref<40xi32, #tpu.memory_space<hbm>>) dst(%arg11 : memref<40xi32, #tpu.memory_space<vmem>>)
      %dma_wait3A_239 = arith.constant 0 : i32
      %dma_wait3A_240 = tpu.memref_slice %arg6[%dma_wait3A_239] : memref<320000xi32, #tpu.memory_space<hbm>> -> memref<40xi32, #tpu.memory_space<hbm>>
      %dma_wait3A_241 = arith.constant 0 : i32
      %dma_wait3A_242 = tpu.memref_slice %arg6[%dma_wait3A_241] : memref<320000xi32, #tpu.memory_space<hbm>> -> memref<40xi32, #tpu.memory_space<hbm>>
      tpu.wait_dma2 semaphore(%arg31 : memref<!tpu.dma_semaphore, #tpu.memory_space<semaphore_mem>>) src(%dma_wait3A_242 : memref<40xi32, #tpu.memory_space<hbm>>) dst(%arg15 : memref<40xi32, #tpu.memory_space<vmem>>)
      %dma_start3A_243 = arith.constant 0 : i32
      %dma_start3A_244 = arith.constant 0 : i32
      %dma_start3A_245 = tpu.memref_slice %arg2[%dma_start3A_243, %dma_start3A_244] : memref<10000x128xf32, #tpu.memory_space<hbm>> -> memref<10000x128xf32, #tpu.memory_space<hbm>>
      tpu.enqueue_indirect_dma source(%dma_start3A_245 : memref<10000x128xf32, #tpu.memory_space<hbm>>) target(%arg17 : memref<40x128xf32, #tpu.memory_space<vmem>>) offsets(%arg15 : memref<40xi32, #tpu.memory_space<vmem>>) semaphore(%arg27 : memref<!tpu.dma_semaphore, #tpu.memory_space<semaphore_mem>>)
      %dma_start3A_246 = arith.constant 0 : i32
      %dma_start3A_247 = arith.constant 0 : i32
      %dma_start3A_248 = tpu.memref_slice %arg3[%dma_start3A_246, %dma_start3A_247] : memref<10000x128xi32, #tpu.memory_space<hbm>> -> memref<10000x128xi32, #tpu.memory_space<hbm>>
      tpu.enqueue_indirect_dma source(%dma_start3A_248 : memref<10000x128xi32, #tpu.memory_space<hbm>>) target(%arg19 : memref<40x128xi32, #tpu.memory_space<vmem>>) offsets(%arg11 : memref<40xi32, #tpu.memory_space<vmem>>) semaphore(%arg27 : memref<!tpu.dma_semaphore, #tpu.memory_space<semaphore_mem>>)
      %add3A_249 = arith.constant 2 : i32
      %add3A_250 = arith.addi %add3A_228, %add3A_249 : i32
      %mul3A_251 = arith.constant 40 : i32
      %mul3A_252 = arith.muli %add3A_250, %mul3A_251 : i32
      %add3A_253 = arith.addi %mul3A_2, %mul3A_252 : i32
      %multiple_of3A_254 = tpu.assume_multiple %add3A_253, 8 : i32
      %dma_start3A_255 = arith.constant 0 : i32
      %dma_start3A_256 = tpu.memref_slice %arg4[%multiple_of3A_254, %dma_start3A_255] : memref<320000x64xi32, #tpu.memory_space<hbm>> -> memref<40x64xi32, #tpu.memory_space<hbm>>
      %dma_start3A_257 = arith.constant 0 : i32
      %dma_start3A_258 = tpu.memref_slice %arg4[%multiple_of3A_254, %dma_start3A_257] : memref<320000x64xi32, #tpu.memory_space<hbm>> -> memref<40x64xi32, #tpu.memory_space<hbm>>
      tpu.enqueue_dma source(%dma_start3A_258 : memref<40x64xi32, #tpu.memory_space<hbm>>) target(%arg24 : memref<40x64xi32, #tpu.memory_space<vmem>>) target_semaphore(%arg32 : memref<!tpu.dma_semaphore, #tpu.memory_space<semaphore_mem>>)
      %dma_start3A_259 = tpu.memref_slice %arg5[%multiple_of3A_254] : memref<320000xi32, #tpu.memory_space<hbm>> -> memref<40xi32, #tpu.memory_space<hbm>>
      %dma_start3A_260 = tpu.memref_slice %arg5[%multiple_of3A_254] : memref<320000xi32, #tpu.memory_space<hbm>> -> memref<40xi32, #tpu.memory_space<hbm>>
      tpu.enqueue_dma source(%dma_start3A_260 : memref<40xi32, #tpu.memory_space<hbm>>) target(%arg12 : memref<40xi32, #tpu.memory_space<vmem>>) target_semaphore(%arg32 : memref<!tpu.dma_semaphore, #tpu.memory_space<semaphore_mem>>)
      %dma_start3A_261 = tpu.memref_slice %arg6[%multiple_of3A_254] : memref<320000xi32, #tpu.memory_space<hbm>> -> memref<40xi32, #tpu.memory_space<hbm>>
      %dma_start3A_262 = tpu.memref_slice %arg6[%multiple_of3A_254] : memref<320000xi32, #tpu.memory_space<hbm>> -> memref<40xi32, #tpu.memory_space<hbm>>
      tpu.enqueue_dma source(%dma_start3A_262 : memref<40xi32, #tpu.memory_space<hbm>>) target(%arg16 : memref<40xi32, #tpu.memory_space<vmem>>) target_semaphore(%arg32 : memref<!tpu.dma_semaphore, #tpu.memory_space<semaphore_mem>>)
      %dma_wait3A_263 = arith.constant 0 : i32
      %dma_wait3A_264 = arith.constant 0 : i32
      %dma_wait3A_265 = tpu.memref_slice %arg2[%dma_wait3A_263, %dma_wait3A_264] : memref<10000x128xf32, #tpu.memory_space<hbm>> -> memref<40x128xf32, #tpu.memory_space<hbm>>
      %dma_wait3A_266 = arith.constant 0 : i32
      %dma_wait3A_267 = arith.constant 0 : i32
      %dma_wait3A_268 = tpu.memref_slice %arg2[%dma_wait3A_266, %dma_wait3A_267] : memref<10000x128xf32, #tpu.memory_space<hbm>> -> memref<40x128xf32, #tpu.memory_space<hbm>>
      tpu.wait_dma2 semaphore(%arg28 : memref<!tpu.dma_semaphore, #tpu.memory_space<semaphore_mem>>) src(%dma_wait3A_268 : memref<40x128xf32, #tpu.memory_space<hbm>>) dst(%arg18 : memref<40x128xf32, #tpu.memory_space<vmem>>)
      %dma_wait3A_269 = arith.constant 0 : i32
      %dma_wait3A_270 = arith.constant 0 : i32
      %dma_wait3A_271 = tpu.memref_slice %arg3[%dma_wait3A_269, %dma_wait3A_270] : memref<10000x128xi32, #tpu.memory_space<hbm>> -> memref<40x128xi32, #tpu.memory_space<hbm>>
      %dma_wait3A_272 = arith.constant 0 : i32
      %dma_wait3A_273 = arith.constant 0 : i32
      %dma_wait3A_274 = tpu.memref_slice %arg3[%dma_wait3A_272, %dma_wait3A_273] : memref<10000x128xi32, #tpu.memory_space<hbm>> -> memref<40x128xi32, #tpu.memory_space<hbm>>
      tpu.wait_dma2 semaphore(%arg28 : memref<!tpu.dma_semaphore, #tpu.memory_space<semaphore_mem>>) src(%dma_wait3A_274 : memref<40x128xi32, #tpu.memory_space<hbm>>) dst(%arg20 : memref<40x128xi32, #tpu.memory_space<vmem>>)
      %dma_wait3A_275 = arith.constant 0 : i32
      %dma_wait3A_276 = arith.constant 0 : i32
      %dma_wait3A_277 = tpu.memref_slice %arg7[%dma_wait3A_275, %dma_wait3A_276] : memref<10240x128xf32, #tpu.memory_space<hbm>> -> memref<40x128xf32, #tpu.memory_space<hbm>>
      %dma_wait3A_278 = arith.constant 0 : i32
      %dma_wait3A_279 = arith.constant 0 : i32
      %dma_wait3A_280 = tpu.memref_slice %arg7[%dma_wait3A_278, %dma_wait3A_279] : memref<10240x128xf32, #tpu.memory_space<hbm>> -> memref<40x128xf32, #tpu.memory_space<hbm>>
      tpu.wait_dma2 semaphore(%arg33 : memref<!tpu.dma_semaphore, #tpu.memory_space<semaphore_mem>>) src(%dma_wait3A_280 : memref<40x128xf32, #tpu.memory_space<hbm>>) dst(%arg25 : memref<40x128xf32, #tpu.memory_space<vmem>>)
      %parallel_loop3A_281 = arith.constant 0 : i32
      %parallel_loop3A_282 = arith.constant 40 : i32
      %parallel_loop3A_283 = arith.constant 1 : i32
      %parallel_loop3A_284 = arith.constant -65536 : i32
      scf.for %parallel_loop3A_411 = %parallel_loop3A_281 to %parallel_loop3A_282 step %parallel_loop3A_283  : i32 {
        %parallel_loop3A_412 = arith.index_cast %parallel_loop3A_411 : i32 to index
        %parallel_loop3A_413 = arith.constant 0 : index
        %parallel_loop3A_414 = tpu.vector_load %arg22[%parallel_loop3A_412, %parallel_loop3A_413] {strides = array<i32>} : memref<40x64xi32, #tpu.memory_space<vmem>>, vector<1x16xi32>,
        %parallel_loop3A_415 = vector.shape_cast %parallel_loop3A_414 : vector<1x16xi32> to vector<16xi32>
        %parallel_loop3A_416 = arith.constant 16 : i32
        %parallel_loop3A_417 = vector.broadcast %parallel_loop3A_416 : i32 to vector<16xi32>
        %parallel_loop3A_418 = arith.shli %parallel_loop3A_415, %parallel_loop3A_417 : vector<16xi32>
        %parallel_loop3A_419 = tpu.bitcast %parallel_loop3A_418 : vector<16xi32> -> vector<16xf32>
        %parallel_loop3A_420 = vector.broadcast %parallel_loop3A_284 : i32 to vector<16xi32>
        %parallel_loop3A_421 = arith.andi %parallel_loop3A_415, %parallel_loop3A_420 : vector<16xi32>
        %parallel_loop3A_422 = tpu.bitcast %parallel_loop3A_421 : vector<16xi32> -> vector<16xf32>
        %parallel_loop3A_423 = arith.index_cast %parallel_loop3A_411 : i32 to index
        %parallel_loop3A_424 = arith.constant 0 : index
        %parallel_loop3A_425 = tpu.vector_load %arg20[%parallel_loop3A_423, %parallel_loop3A_424] {strides = array<i32>} : memref<40x128xi32, #tpu.memory_space<vmem>>, vector<1x16xi32>,
        %parallel_loop3A_426 = vector.shape_cast %parallel_loop3A_425 : vector<1x16xi32> to vector<16xi32>
        %parallel_loop3A_427 = arith.constant 16 : i32
        %parallel_loop3A_428 = vector.broadcast %parallel_loop3A_427 : i32 to vector<16xi32>
        %parallel_loop3A_429 = arith.shli %parallel_loop3A_426, %parallel_loop3A_428 : vector<16xi32>
        %parallel_loop3A_430 = tpu.bitcast %parallel_loop3A_429 : vector<16xi32> -> vector<16xf32>
        %parallel_loop3A_431 = vector.broadcast %parallel_loop3A_284 : i32 to vector<16xi32>
        %parallel_loop3A_432 = arith.andi %parallel_loop3A_426, %parallel_loop3A_431 : vector<16xi32>
        %parallel_loop3A_433 = tpu.bitcast %parallel_loop3A_432 : vector<16xi32> -> vector<16xf32>
        %parallel_loop3A_434 = arith.index_cast %parallel_loop3A_411 : i32 to index
        %parallel_loop3A_435 = arith.constant 64 : index
        %parallel_loop3A_436 = tpu.vector_load %arg20[%parallel_loop3A_434, %parallel_loop3A_435] {strides = array<i32>} : memref<40x128xi32, #tpu.memory_space<vmem>>, vector<1x16xi32>,
        %parallel_loop3A_437 = vector.shape_cast %parallel_loop3A_436 : vector<1x16xi32> to vector<16xi32>
        %parallel_loop3A_438 = arith.constant 16 : i32
        %parallel_loop3A_439 = vector.broadcast %parallel_loop3A_438 : i32 to vector<16xi32>
        %parallel_loop3A_440 = arith.shli %parallel_loop3A_437, %parallel_loop3A_439 : vector<16xi32>
        %parallel_loop3A_441 = tpu.bitcast %parallel_loop3A_440 : vector<16xi32> -> vector<16xf32>
        %parallel_loop3A_442 = vector.broadcast %parallel_loop3A_284 : i32 to vector<16xi32>
        %parallel_loop3A_443 = arith.andi %parallel_loop3A_437, %parallel_loop3A_442 : vector<16xi32>
        %parallel_loop3A_444 = tpu.bitcast %parallel_loop3A_443 : vector<16xi32> -> vector<16xf32>
        %parallel_loop3A_445 = arith.index_cast %parallel_loop3A_411 : i32 to index
        %parallel_loop3A_446 = arith.constant 0 : index
        %parallel_loop3A_447 = tpu.vector_load %arg18[%parallel_loop3A_445, %parallel_loop3A_446] {strides = array<i32>} : memref<40x128xf32, #tpu.memory_space<vmem>>, vector<1x16xf32>,
        %parallel_loop3A_448 = vector.shape_cast %parallel_loop3A_447 : vector<1x16xf32> to vector<16xf32>
        %parallel_loop3A_449 = arith.addf %parallel_loop3A_448, %parallel_loop3A_419 : vector<16xf32>
        %parallel_loop3A_450 = arith.addf %parallel_loop3A_449, %parallel_loop3A_430 : vector<16xf32>
        %parallel_loop3A_451 = arith.index_cast %parallel_loop3A_411 : i32 to index
        %parallel_loop3A_452 = arith.constant 16 : index
        %parallel_loop3A_453 = tpu.vector_load %arg18[%parallel_loop3A_451, %parallel_loop3A_452] {strides = array<i32>} : memref<40x128xf32, #tpu.memory_space<vmem>>, vector<1x16xf32>,
        %parallel_loop3A_454 = vector.shape_cast %parallel_loop3A_453 : vector<1x16xf32> to vector<16xf32>
        %parallel_loop3A_455 = arith.addf %parallel_loop3A_454, %parallel_loop3A_422 : vector<16xf32>
        %parallel_loop3A_456 = arith.addf %parallel_loop3A_455, %parallel_loop3A_433 : vector<16xf32>
        %parallel_loop3A_457 = arith.constant 0.000000e+00 : f32
        %parallel_loop3A_458 = vector.broadcast %parallel_loop3A_457 : f32 to vector<16xf32>
        %parallel_loop3A_459 = arith.subf %parallel_loop3A_458, %parallel_loop3A_450 : vector<16xf32>
        %parallel_loop3A_460 = math.exp %parallel_loop3A_459 : vector<16xf32>
        %parallel_loop3A_461 = arith.constant 1.000000e+00 : f32
        %parallel_loop3A_462 = vector.broadcast %parallel_loop3A_461 : f32 to vector<16xf32>
        %parallel_loop3A_463 = arith.addf %parallel_loop3A_462, %parallel_loop3A_460 : vector<16xf32>
        %parallel_loop3A_464 = arith.divf %parallel_loop3A_441, %parallel_loop3A_463 : vector<16xf32>
        %parallel_loop3A_465 = arith.index_cast %parallel_loop3A_411 : i32 to index
        %parallel_loop3A_466 = arith.constant 0 : index
        %parallel_loop3A_467 = tpu.vector_load %arg25[%parallel_loop3A_465, %parallel_loop3A_466] {strides = array<i32>} : memref<40x128xf32, #tpu.memory_space<vmem>>, vector<1x16xf32>,
        %parallel_loop3A_468 = vector.shape_cast %parallel_loop3A_467 : vector<1x16xf32> to vector<16xf32>
        %parallel_loop3A_469 = vector.shape_cast %parallel_loop3A_464 : vector<16xf32> to vector<1x16xf32>
        tpu.vector_store %arg25[%parallel_loop3A_465, %parallel_loop3A_466], %parallel_loop3A_469 {strides = array<i32>} : memref<40x128xf32, #tpu.memory_space<vmem>>, vector<1x16xf32>,
        %parallel_loop3A_470 = arith.constant 0.000000e+00 : f32
        %parallel_loop3A_471 = vector.broadcast %parallel_loop3A_470 : f32 to vector<16xf32>
        %parallel_loop3A_472 = arith.subf %parallel_loop3A_471, %parallel_loop3A_456 : vector<16xf32>
        %parallel_loop3A_473 = math.exp %parallel_loop3A_472 : vector<16xf32>
        %parallel_loop3A_474 = arith.constant 1.000000e+00 : f32
        %parallel_loop3A_475 = vector.broadcast %parallel_loop3A_474 : f32 to vector<16xf32>
        %parallel_loop3A_476 = arith.addf %parallel_loop3A_475, %parallel_loop3A_473 : vector<16xf32>
        %parallel_loop3A_477 = arith.divf %parallel_loop3A_444, %parallel_loop3A_476 : vector<16xf32>
        %parallel_loop3A_478 = arith.index_cast %parallel_loop3A_411 : i32 to index
        %parallel_loop3A_479 = arith.constant 16 : index
        %parallel_loop3A_480 = tpu.vector_load %arg25[%parallel_loop3A_478, %parallel_loop3A_479] {strides = array<i32>} : memref<40x128xf32, #tpu.memory_space<vmem>>, vector<1x16xf32>,
        %parallel_loop3A_481 = vector.shape_cast %parallel_loop3A_480 : vector<1x16xf32> to vector<16xf32>
        %parallel_loop3A_482 = vector.shape_cast %parallel_loop3A_477 : vector<16xf32> to vector<1x16xf32>
        tpu.vector_store %arg25[%parallel_loop3A_478, %parallel_loop3A_479], %parallel_loop3A_482 {strides = array<i32>} : memref<40x128xf32, #tpu.memory_space<vmem>>, vector<1x16xf32>,
        %parallel_loop3A_483 = arith.index_cast %parallel_loop3A_411 : i32 to index
        %parallel_loop3A_484 = arith.constant 16 : index
        %parallel_loop3A_485 = tpu.vector_load %arg22[%parallel_loop3A_483, %parallel_loop3A_484] {strides = array<i32>} : memref<40x64xi32, #tpu.memory_space<vmem>>, vector<1x16xi32>,
        %parallel_loop3A_486 = vector.shape_cast %parallel_loop3A_485 : vector<1x16xi32> to vector<16xi32>
        %parallel_loop3A_487 = arith.constant 16 : i32
        %parallel_loop3A_488 = vector.broadcast %parallel_loop3A_487 : i32 to vector<16xi32>
        %parallel_loop3A_489 = arith.shli %parallel_loop3A_486, %parallel_loop3A_488 : vector<16xi32>
        %parallel_loop3A_490 = tpu.bitcast %parallel_loop3A_489 : vector<16xi32> -> vector<16xf32>
        %parallel_loop3A_491 = vector.broadcast %parallel_loop3A_284 : i32 to vector<16xi32>
        %parallel_loop3A_492 = arith.andi %parallel_loop3A_486, %parallel_loop3A_491 : vector<16xi32>
        %parallel_loop3A_493 = tpu.bitcast %parallel_loop3A_492 : vector<16xi32> -> vector<16xf32>
        %parallel_loop3A_494 = arith.index_cast %parallel_loop3A_411 : i32 to index
        %parallel_loop3A_495 = arith.constant 16 : index
        %parallel_loop3A_496 = tpu.vector_load %arg20[%parallel_loop3A_494, %parallel_loop3A_495] {strides = array<i32>} : memref<40x128xi32, #tpu.memory_space<vmem>>, vector<1x16xi32>,
        %parallel_loop3A_497 = vector.shape_cast %parallel_loop3A_496 : vector<1x16xi32> to vector<16xi32>
        %parallel_loop3A_498 = arith.constant 16 : i32
        %parallel_loop3A_499 = vector.broadcast %parallel_loop3A_498 : i32 to vector<16xi32>
        %parallel_loop3A_500 = arith.shli %parallel_loop3A_497, %parallel_loop3A_499 : vector<16xi32>
        %parallel_loop3A_501 = tpu.bitcast %parallel_loop3A_500 : vector<16xi32> -> vector<16xf32>
        %parallel_loop3A_502 = vector.broadcast %parallel_loop3A_284 : i32 to vector<16xi32>
        %parallel_loop3A_503 = arith.andi %parallel_loop3A_497, %parallel_loop3A_502 : vector<16xi32>
        %parallel_loop3A_504 = tpu.bitcast %parallel_loop3A_503 : vector<16xi32> -> vector<16xf32>
        %parallel_loop3A_505 = arith.index_cast %parallel_loop3A_411 : i32 to index
        %parallel_loop3A_506 = arith.constant 80 : index
        %parallel_loop3A_507 = tpu.vector_load %arg20[%parallel_loop3A_505, %parallel_loop3A_506] {strides = array<i32>} : memref<40x128xi32, #tpu.memory_space<vmem>>, vector<1x16xi32>,
        %parallel_loop3A_508 = vector.shape_cast %parallel_loop3A_507 : vector<1x16xi32> to vector<16xi32>
        %parallel_loop3A_509 = arith.constant 16 : i32
        %parallel_loop3A_510 = vector.broadcast %parallel_loop3A_509 : i32 to vector<16xi32>
        %parallel_loop3A_511 = arith.shli %parallel_loop3A_508, %parallel_loop3A_510 : vector<16xi32>
        %parallel_loop3A_512 = tpu.bitcast %parallel_loop3A_511 : vector<16xi32> -> vector<16xf32>
        %parallel_loop3A_513 = vector.broadcast %parallel_loop3A_284 : i32 to vector<16xi32>
        %parallel_loop3A_514 = arith.andi %parallel_loop3A_508, %parallel_loop3A_513 : vector<16xi32>
        %parallel_loop3A_515 = tpu.bitcast %parallel_loop3A_514 : vector<16xi32> -> vector<16xf32>
        %parallel_loop3A_516 = arith.index_cast %parallel_loop3A_411 : i32 to index
        %parallel_loop3A_517 = arith.constant 32 : index
        %parallel_loop3A_518 = tpu.vector_load %arg18[%parallel_loop3A_516, %parallel_loop3A_517] {strides = array<i32>} : memref<40x128xf32, #tpu.memory_space<vmem>>, vector<1x16xf32>,
        %parallel_loop3A_519 = vector.shape_cast %parallel_loop3A_518 : vector<1x16xf32> to vector<16xf32>
        %parallel_loop3A_520 = arith.addf %parallel_loop3A_519, %parallel_loop3A_490 : vector<16xf32>
        %parallel_loop3A_521 = arith.addf %parallel_loop3A_520, %parallel_loop3A_501 : vector<16xf32>
        %parallel_loop3A_522 = arith.index_cast %parallel_loop3A_411 : i32 to index
        %parallel_loop3A_523 = arith.constant 48 : index
        %parallel_loop3A_524 = tpu.vector_load %arg18[%parallel_loop3A_522, %parallel_loop3A_523] {strides = array<i32>} : memref<40x128xf32, #tpu.memory_space<vmem>>, vector<1x16xf32>,
        %parallel_loop3A_525 = vector.shape_cast %parallel_loop3A_524 : vector<1x16xf32> to vector<16xf32>
        %parallel_loop3A_526 = arith.addf %parallel_loop3A_525, %parallel_loop3A_493 : vector<16xf32>
        %parallel_loop3A_527 = arith.addf %parallel_loop3A_526, %parallel_loop3A_504 : vector<16xf32>
        %parallel_loop3A_528 = arith.constant 0.000000e+00 : f32
        %parallel_loop3A_529 = vector.broadcast %parallel_loop3A_528 : f32 to vector<16xf32>
        %parallel_loop3A_530 = arith.subf %parallel_loop3A_529, %parallel_loop3A_521 : vector<16xf32>
        %parallel_loop3A_531 = math.exp %parallel_loop3A_530 : vector<16xf32>
        %parallel_loop3A_532 = arith.constant 1.000000e+00 : f32
        %parallel_loop3A_533 = vector.broadcast %parallel_loop3A_532 : f32 to vector<16xf32>
        %parallel_loop3A_534 = arith.addf %parallel_loop3A_533, %parallel_loop3A_531 : vector<16xf32>
        %parallel_loop3A_535 = arith.divf %parallel_loop3A_512, %parallel_loop3A_534 : vector<16xf32>
        %parallel_loop3A_536 = arith.index_cast %parallel_loop3A_411 : i32 to index
        %parallel_loop3A_537 = arith.constant 32 : index
        %parallel_loop3A_538 = tpu.vector_load %arg25[%parallel_loop3A_536, %parallel_loop3A_537] {strides = array<i32>} : memref<40x128xf32, #tpu.memory_space<vmem>>, vector<1x16xf32>,
        %parallel_loop3A_539 = vector.shape_cast %parallel_loop3A_538 : vector<1x16xf32> to vector<16xf32>
        %parallel_loop3A_540 = vector.shape_cast %parallel_loop3A_535 : vector<16xf32> to vector<1x16xf32>
        tpu.vector_store %arg25[%parallel_loop3A_536, %parallel_loop3A_537], %parallel_loop3A_540 {strides = array<i32>} : memref<40x128xf32, #tpu.memory_space<vmem>>, vector<1x16xf32>,
        %parallel_loop3A_541 = arith.constant 0.000000e+00 : f32
        %parallel_loop3A_542 = vector.broadcast %parallel_loop3A_541 : f32 to vector<16xf32>
        %parallel_loop3A_543 = arith.subf %parallel_loop3A_542, %parallel_loop3A_527 : vector<16xf32>
        %parallel_loop3A_544 = math.exp %parallel_loop3A_543 : vector<16xf32>
        %parallel_loop3A_545 = arith.constant 1.000000e+00 : f32
        %parallel_loop3A_546 = vector.broadcast %parallel_loop3A_545 : f32 to vector<16xf32>
        %parallel_loop3A_547 = arith.addf %parallel_loop3A_546, %parallel_loop3A_544 : vector<16xf32>
        %parallel_loop3A_548 = arith.divf %parallel_loop3A_515, %parallel_loop3A_547 : vector<16xf32>
        %parallel_loop3A_549 = arith.index_cast %parallel_loop3A_411 : i32 to index
        %parallel_loop3A_550 = arith.constant 48 : index
        %parallel_loop3A_551 = tpu.vector_load %arg25[%parallel_loop3A_549, %parallel_loop3A_550] {strides = array<i32>} : memref<40x128xf32, #tpu.memory_space<vmem>>, vector<1x16xf32>,
        %parallel_loop3A_552 = vector.shape_cast %parallel_loop3A_551 : vector<1x16xf32> to vector<16xf32>
        %parallel_loop3A_553 = vector.shape_cast %parallel_loop3A_548 : vector<16xf32> to vector<1x16xf32>
        tpu.vector_store %arg25[%parallel_loop3A_549, %parallel_loop3A_550], %parallel_loop3A_553 {strides = array<i32>} : memref<40x128xf32, #tpu.memory_space<vmem>>, vector<1x16xf32>,
        %parallel_loop3A_554 = arith.index_cast %parallel_loop3A_411 : i32 to index
        %parallel_loop3A_555 = arith.constant 32 : index
        %parallel_loop3A_556 = tpu.vector_load %arg22[%parallel_loop3A_554, %parallel_loop3A_555] {strides = array<i32>} : memref<40x64xi32, #tpu.memory_space<vmem>>, vector<1x16xi32>,
        %parallel_loop3A_557 = vector.shape_cast %parallel_loop3A_556 : vector<1x16xi32> to vector<16xi32>
        %parallel_loop3A_558 = arith.constant 16 : i32
        %parallel_loop3A_559 = vector.broadcast %parallel_loop3A_558 : i32 to vector<16xi32>
        %parallel_loop3A_560 = arith.shli %parallel_loop3A_557, %parallel_loop3A_559 : vector<16xi32>
        %parallel_loop3A_561 = tpu.bitcast %parallel_loop3A_560 : vector<16xi32> -> vector<16xf32>
        %parallel_loop3A_562 = vector.broadcast %parallel_loop3A_284 : i32 to vector<16xi32>
        %parallel_loop3A_563 = arith.andi %parallel_loop3A_557, %parallel_loop3A_562 : vector<16xi32>
        %parallel_loop3A_564 = tpu.bitcast %parallel_loop3A_563 : vector<16xi32> -> vector<16xf32>
        %parallel_loop3A_565 = arith.index_cast %parallel_loop3A_411 : i32 to index
        %parallel_loop3A_566 = arith.constant 32 : index
        %parallel_loop3A_567 = tpu.vector_load %arg20[%parallel_loop3A_565, %parallel_loop3A_566] {strides = array<i32>} : memref<40x128xi32, #tpu.memory_space<vmem>>, vector<1x16xi32>,
        %parallel_loop3A_568 = vector.shape_cast %parallel_loop3A_567 : vector<1x16xi32> to vector<16xi32>
        %parallel_loop3A_569 = arith.constant 16 : i32
        %parallel_loop3A_570 = vector.broadcast %parallel_loop3A_569 : i32 to vector<16xi32>
        %parallel_loop3A_571 = arith.shli %parallel_loop3A_568, %parallel_loop3A_570 : vector<16xi32>
        %parallel_loop3A_572 = tpu.bitcast %parallel_loop3A_571 : vector<16xi32> -> vector<16xf32>
        %parallel_loop3A_573 = vector.broadcast %parallel_loop3A_284 : i32 to vector<16xi32>
        %parallel_loop3A_574 = arith.andi %parallel_loop3A_568, %parallel_loop3A_573 : vector<16xi32>
        %parallel_loop3A_575 = tpu.bitcast %parallel_loop3A_574 : vector<16xi32> -> vector<16xf32>
        %parallel_loop3A_576 = arith.index_cast %parallel_loop3A_411 : i32 to index
        %parallel_loop3A_577 = arith.constant 96 : index
        %parallel_loop3A_578 = tpu.vector_load %arg20[%parallel_loop3A_576, %parallel_loop3A_577] {strides = array<i32>} : memref<40x128xi32, #tpu.memory_space<vmem>>, vector<1x16xi32>,
        %parallel_loop3A_579 = vector.shape_cast %parallel_loop3A_578 : vector<1x16xi32> to vector<16xi32>
        %parallel_loop3A_580 = arith.constant 16 : i32
        %parallel_loop3A_581 = vector.broadcast %parallel_loop3A_580 : i32 to vector<16xi32>
        %parallel_loop3A_582 = arith.shli %parallel_loop3A_579, %parallel_loop3A_581 : vector<16xi32>
        %parallel_loop3A_583 = tpu.bitcast %parallel_loop3A_582 : vector<16xi32> -> vector<16xf32>
        %parallel_loop3A_584 = vector.broadcast %parallel_loop3A_284 : i32 to vector<16xi32>
        %parallel_loop3A_585 = arith.andi %parallel_loop3A_579, %parallel_loop3A_584 : vector<16xi32>
        %parallel_loop3A_586 = tpu.bitcast %parallel_loop3A_585 : vector<16xi32> -> vector<16xf32>
        %parallel_loop3A_587 = arith.index_cast %parallel_loop3A_411 : i32 to index
        %parallel_loop3A_588 = arith.constant 64 : index
        %parallel_loop3A_589 = tpu.vector_load %arg18[%parallel_loop3A_587, %parallel_loop3A_588] {strides = array<i32>} : memref<40x128xf32, #tpu.memory_space<vmem>>, vector<1x16xf32>,
        %parallel_loop3A_590 = vector.shape_cast %parallel_loop3A_589 : vector<1x16xf32> to vector<16xf32>
        %parallel_loop3A_591 = arith.addf %parallel_loop3A_590, %parallel_loop3A_561 : vector<16xf32>
        %parallel_loop3A_592 = arith.addf %parallel_loop3A_591, %parallel_loop3A_572 : vector<16xf32>
        %parallel_loop3A_593 = arith.index_cast %parallel_loop3A_411 : i32 to index
        %parallel_loop3A_594 = arith.constant 80 : index
        %parallel_loop3A_595 = tpu.vector_load %arg18[%parallel_loop3A_593, %parallel_loop3A_594] {strides = array<i32>} : memref<40x128xf32, #tpu.memory_space<vmem>>, vector<1x16xf32>,
        %parallel_loop3A_596 = vector.shape_cast %parallel_loop3A_595 : vector<1x16xf32> to vector<16xf32>
        %parallel_loop3A_597 = arith.addf %parallel_loop3A_596, %parallel_loop3A_564 : vector<16xf32>
        %parallel_loop3A_598 = arith.addf %parallel_loop3A_597, %parallel_loop3A_575 : vector<16xf32>
        %parallel_loop3A_599 = arith.constant 0.000000e+00 : f32
        %parallel_loop3A_600 = vector.broadcast %parallel_loop3A_599 : f32 to vector<16xf32>
        %parallel_loop3A_601 = arith.subf %parallel_loop3A_600, %parallel_loop3A_592 : vector<16xf32>
        %parallel_loop3A_602 = math.exp %parallel_loop3A_601 : vector<16xf32>
        %parallel_loop3A_603 = arith.constant 1.000000e+00 : f32
        %parallel_loop3A_604 = vector.broadcast %parallel_loop3A_603 : f32 to vector<16xf32>
        %parallel_loop3A_605 = arith.addf %parallel_loop3A_604, %parallel_loop3A_602 : vector<16xf32>
        %parallel_loop3A_606 = arith.divf %parallel_loop3A_583, %parallel_loop3A_605 : vector<16xf32>
        %parallel_loop3A_607 = arith.index_cast %parallel_loop3A_411 : i32 to index
        %parallel_loop3A_608 = arith.constant 64 : index
        %parallel_loop3A_609 = tpu.vector_load %arg25[%parallel_loop3A_607, %parallel_loop3A_608] {strides = array<i32>} : memref<40x128xf32, #tpu.memory_space<vmem>>, vector<1x16xf32>,
        %parallel_loop3A_610 = vector.shape_cast %parallel_loop3A_609 : vector<1x16xf32> to vector<16xf32>
        %parallel_loop3A_611 = vector.shape_cast %parallel_loop3A_606 : vector<16xf32> to vector<1x16xf32>
        tpu.vector_store %arg25[%parallel_loop3A_607, %parallel_loop3A_608], %parallel_loop3A_611 {strides = array<i32>} : memref<40x128xf32, #tpu.memory_space<vmem>>, vector<1x16xf32>,
        %parallel_loop3A_612 = arith.constant 0.000000e+00 : f32
        %parallel_loop3A_613 = vector.broadcast %parallel_loop3A_612 : f32 to vector<16xf32>
        %parallel_loop3A_614 = arith.subf %parallel_loop3A_613, %parallel_loop3A_598 : vector<16xf32>
        %parallel_loop3A_615 = math.exp %parallel_loop3A_614 : vector<16xf32>
        %parallel_loop3A_616 = arith.constant 1.000000e+00 : f32
        %parallel_loop3A_617 = vector.broadcast %parallel_loop3A_616 : f32 to vector<16xf32>
        %parallel_loop3A_618 = arith.addf %parallel_loop3A_617, %parallel_loop3A_615 : vector<16xf32>
        %parallel_loop3A_619 = arith.divf %parallel_loop3A_586, %parallel_loop3A_618 : vector<16xf32>
        %parallel_loop3A_620 = arith.index_cast %parallel_loop3A_411 : i32 to index
        %parallel_loop3A_621 = arith.constant 80 : index
        %parallel_loop3A_622 = tpu.vector_load %arg25[%parallel_loop3A_620, %parallel_loop3A_621] {strides = array<i32>} : memref<40x128xf32, #tpu.memory_space<vmem>>, vector<1x16xf32>,
        %parallel_loop3A_623 = vector.shape_cast %parallel_loop3A_622 : vector<1x16xf32> to vector<16xf32>
        %parallel_loop3A_624 = vector.shape_cast %parallel_loop3A_619 : vector<16xf32> to vector<1x16xf32>
        tpu.vector_store %arg25[%parallel_loop3A_620, %parallel_loop3A_621], %parallel_loop3A_624 {strides = array<i32>} : memref<40x128xf32, #tpu.memory_space<vmem>>, vector<1x16xf32>,
        %parallel_loop3A_625 = arith.index_cast %parallel_loop3A_411 : i32 to index
        %parallel_loop3A_626 = arith.constant 48 : index
        %parallel_loop3A_627 = tpu.vector_load %arg22[%parallel_loop3A_625, %parallel_loop3A_626] {strides = array<i32>} : memref<40x64xi32, #tpu.memory_space<vmem>>, vector<1x16xi32>,
        %parallel_loop3A_628 = vector.shape_cast %parallel_loop3A_627 : vector<1x16xi32> to vector<16xi32>
        %parallel_loop3A_629 = arith.constant 16 : i32
        %parallel_loop3A_630 = vector.broadcast %parallel_loop3A_629 : i32 to vector<16xi32>
        %parallel_loop3A_631 = arith.shli %parallel_loop3A_628, %parallel_loop3A_630 : vector<16xi32>
        %parallel_loop3A_632 = tpu.bitcast %parallel_loop3A_631 : vector<16xi32> -> vector<16xf32>
        %parallel_loop3A_633 = vector.broadcast %parallel_loop3A_284 : i32 to vector<16xi32>
        %parallel_loop3A_634 = arith.andi %parallel_loop3A_628, %parallel_loop3A_633 : vector<16xi32>
        %parallel_loop3A_635 = tpu.bitcast %parallel_loop3A_634 : vector<16xi32> -> vector<16xf32>
        %parallel_loop3A_636 = arith.index_cast %parallel_loop3A_411 : i32 to index
        %parallel_loop3A_637 = arith.constant 48 : index
        %parallel_loop3A_638 = tpu.vector_load %arg20[%parallel_loop3A_636, %parallel_loop3A_637] {strides = array<i32>} : memref<40x128xi32, #tpu.memory_space<vmem>>, vector<1x16xi32>,
        %parallel_loop3A_639 = vector.shape_cast %parallel_loop3A_638 : vector<1x16xi32> to vector<16xi32>
        %parallel_loop3A_640 = arith.constant 16 : i32
        %parallel_loop3A_641 = vector.broadcast %parallel_loop3A_640 : i32 to vector<16xi32>
        %parallel_loop3A_642 = arith.shli %parallel_loop3A_639, %parallel_loop3A_641 : vector<16xi32>
        %parallel_loop3A_643 = tpu.bitcast %parallel_loop3A_642 : vector<16xi32> -> vector<16xf32>
        %parallel_loop3A_644 = vector.broadcast %parallel_loop3A_284 : i32 to vector<16xi32>
        %parallel_loop3A_645 = arith.andi %parallel_loop3A_639, %parallel_loop3A_644 : vector<16xi32>
        %parallel_loop3A_646 = tpu.bitcast %parallel_loop3A_645 : vector<16xi32> -> vector<16xf32>
        %parallel_loop3A_647 = arith.index_cast %parallel_loop3A_411 : i32 to index
        %parallel_loop3A_648 = arith.constant 112 : index
        %parallel_loop3A_649 = tpu.vector_load %arg20[%parallel_loop3A_647, %parallel_loop3A_648] {strides = array<i32>} : memref<40x128xi32, #tpu.memory_space<vmem>>, vector<1x16xi32>,
        %parallel_loop3A_650 = vector.shape_cast %parallel_loop3A_649 : vector<1x16xi32> to vector<16xi32>
        %parallel_loop3A_651 = arith.constant 16 : i32
        %parallel_loop3A_652 = vector.broadcast %parallel_loop3A_651 : i32 to vector<16xi32>
        %parallel_loop3A_653 = arith.shli %parallel_loop3A_650, %parallel_loop3A_652 : vector<16xi32>
        %parallel_loop3A_654 = tpu.bitcast %parallel_loop3A_653 : vector<16xi32> -> vector<16xf32>
        %parallel_loop3A_655 = vector.broadcast %parallel_loop3A_284 : i32 to vector<16xi32>
        %parallel_loop3A_656 = arith.andi %parallel_loop3A_650, %parallel_loop3A_655 : vector<16xi32>
        %parallel_loop3A_657 = tpu.bitcast %parallel_loop3A_656 : vector<16xi32> -> vector<16xf32>
        %parallel_loop3A_658 = arith.index_cast %parallel_loop3A_411 : i32 to index
        %parallel_loop3A_659 = arith.constant 96 : index
        %parallel_loop3A_660 = tpu.vector_load %arg18[%parallel_loop3A_658, %parallel_loop3A_659] {strides = array<i32>} : memref<40x128xf32, #tpu.memory_space<vmem>>, vector<1x16xf32>,
        %parallel_loop3A_661 = vector.shape_cast %parallel_loop3A_660 : vector<1x16xf32> to vector<16xf32>
        %parallel_loop3A_662 = arith.addf %parallel_loop3A_661, %parallel_loop3A_632 : vector<16xf32>
        %parallel_loop3A_663 = arith.addf %parallel_loop3A_662, %parallel_loop3A_643 : vector<16xf32>
        %parallel_loop3A_664 = arith.index_cast %parallel_loop3A_411 : i32 to index
        %parallel_loop3A_665 = arith.constant 112 : index
        %parallel_loop3A_666 = tpu.vector_load %arg18[%parallel_loop3A_664, %parallel_loop3A_665] {strides = array<i32>} : memref<40x128xf32, #tpu.memory_space<vmem>>, vector<1x16xf32>,
        %parallel_loop3A_667 = vector.shape_cast %parallel_loop3A_666 : vector<1x16xf32> to vector<16xf32>
        %parallel_loop3A_668 = arith.addf %parallel_loop3A_667, %parallel_loop3A_635 : vector<16xf32>
        %parallel_loop3A_669 = arith.addf %parallel_loop3A_668, %parallel_loop3A_646 : vector<16xf32>
        %parallel_loop3A_670 = arith.constant 0.000000e+00 : f32
        %parallel_loop3A_671 = vector.broadcast %parallel_loop3A_670 : f32 to vector<16xf32>
        %parallel_loop3A_672 = arith.subf %parallel_loop3A_671, %parallel_loop3A_663 : vector<16xf32>
        %parallel_loop3A_673 = math.exp %parallel_loop3A_672 : vector<16xf32>
        %parallel_loop3A_674 = arith.constant 1.000000e+00 : f32
        %parallel_loop3A_675 = vector.broadcast %parallel_loop3A_674 : f32 to vector<16xf32>
        %parallel_loop3A_676 = arith.addf %parallel_loop3A_675, %parallel_loop3A_673 : vector<16xf32>
        %parallel_loop3A_677 = arith.divf %parallel_loop3A_654, %parallel_loop3A_676 : vector<16xf32>
        %parallel_loop3A_678 = arith.index_cast %parallel_loop3A_411 : i32 to index
        %parallel_loop3A_679 = arith.constant 96 : index
        %parallel_loop3A_680 = tpu.vector_load %arg25[%parallel_loop3A_678, %parallel_loop3A_679] {strides = array<i32>} : memref<40x128xf32, #tpu.memory_space<vmem>>, vector<1x16xf32>,
        %parallel_loop3A_681 = vector.shape_cast %parallel_loop3A_680 : vector<1x16xf32> to vector<16xf32>
        %parallel_loop3A_682 = vector.shape_cast %parallel_loop3A_677 : vector<16xf32> to vector<1x16xf32>
        tpu.vector_store %arg25[%parallel_loop3A_678, %parallel_loop3A_679], %parallel_loop3A_682 {strides = array<i32>} : memref<40x128xf32, #tpu.memory_space<vmem>>, vector<1x16xf32>,
        %parallel_loop3A_683 = arith.constant 0.000000e+00 : f32
        %parallel_loop3A_684 = vector.broadcast %parallel_loop3A_683 : f32 to vector<16xf32>
        %parallel_loop3A_685 = arith.subf %parallel_loop3A_684, %parallel_loop3A_669 : vector<16xf32>
        %parallel_loop3A_686 = math.exp %parallel_loop3A_685 : vector<16xf32>
        %parallel_loop3A_687 = arith.constant 1.000000e+00 : f32
        %parallel_loop3A_688 = vector.broadcast %parallel_loop3A_687 : f32 to vector<16xf32>
        %parallel_loop3A_689 = arith.addf %parallel_loop3A_688, %parallel_loop3A_686 : vector<16xf32>
        %parallel_loop3A_690 = arith.divf %parallel_loop3A_657, %parallel_loop3A_689 : vector<16xf32>
        %parallel_loop3A_691 = arith.index_cast %parallel_loop3A_411 : i32 to index
        %parallel_loop3A_692 = arith.constant 112 : index
        %parallel_loop3A_693 = tpu.vector_load %arg25[%parallel_loop3A_691, %parallel_loop3A_692] {strides = array<i32>} : memref<40x128xf32, #tpu.memory_space<vmem>>, vector<1x16xf32>,
        %parallel_loop3A_694 = vector.shape_cast %parallel_loop3A_693 : vector<1x16xf32> to vector<16xf32>
        %parallel_loop3A_695 = vector.shape_cast %parallel_loop3A_690 : vector<16xf32> to vector<1x16xf32>
        tpu.vector_store %arg25[%parallel_loop3A_691, %parallel_loop3A_692], %parallel_loop3A_695 {strides = array<i32>} : memref<40x128xf32, #tpu.memory_space<vmem>>, vector<1x16xf32>,
      } {sc.loop_unroll_factor = 1 : i64, sc.parallel_access}
      %dma_start3A_285 = arith.constant 0 : i32
      %dma_start3A_286 = arith.constant 0 : i32
      %dma_start3A_287 = tpu.memref_slice %arg26[%dma_start3A_285, %dma_start3A_286] : memref<10240x128xf32, #tpu.memory_space<vmem_shared>> -> memref<10240x128xf32, #tpu.memory_space<vmem_shared>>
      tpu.enqueue_indirect_dma source(%arg25 : memref<40x128xf32, #tpu.memory_space<vmem>>) target(%dma_start3A_287 : memref<10240x128xf32, #tpu.memory_space<vmem_shared>>) offsets(%arg14 : memref<40xi32, #tpu.memory_space<vmem>>) semaphore(%arg33 : memref<!tpu.dma_semaphore, #tpu.memory_space<semaphore_mem>>) {add = true}
      %add3A_288 = arith.constant 2 : i32
      %add3A_289 = arith.addi %mul3A_167, %add3A_288 : i32
      %dma_wait3A_290 = arith.constant 0 : i32
      %dma_wait3A_291 = arith.constant 0 : i32
      %dma_wait3A_292 = tpu.memref_slice %arg4[%dma_wait3A_290, %dma_wait3A_291] : memref<320000x64xi32, #tpu.memory_space<hbm>> -> memref<40x64xi32, #tpu.memory_space<hbm>>
      %dma_wait3A_293 = arith.constant 0 : i32
      %dma_wait3A_294 = arith.constant 0 : i32
      %dma_wait3A_295 = tpu.memref_slice %arg4[%dma_wait3A_293, %dma_wait3A_294] : memref<320000x64xi32, #tpu.memory_space<hbm>> -> memref<40x64xi32, #tpu.memory_space<hbm>>
      tpu.wait_dma2 semaphore(%arg32 : memref<!tpu.dma_semaphore, #tpu.memory_space<semaphore_mem>>) src(%dma_wait3A_295 : memref<40x64xi32, #tpu.memory_space<hbm>>) dst(%arg24 : memref<40x64xi32, #tpu.memory_space<vmem>>)
      %dma_wait3A_296 = arith.constant 0 : i32
      %dma_wait3A_297 = tpu.memref_slice %arg5[%dma_wait3A_296] : memref<320000xi32, #tpu.memory_space<hbm>> -> memref<40xi32, #tpu.memory_space<hbm>>
      %dma_wait3A_298 = arith.constant 0 : i32
      %dma_wait3A_299 = tpu.memref_slice %arg5[%dma_wait3A_298] : memref<320000xi32, #tpu.memory_space<hbm>> -> memref<40xi32, #tpu.memory_space<hbm>>
      tpu.wait_dma2 semaphore(%arg32 : memref<!tpu.dma_semaphore, #tpu.memory_space<semaphore_mem>>) src(%dma_wait3A_299 : memref<40xi32, #tpu.memory_space<hbm>>) dst(%arg12 : memref<40xi32, #tpu.memory_space<vmem>>)
      %dma_wait3A_300 = arith.constant 0 : i32
      %dma_wait3A_301 = tpu.memref_slice %arg6[%dma_wait3A_300] : memref<320000xi32, #tpu.memory_space<hbm>> -> memref<40xi32, #tpu.memory_space<hbm>>
      %dma_wait3A_302 = arith.constant 0 : i32
      %dma_wait3A_303 = tpu.memref_slice %arg6[%dma_wait3A_302] : memref<320000xi32, #tpu.memory_space<hbm>> -> memref<40xi32, #tpu.memory_space<hbm>>
      tpu.wait_dma2 semaphore(%arg32 : memref<!tpu.dma_semaphore, #tpu.memory_space<semaphore_mem>>) src(%dma_wait3A_303 : memref<40xi32, #tpu.memory_space<hbm>>) dst(%arg16 : memref<40xi32, #tpu.memory_space<vmem>>)
      %dma_start3A_304 = arith.constant 0 : i32
      %dma_start3A_305 = arith.constant 0 : i32
      %dma_start3A_306 = tpu.memref_slice %arg2[%dma_start3A_304, %dma_start3A_305] : memref<10000x128xf32, #tpu.memory_space<hbm>> -> memref<10000x128xf32, #tpu.memory_space<hbm>>
      tpu.enqueue_indirect_dma source(%dma_start3A_306 : memref<10000x128xf32, #tpu.memory_space<hbm>>) target(%arg18 : memref<40x128xf32, #tpu.memory_space<vmem>>) offsets(%arg16 : memref<40xi32, #tpu.memory_space<vmem>>) semaphore(%arg28 : memref<!tpu.dma_semaphore, #tpu.memory_space<semaphore_mem>>)
      %dma_start3A_307 = arith.constant 0 : i32
      %dma_start3A_308 = arith.constant 0 : i32
      %dma_start3A_309 = tpu.memref_slice %arg3[%dma_start3A_307, %dma_start3A_308] : memref<10000x128xi32, #tpu.memory_space<hbm>> -> memref<10000x128xi32, #tpu.memory_space<hbm>>
      tpu.enqueue_indirect_dma source(%dma_start3A_309 : memref<10000x128xi32, #tpu.memory_space<hbm>>) target(%arg20 : memref<40x128xi32, #tpu.memory_space<vmem>>) offsets(%arg12 : memref<40xi32, #tpu.memory_space<vmem>>) semaphore(%arg28 : memref<!tpu.dma_semaphore, #tpu.memory_space<semaphore_mem>>)
      %add3A_310 = arith.constant 2 : i32
      %add3A_311 = arith.addi %add3A_289, %add3A_310 : i32
      %mul3A_312 = arith.constant 40 : i32
      %mul3A_313 = arith.muli %add3A_311, %mul3A_312 : i32
      %add3A_314 = arith.addi %mul3A_2, %mul3A_313 : i32
      %multiple_of3A_315 = tpu.assume_multiple %add3A_314, 8 : i32
      %dma_start3A_316 = arith.constant 0 : i32
      %dma_start3A_317 = tpu.memref_slice %arg4[%multiple_of3A_315, %dma_start3A_316] : memref<320000x64xi32, #tpu.memory_space<hbm>> -> memref<40x64xi32, #tpu.memory_space<hbm>>
      %dma_start3A_318 = arith.constant 0 : i32
      %dma_start3A_319 = tpu.memref_slice %arg4[%multiple_of3A_315, %dma_start3A_318] : memref<320000x64xi32, #tpu.memory_space<hbm>> -> memref<40x64xi32, #tpu.memory_space<hbm>>
      tpu.enqueue_dma source(%dma_start3A_319 : memref<40x64xi32, #tpu.memory_space<hbm>>) target(%arg21 : memref<40x64xi32, #tpu.memory_space<vmem>>) target_semaphore(%arg29 : memref<!tpu.dma_semaphore, #tpu.memory_space<semaphore_mem>>)
      %dma_start3A_320 = tpu.memref_slice %arg5[%multiple_of3A_315] : memref<320000xi32, #tpu.memory_space<hbm>> -> memref<40xi32, #tpu.memory_space<hbm>>
      %dma_start3A_321 = tpu.memref_slice %arg5[%multiple_of3A_315] : memref<320000xi32, #tpu.memory_space<hbm>> -> memref<40xi32, #tpu.memory_space<hbm>>
      tpu.enqueue_dma source(%dma_start3A_321 : memref<40xi32, #tpu.memory_space<hbm>>) target(%arg9 : memref<40xi32, #tpu.memory_space<vmem>>) target_semaphore(%arg29 : memref<!tpu.dma_semaphore, #tpu.memory_space<semaphore_mem>>)
      %dma_start3A_322 = tpu.memref_slice %arg6[%multiple_of3A_315] : memref<320000xi32, #tpu.memory_space<hbm>> -> memref<40xi32, #tpu.memory_space<hbm>>
      %dma_start3A_323 = tpu.memref_slice %arg6[%multiple_of3A_315] : memref<320000xi32, #tpu.memory_space<hbm>> -> memref<40xi32, #tpu.memory_space<hbm>>
      tpu.enqueue_dma source(%dma_start3A_323 : memref<40xi32, #tpu.memory_space<hbm>>) target(%arg13 : memref<40xi32, #tpu.memory_space<vmem>>) target_semaphore(%arg29 : memref<!tpu.dma_semaphore, #tpu.memory_space<semaphore_mem>>)
      %dma_wait3A_324 = arith.constant 0 : i32
      %dma_wait3A_325 = arith.constant 0 : i32
      %dma_wait3A_326 = tpu.memref_slice %arg2[%dma_wait3A_324, %dma_wait3A_325] : memref<10000x128xf32, #tpu.memory_space<hbm>> -> memref<40x128xf32, #tpu.memory_space<hbm>>
      %dma_wait3A_327 = arith.constant 0 : i32
      %dma_wait3A_328 = arith.constant 0 : i32
      %dma_wait3A_329 = tpu.memref_slice %arg2[%dma_wait3A_327, %dma_wait3A_328] : memref<10000x128xf32, #tpu.memory_space<hbm>> -> memref<40x128xf32, #tpu.memory_space<hbm>>
      tpu.wait_dma2 semaphore(%arg27 : memref<!tpu.dma_semaphore, #tpu.memory_space<semaphore_mem>>) src(%dma_wait3A_329 : memref<40x128xf32, #tpu.memory_space<hbm>>) dst(%arg17 : memref<40x128xf32, #tpu.memory_space<vmem>>)
      %dma_wait3A_330 = arith.constant 0 : i32
      %dma_wait3A_331 = arith.constant 0 : i32
      %dma_wait3A_332 = tpu.memref_slice %arg3[%dma_wait3A_330, %dma_wait3A_331] : memref<10000x128xi32, #tpu.memory_space<hbm>> -> memref<40x128xi32, #tpu.memory_space<hbm>>
      %dma_wait3A_333 = arith.constant 0 : i32
      %dma_wait3A_334 = arith.constant 0 : i32
      %dma_wait3A_335 = tpu.memref_slice %arg3[%dma_wait3A_333, %dma_wait3A_334] : memref<10000x128xi32, #tpu.memory_space<hbm>> -> memref<40x128xi32, #tpu.memory_space<hbm>>
      tpu.wait_dma2 semaphore(%arg27 : memref<!tpu.dma_semaphore, #tpu.memory_space<semaphore_mem>>) src(%dma_wait3A_335 : memref<40x128xi32, #tpu.memory_space<hbm>>) dst(%arg19 : memref<40x128xi32, #tpu.memory_space<vmem>>)
      %dma_wait3A_336 = arith.constant 0 : i32
      %dma_wait3A_337 = arith.constant 0 : i32
      %dma_wait3A_338 = tpu.memref_slice %arg7[%dma_wait3A_336, %dma_wait3A_337] : memref<10240x128xf32, #tpu.memory_space<hbm>> -> memref<40x128xf32, #tpu.memory_space<hbm>>
      %dma_wait3A_339 = arith.constant 0 : i32
      %dma_wait3A_340 = arith.constant 0 : i32
      %dma_wait3A_341 = tpu.memref_slice %arg7[%dma_wait3A_339, %dma_wait3A_340] : memref<10240x128xf32, #tpu.memory_space<hbm>> -> memref<40x128xf32, #tpu.memory_space<hbm>>
      tpu.wait_dma2 semaphore(%arg33 : memref<!tpu.dma_semaphore, #tpu.memory_space<semaphore_mem>>) src(%dma_wait3A_341 : memref<40x128xf32, #tpu.memory_space<hbm>>) dst(%arg25 : memref<40x128xf32, #tpu.memory_space<vmem>>)
      %parallel_loop3A_342 = arith.constant 0 : i32
      %parallel_loop3A_343 = arith.constant 40 : i32
      %parallel_loop3A_344 = arith.constant 1 : i32
      %parallel_loop3A_345 = arith.constant -65536 : i32
      scf.for %parallel_loop3A_411 = %parallel_loop3A_342 to %parallel_loop3A_343 step %parallel_loop3A_344  : i32 {
        %parallel_loop3A_412 = arith.index_cast %parallel_loop3A_411 : i32 to index
        %parallel_loop3A_413 = arith.constant 0 : index
        %parallel_loop3A_414 = tpu.vector_load %arg23[%parallel_loop3A_412, %parallel_loop3A_413] {strides = array<i32>} : memref<40x64xi32, #tpu.memory_space<vmem>>, vector<1x16xi32>,
        %parallel_loop3A_415 = vector.shape_cast %parallel_loop3A_414 : vector<1x16xi32> to vector<16xi32>
        %parallel_loop3A_416 = arith.constant 16 : i32
        %parallel_loop3A_417 = vector.broadcast %parallel_loop3A_416 : i32 to vector<16xi32>
        %parallel_loop3A_418 = arith.shli %parallel_loop3A_415, %parallel_loop3A_417 : vector<16xi32>
        %parallel_loop3A_419 = tpu.bitcast %parallel_loop3A_418 : vector<16xi32> -> vector<16xf32>
        %parallel_loop3A_420 = vector.broadcast %parallel_loop3A_345 : i32 to vector<16xi32>
        %parallel_loop3A_421 = arith.andi %parallel_loop3A_415, %parallel_loop3A_420 : vector<16xi32>
        %parallel_loop3A_422 = tpu.bitcast %parallel_loop3A_421 : vector<16xi32> -> vector<16xf32>
        %parallel_loop3A_423 = arith.index_cast %parallel_loop3A_411 : i32 to index
        %parallel_loop3A_424 = arith.constant 0 : index
        %parallel_loop3A_425 = tpu.vector_load %arg19[%parallel_loop3A_423, %parallel_loop3A_424] {strides = array<i32>} : memref<40x128xi32, #tpu.memory_space<vmem>>, vector<1x16xi32>,
        %parallel_loop3A_426 = vector.shape_cast %parallel_loop3A_425 : vector<1x16xi32> to vector<16xi32>
        %parallel_loop3A_427 = arith.constant 16 : i32
        %parallel_loop3A_428 = vector.broadcast %parallel_loop3A_427 : i32 to vector<16xi32>
        %parallel_loop3A_429 = arith.shli %parallel_loop3A_426, %parallel_loop3A_428 : vector<16xi32>
        %parallel_loop3A_430 = tpu.bitcast %parallel_loop3A_429 : vector<16xi32> -> vector<16xf32>
        %parallel_loop3A_431 = vector.broadcast %parallel_loop3A_345 : i32 to vector<16xi32>
        %parallel_loop3A_432 = arith.andi %parallel_loop3A_426, %parallel_loop3A_431 : vector<16xi32>
        %parallel_loop3A_433 = tpu.bitcast %parallel_loop3A_432 : vector<16xi32> -> vector<16xf32>
        %parallel_loop3A_434 = arith.index_cast %parallel_loop3A_411 : i32 to index
        %parallel_loop3A_435 = arith.constant 64 : index
        %parallel_loop3A_436 = tpu.vector_load %arg19[%parallel_loop3A_434, %parallel_loop3A_435] {strides = array<i32>} : memref<40x128xi32, #tpu.memory_space<vmem>>, vector<1x16xi32>,
        %parallel_loop3A_437 = vector.shape_cast %parallel_loop3A_436 : vector<1x16xi32> to vector<16xi32>
        %parallel_loop3A_438 = arith.constant 16 : i32
        %parallel_loop3A_439 = vector.broadcast %parallel_loop3A_438 : i32 to vector<16xi32>
        %parallel_loop3A_440 = arith.shli %parallel_loop3A_437, %parallel_loop3A_439 : vector<16xi32>
        %parallel_loop3A_441 = tpu.bitcast %parallel_loop3A_440 : vector<16xi32> -> vector<16xf32>
        %parallel_loop3A_442 = vector.broadcast %parallel_loop3A_345 : i32 to vector<16xi32>
        %parallel_loop3A_443 = arith.andi %parallel_loop3A_437, %parallel_loop3A_442 : vector<16xi32>
        %parallel_loop3A_444 = tpu.bitcast %parallel_loop3A_443 : vector<16xi32> -> vector<16xf32>
        %parallel_loop3A_445 = arith.index_cast %parallel_loop3A_411 : i32 to index
        %parallel_loop3A_446 = arith.constant 0 : index
        %parallel_loop3A_447 = tpu.vector_load %arg17[%parallel_loop3A_445, %parallel_loop3A_446] {strides = array<i32>} : memref<40x128xf32, #tpu.memory_space<vmem>>, vector<1x16xf32>,
        %parallel_loop3A_448 = vector.shape_cast %parallel_loop3A_447 : vector<1x16xf32> to vector<16xf32>
        %parallel_loop3A_449 = arith.addf %parallel_loop3A_448, %parallel_loop3A_419 : vector<16xf32>
        %parallel_loop3A_450 = arith.addf %parallel_loop3A_449, %parallel_loop3A_430 : vector<16xf32>
        %parallel_loop3A_451 = arith.index_cast %parallel_loop3A_411 : i32 to index
        %parallel_loop3A_452 = arith.constant 16 : index
        %parallel_loop3A_453 = tpu.vector_load %arg17[%parallel_loop3A_451, %parallel_loop3A_452] {strides = array<i32>} : memref<40x128xf32, #tpu.memory_space<vmem>>, vector<1x16xf32>,
        %parallel_loop3A_454 = vector.shape_cast %parallel_loop3A_453 : vector<1x16xf32> to vector<16xf32>
        %parallel_loop3A_455 = arith.addf %parallel_loop3A_454, %parallel_loop3A_422 : vector<16xf32>
        %parallel_loop3A_456 = arith.addf %parallel_loop3A_455, %parallel_loop3A_433 : vector<16xf32>
        %parallel_loop3A_457 = arith.constant 0.000000e+00 : f32
        %parallel_loop3A_458 = vector.broadcast %parallel_loop3A_457 : f32 to vector<16xf32>
        %parallel_loop3A_459 = arith.subf %parallel_loop3A_458, %parallel_loop3A_450 : vector<16xf32>
        %parallel_loop3A_460 = math.exp %parallel_loop3A_459 : vector<16xf32>
        %parallel_loop3A_461 = arith.constant 1.000000e+00 : f32
        %parallel_loop3A_462 = vector.broadcast %parallel_loop3A_461 : f32 to vector<16xf32>
        %parallel_loop3A_463 = arith.addf %parallel_loop3A_462, %parallel_loop3A_460 : vector<16xf32>
        %parallel_loop3A_464 = arith.divf %parallel_loop3A_441, %parallel_loop3A_463 : vector<16xf32>
        %parallel_loop3A_465 = arith.index_cast %parallel_loop3A_411 : i32 to index
        %parallel_loop3A_466 = arith.constant 0 : index
        %parallel_loop3A_467 = tpu.vector_load %arg25[%parallel_loop3A_465, %parallel_loop3A_466] {strides = array<i32>} : memref<40x128xf32, #tpu.memory_space<vmem>>, vector<1x16xf32>,
        %parallel_loop3A_468 = vector.shape_cast %parallel_loop3A_467 : vector<1x16xf32> to vector<16xf32>
        %parallel_loop3A_469 = vector.shape_cast %parallel_loop3A_464 : vector<16xf32> to vector<1x16xf32>
        tpu.vector_store %arg25[%parallel_loop3A_465, %parallel_loop3A_466], %parallel_loop3A_469 {strides = array<i32>} : memref<40x128xf32, #tpu.memory_space<vmem>>, vector<1x16xf32>,
        %parallel_loop3A_470 = arith.constant 0.000000e+00 : f32
        %parallel_loop3A_471 = vector.broadcast %parallel_loop3A_470 : f32 to vector<16xf32>
        %parallel_loop3A_472 = arith.subf %parallel_loop3A_471, %parallel_loop3A_456 : vector<16xf32>
        %parallel_loop3A_473 = math.exp %parallel_loop3A_472 : vector<16xf32>
        %parallel_loop3A_474 = arith.constant 1.000000e+00 : f32
        %parallel_loop3A_475 = vector.broadcast %parallel_loop3A_474 : f32 to vector<16xf32>
        %parallel_loop3A_476 = arith.addf %parallel_loop3A_475, %parallel_loop3A_473 : vector<16xf32>
        %parallel_loop3A_477 = arith.divf %parallel_loop3A_444, %parallel_loop3A_476 : vector<16xf32>
        %parallel_loop3A_478 = arith.index_cast %parallel_loop3A_411 : i32 to index
        %parallel_loop3A_479 = arith.constant 16 : index
        %parallel_loop3A_480 = tpu.vector_load %arg25[%parallel_loop3A_478, %parallel_loop3A_479] {strides = array<i32>} : memref<40x128xf32, #tpu.memory_space<vmem>>, vector<1x16xf32>,
        %parallel_loop3A_481 = vector.shape_cast %parallel_loop3A_480 : vector<1x16xf32> to vector<16xf32>
        %parallel_loop3A_482 = vector.shape_cast %parallel_loop3A_477 : vector<16xf32> to vector<1x16xf32>
        tpu.vector_store %arg25[%parallel_loop3A_478, %parallel_loop3A_479], %parallel_loop3A_482 {strides = array<i32>} : memref<40x128xf32, #tpu.memory_space<vmem>>, vector<1x16xf32>,
        %parallel_loop3A_483 = arith.index_cast %parallel_loop3A_411 : i32 to index
        %parallel_loop3A_484 = arith.constant 16 : index
        %parallel_loop3A_485 = tpu.vector_load %arg23[%parallel_loop3A_483, %parallel_loop3A_484] {strides = array<i32>} : memref<40x64xi32, #tpu.memory_space<vmem>>, vector<1x16xi32>,
        %parallel_loop3A_486 = vector.shape_cast %parallel_loop3A_485 : vector<1x16xi32> to vector<16xi32>
        %parallel_loop3A_487 = arith.constant 16 : i32
        %parallel_loop3A_488 = vector.broadcast %parallel_loop3A_487 : i32 to vector<16xi32>
        %parallel_loop3A_489 = arith.shli %parallel_loop3A_486, %parallel_loop3A_488 : vector<16xi32>
        %parallel_loop3A_490 = tpu.bitcast %parallel_loop3A_489 : vector<16xi32> -> vector<16xf32>
        %parallel_loop3A_491 = vector.broadcast %parallel_loop3A_345 : i32 to vector<16xi32>
        %parallel_loop3A_492 = arith.andi %parallel_loop3A_486, %parallel_loop3A_491 : vector<16xi32>
        %parallel_loop3A_493 = tpu.bitcast %parallel_loop3A_492 : vector<16xi32> -> vector<16xf32>
        %parallel_loop3A_494 = arith.index_cast %parallel_loop3A_411 : i32 to index
        %parallel_loop3A_495 = arith.constant 16 : index
        %parallel_loop3A_496 = tpu.vector_load %arg19[%parallel_loop3A_494, %parallel_loop3A_495] {strides = array<i32>} : memref<40x128xi32, #tpu.memory_space<vmem>>, vector<1x16xi32>,
        %parallel_loop3A_497 = vector.shape_cast %parallel_loop3A_496 : vector<1x16xi32> to vector<16xi32>
        %parallel_loop3A_498 = arith.constant 16 : i32
        %parallel_loop3A_499 = vector.broadcast %parallel_loop3A_498 : i32 to vector<16xi32>
        %parallel_loop3A_500 = arith.shli %parallel_loop3A_497, %parallel_loop3A_499 : vector<16xi32>
        %parallel_loop3A_501 = tpu.bitcast %parallel_loop3A_500 : vector<16xi32> -> vector<16xf32>
        %parallel_loop3A_502 = vector.broadcast %parallel_loop3A_345 : i32 to vector<16xi32>
        %parallel_loop3A_503 = arith.andi %parallel_loop3A_497, %parallel_loop3A_502 : vector<16xi32>
        %parallel_loop3A_504 = tpu.bitcast %parallel_loop3A_503 : vector<16xi32> -> vector<16xf32>
        %parallel_loop3A_505 = arith.index_cast %parallel_loop3A_411 : i32 to index
        %parallel_loop3A_506 = arith.constant 80 : index
        %parallel_loop3A_507 = tpu.vector_load %arg19[%parallel_loop3A_505, %parallel_loop3A_506] {strides = array<i32>} : memref<40x128xi32, #tpu.memory_space<vmem>>, vector<1x16xi32>,
        %parallel_loop3A_508 = vector.shape_cast %parallel_loop3A_507 : vector<1x16xi32> to vector<16xi32>
        %parallel_loop3A_509 = arith.constant 16 : i32
        %parallel_loop3A_510 = vector.broadcast %parallel_loop3A_509 : i32 to vector<16xi32>
        %parallel_loop3A_511 = arith.shli %parallel_loop3A_508, %parallel_loop3A_510 : vector<16xi32>
        %parallel_loop3A_512 = tpu.bitcast %parallel_loop3A_511 : vector<16xi32> -> vector<16xf32>
        %parallel_loop3A_513 = vector.broadcast %parallel_loop3A_345 : i32 to vector<16xi32>
        %parallel_loop3A_514 = arith.andi %parallel_loop3A_508, %parallel_loop3A_513 : vector<16xi32>
        %parallel_loop3A_515 = tpu.bitcast %parallel_loop3A_514 : vector<16xi32> -> vector<16xf32>
        %parallel_loop3A_516 = arith.index_cast %parallel_loop3A_411 : i32 to index
        %parallel_loop3A_517 = arith.constant 32 : index
        %parallel_loop3A_518 = tpu.vector_load %arg17[%parallel_loop3A_516, %parallel_loop3A_517] {strides = array<i32>} : memref<40x128xf32, #tpu.memory_space<vmem>>, vector<1x16xf32>,
        %parallel_loop3A_519 = vector.shape_cast %parallel_loop3A_518 : vector<1x16xf32> to vector<16xf32>
        %parallel_loop3A_520 = arith.addf %parallel_loop3A_519, %parallel_loop3A_490 : vector<16xf32>
        %parallel_loop3A_521 = arith.addf %parallel_loop3A_520, %parallel_loop3A_501 : vector<16xf32>
        %parallel_loop3A_522 = arith.index_cast %parallel_loop3A_411 : i32 to index
        %parallel_loop3A_523 = arith.constant 48 : index
        %parallel_loop3A_524 = tpu.vector_load %arg17[%parallel_loop3A_522, %parallel_loop3A_523] {strides = array<i32>} : memref<40x128xf32, #tpu.memory_space<vmem>>, vector<1x16xf32>,
        %parallel_loop3A_525 = vector.shape_cast %parallel_loop3A_524 : vector<1x16xf32> to vector<16xf32>
        %parallel_loop3A_526 = arith.addf %parallel_loop3A_525, %parallel_loop3A_493 : vector<16xf32>
        %parallel_loop3A_527 = arith.addf %parallel_loop3A_526, %parallel_loop3A_504 : vector<16xf32>
        %parallel_loop3A_528 = arith.constant 0.000000e+00 : f32
        %parallel_loop3A_529 = vector.broadcast %parallel_loop3A_528 : f32 to vector<16xf32>
        %parallel_loop3A_530 = arith.subf %parallel_loop3A_529, %parallel_loop3A_521 : vector<16xf32>
        %parallel_loop3A_531 = math.exp %parallel_loop3A_530 : vector<16xf32>
        %parallel_loop3A_532 = arith.constant 1.000000e+00 : f32
        %parallel_loop3A_533 = vector.broadcast %parallel_loop3A_532 : f32 to vector<16xf32>
        %parallel_loop3A_534 = arith.addf %parallel_loop3A_533, %parallel_loop3A_531 : vector<16xf32>
        %parallel_loop3A_535 = arith.divf %parallel_loop3A_512, %parallel_loop3A_534 : vector<16xf32>
        %parallel_loop3A_536 = arith.index_cast %parallel_loop3A_411 : i32 to index
        %parallel_loop3A_537 = arith.constant 32 : index
        %parallel_loop3A_538 = tpu.vector_load %arg25[%parallel_loop3A_536, %parallel_loop3A_537] {strides = array<i32>} : memref<40x128xf32, #tpu.memory_space<vmem>>, vector<1x16xf32>,
        %parallel_loop3A_539 = vector.shape_cast %parallel_loop3A_538 : vector<1x16xf32> to vector<16xf32>
        %parallel_loop3A_540 = vector.shape_cast %parallel_loop3A_535 : vector<16xf32> to vector<1x16xf32>
        tpu.vector_store %arg25[%parallel_loop3A_536, %parallel_loop3A_537], %parallel_loop3A_540 {strides = array<i32>} : memref<40x128xf32, #tpu.memory_space<vmem>>, vector<1x16xf32>,
        %parallel_loop3A_541 = arith.constant 0.000000e+00 : f32
        %parallel_loop3A_542 = vector.broadcast %parallel_loop3A_541 : f32 to vector<16xf32>
        %parallel_loop3A_543 = arith.subf %parallel_loop3A_542, %parallel_loop3A_527 : vector<16xf32>
        %parallel_loop3A_544 = math.exp %parallel_loop3A_543 : vector<16xf32>
        %parallel_loop3A_545 = arith.constant 1.000000e+00 : f32
        %parallel_loop3A_546 = vector.broadcast %parallel_loop3A_545 : f32 to vector<16xf32>
        %parallel_loop3A_547 = arith.addf %parallel_loop3A_546, %parallel_loop3A_544 : vector<16xf32>
        %parallel_loop3A_548 = arith.divf %parallel_loop3A_515, %parallel_loop3A_547 : vector<16xf32>
        %parallel_loop3A_549 = arith.index_cast %parallel_loop3A_411 : i32 to index
        %parallel_loop3A_550 = arith.constant 48 : index
        %parallel_loop3A_551 = tpu.vector_load %arg25[%parallel_loop3A_549, %parallel_loop3A_550] {strides = array<i32>} : memref<40x128xf32, #tpu.memory_space<vmem>>, vector<1x16xf32>,
        %parallel_loop3A_552 = vector.shape_cast %parallel_loop3A_551 : vector<1x16xf32> to vector<16xf32>
        %parallel_loop3A_553 = vector.shape_cast %parallel_loop3A_548 : vector<16xf32> to vector<1x16xf32>
        tpu.vector_store %arg25[%parallel_loop3A_549, %parallel_loop3A_550], %parallel_loop3A_553 {strides = array<i32>} : memref<40x128xf32, #tpu.memory_space<vmem>>, vector<1x16xf32>,
        %parallel_loop3A_554 = arith.index_cast %parallel_loop3A_411 : i32 to index
        %parallel_loop3A_555 = arith.constant 32 : index
        %parallel_loop3A_556 = tpu.vector_load %arg23[%parallel_loop3A_554, %parallel_loop3A_555] {strides = array<i32>} : memref<40x64xi32, #tpu.memory_space<vmem>>, vector<1x16xi32>,
        %parallel_loop3A_557 = vector.shape_cast %parallel_loop3A_556 : vector<1x16xi32> to vector<16xi32>
        %parallel_loop3A_558 = arith.constant 16 : i32
        %parallel_loop3A_559 = vector.broadcast %parallel_loop3A_558 : i32 to vector<16xi32>
        %parallel_loop3A_560 = arith.shli %parallel_loop3A_557, %parallel_loop3A_559 : vector<16xi32>
        %parallel_loop3A_561 = tpu.bitcast %parallel_loop3A_560 : vector<16xi32> -> vector<16xf32>
        %parallel_loop3A_562 = vector.broadcast %parallel_loop3A_345 : i32 to vector<16xi32>
        %parallel_loop3A_563 = arith.andi %parallel_loop3A_557, %parallel_loop3A_562 : vector<16xi32>
        %parallel_loop3A_564 = tpu.bitcast %parallel_loop3A_563 : vector<16xi32> -> vector<16xf32>
        %parallel_loop3A_565 = arith.index_cast %parallel_loop3A_411 : i32 to index
        %parallel_loop3A_566 = arith.constant 32 : index
        %parallel_loop3A_567 = tpu.vector_load %arg19[%parallel_loop3A_565, %parallel_loop3A_566] {strides = array<i32>} : memref<40x128xi32, #tpu.memory_space<vmem>>, vector<1x16xi32>,
        %parallel_loop3A_568 = vector.shape_cast %parallel_loop3A_567 : vector<1x16xi32> to vector<16xi32>
        %parallel_loop3A_569 = arith.constant 16 : i32
        %parallel_loop3A_570 = vector.broadcast %parallel_loop3A_569 : i32 to vector<16xi32>
        %parallel_loop3A_571 = arith.shli %parallel_loop3A_568, %parallel_loop3A_570 : vector<16xi32>
        %parallel_loop3A_572 = tpu.bitcast %parallel_loop3A_571 : vector<16xi32> -> vector<16xf32>
        %parallel_loop3A_573 = vector.broadcast %parallel_loop3A_345 : i32 to vector<16xi32>
        %parallel_loop3A_574 = arith.andi %parallel_loop3A_568, %parallel_loop3A_573 : vector<16xi32>
        %parallel_loop3A_575 = tpu.bitcast %parallel_loop3A_574 : vector<16xi32> -> vector<16xf32>
        %parallel_loop3A_576 = arith.index_cast %parallel_loop3A_411 : i32 to index
        %parallel_loop3A_577 = arith.constant 96 : index
        %parallel_loop3A_578 = tpu.vector_load %arg19[%parallel_loop3A_576, %parallel_loop3A_577] {strides = array<i32>} : memref<40x128xi32, #tpu.memory_space<vmem>>, vector<1x16xi32>,
        %parallel_loop3A_579 = vector.shape_cast %parallel_loop3A_578 : vector<1x16xi32> to vector<16xi32>
        %parallel_loop3A_580 = arith.constant 16 : i32
        %parallel_loop3A_581 = vector.broadcast %parallel_loop3A_580 : i32 to vector<16xi32>
        %parallel_loop3A_582 = arith.shli %parallel_loop3A_579, %parallel_loop3A_581 : vector<16xi32>
        %parallel_loop3A_583 = tpu.bitcast %parallel_loop3A_582 : vector<16xi32> -> vector<16xf32>
        %parallel_loop3A_584 = vector.broadcast %parallel_loop3A_345 : i32 to vector<16xi32>
        %parallel_loop3A_585 = arith.andi %parallel_loop3A_579, %parallel_loop3A_584 : vector<16xi32>
        %parallel_loop3A_586 = tpu.bitcast %parallel_loop3A_585 : vector<16xi32> -> vector<16xf32>
        %parallel_loop3A_587 = arith.index_cast %parallel_loop3A_411 : i32 to index
        %parallel_loop3A_588 = arith.constant 64 : index
        %parallel_loop3A_589 = tpu.vector_load %arg17[%parallel_loop3A_587, %parallel_loop3A_588] {strides = array<i32>} : memref<40x128xf32, #tpu.memory_space<vmem>>, vector<1x16xf32>,
        %parallel_loop3A_590 = vector.shape_cast %parallel_loop3A_589 : vector<1x16xf32> to vector<16xf32>
        %parallel_loop3A_591 = arith.addf %parallel_loop3A_590, %parallel_loop3A_561 : vector<16xf32>
        %parallel_loop3A_592 = arith.addf %parallel_loop3A_591, %parallel_loop3A_572 : vector<16xf32>
        %parallel_loop3A_593 = arith.index_cast %parallel_loop3A_411 : i32 to index
        %parallel_loop3A_594 = arith.constant 80 : index
        %parallel_loop3A_595 = tpu.vector_load %arg17[%parallel_loop3A_593, %parallel_loop3A_594] {strides = array<i32>} : memref<40x128xf32, #tpu.memory_space<vmem>>, vector<1x16xf32>,
        %parallel_loop3A_596 = vector.shape_cast %parallel_loop3A_595 : vector<1x16xf32> to vector<16xf32>
        %parallel_loop3A_597 = arith.addf %parallel_loop3A_596, %parallel_loop3A_564 : vector<16xf32>
        %parallel_loop3A_598 = arith.addf %parallel_loop3A_597, %parallel_loop3A_575 : vector<16xf32>
        %parallel_loop3A_599 = arith.constant 0.000000e+00 : f32
        %parallel_loop3A_600 = vector.broadcast %parallel_loop3A_599 : f32 to vector<16xf32>
        %parallel_loop3A_601 = arith.subf %parallel_loop3A_600, %parallel_loop3A_592 : vector<16xf32>
        %parallel_loop3A_602 = math.exp %parallel_loop3A_601 : vector<16xf32>
        %parallel_loop3A_603 = arith.constant 1.000000e+00 : f32
        %parallel_loop3A_604 = vector.broadcast %parallel_loop3A_603 : f32 to vector<16xf32>
        %parallel_loop3A_605 = arith.addf %parallel_loop3A_604, %parallel_loop3A_602 : vector<16xf32>
        %parallel_loop3A_606 = arith.divf %parallel_loop3A_583, %parallel_loop3A_605 : vector<16xf32>
        %parallel_loop3A_607 = arith.index_cast %parallel_loop3A_411 : i32 to index
        %parallel_loop3A_608 = arith.constant 64 : index
        %parallel_loop3A_609 = tpu.vector_load %arg25[%parallel_loop3A_607, %parallel_loop3A_608] {strides = array<i32>} : memref<40x128xf32, #tpu.memory_space<vmem>>, vector<1x16xf32>,
        %parallel_loop3A_610 = vector.shape_cast %parallel_loop3A_609 : vector<1x16xf32> to vector<16xf32>
        %parallel_loop3A_611 = vector.shape_cast %parallel_loop3A_606 : vector<16xf32> to vector<1x16xf32>
        tpu.vector_store %arg25[%parallel_loop3A_607, %parallel_loop3A_608], %parallel_loop3A_611 {strides = array<i32>} : memref<40x128xf32, #tpu.memory_space<vmem>>, vector<1x16xf32>,
        %parallel_loop3A_612 = arith.constant 0.000000e+00 : f32
        %parallel_loop3A_613 = vector.broadcast %parallel_loop3A_612 : f32 to vector<16xf32>
        %parallel_loop3A_614 = arith.subf %parallel_loop3A_613, %parallel_loop3A_598 : vector<16xf32>
        %parallel_loop3A_615 = math.exp %parallel_loop3A_614 : vector<16xf32>
        %parallel_loop3A_616 = arith.constant 1.000000e+00 : f32
        %parallel_loop3A_617 = vector.broadcast %parallel_loop3A_616 : f32 to vector<16xf32>
        %parallel_loop3A_618 = arith.addf %parallel_loop3A_617, %parallel_loop3A_615 : vector<16xf32>
        %parallel_loop3A_619 = arith.divf %parallel_loop3A_586, %parallel_loop3A_618 : vector<16xf32>
        %parallel_loop3A_620 = arith.index_cast %parallel_loop3A_411 : i32 to index
        %parallel_loop3A_621 = arith.constant 80 : index
        %parallel_loop3A_622 = tpu.vector_load %arg25[%parallel_loop3A_620, %parallel_loop3A_621] {strides = array<i32>} : memref<40x128xf32, #tpu.memory_space<vmem>>, vector<1x16xf32>,
        %parallel_loop3A_623 = vector.shape_cast %parallel_loop3A_622 : vector<1x16xf32> to vector<16xf32>
        %parallel_loop3A_624 = vector.shape_cast %parallel_loop3A_619 : vector<16xf32> to vector<1x16xf32>
        tpu.vector_store %arg25[%parallel_loop3A_620, %parallel_loop3A_621], %parallel_loop3A_624 {strides = array<i32>} : memref<40x128xf32, #tpu.memory_space<vmem>>, vector<1x16xf32>,
        %parallel_loop3A_625 = arith.index_cast %parallel_loop3A_411 : i32 to index
        %parallel_loop3A_626 = arith.constant 48 : index
        %parallel_loop3A_627 = tpu.vector_load %arg23[%parallel_loop3A_625, %parallel_loop3A_626] {strides = array<i32>} : memref<40x64xi32, #tpu.memory_space<vmem>>, vector<1x16xi32>,
        %parallel_loop3A_628 = vector.shape_cast %parallel_loop3A_627 : vector<1x16xi32> to vector<16xi32>
        %parallel_loop3A_629 = arith.constant 16 : i32
        %parallel_loop3A_630 = vector.broadcast %parallel_loop3A_629 : i32 to vector<16xi32>
        %parallel_loop3A_631 = arith.shli %parallel_loop3A_628, %parallel_loop3A_630 : vector<16xi32>
        %parallel_loop3A_632 = tpu.bitcast %parallel_loop3A_631 : vector<16xi32> -> vector<16xf32>
        %parallel_loop3A_633 = vector.broadcast %parallel_loop3A_345 : i32 to vector<16xi32>
        %parallel_loop3A_634 = arith.andi %parallel_loop3A_628, %parallel_loop3A_633 : vector<16xi32>
        %parallel_loop3A_635 = tpu.bitcast %parallel_loop3A_634 : vector<16xi32> -> vector<16xf32>
        %parallel_loop3A_636 = arith.index_cast %parallel_loop3A_411 : i32 to index
        %parallel_loop3A_637 = arith.constant 48 : index
        %parallel_loop3A_638 = tpu.vector_load %arg19[%parallel_loop3A_636, %parallel_loop3A_637] {strides = array<i32>} : memref<40x128xi32, #tpu.memory_space<vmem>>, vector<1x16xi32>,
        %parallel_loop3A_639 = vector.shape_cast %parallel_loop3A_638 : vector<1x16xi32> to vector<16xi32>
        %parallel_loop3A_640 = arith.constant 16 : i32
        %parallel_loop3A_641 = vector.broadcast %parallel_loop3A_640 : i32 to vector<16xi32>
        %parallel_loop3A_642 = arith.shli %parallel_loop3A_639, %parallel_loop3A_641 : vector<16xi32>
        %parallel_loop3A_643 = tpu.bitcast %parallel_loop3A_642 : vector<16xi32> -> vector<16xf32>
        %parallel_loop3A_644 = vector.broadcast %parallel_loop3A_345 : i32 to vector<16xi32>
        %parallel_loop3A_645 = arith.andi %parallel_loop3A_639, %parallel_loop3A_644 : vector<16xi32>
        %parallel_loop3A_646 = tpu.bitcast %parallel_loop3A_645 : vector<16xi32> -> vector<16xf32>
        %parallel_loop3A_647 = arith.index_cast %parallel_loop3A_411 : i32 to index
        %parallel_loop3A_648 = arith.constant 112 : index
        %parallel_loop3A_649 = tpu.vector_load %arg19[%parallel_loop3A_647, %parallel_loop3A_648] {strides = array<i32>} : memref<40x128xi32, #tpu.memory_space<vmem>>, vector<1x16xi32>,
        %parallel_loop3A_650 = vector.shape_cast %parallel_loop3A_649 : vector<1x16xi32> to vector<16xi32>
        %parallel_loop3A_651 = arith.constant 16 : i32
        %parallel_loop3A_652 = vector.broadcast %parallel_loop3A_651 : i32 to vector<16xi32>
        %parallel_loop3A_653 = arith.shli %parallel_loop3A_650, %parallel_loop3A_652 : vector<16xi32>
        %parallel_loop3A_654 = tpu.bitcast %parallel_loop3A_653 : vector<16xi32> -> vector<16xf32>
        %parallel_loop3A_655 = vector.broadcast %parallel_loop3A_345 : i32 to vector<16xi32>
        %parallel_loop3A_656 = arith.andi %parallel_loop3A_650, %parallel_loop3A_655 : vector<16xi32>
        %parallel_loop3A_657 = tpu.bitcast %parallel_loop3A_656 : vector<16xi32> -> vector<16xf32>
        %parallel_loop3A_658 = arith.index_cast %parallel_loop3A_411 : i32 to index
        %parallel_loop3A_659 = arith.constant 96 : index
        %parallel_loop3A_660 = tpu.vector_load %arg17[%parallel_loop3A_658, %parallel_loop3A_659] {strides = array<i32>} : memref<40x128xf32, #tpu.memory_space<vmem>>, vector<1x16xf32>,
        %parallel_loop3A_661 = vector.shape_cast %parallel_loop3A_660 : vector<1x16xf32> to vector<16xf32>
        %parallel_loop3A_662 = arith.addf %parallel_loop3A_661, %parallel_loop3A_632 : vector<16xf32>
        %parallel_loop3A_663 = arith.addf %parallel_loop3A_662, %parallel_loop3A_643 : vector<16xf32>
        %parallel_loop3A_664 = arith.index_cast %parallel_loop3A_411 : i32 to index
        %parallel_loop3A_665 = arith.constant 112 : index
        %parallel_loop3A_666 = tpu.vector_load %arg17[%parallel_loop3A_664, %parallel_loop3A_665] {strides = array<i32>} : memref<40x128xf32, #tpu.memory_space<vmem>>, vector<1x16xf32>,
        %parallel_loop3A_667 = vector.shape_cast %parallel_loop3A_666 : vector<1x16xf32> to vector<16xf32>
        %parallel_loop3A_668 = arith.addf %parallel_loop3A_667, %parallel_loop3A_635 : vector<16xf32>
        %parallel_loop3A_669 = arith.addf %parallel_loop3A_668, %parallel_loop3A_646 : vector<16xf32>
        %parallel_loop3A_670 = arith.constant 0.000000e+00 : f32
        %parallel_loop3A_671 = vector.broadcast %parallel_loop3A_670 : f32 to vector<16xf32>
        %parallel_loop3A_672 = arith.subf %parallel_loop3A_671, %parallel_loop3A_663 : vector<16xf32>
        %parallel_loop3A_673 = math.exp %parallel_loop3A_672 : vector<16xf32>
        %parallel_loop3A_674 = arith.constant 1.000000e+00 : f32
        %parallel_loop3A_675 = vector.broadcast %parallel_loop3A_674 : f32 to vector<16xf32>
        %parallel_loop3A_676 = arith.addf %parallel_loop3A_675, %parallel_loop3A_673 : vector<16xf32>
        %parallel_loop3A_677 = arith.divf %parallel_loop3A_654, %parallel_loop3A_676 : vector<16xf32>
        %parallel_loop3A_678 = arith.index_cast %parallel_loop3A_411 : i32 to index
        %parallel_loop3A_679 = arith.constant 96 : index
        %parallel_loop3A_680 = tpu.vector_load %arg25[%parallel_loop3A_678, %parallel_loop3A_679] {strides = array<i32>} : memref<40x128xf32, #tpu.memory_space<vmem>>, vector<1x16xf32>,
        %parallel_loop3A_681 = vector.shape_cast %parallel_loop3A_680 : vector<1x16xf32> to vector<16xf32>
        %parallel_loop3A_682 = vector.shape_cast %parallel_loop3A_677 : vector<16xf32> to vector<1x16xf32>
        tpu.vector_store %arg25[%parallel_loop3A_678, %parallel_loop3A_679], %parallel_loop3A_682 {strides = array<i32>} : memref<40x128xf32, #tpu.memory_space<vmem>>, vector<1x16xf32>,
        %parallel_loop3A_683 = arith.constant 0.000000e+00 : f32
        %parallel_loop3A_684 = vector.broadcast %parallel_loop3A_683 : f32 to vector<16xf32>
        %parallel_loop3A_685 = arith.subf %parallel_loop3A_684, %parallel_loop3A_669 : vector<16xf32>
        %parallel_loop3A_686 = math.exp %parallel_loop3A_685 : vector<16xf32>
        %parallel_loop3A_687 = arith.constant 1.000000e+00 : f32
        %parallel_loop3A_688 = vector.broadcast %parallel_loop3A_687 : f32 to vector<16xf32>
        %parallel_loop3A_689 = arith.addf %parallel_loop3A_688, %parallel_loop3A_686 : vector<16xf32>
        %parallel_loop3A_690 = arith.divf %parallel_loop3A_657, %parallel_loop3A_689 : vector<16xf32>
        %parallel_loop3A_691 = arith.index_cast %parallel_loop3A_411 : i32 to index
        %parallel_loop3A_692 = arith.constant 112 : index
        %parallel_loop3A_693 = tpu.vector_load %arg25[%parallel_loop3A_691, %parallel_loop3A_692] {strides = array<i32>} : memref<40x128xf32, #tpu.memory_space<vmem>>, vector<1x16xf32>,
        %parallel_loop3A_694 = vector.shape_cast %parallel_loop3A_693 : vector<1x16xf32> to vector<16xf32>
        %parallel_loop3A_695 = vector.shape_cast %parallel_loop3A_690 : vector<16xf32> to vector<1x16xf32>
        tpu.vector_store %arg25[%parallel_loop3A_691, %parallel_loop3A_692], %parallel_loop3A_695 {strides = array<i32>} : memref<40x128xf32, #tpu.memory_space<vmem>>, vector<1x16xf32>,
      } {sc.loop_unroll_factor = 1 : i64, sc.parallel_access}
      %dma_start3A_346 = arith.constant 0 : i32
      %dma_start3A_347 = arith.constant 0 : i32
      %dma_start3A_348 = tpu.memref_slice %arg26[%dma_start3A_346, %dma_start3A_347] : memref<10240x128xf32, #tpu.memory_space<vmem_shared>> -> memref<10240x128xf32, #tpu.memory_space<vmem_shared>>
      tpu.enqueue_indirect_dma source(%arg25 : memref<40x128xf32, #tpu.memory_space<vmem>>) target(%dma_start3A_348 : memref<10240x128xf32, #tpu.memory_space<vmem_shared>>) offsets(%arg15 : memref<40xi32, #tpu.memory_space<vmem>>) semaphore(%arg33 : memref<!tpu.dma_semaphore, #tpu.memory_space<semaphore_mem>>) {add = true}
      %add3A_349 = arith.constant 3 : i32
      %add3A_350 = arith.addi %mul3A_167, %add3A_349 : i32
      %dma_wait3A_351 = arith.constant 0 : i32
      %dma_wait3A_352 = arith.constant 0 : i32
      %dma_wait3A_353 = tpu.memref_slice %arg4[%dma_wait3A_351, %dma_wait3A_352] : memref<320000x64xi32, #tpu.memory_space<hbm>> -> memref<40x64xi32, #tpu.memory_space<hbm>>
      %dma_wait3A_354 = arith.constant 0 : i32
      %dma_wait3A_355 = arith.constant 0 : i32
      %dma_wait3A_356 = tpu.memref_slice %arg4[%dma_wait3A_354, %dma_wait3A_355] : memref<320000x64xi32, #tpu.memory_space<hbm>> -> memref<40x64xi32, #tpu.memory_space<hbm>>
      tpu.wait_dma2 semaphore(%arg29 : memref<!tpu.dma_semaphore, #tpu.memory_space<semaphore_mem>>) src(%dma_wait3A_356 : memref<40x64xi32, #tpu.memory_space<hbm>>) dst(%arg21 : memref<40x64xi32, #tpu.memory_space<vmem>>)
      %dma_wait3A_357 = arith.constant 0 : i32
      %dma_wait3A_358 = tpu.memref_slice %arg5[%dma_wait3A_357] : memref<320000xi32, #tpu.memory_space<hbm>> -> memref<40xi32, #tpu.memory_space<hbm>>
      %dma_wait3A_359 = arith.constant 0 : i32
      %dma_wait3A_360 = tpu.memref_slice %arg5[%dma_wait3A_359] : memref<320000xi32, #tpu.memory_space<hbm>> -> memref<40xi32, #tpu.memory_space<hbm>>
      tpu.wait_dma2 semaphore(%arg29 : memref<!tpu.dma_semaphore, #tpu.memory_space<semaphore_mem>>) src(%dma_wait3A_360 : memref<40xi32, #tpu.memory_space<hbm>>) dst(%arg9 : memref<40xi32, #tpu.memory_space<vmem>>)
      %dma_wait3A_361 = arith.constant 0 : i32
      %dma_wait3A_362 = tpu.memref_slice %arg6[%dma_wait3A_361] : memref<320000xi32, #tpu.memory_space<hbm>> -> memref<40xi32, #tpu.memory_space<hbm>>
      %dma_wait3A_363 = arith.constant 0 : i32
      %dma_wait3A_364 = tpu.memref_slice %arg6[%dma_wait3A_363] : memref<320000xi32, #tpu.memory_space<hbm>> -> memref<40xi32, #tpu.memory_space<hbm>>
      tpu.wait_dma2 semaphore(%arg29 : memref<!tpu.dma_semaphore, #tpu.memory_space<semaphore_mem>>) src(%dma_wait3A_364 : memref<40xi32, #tpu.memory_space<hbm>>) dst(%arg13 : memref<40xi32, #tpu.memory_space<vmem>>)
      %dma_start3A_365 = arith.constant 0 : i32
      %dma_start3A_366 = arith.constant 0 : i32
      %dma_start3A_367 = tpu.memref_slice %arg2[%dma_start3A_365, %dma_start3A_366] : memref<10000x128xf32, #tpu.memory_space<hbm>> -> memref<10000x128xf32, #tpu.memory_space<hbm>>
      tpu.enqueue_indirect_dma source(%dma_start3A_367 : memref<10000x128xf32, #tpu.memory_space<hbm>>) target(%arg17 : memref<40x128xf32, #tpu.memory_space<vmem>>) offsets(%arg13 : memref<40xi32, #tpu.memory_space<vmem>>) semaphore(%arg27 : memref<!tpu.dma_semaphore, #tpu.memory_space<semaphore_mem>>)
      %dma_start3A_368 = arith.constant 0 : i32
      %dma_start3A_369 = arith.constant 0 : i32
      %dma_start3A_370 = tpu.memref_slice %arg3[%dma_start3A_368, %dma_start3A_369] : memref<10000x128xi32, #tpu.memory_space<hbm>> -> memref<10000x128xi32, #tpu.memory_space<hbm>>
      tpu.enqueue_indirect_dma source(%dma_start3A_370 : memref<10000x128xi32, #tpu.memory_space<hbm>>) target(%arg19 : memref<40x128xi32, #tpu.memory_space<vmem>>) offsets(%arg9 : memref<40xi32, #tpu.memory_space<vmem>>) semaphore(%arg27 : memref<!tpu.dma_semaphore, #tpu.memory_space<semaphore_mem>>)
      %add3A_371 = arith.constant 2 : i32
      %add3A_372 = arith.addi %add3A_350, %add3A_371 : i32
      %mul3A_373 = arith.constant 40 : i32
      %mul3A_374 = arith.muli %add3A_372, %mul3A_373 : i32
      %add3A_375 = arith.addi %mul3A_2, %mul3A_374 : i32
      %multiple_of3A_376 = tpu.assume_multiple %add3A_375, 8 : i32
      %dma_start3A_377 = arith.constant 0 : i32
      %dma_start3A_378 = tpu.memref_slice %arg4[%multiple_of3A_376, %dma_start3A_377] : memref<320000x64xi32, #tpu.memory_space<hbm>> -> memref<40x64xi32, #tpu.memory_space<hbm>>
      %dma_start3A_379 = arith.constant 0 : i32
      %dma_start3A_380 = tpu.memref_slice %arg4[%multiple_of3A_376, %dma_start3A_379] : memref<320000x64xi32, #tpu.memory_space<hbm>> -> memref<40x64xi32, #tpu.memory_space<hbm>>
      tpu.enqueue_dma source(%dma_start3A_380 : memref<40x64xi32, #tpu.memory_space<hbm>>) target(%arg22 : memref<40x64xi32, #tpu.memory_space<vmem>>) target_semaphore(%arg30 : memref<!tpu.dma_semaphore, #tpu.memory_space<semaphore_mem>>)
      %dma_start3A_381 = tpu.memref_slice %arg5[%multiple_of3A_376] : memref<320000xi32, #tpu.memory_space<hbm>> -> memref<40xi32, #tpu.memory_space<hbm>>
      %dma_start3A_382 = tpu.memref_slice %arg5[%multiple_of3A_376] : memref<320000xi32, #tpu.memory_space<hbm>> -> memref<40xi32, #tpu.memory_space<hbm>>
      tpu.enqueue_dma source(%dma_start3A_382 : memref<40xi32, #tpu.memory_space<hbm>>) target(%arg10 : memref<40xi32, #tpu.memory_space<vmem>>) target_semaphore(%arg30 : memref<!tpu.dma_semaphore, #tpu.memory_space<semaphore_mem>>)
      %dma_start3A_383 = tpu.memref_slice %arg6[%multiple_of3A_376] : memref<320000xi32, #tpu.memory_space<hbm>> -> memref<40xi32, #tpu.memory_space<hbm>>
      %dma_start3A_384 = tpu.memref_slice %arg6[%multiple_of3A_376] : memref<320000xi32, #tpu.memory_space<hbm>> -> memref<40xi32, #tpu.memory_space<hbm>>
      tpu.enqueue_dma source(%dma_start3A_384 : memref<40xi32, #tpu.memory_space<hbm>>) target(%arg14 : memref<40xi32, #tpu.memory_space<vmem>>) target_semaphore(%arg30 : memref<!tpu.dma_semaphore, #tpu.memory_space<semaphore_mem>>)
      %dma_wait3A_385 = arith.constant 0 : i32
      %dma_wait3A_386 = arith.constant 0 : i32
      %dma_wait3A_387 = tpu.memref_slice %arg2[%dma_wait3A_385, %dma_wait3A_386] : memref<10000x128xf32, #tpu.memory_space<hbm>> -> memref<40x128xf32, #tpu.memory_space<hbm>>
      %dma_wait3A_388 = arith.constant 0 : i32
      %dma_wait3A_389 = arith.constant 0 : i32
      %dma_wait3A_390 = tpu.memref_slice %arg2[%dma_wait3A_388, %dma_wait3A_389] : memref<10000x128xf32, #tpu.memory_space<hbm>> -> memref<40x128xf32, #tpu.memory_space<hbm>>
      tpu.wait_dma2 semaphore(%arg28 : memref<!tpu.dma_semaphore, #tpu.memory_space<semaphore_mem>>) src(%dma_wait3A_390 : memref<40x128xf32, #tpu.memory_space<hbm>>) dst(%arg18 : memref<40x128xf32, #tpu.memory_space<vmem>>)
      %dma_wait3A_391 = arith.constant 0 : i32
      %dma_wait3A_392 = arith.constant 0 : i32
      %dma_wait3A_393 = tpu.memref_slice %arg3[%dma_wait3A_391, %dma_wait3A_392] : memref<10000x128xi32, #tpu.memory_space<hbm>> -> memref<40x128xi32, #tpu.memory_space<hbm>>
      %dma_wait3A_394 = arith.constant 0 : i32
      %dma_wait3A_395 = arith.constant 0 : i32
      %dma_wait3A_396 = tpu.memref_slice %arg3[%dma_wait3A_394, %dma_wait3A_395] : memref<10000x128xi32, #tpu.memory_space<hbm>> -> memref<40x128xi32, #tpu.memory_space<hbm>>
      tpu.wait_dma2 semaphore(%arg28 : memref<!tpu.dma_semaphore, #tpu.memory_space<semaphore_mem>>) src(%dma_wait3A_396 : memref<40x128xi32, #tpu.memory_space<hbm>>) dst(%arg20 : memref<40x128xi32, #tpu.memory_space<vmem>>)
      %dma_wait3A_397 = arith.constant 0 : i32
      %dma_wait3A_398 = arith.constant 0 : i32
      %dma_wait3A_399 = tpu.memref_slice %arg7[%dma_wait3A_397, %dma_wait3A_398] : memref<10240x128xf32, #tpu.memory_space<hbm>> -> memref<40x128xf32, #tpu.memory_space<hbm>>
      %dma_wait3A_400 = arith.constant 0 : i32
      %dma_wait3A_401 = arith.constant 0 : i32
      %dma_wait3A_402 = tpu.memref_slice %arg7[%dma_wait3A_400, %dma_wait3A_401] : memref<10240x128xf32, #tpu.memory_space<hbm>> -> memref<40x128xf32, #tpu.memory_space<hbm>>
      tpu.wait_dma2 semaphore(%arg33 : memref<!tpu.dma_semaphore, #tpu.memory_space<semaphore_mem>>) src(%dma_wait3A_402 : memref<40x128xf32, #tpu.memory_space<hbm>>) dst(%arg25 : memref<40x128xf32, #tpu.memory_space<vmem>>)
      %parallel_loop3A_403 = arith.constant 0 : i32
      %parallel_loop3A_404 = arith.constant 40 : i32
      %parallel_loop3A_405 = arith.constant 1 : i32
      %parallel_loop3A_406 = arith.constant -65536 : i32
      scf.for %parallel_loop3A_411 = %parallel_loop3A_403 to %parallel_loop3A_404 step %parallel_loop3A_405  : i32 {
        %parallel_loop3A_412 = arith.index_cast %parallel_loop3A_411 : i32 to index
        %parallel_loop3A_413 = arith.constant 0 : index
        %parallel_loop3A_414 = tpu.vector_load %arg24[%parallel_loop3A_412, %parallel_loop3A_413] {strides = array<i32>} : memref<40x64xi32, #tpu.memory_space<vmem>>, vector<1x16xi32>,
        %parallel_loop3A_415 = vector.shape_cast %parallel_loop3A_414 : vector<1x16xi32> to vector<16xi32>
        %parallel_loop3A_416 = arith.constant 16 : i32
        %parallel_loop3A_417 = vector.broadcast %parallel_loop3A_416 : i32 to vector<16xi32>
        %parallel_loop3A_418 = arith.shli %parallel_loop3A_415, %parallel_loop3A_417 : vector<16xi32>
        %parallel_loop3A_419 = tpu.bitcast %parallel_loop3A_418 : vector<16xi32> -> vector<16xf32>
        %parallel_loop3A_420 = vector.broadcast %parallel_loop3A_406 : i32 to vector<16xi32>
        %parallel_loop3A_421 = arith.andi %parallel_loop3A_415, %parallel_loop3A_420 : vector<16xi32>
        %parallel_loop3A_422 = tpu.bitcast %parallel_loop3A_421 : vector<16xi32> -> vector<16xf32>
        %parallel_loop3A_423 = arith.index_cast %parallel_loop3A_411 : i32 to index
        %parallel_loop3A_424 = arith.constant 0 : index
        %parallel_loop3A_425 = tpu.vector_load %arg20[%parallel_loop3A_423, %parallel_loop3A_424] {strides = array<i32>} : memref<40x128xi32, #tpu.memory_space<vmem>>, vector<1x16xi32>,
        %parallel_loop3A_426 = vector.shape_cast %parallel_loop3A_425 : vector<1x16xi32> to vector<16xi32>
        %parallel_loop3A_427 = arith.constant 16 : i32
        %parallel_loop3A_428 = vector.broadcast %parallel_loop3A_427 : i32 to vector<16xi32>
        %parallel_loop3A_429 = arith.shli %parallel_loop3A_426, %parallel_loop3A_428 : vector<16xi32>
        %parallel_loop3A_430 = tpu.bitcast %parallel_loop3A_429 : vector<16xi32> -> vector<16xf32>
        %parallel_loop3A_431 = vector.broadcast %parallel_loop3A_406 : i32 to vector<16xi32>
        %parallel_loop3A_432 = arith.andi %parallel_loop3A_426, %parallel_loop3A_431 : vector<16xi32>
        %parallel_loop3A_433 = tpu.bitcast %parallel_loop3A_432 : vector<16xi32> -> vector<16xf32>
        %parallel_loop3A_434 = arith.index_cast %parallel_loop3A_411 : i32 to index
        %parallel_loop3A_435 = arith.constant 64 : index
        %parallel_loop3A_436 = tpu.vector_load %arg20[%parallel_loop3A_434, %parallel_loop3A_435] {strides = array<i32>} : memref<40x128xi32, #tpu.memory_space<vmem>>, vector<1x16xi32>,
        %parallel_loop3A_437 = vector.shape_cast %parallel_loop3A_436 : vector<1x16xi32> to vector<16xi32>
        %parallel_loop3A_438 = arith.constant 16 : i32
        %parallel_loop3A_439 = vector.broadcast %parallel_loop3A_438 : i32 to vector<16xi32>
        %parallel_loop3A_440 = arith.shli %parallel_loop3A_437, %parallel_loop3A_439 : vector<16xi32>
        %parallel_loop3A_441 = tpu.bitcast %parallel_loop3A_440 : vector<16xi32> -> vector<16xf32>
        %parallel_loop3A_442 = vector.broadcast %parallel_loop3A_406 : i32 to vector<16xi32>
        %parallel_loop3A_443 = arith.andi %parallel_loop3A_437, %parallel_loop3A_442 : vector<16xi32>
        %parallel_loop3A_444 = tpu.bitcast %parallel_loop3A_443 : vector<16xi32> -> vector<16xf32>
        %parallel_loop3A_445 = arith.index_cast %parallel_loop3A_411 : i32 to index
        %parallel_loop3A_446 = arith.constant 0 : index
        %parallel_loop3A_447 = tpu.vector_load %arg18[%parallel_loop3A_445, %parallel_loop3A_446] {strides = array<i32>} : memref<40x128xf32, #tpu.memory_space<vmem>>, vector<1x16xf32>,
        %parallel_loop3A_448 = vector.shape_cast %parallel_loop3A_447 : vector<1x16xf32> to vector<16xf32>
        %parallel_loop3A_449 = arith.addf %parallel_loop3A_448, %parallel_loop3A_419 : vector<16xf32>
        %parallel_loop3A_450 = arith.addf %parallel_loop3A_449, %parallel_loop3A_430 : vector<16xf32>
        %parallel_loop3A_451 = arith.index_cast %parallel_loop3A_411 : i32 to index
        %parallel_loop3A_452 = arith.constant 16 : index
        %parallel_loop3A_453 = tpu.vector_load %arg18[%parallel_loop3A_451, %parallel_loop3A_452] {strides = array<i32>} : memref<40x128xf32, #tpu.memory_space<vmem>>, vector<1x16xf32>,
        %parallel_loop3A_454 = vector.shape_cast %parallel_loop3A_453 : vector<1x16xf32> to vector<16xf32>
        %parallel_loop3A_455 = arith.addf %parallel_loop3A_454, %parallel_loop3A_422 : vector<16xf32>
        %parallel_loop3A_456 = arith.addf %parallel_loop3A_455, %parallel_loop3A_433 : vector<16xf32>
        %parallel_loop3A_457 = arith.constant 0.000000e+00 : f32
        %parallel_loop3A_458 = vector.broadcast %parallel_loop3A_457 : f32 to vector<16xf32>
        %parallel_loop3A_459 = arith.subf %parallel_loop3A_458, %parallel_loop3A_450 : vector<16xf32>
        %parallel_loop3A_460 = math.exp %parallel_loop3A_459 : vector<16xf32>
        %parallel_loop3A_461 = arith.constant 1.000000e+00 : f32
        %parallel_loop3A_462 = vector.broadcast %parallel_loop3A_461 : f32 to vector<16xf32>
        %parallel_loop3A_463 = arith.addf %parallel_loop3A_462, %parallel_loop3A_460 : vector<16xf32>
        %parallel_loop3A_464 = arith.divf %parallel_loop3A_441, %parallel_loop3A_463 : vector<16xf32>
        %parallel_loop3A_465 = arith.index_cast %parallel_loop3A_411 : i32 to index
        %parallel_loop3A_466 = arith.constant 0 : index
        %parallel_loop3A_467 = tpu.vector_load %arg25[%parallel_loop3A_465, %parallel_loop3A_466] {strides = array<i32>} : memref<40x128xf32, #tpu.memory_space<vmem>>, vector<1x16xf32>,
        %parallel_loop3A_468 = vector.shape_cast %parallel_loop3A_467 : vector<1x16xf32> to vector<16xf32>
        %parallel_loop3A_469 = vector.shape_cast %parallel_loop3A_464 : vector<16xf32> to vector<1x16xf32>
        tpu.vector_store %arg25[%parallel_loop3A_465, %parallel_loop3A_466], %parallel_loop3A_469 {strides = array<i32>} : memref<40x128xf32, #tpu.memory_space<vmem>>, vector<1x16xf32>,
        %parallel_loop3A_470 = arith.constant 0.000000e+00 : f32
        %parallel_loop3A_471 = vector.broadcast %parallel_loop3A_470 : f32 to vector<16xf32>
        %parallel_loop3A_472 = arith.subf %parallel_loop3A_471, %parallel_loop3A_456 : vector<16xf32>
        %parallel_loop3A_473 = math.exp %parallel_loop3A_472 : vector<16xf32>
        %parallel_loop3A_474 = arith.constant 1.000000e+00 : f32
        %parallel_loop3A_475 = vector.broadcast %parallel_loop3A_474 : f32 to vector<16xf32>
        %parallel_loop3A_476 = arith.addf %parallel_loop3A_475, %parallel_loop3A_473 : vector<16xf32>
        %parallel_loop3A_477 = arith.divf %parallel_loop3A_444, %parallel_loop3A_476 : vector<16xf32>
        %parallel_loop3A_478 = arith.index_cast %parallel_loop3A_411 : i32 to index
        %parallel_loop3A_479 = arith.constant 16 : index
        %parallel_loop3A_480 = tpu.vector_load %arg25[%parallel_loop3A_478, %parallel_loop3A_479] {strides = array<i32>} : memref<40x128xf32, #tpu.memory_space<vmem>>, vector<1x16xf32>,
        %parallel_loop3A_481 = vector.shape_cast %parallel_loop3A_480 : vector<1x16xf32> to vector<16xf32>
        %parallel_loop3A_482 = vector.shape_cast %parallel_loop3A_477 : vector<16xf32> to vector<1x16xf32>
        tpu.vector_store %arg25[%parallel_loop3A_478, %parallel_loop3A_479], %parallel_loop3A_482 {strides = array<i32>} : memref<40x128xf32, #tpu.memory_space<vmem>>, vector<1x16xf32>,
        %parallel_loop3A_483 = arith.index_cast %parallel_loop3A_411 : i32 to index
        %parallel_loop3A_484 = arith.constant 16 : index
        %parallel_loop3A_485 = tpu.vector_load %arg24[%parallel_loop3A_483, %parallel_loop3A_484] {strides = array<i32>} : memref<40x64xi32, #tpu.memory_space<vmem>>, vector<1x16xi32>,
        %parallel_loop3A_486 = vector.shape_cast %parallel_loop3A_485 : vector<1x16xi32> to vector<16xi32>
        %parallel_loop3A_487 = arith.constant 16 : i32
        %parallel_loop3A_488 = vector.broadcast %parallel_loop3A_487 : i32 to vector<16xi32>
        %parallel_loop3A_489 = arith.shli %parallel_loop3A_486, %parallel_loop3A_488 : vector<16xi32>
        %parallel_loop3A_490 = tpu.bitcast %parallel_loop3A_489 : vector<16xi32> -> vector<16xf32>
        %parallel_loop3A_491 = vector.broadcast %parallel_loop3A_406 : i32 to vector<16xi32>
        %parallel_loop3A_492 = arith.andi %parallel_loop3A_486, %parallel_loop3A_491 : vector<16xi32>
        %parallel_loop3A_493 = tpu.bitcast %parallel_loop3A_492 : vector<16xi32> -> vector<16xf32>
        %parallel_loop3A_494 = arith.index_cast %parallel_loop3A_411 : i32 to index
        %parallel_loop3A_495 = arith.constant 16 : index
        %parallel_loop3A_496 = tpu.vector_load %arg20[%parallel_loop3A_494, %parallel_loop3A_495] {strides = array<i32>} : memref<40x128xi32, #tpu.memory_space<vmem>>, vector<1x16xi32>,
        %parallel_loop3A_497 = vector.shape_cast %parallel_loop3A_496 : vector<1x16xi32> to vector<16xi32>
        %parallel_loop3A_498 = arith.constant 16 : i32
        %parallel_loop3A_499 = vector.broadcast %parallel_loop3A_498 : i32 to vector<16xi32>
        %parallel_loop3A_500 = arith.shli %parallel_loop3A_497, %parallel_loop3A_499 : vector<16xi32>
        %parallel_loop3A_501 = tpu.bitcast %parallel_loop3A_500 : vector<16xi32> -> vector<16xf32>
        %parallel_loop3A_502 = vector.broadcast %parallel_loop3A_406 : i32 to vector<16xi32>
        %parallel_loop3A_503 = arith.andi %parallel_loop3A_497, %parallel_loop3A_502 : vector<16xi32>
        %parallel_loop3A_504 = tpu.bitcast %parallel_loop3A_503 : vector<16xi32> -> vector<16xf32>
        %parallel_loop3A_505 = arith.index_cast %parallel_loop3A_411 : i32 to index
        %parallel_loop3A_506 = arith.constant 80 : index
        %parallel_loop3A_507 = tpu.vector_load %arg20[%parallel_loop3A_505, %parallel_loop3A_506] {strides = array<i32>} : memref<40x128xi32, #tpu.memory_space<vmem>>, vector<1x16xi32>,
        %parallel_loop3A_508 = vector.shape_cast %parallel_loop3A_507 : vector<1x16xi32> to vector<16xi32>
        %parallel_loop3A_509 = arith.constant 16 : i32
        %parallel_loop3A_510 = vector.broadcast %parallel_loop3A_509 : i32 to vector<16xi32>
        %parallel_loop3A_511 = arith.shli %parallel_loop3A_508, %parallel_loop3A_510 : vector<16xi32>
        %parallel_loop3A_512 = tpu.bitcast %parallel_loop3A_511 : vector<16xi32> -> vector<16xf32>
        %parallel_loop3A_513 = vector.broadcast %parallel_loop3A_406 : i32 to vector<16xi32>
        %parallel_loop3A_514 = arith.andi %parallel_loop3A_508, %parallel_loop3A_513 : vector<16xi32>
        %parallel_loop3A_515 = tpu.bitcast %parallel_loop3A_514 : vector<16xi32> -> vector<16xf32>
        %parallel_loop3A_516 = arith.index_cast %parallel_loop3A_411 : i32 to index
        %parallel_loop3A_517 = arith.constant 32 : index
        %parallel_loop3A_518 = tpu.vector_load %arg18[%parallel_loop3A_516, %parallel_loop3A_517] {strides = array<i32>} : memref<40x128xf32, #tpu.memory_space<vmem>>, vector<1x16xf32>,
        %parallel_loop3A_519 = vector.shape_cast %parallel_loop3A_518 : vector<1x16xf32> to vector<16xf32>
        %parallel_loop3A_520 = arith.addf %parallel_loop3A_519, %parallel_loop3A_490 : vector<16xf32>
        %parallel_loop3A_521 = arith.addf %parallel_loop3A_520, %parallel_loop3A_501 : vector<16xf32>
        %parallel_loop3A_522 = arith.index_cast %parallel_loop3A_411 : i32 to index
        %parallel_loop3A_523 = arith.constant 48 : index
        %parallel_loop3A_524 = tpu.vector_load %arg18[%parallel_loop3A_522, %parallel_loop3A_523] {strides = array<i32>} : memref<40x128xf32, #tpu.memory_space<vmem>>, vector<1x16xf32>,
        %parallel_loop3A_525 = vector.shape_cast %parallel_loop3A_524 : vector<1x16xf32> to vector<16xf32>
        %parallel_loop3A_526 = arith.addf %parallel_loop3A_525, %parallel_loop3A_493 : vector<16xf32>
        %parallel_loop3A_527 = arith.addf %parallel_loop3A_526, %parallel_loop3A_504 : vector<16xf32>
        %parallel_loop3A_528 = arith.constant 0.000000e+00 : f32
        %parallel_loop3A_529 = vector.broadcast %parallel_loop3A_528 : f32 to vector<16xf32>
        %parallel_loop3A_530 = arith.subf %parallel_loop3A_529, %parallel_loop3A_521 : vector<16xf32>
        %parallel_loop3A_531 = math.exp %parallel_loop3A_530 : vector<16xf32>
        %parallel_loop3A_532 = arith.constant 1.000000e+00 : f32
        %parallel_loop3A_533 = vector.broadcast %parallel_loop3A_532 : f32 to vector<16xf32>
        %parallel_loop3A_534 = arith.addf %parallel_loop3A_533, %parallel_loop3A_531 : vector<16xf32>
        %parallel_loop3A_535 = arith.divf %parallel_loop3A_512, %parallel_loop3A_534 : vector<16xf32>
        %parallel_loop3A_536 = arith.index_cast %parallel_loop3A_411 : i32 to index
        %parallel_loop3A_537 = arith.constant 32 : index
        %parallel_loop3A_538 = tpu.vector_load %arg25[%parallel_loop3A_536, %parallel_loop3A_537] {strides = array<i32>} : memref<40x128xf32, #tpu.memory_space<vmem>>, vector<1x16xf32>,
        %parallel_loop3A_539 = vector.shape_cast %parallel_loop3A_538 : vector<1x16xf32> to vector<16xf32>
        %parallel_loop3A_540 = vector.shape_cast %parallel_loop3A_535 : vector<16xf32> to vector<1x16xf32>
        tpu.vector_store %arg25[%parallel_loop3A_536, %parallel_loop3A_537], %parallel_loop3A_540 {strides = array<i32>} : memref<40x128xf32, #tpu.memory_space<vmem>>, vector<1x16xf32>,
        %parallel_loop3A_541 = arith.constant 0.000000e+00 : f32
        %parallel_loop3A_542 = vector.broadcast %parallel_loop3A_541 : f32 to vector<16xf32>
        %parallel_loop3A_543 = arith.subf %parallel_loop3A_542, %parallel_loop3A_527 : vector<16xf32>
        %parallel_loop3A_544 = math.exp %parallel_loop3A_543 : vector<16xf32>
        %parallel_loop3A_545 = arith.constant 1.000000e+00 : f32
        %parallel_loop3A_546 = vector.broadcast %parallel_loop3A_545 : f32 to vector<16xf32>
        %parallel_loop3A_547 = arith.addf %parallel_loop3A_546, %parallel_loop3A_544 : vector<16xf32>
        %parallel_loop3A_548 = arith.divf %parallel_loop3A_515, %parallel_loop3A_547 : vector<16xf32>
        %parallel_loop3A_549 = arith.index_cast %parallel_loop3A_411 : i32 to index
        %parallel_loop3A_550 = arith.constant 48 : index
        %parallel_loop3A_551 = tpu.vector_load %arg25[%parallel_loop3A_549, %parallel_loop3A_550] {strides = array<i32>} : memref<40x128xf32, #tpu.memory_space<vmem>>, vector<1x16xf32>,
        %parallel_loop3A_552 = vector.shape_cast %parallel_loop3A_551 : vector<1x16xf32> to vector<16xf32>
        %parallel_loop3A_553 = vector.shape_cast %parallel_loop3A_548 : vector<16xf32> to vector<1x16xf32>
        tpu.vector_store %arg25[%parallel_loop3A_549, %parallel_loop3A_550], %parallel_loop3A_553 {strides = array<i32>} : memref<40x128xf32, #tpu.memory_space<vmem>>, vector<1x16xf32>,
        %parallel_loop3A_554 = arith.index_cast %parallel_loop3A_411 : i32 to index
        %parallel_loop3A_555 = arith.constant 32 : index
        %parallel_loop3A_556 = tpu.vector_load %arg24[%parallel_loop3A_554, %parallel_loop3A_555] {strides = array<i32>} : memref<40x64xi32, #tpu.memory_space<vmem>>, vector<1x16xi32>,
        %parallel_loop3A_557 = vector.shape_cast %parallel_loop3A_556 : vector<1x16xi32> to vector<16xi32>
        %parallel_loop3A_558 = arith.constant 16 : i32
        %parallel_loop3A_559 = vector.broadcast %parallel_loop3A_558 : i32 to vector<16xi32>
        %parallel_loop3A_560 = arith.shli %parallel_loop3A_557, %parallel_loop3A_559 : vector<16xi32>
        %parallel_loop3A_561 = tpu.bitcast %parallel_loop3A_560 : vector<16xi32> -> vector<16xf32>
        %parallel_loop3A_562 = vector.broadcast %parallel_loop3A_406 : i32 to vector<16xi32>
        %parallel_loop3A_563 = arith.andi %parallel_loop3A_557, %parallel_loop3A_562 : vector<16xi32>
        %parallel_loop3A_564 = tpu.bitcast %parallel_loop3A_563 : vector<16xi32> -> vector<16xf32>
        %parallel_loop3A_565 = arith.index_cast %parallel_loop3A_411 : i32 to index
        %parallel_loop3A_566 = arith.constant 32 : index
        %parallel_loop3A_567 = tpu.vector_load %arg20[%parallel_loop3A_565, %parallel_loop3A_566] {strides = array<i32>} : memref<40x128xi32, #tpu.memory_space<vmem>>, vector<1x16xi32>,
        %parallel_loop3A_568 = vector.shape_cast %parallel_loop3A_567 : vector<1x16xi32> to vector<16xi32>
        %parallel_loop3A_569 = arith.constant 16 : i32
        %parallel_loop3A_570 = vector.broadcast %parallel_loop3A_569 : i32 to vector<16xi32>
        %parallel_loop3A_571 = arith.shli %parallel_loop3A_568, %parallel_loop3A_570 : vector<16xi32>
        %parallel_loop3A_572 = tpu.bitcast %parallel_loop3A_571 : vector<16xi32> -> vector<16xf32>
        %parallel_loop3A_573 = vector.broadcast %parallel_loop3A_406 : i32 to vector<16xi32>
        %parallel_loop3A_574 = arith.andi %parallel_loop3A_568, %parallel_loop3A_573 : vector<16xi32>
        %parallel_loop3A_575 = tpu.bitcast %parallel_loop3A_574 : vector<16xi32> -> vector<16xf32>
        %parallel_loop3A_576 = arith.index_cast %parallel_loop3A_411 : i32 to index
        %parallel_loop3A_577 = arith.constant 96 : index
        %parallel_loop3A_578 = tpu.vector_load %arg20[%parallel_loop3A_576, %parallel_loop3A_577] {strides = array<i32>} : memref<40x128xi32, #tpu.memory_space<vmem>>, vector<1x16xi32>,
        %parallel_loop3A_579 = vector.shape_cast %parallel_loop3A_578 : vector<1x16xi32> to vector<16xi32>
        %parallel_loop3A_580 = arith.constant 16 : i32
        %parallel_loop3A_581 = vector.broadcast %parallel_loop3A_580 : i32 to vector<16xi32>
        %parallel_loop3A_582 = arith.shli %parallel_loop3A_579, %parallel_loop3A_581 : vector<16xi32>
        %parallel_loop3A_583 = tpu.bitcast %parallel_loop3A_582 : vector<16xi32> -> vector<16xf32>
        %parallel_loop3A_584 = vector.broadcast %parallel_loop3A_406 : i32 to vector<16xi32>
        %parallel_loop3A_585 = arith.andi %parallel_loop3A_579, %parallel_loop3A_584 : vector<16xi32>
        %parallel_loop3A_586 = tpu.bitcast %parallel_loop3A_585 : vector<16xi32> -> vector<16xf32>
        %parallel_loop3A_587 = arith.index_cast %parallel_loop3A_411 : i32 to index
        %parallel_loop3A_588 = arith.constant 64 : index
        %parallel_loop3A_589 = tpu.vector_load %arg18[%parallel_loop3A_587, %parallel_loop3A_588] {strides = array<i32>} : memref<40x128xf32, #tpu.memory_space<vmem>>, vector<1x16xf32>,
        %parallel_loop3A_590 = vector.shape_cast %parallel_loop3A_589 : vector<1x16xf32> to vector<16xf32>
        %parallel_loop3A_591 = arith.addf %parallel_loop3A_590, %parallel_loop3A_561 : vector<16xf32>
        %parallel_loop3A_592 = arith.addf %parallel_loop3A_591, %parallel_loop3A_572 : vector<16xf32>
        %parallel_loop3A_593 = arith.index_cast %parallel_loop3A_411 : i32 to index
        %parallel_loop3A_594 = arith.constant 80 : index
        %parallel_loop3A_595 = tpu.vector_load %arg18[%parallel_loop3A_593, %parallel_loop3A_594] {strides = array<i32>} : memref<40x128xf32, #tpu.memory_space<vmem>>, vector<1x16xf32>,
        %parallel_loop3A_596 = vector.shape_cast %parallel_loop3A_595 : vector<1x16xf32> to vector<16xf32>
        %parallel_loop3A_597 = arith.addf %parallel_loop3A_596, %parallel_loop3A_564 : vector<16xf32>
        %parallel_loop3A_598 = arith.addf %parallel_loop3A_597, %parallel_loop3A_575 : vector<16xf32>
        %parallel_loop3A_599 = arith.constant 0.000000e+00 : f32
        %parallel_loop3A_600 = vector.broadcast %parallel_loop3A_599 : f32 to vector<16xf32>
        %parallel_loop3A_601 = arith.subf %parallel_loop3A_600, %parallel_loop3A_592 : vector<16xf32>
        %parallel_loop3A_602 = math.exp %parallel_loop3A_601 : vector<16xf32>
        %parallel_loop3A_603 = arith.constant 1.000000e+00 : f32
        %parallel_loop3A_604 = vector.broadcast %parallel_loop3A_603 : f32 to vector<16xf32>
        %parallel_loop3A_605 = arith.addf %parallel_loop3A_604, %parallel_loop3A_602 : vector<16xf32>
        %parallel_loop3A_606 = arith.divf %parallel_loop3A_583, %parallel_loop3A_605 : vector<16xf32>
        %parallel_loop3A_607 = arith.index_cast %parallel_loop3A_411 : i32 to index
        %parallel_loop3A_608 = arith.constant 64 : index
        %parallel_loop3A_609 = tpu.vector_load %arg25[%parallel_loop3A_607, %parallel_loop3A_608] {strides = array<i32>} : memref<40x128xf32, #tpu.memory_space<vmem>>, vector<1x16xf32>,
        %parallel_loop3A_610 = vector.shape_cast %parallel_loop3A_609 : vector<1x16xf32> to vector<16xf32>
        %parallel_loop3A_611 = vector.shape_cast %parallel_loop3A_606 : vector<16xf32> to vector<1x16xf32>
        tpu.vector_store %arg25[%parallel_loop3A_607, %parallel_loop3A_608], %parallel_loop3A_611 {strides = array<i32>} : memref<40x128xf32, #tpu.memory_space<vmem>>, vector<1x16xf32>,
        %parallel_loop3A_612 = arith.constant 0.000000e+00 : f32
        %parallel_loop3A_613 = vector.broadcast %parallel_loop3A_612 : f32 to vector<16xf32>
        %parallel_loop3A_614 = arith.subf %parallel_loop3A_613, %parallel_loop3A_598 : vector<16xf32>
        %parallel_loop3A_615 = math.exp %parallel_loop3A_614 : vector<16xf32>
        %parallel_loop3A_616 = arith.constant 1.000000e+00 : f32
        %parallel_loop3A_617 = vector.broadcast %parallel_loop3A_616 : f32 to vector<16xf32>
        %parallel_loop3A_618 = arith.addf %parallel_loop3A_617, %parallel_loop3A_615 : vector<16xf32>
        %parallel_loop3A_619 = arith.divf %parallel_loop3A_586, %parallel_loop3A_618 : vector<16xf32>
        %parallel_loop3A_620 = arith.index_cast %parallel_loop3A_411 : i32 to index
        %parallel_loop3A_621 = arith.constant 80 : index
        %parallel_loop3A_622 = tpu.vector_load %arg25[%parallel_loop3A_620, %parallel_loop3A_621] {strides = array<i32>} : memref<40x128xf32, #tpu.memory_space<vmem>>, vector<1x16xf32>,
        %parallel_loop3A_623 = vector.shape_cast %parallel_loop3A_622 : vector<1x16xf32> to vector<16xf32>
        %parallel_loop3A_624 = vector.shape_cast %parallel_loop3A_619 : vector<16xf32> to vector<1x16xf32>
        tpu.vector_store %arg25[%parallel_loop3A_620, %parallel_loop3A_621], %parallel_loop3A_624 {strides = array<i32>} : memref<40x128xf32, #tpu.memory_space<vmem>>, vector<1x16xf32>,
        %parallel_loop3A_625 = arith.index_cast %parallel_loop3A_411 : i32 to index
        %parallel_loop3A_626 = arith.constant 48 : index
        %parallel_loop3A_627 = tpu.vector_load %arg24[%parallel_loop3A_625, %parallel_loop3A_626] {strides = array<i32>} : memref<40x64xi32, #tpu.memory_space<vmem>>, vector<1x16xi32>,
        %parallel_loop3A_628 = vector.shape_cast %parallel_loop3A_627 : vector<1x16xi32> to vector<16xi32>
        %parallel_loop3A_629 = arith.constant 16 : i32
        %parallel_loop3A_630 = vector.broadcast %parallel_loop3A_629 : i32 to vector<16xi32>
        %parallel_loop3A_631 = arith.shli %parallel_loop3A_628, %parallel_loop3A_630 : vector<16xi32>
        %parallel_loop3A_632 = tpu.bitcast %parallel_loop3A_631 : vector<16xi32> -> vector<16xf32>
        %parallel_loop3A_633 = vector.broadcast %parallel_loop3A_406 : i32 to vector<16xi32>
        %parallel_loop3A_634 = arith.andi %parallel_loop3A_628, %parallel_loop3A_633 : vector<16xi32>
        %parallel_loop3A_635 = tpu.bitcast %parallel_loop3A_634 : vector<16xi32> -> vector<16xf32>
        %parallel_loop3A_636 = arith.index_cast %parallel_loop3A_411 : i32 to index
        %parallel_loop3A_637 = arith.constant 48 : index
        %parallel_loop3A_638 = tpu.vector_load %arg20[%parallel_loop3A_636, %parallel_loop3A_637] {strides = array<i32>} : memref<40x128xi32, #tpu.memory_space<vmem>>, vector<1x16xi32>,
        %parallel_loop3A_639 = vector.shape_cast %parallel_loop3A_638 : vector<1x16xi32> to vector<16xi32>
        %parallel_loop3A_640 = arith.constant 16 : i32
        %parallel_loop3A_641 = vector.broadcast %parallel_loop3A_640 : i32 to vector<16xi32>
        %parallel_loop3A_642 = arith.shli %parallel_loop3A_639, %parallel_loop3A_641 : vector<16xi32>
        %parallel_loop3A_643 = tpu.bitcast %parallel_loop3A_642 : vector<16xi32> -> vector<16xf32>
        %parallel_loop3A_644 = vector.broadcast %parallel_loop3A_406 : i32 to vector<16xi32>
        %parallel_loop3A_645 = arith.andi %parallel_loop3A_639, %parallel_loop3A_644 : vector<16xi32>
        %parallel_loop3A_646 = tpu.bitcast %parallel_loop3A_645 : vector<16xi32> -> vector<16xf32>
        %parallel_loop3A_647 = arith.index_cast %parallel_loop3A_411 : i32 to index
        %parallel_loop3A_648 = arith.constant 112 : index
        %parallel_loop3A_649 = tpu.vector_load %arg20[%parallel_loop3A_647, %parallel_loop3A_648] {strides = array<i32>} : memref<40x128xi32, #tpu.memory_space<vmem>>, vector<1x16xi32>,
        %parallel_loop3A_650 = vector.shape_cast %parallel_loop3A_649 : vector<1x16xi32> to vector<16xi32>
        %parallel_loop3A_651 = arith.constant 16 : i32
        %parallel_loop3A_652 = vector.broadcast %parallel_loop3A_651 : i32 to vector<16xi32>
        %parallel_loop3A_653 = arith.shli %parallel_loop3A_650, %parallel_loop3A_652 : vector<16xi32>
        %parallel_loop3A_654 = tpu.bitcast %parallel_loop3A_653 : vector<16xi32> -> vector<16xf32>
        %parallel_loop3A_655 = vector.broadcast %parallel_loop3A_406 : i32 to vector<16xi32>
        %parallel_loop3A_656 = arith.andi %parallel_loop3A_650, %parallel_loop3A_655 : vector<16xi32>
        %parallel_loop3A_657 = tpu.bitcast %parallel_loop3A_656 : vector<16xi32> -> vector<16xf32>
        %parallel_loop3A_658 = arith.index_cast %parallel_loop3A_411 : i32 to index
        %parallel_loop3A_659 = arith.constant 96 : index
        %parallel_loop3A_660 = tpu.vector_load %arg18[%parallel_loop3A_658, %parallel_loop3A_659] {strides = array<i32>} : memref<40x128xf32, #tpu.memory_space<vmem>>, vector<1x16xf32>,
        %parallel_loop3A_661 = vector.shape_cast %parallel_loop3A_660 : vector<1x16xf32> to vector<16xf32>
        %parallel_loop3A_662 = arith.addf %parallel_loop3A_661, %parallel_loop3A_632 : vector<16xf32>
        %parallel_loop3A_663 = arith.addf %parallel_loop3A_662, %parallel_loop3A_643 : vector<16xf32>
        %parallel_loop3A_664 = arith.index_cast %parallel_loop3A_411 : i32 to index
        %parallel_loop3A_665 = arith.constant 112 : index
        %parallel_loop3A_666 = tpu.vector_load %arg18[%parallel_loop3A_664, %parallel_loop3A_665] {strides = array<i32>} : memref<40x128xf32, #tpu.memory_space<vmem>>, vector<1x16xf32>,
        %parallel_loop3A_667 = vector.shape_cast %parallel_loop3A_666 : vector<1x16xf32> to vector<16xf32>
        %parallel_loop3A_668 = arith.addf %parallel_loop3A_667, %parallel_loop3A_635 : vector<16xf32>
        %parallel_loop3A_669 = arith.addf %parallel_loop3A_668, %parallel_loop3A_646 : vector<16xf32>
        %parallel_loop3A_670 = arith.constant 0.000000e+00 : f32
        %parallel_loop3A_671 = vector.broadcast %parallel_loop3A_670 : f32 to vector<16xf32>
        %parallel_loop3A_672 = arith.subf %parallel_loop3A_671, %parallel_loop3A_663 : vector<16xf32>
        %parallel_loop3A_673 = math.exp %parallel_loop3A_672 : vector<16xf32>
        %parallel_loop3A_674 = arith.constant 1.000000e+00 : f32
        %parallel_loop3A_675 = vector.broadcast %parallel_loop3A_674 : f32 to vector<16xf32>
        %parallel_loop3A_676 = arith.addf %parallel_loop3A_675, %parallel_loop3A_673 : vector<16xf32>
        %parallel_loop3A_677 = arith.divf %parallel_loop3A_654, %parallel_loop3A_676 : vector<16xf32>
        %parallel_loop3A_678 = arith.index_cast %parallel_loop3A_411 : i32 to index
        %parallel_loop3A_679 = arith.constant 96 : index
        %parallel_loop3A_680 = tpu.vector_load %arg25[%parallel_loop3A_678, %parallel_loop3A_679] {strides = array<i32>} : memref<40x128xf32, #tpu.memory_space<vmem>>, vector<1x16xf32>,
        %parallel_loop3A_681 = vector.shape_cast %parallel_loop3A_680 : vector<1x16xf32> to vector<16xf32>
        %parallel_loop3A_682 = vector.shape_cast %parallel_loop3A_677 : vector<16xf32> to vector<1x16xf32>
        tpu.vector_store %arg25[%parallel_loop3A_678, %parallel_loop3A_679], %parallel_loop3A_682 {strides = array<i32>} : memref<40x128xf32, #tpu.memory_space<vmem>>, vector<1x16xf32>,
        %parallel_loop3A_683 = arith.constant 0.000000e+00 : f32
        %parallel_loop3A_684 = vector.broadcast %parallel_loop3A_683 : f32 to vector<16xf32>
        %parallel_loop3A_685 = arith.subf %parallel_loop3A_684, %parallel_loop3A_669 : vector<16xf32>
        %parallel_loop3A_686 = math.exp %parallel_loop3A_685 : vector<16xf32>
        %parallel_loop3A_687 = arith.constant 1.000000e+00 : f32
        %parallel_loop3A_688 = vector.broadcast %parallel_loop3A_687 : f32 to vector<16xf32>
        %parallel_loop3A_689 = arith.addf %parallel_loop3A_688, %parallel_loop3A_686 : vector<16xf32>
        %parallel_loop3A_690 = arith.divf %parallel_loop3A_657, %parallel_loop3A_689 : vector<16xf32>
        %parallel_loop3A_691 = arith.index_cast %parallel_loop3A_411 : i32 to index
        %parallel_loop3A_692 = arith.constant 112 : index
        %parallel_loop3A_693 = tpu.vector_load %arg25[%parallel_loop3A_691, %parallel_loop3A_692] {strides = array<i32>} : memref<40x128xf32, #tpu.memory_space<vmem>>, vector<1x16xf32>,
        %parallel_loop3A_694 = vector.shape_cast %parallel_loop3A_693 : vector<1x16xf32> to vector<16xf32>
        %parallel_loop3A_695 = vector.shape_cast %parallel_loop3A_690 : vector<16xf32> to vector<1x16xf32>
        tpu.vector_store %arg25[%parallel_loop3A_691, %parallel_loop3A_692], %parallel_loop3A_695 {strides = array<i32>} : memref<40x128xf32, #tpu.memory_space<vmem>>, vector<1x16xf32>,
      } {sc.loop_unroll_factor = 1 : i64, sc.parallel_access}
      %dma_start3A_407 = arith.constant 0 : i32
      %dma_start3A_408 = arith.constant 0 : i32
      %dma_start3A_409 = tpu.memref_slice %arg26[%dma_start3A_407, %dma_start3A_408] : memref<10240x128xf32, #tpu.memory_space<vmem_shared>> -> memref<10240x128xf32, #tpu.memory_space<vmem_shared>>
      tpu.enqueue_indirect_dma source(%arg25 : memref<40x128xf32, #tpu.memory_space<vmem>>) target(%dma_start3A_409 : memref<10240x128xf32, #tpu.memory_space<vmem_shared>>) offsets(%arg16 : memref<40xi32, #tpu.memory_space<vmem>>) semaphore(%arg33 : memref<!tpu.dma_semaphore, #tpu.memory_space<semaphore_mem>>) {add = true}
      %scan3A_410 = arith.constant 0 : i32
      scf.yield %scan3A_410 : i32
    }
    %scan3A_81 = arith.constant 62 : i32
    %dma_wait3A = arith.constant 0 : i32
    %dma_wait3A_82 = arith.constant 0 : i32
    %dma_wait3A_83 = tpu.memref_slice %arg4[%dma_wait3A, %dma_wait3A_82] : memref<320000x64xi32, #tpu.memory_space<hbm>> -> memref<40x64xi32, #tpu.memory_space<hbm>>
    %dma_wait3A_84 = arith.constant 0 : i32
    %dma_wait3A_85 = arith.constant 0 : i32
    %dma_wait3A_86 = tpu.memref_slice %arg4[%dma_wait3A_84, %dma_wait3A_85] : memref<320000x64xi32, #tpu.memory_space<hbm>> -> memref<40x64xi32, #tpu.memory_space<hbm>>
    tpu.wait_dma2 semaphore(%arg30 : memref<!tpu.dma_semaphore, #tpu.memory_space<semaphore_mem>>) src(%dma_wait3A_86 : memref<40x64xi32, #tpu.memory_space<hbm>>) dst(%arg22 : memref<40x64xi32, #tpu.memory_space<vmem>>)
    %dma_wait3A_87 = arith.constant 0 : i32
    %dma_wait3A_88 = tpu.memref_slice %arg5[%dma_wait3A_87] : memref<320000xi32, #tpu.memory_space<hbm>> -> memref<40xi32, #tpu.memory_space<hbm>>
    %dma_wait3A_89 = arith.constant 0 : i32
    %dma_wait3A_90 = tpu.memref_slice %arg5[%dma_wait3A_89] : memref<320000xi32, #tpu.memory_space<hbm>> -> memref<40xi32, #tpu.memory_space<hbm>>
    tpu.wait_dma2 semaphore(%arg30 : memref<!tpu.dma_semaphore, #tpu.memory_space<semaphore_mem>>) src(%dma_wait3A_90 : memref<40xi32, #tpu.memory_space<hbm>>) dst(%arg10 : memref<40xi32, #tpu.memory_space<vmem>>)
    %dma_wait3A_91 = arith.constant 0 : i32
    %dma_wait3A_92 = tpu.memref_slice %arg6[%dma_wait3A_91] : memref<320000xi32, #tpu.memory_space<hbm>> -> memref<40xi32, #tpu.memory_space<hbm>>
    %dma_wait3A_93 = arith.constant 0 : i32
    %dma_wait3A_94 = tpu.memref_slice %arg6[%dma_wait3A_93] : memref<320000xi32, #tpu.memory_space<hbm>> -> memref<40xi32, #tpu.memory_space<hbm>>
    tpu.wait_dma2 semaphore(%arg30 : memref<!tpu.dma_semaphore, #tpu.memory_space<semaphore_mem>>) src(%dma_wait3A_94 : memref<40xi32, #tpu.memory_space<hbm>>) dst(%arg14 : memref<40xi32, #tpu.memory_space<vmem>>)
    %dma_start3A_95 = arith.constant 0 : i32
    %dma_start3A_96 = arith.constant 0 : i32
    %dma_start3A_97 = tpu.memref_slice %arg2[%dma_start3A_95, %dma_start3A_96] : memref<10000x128xf32, #tpu.memory_space<hbm>> -> memref<10000x128xf32, #tpu.memory_space<hbm>>
    tpu.enqueue_indirect_dma source(%dma_start3A_97 : memref<10000x128xf32, #tpu.memory_space<hbm>>) target(%arg18 : memref<40x128xf32, #tpu.memory_space<vmem>>) offsets(%arg14 : memref<40xi32, #tpu.memory_space<vmem>>) semaphore(%arg28 : memref<!tpu.dma_semaphore, #tpu.memory_space<semaphore_mem>>)
    %dma_start3A_98 = arith.constant 0 : i32
    %dma_start3A_99 = arith.constant 0 : i32
    %dma_start3A_100 = tpu.memref_slice %arg3[%dma_start3A_98, %dma_start3A_99] : memref<10000x128xi32, #tpu.memory_space<hbm>> -> memref<10000x128xi32, #tpu.memory_space<hbm>>
    tpu.enqueue_indirect_dma source(%dma_start3A_100 : memref<10000x128xi32, #tpu.memory_space<hbm>>) target(%arg20 : memref<40x128xi32, #tpu.memory_space<vmem>>) offsets(%arg10 : memref<40xi32, #tpu.memory_space<vmem>>) semaphore(%arg28 : memref<!tpu.dma_semaphore, #tpu.memory_space<semaphore_mem>>)
    %dma_wait3A_101 = arith.constant 0 : i32
    %dma_wait3A_102 = arith.constant 0 : i32
    %dma_wait3A_103 = tpu.memref_slice %arg2[%dma_wait3A_101, %dma_wait3A_102] : memref<10000x128xf32, #tpu.memory_space<hbm>> -> memref<40x128xf32, #tpu.memory_space<hbm>>
    %dma_wait3A_104 = arith.constant 0 : i32
    %dma_wait3A_105 = arith.constant 0 : i32
    %dma_wait3A_106 = tpu.memref_slice %arg2[%dma_wait3A_104, %dma_wait3A_105] : memref<10000x128xf32, #tpu.memory_space<hbm>> -> memref<40x128xf32, #tpu.memory_space<hbm>>
    tpu.wait_dma2 semaphore(%arg27 : memref<!tpu.dma_semaphore, #tpu.memory_space<semaphore_mem>>) src(%dma_wait3A_106 : memref<40x128xf32, #tpu.memory_space<hbm>>) dst(%arg17 : memref<40x128xf32, #tpu.memory_space<vmem>>)
    %dma_wait3A_107 = arith.constant 0 : i32
    %dma_wait3A_108 = arith.constant 0 : i32
    %dma_wait3A_109 = tpu.memref_slice %arg3[%dma_wait3A_107, %dma_wait3A_108] : memref<10000x128xi32, #tpu.memory_space<hbm>> -> memref<40x128xi32, #tpu.memory_space<hbm>>
    %dma_wait3A_110 = arith.constant 0 : i32
    %dma_wait3A_111 = arith.constant 0 : i32
    %dma_wait3A_112 = tpu.memref_slice %arg3[%dma_wait3A_110, %dma_wait3A_111] : memref<10000x128xi32, #tpu.memory_space<hbm>> -> memref<40x128xi32, #tpu.memory_space<hbm>>
    tpu.wait_dma2 semaphore(%arg27 : memref<!tpu.dma_semaphore, #tpu.memory_space<semaphore_mem>>) src(%dma_wait3A_112 : memref<40x128xi32, #tpu.memory_space<hbm>>) dst(%arg19 : memref<40x128xi32, #tpu.memory_space<vmem>>)
    %dma_wait3A_113 = arith.constant 0 : i32
    %dma_wait3A_114 = arith.constant 0 : i32
    %dma_wait3A_115 = tpu.memref_slice %arg7[%dma_wait3A_113, %dma_wait3A_114] : memref<10240x128xf32, #tpu.memory_space<hbm>> -> memref<40x128xf32, #tpu.memory_space<hbm>>
    %dma_wait3A_116 = arith.constant 0 : i32
    %dma_wait3A_117 = arith.constant 0 : i32
    %dma_wait3A_118 = tpu.memref_slice %arg7[%dma_wait3A_116, %dma_wait3A_117] : memref<10240x128xf32, #tpu.memory_space<hbm>> -> memref<40x128xf32, #tpu.memory_space<hbm>>
    tpu.wait_dma2 semaphore(%arg33 : memref<!tpu.dma_semaphore, #tpu.memory_space<semaphore_mem>>) src(%dma_wait3A_118 : memref<40x128xf32, #tpu.memory_space<hbm>>) dst(%arg25 : memref<40x128xf32, #tpu.memory_space<vmem>>)
    %parallel_loop3A = arith.constant 0 : i32
    %parallel_loop3A_119 = arith.constant 40 : i32
    %parallel_loop3A_120 = arith.constant 1 : i32
    %parallel_loop3A_121 = arith.constant -65536 : i32
    scf.for %parallel_loop3A_164 = %parallel_loop3A to %parallel_loop3A_119 step %parallel_loop3A_120  : i32 {
      %parallel_loop3A_165 = arith.index_cast %parallel_loop3A_164 : i32 to index
      %parallel_loop3A_166 = arith.constant 0 : index
      %parallel_loop3A_167 = tpu.vector_load %arg21[%parallel_loop3A_165, %parallel_loop3A_166] {strides = array<i32>} : memref<40x64xi32, #tpu.memory_space<vmem>>, vector<1x16xi32>,
      %parallel_loop3A_168 = vector.shape_cast %parallel_loop3A_167 : vector<1x16xi32> to vector<16xi32>
      %parallel_loop3A_169 = arith.constant 16 : i32
      %parallel_loop3A_170 = vector.broadcast %parallel_loop3A_169 : i32 to vector<16xi32>
      %parallel_loop3A_171 = arith.shli %parallel_loop3A_168, %parallel_loop3A_170 : vector<16xi32>
      %parallel_loop3A_172 = tpu.bitcast %parallel_loop3A_171 : vector<16xi32> -> vector<16xf32>
      %parallel_loop3A_173 = vector.broadcast %parallel_loop3A_121 : i32 to vector<16xi32>
      %parallel_loop3A_174 = arith.andi %parallel_loop3A_168, %parallel_loop3A_173 : vector<16xi32>
      %parallel_loop3A_175 = tpu.bitcast %parallel_loop3A_174 : vector<16xi32> -> vector<16xf32>
      %parallel_loop3A_176 = arith.index_cast %parallel_loop3A_164 : i32 to index
      %parallel_loop3A_177 = arith.constant 0 : index
      %parallel_loop3A_178 = tpu.vector_load %arg19[%parallel_loop3A_176, %parallel_loop3A_177] {strides = array<i32>} : memref<40x128xi32, #tpu.memory_space<vmem>>, vector<1x16xi32>,
      %parallel_loop3A_179 = vector.shape_cast %parallel_loop3A_178 : vector<1x16xi32> to vector<16xi32>
      %parallel_loop3A_180 = arith.constant 16 : i32
      %parallel_loop3A_181 = vector.broadcast %parallel_loop3A_180 : i32 to vector<16xi32>
      %parallel_loop3A_182 = arith.shli %parallel_loop3A_179, %parallel_loop3A_181 : vector<16xi32>
      %parallel_loop3A_183 = tpu.bitcast %parallel_loop3A_182 : vector<16xi32> -> vector<16xf32>
      %parallel_loop3A_184 = vector.broadcast %parallel_loop3A_121 : i32 to vector<16xi32>
      %parallel_loop3A_185 = arith.andi %parallel_loop3A_179, %parallel_loop3A_184 : vector<16xi32>
      %parallel_loop3A_186 = tpu.bitcast %parallel_loop3A_185 : vector<16xi32> -> vector<16xf32>
      %parallel_loop3A_187 = arith.index_cast %parallel_loop3A_164 : i32 to index
      %parallel_loop3A_188 = arith.constant 64 : index
      %parallel_loop3A_189 = tpu.vector_load %arg19[%parallel_loop3A_187, %parallel_loop3A_188] {strides = array<i32>} : memref<40x128xi32, #tpu.memory_space<vmem>>, vector<1x16xi32>,
      %parallel_loop3A_190 = vector.shape_cast %parallel_loop3A_189 : vector<1x16xi32> to vector<16xi32>
      %parallel_loop3A_191 = arith.constant 16 : i32
      %parallel_loop3A_192 = vector.broadcast %parallel_loop3A_191 : i32 to vector<16xi32>
      %parallel_loop3A_193 = arith.shli %parallel_loop3A_190, %parallel_loop3A_192 : vector<16xi32>
      %parallel_loop3A_194 = tpu.bitcast %parallel_loop3A_193 : vector<16xi32> -> vector<16xf32>
      %parallel_loop3A_195 = vector.broadcast %parallel_loop3A_121 : i32 to vector<16xi32>
      %parallel_loop3A_196 = arith.andi %parallel_loop3A_190, %parallel_loop3A_195 : vector<16xi32>
      %parallel_loop3A_197 = tpu.bitcast %parallel_loop3A_196 : vector<16xi32> -> vector<16xf32>
      %parallel_loop3A_198 = arith.index_cast %parallel_loop3A_164 : i32 to index
      %parallel_loop3A_199 = arith.constant 0 : index
      %parallel_loop3A_200 = tpu.vector_load %arg17[%parallel_loop3A_198, %parallel_loop3A_199] {strides = array<i32>} : memref<40x128xf32, #tpu.memory_space<vmem>>, vector<1x16xf32>,
      %parallel_loop3A_201 = vector.shape_cast %parallel_loop3A_200 : vector<1x16xf32> to vector<16xf32>
      %parallel_loop3A_202 = arith.addf %parallel_loop3A_201, %parallel_loop3A_172 : vector<16xf32>
      %parallel_loop3A_203 = arith.addf %parallel_loop3A_202, %parallel_loop3A_183 : vector<16xf32>
      %parallel_loop3A_204 = arith.index_cast %parallel_loop3A_164 : i32 to index
      %parallel_loop3A_205 = arith.constant 16 : index
      %parallel_loop3A_206 = tpu.vector_load %arg17[%parallel_loop3A_204, %parallel_loop3A_205] {strides = array<i32>} : memref<40x128xf32, #tpu.memory_space<vmem>>, vector<1x16xf32>,
      %parallel_loop3A_207 = vector.shape_cast %parallel_loop3A_206 : vector<1x16xf32> to vector<16xf32>
      %parallel_loop3A_208 = arith.addf %parallel_loop3A_207, %parallel_loop3A_175 : vector<16xf32>
      %parallel_loop3A_209 = arith.addf %parallel_loop3A_208, %parallel_loop3A_186 : vector<16xf32>
      %parallel_loop3A_210 = arith.constant 0.000000e+00 : f32
      %parallel_loop3A_211 = vector.broadcast %parallel_loop3A_210 : f32 to vector<16xf32>
      %parallel_loop3A_212 = arith.subf %parallel_loop3A_211, %parallel_loop3A_203 : vector<16xf32>
      %parallel_loop3A_213 = math.exp %parallel_loop3A_212 : vector<16xf32>
      %parallel_loop3A_214 = arith.constant 1.000000e+00 : f32
      %parallel_loop3A_215 = vector.broadcast %parallel_loop3A_214 : f32 to vector<16xf32>
      %parallel_loop3A_216 = arith.addf %parallel_loop3A_215, %parallel_loop3A_213 : vector<16xf32>
      %parallel_loop3A_217 = arith.divf %parallel_loop3A_194, %parallel_loop3A_216 : vector<16xf32>
      %parallel_loop3A_218 = arith.index_cast %parallel_loop3A_164 : i32 to index
      %parallel_loop3A_219 = arith.constant 0 : index
      %parallel_loop3A_220 = tpu.vector_load %arg25[%parallel_loop3A_218, %parallel_loop3A_219] {strides = array<i32>} : memref<40x128xf32, #tpu.memory_space<vmem>>, vector<1x16xf32>,
      %parallel_loop3A_221 = vector.shape_cast %parallel_loop3A_220 : vector<1x16xf32> to vector<16xf32>
      %parallel_loop3A_222 = vector.shape_cast %parallel_loop3A_217 : vector<16xf32> to vector<1x16xf32>
      tpu.vector_store %arg25[%parallel_loop3A_218, %parallel_loop3A_219], %parallel_loop3A_222 {strides = array<i32>} : memref<40x128xf32, #tpu.memory_space<vmem>>, vector<1x16xf32>,
      %parallel_loop3A_223 = arith.constant 0.000000e+00 : f32
      %parallel_loop3A_224 = vector.broadcast %parallel_loop3A_223 : f32 to vector<16xf32>
      %parallel_loop3A_225 = arith.subf %parallel_loop3A_224, %parallel_loop3A_209 : vector<16xf32>
      %parallel_loop3A_226 = math.exp %parallel_loop3A_225 : vector<16xf32>
      %parallel_loop3A_227 = arith.constant 1.000000e+00 : f32
      %parallel_loop3A_228 = vector.broadcast %parallel_loop3A_227 : f32 to vector<16xf32>
      %parallel_loop3A_229 = arith.addf %parallel_loop3A_228, %parallel_loop3A_226 : vector<16xf32>
      %parallel_loop3A_230 = arith.divf %parallel_loop3A_197, %parallel_loop3A_229 : vector<16xf32>
      %parallel_loop3A_231 = arith.index_cast %parallel_loop3A_164 : i32 to index
      %parallel_loop3A_232 = arith.constant 16 : index
      %parallel_loop3A_233 = tpu.vector_load %arg25[%parallel_loop3A_231, %parallel_loop3A_232] {strides = array<i32>} : memref<40x128xf32, #tpu.memory_space<vmem>>, vector<1x16xf32>,
      %parallel_loop3A_234 = vector.shape_cast %parallel_loop3A_233 : vector<1x16xf32> to vector<16xf32>
      %parallel_loop3A_235 = vector.shape_cast %parallel_loop3A_230 : vector<16xf32> to vector<1x16xf32>
      tpu.vector_store %arg25[%parallel_loop3A_231, %parallel_loop3A_232], %parallel_loop3A_235 {strides = array<i32>} : memref<40x128xf32, #tpu.memory_space<vmem>>, vector<1x16xf32>,
      %parallel_loop3A_236 = arith.index_cast %parallel_loop3A_164 : i32 to index
      %parallel_loop3A_237 = arith.constant 16 : index
      %parallel_loop3A_238 = tpu.vector_load %arg21[%parallel_loop3A_236, %parallel_loop3A_237] {strides = array<i32>} : memref<40x64xi32, #tpu.memory_space<vmem>>, vector<1x16xi32>,
      %parallel_loop3A_239 = vector.shape_cast %parallel_loop3A_238 : vector<1x16xi32> to vector<16xi32>
      %parallel_loop3A_240 = arith.constant 16 : i32
      %parallel_loop3A_241 = vector.broadcast %parallel_loop3A_240 : i32 to vector<16xi32>
      %parallel_loop3A_242 = arith.shli %parallel_loop3A_239, %parallel_loop3A_241 : vector<16xi32>
      %parallel_loop3A_243 = tpu.bitcast %parallel_loop3A_242 : vector<16xi32> -> vector<16xf32>
      %parallel_loop3A_244 = vector.broadcast %parallel_loop3A_121 : i32 to vector<16xi32>
      %parallel_loop3A_245 = arith.andi %parallel_loop3A_239, %parallel_loop3A_244 : vector<16xi32>
      %parallel_loop3A_246 = tpu.bitcast %parallel_loop3A_245 : vector<16xi32> -> vector<16xf32>
      %parallel_loop3A_247 = arith.index_cast %parallel_loop3A_164 : i32 to index
      %parallel_loop3A_248 = arith.constant 16 : index
      %parallel_loop3A_249 = tpu.vector_load %arg19[%parallel_loop3A_247, %parallel_loop3A_248] {strides = array<i32>} : memref<40x128xi32, #tpu.memory_space<vmem>>, vector<1x16xi32>,
      %parallel_loop3A_250 = vector.shape_cast %parallel_loop3A_249 : vector<1x16xi32> to vector<16xi32>
      %parallel_loop3A_251 = arith.constant 16 : i32
      %parallel_loop3A_252 = vector.broadcast %parallel_loop3A_251 : i32 to vector<16xi32>
      %parallel_loop3A_253 = arith.shli %parallel_loop3A_250, %parallel_loop3A_252 : vector<16xi32>
      %parallel_loop3A_254 = tpu.bitcast %parallel_loop3A_253 : vector<16xi32> -> vector<16xf32>
      %parallel_loop3A_255 = vector.broadcast %parallel_loop3A_121 : i32 to vector<16xi32>
      %parallel_loop3A_256 = arith.andi %parallel_loop3A_250, %parallel_loop3A_255 : vector<16xi32>
      %parallel_loop3A_257 = tpu.bitcast %parallel_loop3A_256 : vector<16xi32> -> vector<16xf32>
      %parallel_loop3A_258 = arith.index_cast %parallel_loop3A_164 : i32 to index
      %parallel_loop3A_259 = arith.constant 80 : index
      %parallel_loop3A_260 = tpu.vector_load %arg19[%parallel_loop3A_258, %parallel_loop3A_259] {strides = array<i32>} : memref<40x128xi32, #tpu.memory_space<vmem>>, vector<1x16xi32>,
      %parallel_loop3A_261 = vector.shape_cast %parallel_loop3A_260 : vector<1x16xi32> to vector<16xi32>
      %parallel_loop3A_262 = arith.constant 16 : i32
      %parallel_loop3A_263 = vector.broadcast %parallel_loop3A_262 : i32 to vector<16xi32>
      %parallel_loop3A_264 = arith.shli %parallel_loop3A_261, %parallel_loop3A_263 : vector<16xi32>
      %parallel_loop3A_265 = tpu.bitcast %parallel_loop3A_264 : vector<16xi32> -> vector<16xf32>
      %parallel_loop3A_266 = vector.broadcast %parallel_loop3A_121 : i32 to vector<16xi32>
      %parallel_loop3A_267 = arith.andi %parallel_loop3A_261, %parallel_loop3A_266 : vector<16xi32>
      %parallel_loop3A_268 = tpu.bitcast %parallel_loop3A_267 : vector<16xi32> -> vector<16xf32>
      %parallel_loop3A_269 = arith.index_cast %parallel_loop3A_164 : i32 to index
      %parallel_loop3A_270 = arith.constant 32 : index
      %parallel_loop3A_271 = tpu.vector_load %arg17[%parallel_loop3A_269, %parallel_loop3A_270] {strides = array<i32>} : memref<40x128xf32, #tpu.memory_space<vmem>>, vector<1x16xf32>,
      %parallel_loop3A_272 = vector.shape_cast %parallel_loop3A_271 : vector<1x16xf32> to vector<16xf32>
      %parallel_loop3A_273 = arith.addf %parallel_loop3A_272, %parallel_loop3A_243 : vector<16xf32>
      %parallel_loop3A_274 = arith.addf %parallel_loop3A_273, %parallel_loop3A_254 : vector<16xf32>
      %parallel_loop3A_275 = arith.index_cast %parallel_loop3A_164 : i32 to index
      %parallel_loop3A_276 = arith.constant 48 : index
      %parallel_loop3A_277 = tpu.vector_load %arg17[%parallel_loop3A_275, %parallel_loop3A_276] {strides = array<i32>} : memref<40x128xf32, #tpu.memory_space<vmem>>, vector<1x16xf32>,
      %parallel_loop3A_278 = vector.shape_cast %parallel_loop3A_277 : vector<1x16xf32> to vector<16xf32>
      %parallel_loop3A_279 = arith.addf %parallel_loop3A_278, %parallel_loop3A_246 : vector<16xf32>
      %parallel_loop3A_280 = arith.addf %parallel_loop3A_279, %parallel_loop3A_257 : vector<16xf32>
      %parallel_loop3A_281 = arith.constant 0.000000e+00 : f32
      %parallel_loop3A_282 = vector.broadcast %parallel_loop3A_281 : f32 to vector<16xf32>
      %parallel_loop3A_283 = arith.subf %parallel_loop3A_282, %parallel_loop3A_274 : vector<16xf32>
      %parallel_loop3A_284 = math.exp %parallel_loop3A_283 : vector<16xf32>
      %parallel_loop3A_285 = arith.constant 1.000000e+00 : f32
      %parallel_loop3A_286 = vector.broadcast %parallel_loop3A_285 : f32 to vector<16xf32>
      %parallel_loop3A_287 = arith.addf %parallel_loop3A_286, %parallel_loop3A_284 : vector<16xf32>
      %parallel_loop3A_288 = arith.divf %parallel_loop3A_265, %parallel_loop3A_287 : vector<16xf32>
      %parallel_loop3A_289 = arith.index_cast %parallel_loop3A_164 : i32 to index
      %parallel_loop3A_290 = arith.constant 32 : index
      %parallel_loop3A_291 = tpu.vector_load %arg25[%parallel_loop3A_289, %parallel_loop3A_290] {strides = array<i32>} : memref<40x128xf32, #tpu.memory_space<vmem>>, vector<1x16xf32>,
      %parallel_loop3A_292 = vector.shape_cast %parallel_loop3A_291 : vector<1x16xf32> to vector<16xf32>
      %parallel_loop3A_293 = vector.shape_cast %parallel_loop3A_288 : vector<16xf32> to vector<1x16xf32>
      tpu.vector_store %arg25[%parallel_loop3A_289, %parallel_loop3A_290], %parallel_loop3A_293 {strides = array<i32>} : memref<40x128xf32, #tpu.memory_space<vmem>>, vector<1x16xf32>,
      %parallel_loop3A_294 = arith.constant 0.000000e+00 : f32
      %parallel_loop3A_295 = vector.broadcast %parallel_loop3A_294 : f32 to vector<16xf32>
      %parallel_loop3A_296 = arith.subf %parallel_loop3A_295, %parallel_loop3A_280 : vector<16xf32>
      %parallel_loop3A_297 = math.exp %parallel_loop3A_296 : vector<16xf32>
      %parallel_loop3A_298 = arith.constant 1.000000e+00 : f32
      %parallel_loop3A_299 = vector.broadcast %parallel_loop3A_298 : f32 to vector<16xf32>
      %parallel_loop3A_300 = arith.addf %parallel_loop3A_299, %parallel_loop3A_297 : vector<16xf32>
      %parallel_loop3A_301 = arith.divf %parallel_loop3A_268, %parallel_loop3A_300 : vector<16xf32>
      %parallel_loop3A_302 = arith.index_cast %parallel_loop3A_164 : i32 to index
      %parallel_loop3A_303 = arith.constant 48 : index
      %parallel_loop3A_304 = tpu.vector_load %arg25[%parallel_loop3A_302, %parallel_loop3A_303] {strides = array<i32>} : memref<40x128xf32, #tpu.memory_space<vmem>>, vector<1x16xf32>,
      %parallel_loop3A_305 = vector.shape_cast %parallel_loop3A_304 : vector<1x16xf32> to vector<16xf32>
      %parallel_loop3A_306 = vector.shape_cast %parallel_loop3A_301 : vector<16xf32> to vector<1x16xf32>
      tpu.vector_store %arg25[%parallel_loop3A_302, %parallel_loop3A_303], %parallel_loop3A_306 {strides = array<i32>} : memref<40x128xf32, #tpu.memory_space<vmem>>, vector<1x16xf32>,
      %parallel_loop3A_307 = arith.index_cast %parallel_loop3A_164 : i32 to index
      %parallel_loop3A_308 = arith.constant 32 : index
      %parallel_loop3A_309 = tpu.vector_load %arg21[%parallel_loop3A_307, %parallel_loop3A_308] {strides = array<i32>} : memref<40x64xi32, #tpu.memory_space<vmem>>, vector<1x16xi32>,
      %parallel_loop3A_310 = vector.shape_cast %parallel_loop3A_309 : vector<1x16xi32> to vector<16xi32>
      %parallel_loop3A_311 = arith.constant 16 : i32
      %parallel_loop3A_312 = vector.broadcast %parallel_loop3A_311 : i32 to vector<16xi32>
      %parallel_loop3A_313 = arith.shli %parallel_loop3A_310, %parallel_loop3A_312 : vector<16xi32>
      %parallel_loop3A_314 = tpu.bitcast %parallel_loop3A_313 : vector<16xi32> -> vector<16xf32>
      %parallel_loop3A_315 = vector.broadcast %parallel_loop3A_121 : i32 to vector<16xi32>
      %parallel_loop3A_316 = arith.andi %parallel_loop3A_310, %parallel_loop3A_315 : vector<16xi32>
      %parallel_loop3A_317 = tpu.bitcast %parallel_loop3A_316 : vector<16xi32> -> vector<16xf32>
      %parallel_loop3A_318 = arith.index_cast %parallel_loop3A_164 : i32 to index
      %parallel_loop3A_319 = arith.constant 32 : index
      %parallel_loop3A_320 = tpu.vector_load %arg19[%parallel_loop3A_318, %parallel_loop3A_319] {strides = array<i32>} : memref<40x128xi32, #tpu.memory_space<vmem>>, vector<1x16xi32>,
      %parallel_loop3A_321 = vector.shape_cast %parallel_loop3A_320 : vector<1x16xi32> to vector<16xi32>
      %parallel_loop3A_322 = arith.constant 16 : i32
      %parallel_loop3A_323 = vector.broadcast %parallel_loop3A_322 : i32 to vector<16xi32>
      %parallel_loop3A_324 = arith.shli %parallel_loop3A_321, %parallel_loop3A_323 : vector<16xi32>
      %parallel_loop3A_325 = tpu.bitcast %parallel_loop3A_324 : vector<16xi32> -> vector<16xf32>
      %parallel_loop3A_326 = vector.broadcast %parallel_loop3A_121 : i32 to vector<16xi32>
      %parallel_loop3A_327 = arith.andi %parallel_loop3A_321, %parallel_loop3A_326 : vector<16xi32>
      %parallel_loop3A_328 = tpu.bitcast %parallel_loop3A_327 : vector<16xi32> -> vector<16xf32>
      %parallel_loop3A_329 = arith.index_cast %parallel_loop3A_164 : i32 to index
      %parallel_loop3A_330 = arith.constant 96 : index
      %parallel_loop3A_331 = tpu.vector_load %arg19[%parallel_loop3A_329, %parallel_loop3A_330] {strides = array<i32>} : memref<40x128xi32, #tpu.memory_space<vmem>>, vector<1x16xi32>,
      %parallel_loop3A_332 = vector.shape_cast %parallel_loop3A_331 : vector<1x16xi32> to vector<16xi32>
      %parallel_loop3A_333 = arith.constant 16 : i32
      %parallel_loop3A_334 = vector.broadcast %parallel_loop3A_333 : i32 to vector<16xi32>
      %parallel_loop3A_335 = arith.shli %parallel_loop3A_332, %parallel_loop3A_334 : vector<16xi32>
      %parallel_loop3A_336 = tpu.bitcast %parallel_loop3A_335 : vector<16xi32> -> vector<16xf32>
      %parallel_loop3A_337 = vector.broadcast %parallel_loop3A_121 : i32 to vector<16xi32>
      %parallel_loop3A_338 = arith.andi %parallel_loop3A_332, %parallel_loop3A_337 : vector<16xi32>
      %parallel_loop3A_339 = tpu.bitcast %parallel_loop3A_338 : vector<16xi32> -> vector<16xf32>
      %parallel_loop3A_340 = arith.index_cast %parallel_loop3A_164 : i32 to index
      %parallel_loop3A_341 = arith.constant 64 : index
      %parallel_loop3A_342 = tpu.vector_load %arg17[%parallel_loop3A_340, %parallel_loop3A_341] {strides = array<i32>} : memref<40x128xf32, #tpu.memory_space<vmem>>, vector<1x16xf32>,
      %parallel_loop3A_343 = vector.shape_cast %parallel_loop3A_342 : vector<1x16xf32> to vector<16xf32>
      %parallel_loop3A_344 = arith.addf %parallel_loop3A_343, %parallel_loop3A_314 : vector<16xf32>
      %parallel_loop3A_345 = arith.addf %parallel_loop3A_344, %parallel_loop3A_325 : vector<16xf32>
      %parallel_loop3A_346 = arith.index_cast %parallel_loop3A_164 : i32 to index
      %parallel_loop3A_347 = arith.constant 80 : index
      %parallel_loop3A_348 = tpu.vector_load %arg17[%parallel_loop3A_346, %parallel_loop3A_347] {strides = array<i32>} : memref<40x128xf32, #tpu.memory_space<vmem>>, vector<1x16xf32>,
      %parallel_loop3A_349 = vector.shape_cast %parallel_loop3A_348 : vector<1x16xf32> to vector<16xf32>
      %parallel_loop3A_350 = arith.addf %parallel_loop3A_349, %parallel_loop3A_317 : vector<16xf32>
      %parallel_loop3A_351 = arith.addf %parallel_loop3A_350, %parallel_loop3A_328 : vector<16xf32>
      %parallel_loop3A_352 = arith.constant 0.000000e+00 : f32
      %parallel_loop3A_353 = vector.broadcast %parallel_loop3A_352 : f32 to vector<16xf32>
      %parallel_loop3A_354 = arith.subf %parallel_loop3A_353, %parallel_loop3A_345 : vector<16xf32>
      %parallel_loop3A_355 = math.exp %parallel_loop3A_354 : vector<16xf32>
      %parallel_loop3A_356 = arith.constant 1.000000e+00 : f32
      %parallel_loop3A_357 = vector.broadcast %parallel_loop3A_356 : f32 to vector<16xf32>
      %parallel_loop3A_358 = arith.addf %parallel_loop3A_357, %parallel_loop3A_355 : vector<16xf32>
      %parallel_loop3A_359 = arith.divf %parallel_loop3A_336, %parallel_loop3A_358 : vector<16xf32>
      %parallel_loop3A_360 = arith.index_cast %parallel_loop3A_164 : i32 to index
      %parallel_loop3A_361 = arith.constant 64 : index
      %parallel_loop3A_362 = tpu.vector_load %arg25[%parallel_loop3A_360, %parallel_loop3A_361] {strides = array<i32>} : memref<40x128xf32, #tpu.memory_space<vmem>>, vector<1x16xf32>,
      %parallel_loop3A_363 = vector.shape_cast %parallel_loop3A_362 : vector<1x16xf32> to vector<16xf32>
      %parallel_loop3A_364 = vector.shape_cast %parallel_loop3A_359 : vector<16xf32> to vector<1x16xf32>
      tpu.vector_store %arg25[%parallel_loop3A_360, %parallel_loop3A_361], %parallel_loop3A_364 {strides = array<i32>} : memref<40x128xf32, #tpu.memory_space<vmem>>, vector<1x16xf32>,
      %parallel_loop3A_365 = arith.constant 0.000000e+00 : f32
      %parallel_loop3A_366 = vector.broadcast %parallel_loop3A_365 : f32 to vector<16xf32>
      %parallel_loop3A_367 = arith.subf %parallel_loop3A_366, %parallel_loop3A_351 : vector<16xf32>
      %parallel_loop3A_368 = math.exp %parallel_loop3A_367 : vector<16xf32>
      %parallel_loop3A_369 = arith.constant 1.000000e+00 : f32
      %parallel_loop3A_370 = vector.broadcast %parallel_loop3A_369 : f32 to vector<16xf32>
      %parallel_loop3A_371 = arith.addf %parallel_loop3A_370, %parallel_loop3A_368 : vector<16xf32>
      %parallel_loop3A_372 = arith.divf %parallel_loop3A_339, %parallel_loop3A_371 : vector<16xf32>
      %parallel_loop3A_373 = arith.index_cast %parallel_loop3A_164 : i32 to index
      %parallel_loop3A_374 = arith.constant 80 : index
      %parallel_loop3A_375 = tpu.vector_load %arg25[%parallel_loop3A_373, %parallel_loop3A_374] {strides = array<i32>} : memref<40x128xf32, #tpu.memory_space<vmem>>, vector<1x16xf32>,
      %parallel_loop3A_376 = vector.shape_cast %parallel_loop3A_375 : vector<1x16xf32> to vector<16xf32>
      %parallel_loop3A_377 = vector.shape_cast %parallel_loop3A_372 : vector<16xf32> to vector<1x16xf32>
      tpu.vector_store %arg25[%parallel_loop3A_373, %parallel_loop3A_374], %parallel_loop3A_377 {strides = array<i32>} : memref<40x128xf32, #tpu.memory_space<vmem>>, vector<1x16xf32>,
      %parallel_loop3A_378 = arith.index_cast %parallel_loop3A_164 : i32 to index
      %parallel_loop3A_379 = arith.constant 48 : index
      %parallel_loop3A_380 = tpu.vector_load %arg21[%parallel_loop3A_378, %parallel_loop3A_379] {strides = array<i32>} : memref<40x64xi32, #tpu.memory_space<vmem>>, vector<1x16xi32>,
      %parallel_loop3A_381 = vector.shape_cast %parallel_loop3A_380 : vector<1x16xi32> to vector<16xi32>
      %parallel_loop3A_382 = arith.constant 16 : i32
      %parallel_loop3A_383 = vector.broadcast %parallel_loop3A_382 : i32 to vector<16xi32>
      %parallel_loop3A_384 = arith.shli %parallel_loop3A_381, %parallel_loop3A_383 : vector<16xi32>
      %parallel_loop3A_385 = tpu.bitcast %parallel_loop3A_384 : vector<16xi32> -> vector<16xf32>
      %parallel_loop3A_386 = vector.broadcast %parallel_loop3A_121 : i32 to vector<16xi32>
      %parallel_loop3A_387 = arith.andi %parallel_loop3A_381, %parallel_loop3A_386 : vector<16xi32>
      %parallel_loop3A_388 = tpu.bitcast %parallel_loop3A_387 : vector<16xi32> -> vector<16xf32>
      %parallel_loop3A_389 = arith.index_cast %parallel_loop3A_164 : i32 to index
      %parallel_loop3A_390 = arith.constant 48 : index
      %parallel_loop3A_391 = tpu.vector_load %arg19[%parallel_loop3A_389, %parallel_loop3A_390] {strides = array<i32>} : memref<40x128xi32, #tpu.memory_space<vmem>>, vector<1x16xi32>,
      %parallel_loop3A_392 = vector.shape_cast %parallel_loop3A_391 : vector<1x16xi32> to vector<16xi32>
      %parallel_loop3A_393 = arith.constant 16 : i32
      %parallel_loop3A_394 = vector.broadcast %parallel_loop3A_393 : i32 to vector<16xi32>
      %parallel_loop3A_395 = arith.shli %parallel_loop3A_392, %parallel_loop3A_394 : vector<16xi32>
      %parallel_loop3A_396 = tpu.bitcast %parallel_loop3A_395 : vector<16xi32> -> vector<16xf32>
      %parallel_loop3A_397 = vector.broadcast %parallel_loop3A_121 : i32 to vector<16xi32>
      %parallel_loop3A_398 = arith.andi %parallel_loop3A_392, %parallel_loop3A_397 : vector<16xi32>
      %parallel_loop3A_399 = tpu.bitcast %parallel_loop3A_398 : vector<16xi32> -> vector<16xf32>
      %parallel_loop3A_400 = arith.index_cast %parallel_loop3A_164 : i32 to index
      %parallel_loop3A_401 = arith.constant 112 : index
      %parallel_loop3A_402 = tpu.vector_load %arg19[%parallel_loop3A_400, %parallel_loop3A_401] {strides = array<i32>} : memref<40x128xi32, #tpu.memory_space<vmem>>, vector<1x16xi32>,
      %parallel_loop3A_403 = vector.shape_cast %parallel_loop3A_402 : vector<1x16xi32> to vector<16xi32>
      %parallel_loop3A_404 = arith.constant 16 : i32
      %parallel_loop3A_405 = vector.broadcast %parallel_loop3A_404 : i32 to vector<16xi32>
      %parallel_loop3A_406 = arith.shli %parallel_loop3A_403, %parallel_loop3A_405 : vector<16xi32>
      %parallel_loop3A_407 = tpu.bitcast %parallel_loop3A_406 : vector<16xi32> -> vector<16xf32>
      %parallel_loop3A_408 = vector.broadcast %parallel_loop3A_121 : i32 to vector<16xi32>
      %parallel_loop3A_409 = arith.andi %parallel_loop3A_403, %parallel_loop3A_408 : vector<16xi32>
      %parallel_loop3A_410 = tpu.bitcast %parallel_loop3A_409 : vector<16xi32> -> vector<16xf32>
      %parallel_loop3A_411 = arith.index_cast %parallel_loop3A_164 : i32 to index
      %parallel_loop3A_412 = arith.constant 96 : index
      %parallel_loop3A_413 = tpu.vector_load %arg17[%parallel_loop3A_411, %parallel_loop3A_412] {strides = array<i32>} : memref<40x128xf32, #tpu.memory_space<vmem>>, vector<1x16xf32>,
      %parallel_loop3A_414 = vector.shape_cast %parallel_loop3A_413 : vector<1x16xf32> to vector<16xf32>
      %parallel_loop3A_415 = arith.addf %parallel_loop3A_414, %parallel_loop3A_385 : vector<16xf32>
      %parallel_loop3A_416 = arith.addf %parallel_loop3A_415, %parallel_loop3A_396 : vector<16xf32>
      %parallel_loop3A_417 = arith.index_cast %parallel_loop3A_164 : i32 to index
      %parallel_loop3A_418 = arith.constant 112 : index
      %parallel_loop3A_419 = tpu.vector_load %arg17[%parallel_loop3A_417, %parallel_loop3A_418] {strides = array<i32>} : memref<40x128xf32, #tpu.memory_space<vmem>>, vector<1x16xf32>,
      %parallel_loop3A_420 = vector.shape_cast %parallel_loop3A_419 : vector<1x16xf32> to vector<16xf32>
      %parallel_loop3A_421 = arith.addf %parallel_loop3A_420, %parallel_loop3A_388 : vector<16xf32>
      %parallel_loop3A_422 = arith.addf %parallel_loop3A_421, %parallel_loop3A_399 : vector<16xf32>
      %parallel_loop3A_423 = arith.constant 0.000000e+00 : f32
      %parallel_loop3A_424 = vector.broadcast %parallel_loop3A_423 : f32 to vector<16xf32>
      %parallel_loop3A_425 = arith.subf %parallel_loop3A_424, %parallel_loop3A_416 : vector<16xf32>
      %parallel_loop3A_426 = math.exp %parallel_loop3A_425 : vector<16xf32>
      %parallel_loop3A_427 = arith.constant 1.000000e+00 : f32
      %parallel_loop3A_428 = vector.broadcast %parallel_loop3A_427 : f32 to vector<16xf32>
      %parallel_loop3A_429 = arith.addf %parallel_loop3A_428, %parallel_loop3A_426 : vector<16xf32>
      %parallel_loop3A_430 = arith.divf %parallel_loop3A_407, %parallel_loop3A_429 : vector<16xf32>
      %parallel_loop3A_431 = arith.index_cast %parallel_loop3A_164 : i32 to index
      %parallel_loop3A_432 = arith.constant 96 : index
      %parallel_loop3A_433 = tpu.vector_load %arg25[%parallel_loop3A_431, %parallel_loop3A_432] {strides = array<i32>} : memref<40x128xf32, #tpu.memory_space<vmem>>, vector<1x16xf32>,
      %parallel_loop3A_434 = vector.shape_cast %parallel_loop3A_433 : vector<1x16xf32> to vector<16xf32>
      %parallel_loop3A_435 = vector.shape_cast %parallel_loop3A_430 : vector<16xf32> to vector<1x16xf32>
      tpu.vector_store %arg25[%parallel_loop3A_431, %parallel_loop3A_432], %parallel_loop3A_435 {strides = array<i32>} : memref<40x128xf32, #tpu.memory_space<vmem>>, vector<1x16xf32>,
      %parallel_loop3A_436 = arith.constant 0.000000e+00 : f32
      %parallel_loop3A_437 = vector.broadcast %parallel_loop3A_436 : f32 to vector<16xf32>
      %parallel_loop3A_438 = arith.subf %parallel_loop3A_437, %parallel_loop3A_422 : vector<16xf32>
      %parallel_loop3A_439 = math.exp %parallel_loop3A_438 : vector<16xf32>
      %parallel_loop3A_440 = arith.constant 1.000000e+00 : f32
      %parallel_loop3A_441 = vector.broadcast %parallel_loop3A_440 : f32 to vector<16xf32>
      %parallel_loop3A_442 = arith.addf %parallel_loop3A_441, %parallel_loop3A_439 : vector<16xf32>
      %parallel_loop3A_443 = arith.divf %parallel_loop3A_410, %parallel_loop3A_442 : vector<16xf32>
      %parallel_loop3A_444 = arith.index_cast %parallel_loop3A_164 : i32 to index
      %parallel_loop3A_445 = arith.constant 112 : index
      %parallel_loop3A_446 = tpu.vector_load %arg25[%parallel_loop3A_444, %parallel_loop3A_445] {strides = array<i32>} : memref<40x128xf32, #tpu.memory_space<vmem>>, vector<1x16xf32>,
      %parallel_loop3A_447 = vector.shape_cast %parallel_loop3A_446 : vector<1x16xf32> to vector<16xf32>
      %parallel_loop3A_448 = vector.shape_cast %parallel_loop3A_443 : vector<16xf32> to vector<1x16xf32>
      tpu.vector_store %arg25[%parallel_loop3A_444, %parallel_loop3A_445], %parallel_loop3A_448 {strides = array<i32>} : memref<40x128xf32, #tpu.memory_space<vmem>>, vector<1x16xf32>,
    } {sc.loop_unroll_factor = 1 : i64, sc.parallel_access}
    %dma_start3A_122 = arith.constant 0 : i32
    %dma_start3A_123 = arith.constant 0 : i32
    %dma_start3A_124 = tpu.memref_slice %arg26[%dma_start3A_122, %dma_start3A_123] : memref<10240x128xf32, #tpu.memory_space<vmem_shared>> -> memref<10240x128xf32, #tpu.memory_space<vmem_shared>>
    tpu.enqueue_indirect_dma source(%arg25 : memref<40x128xf32, #tpu.memory_space<vmem>>) target(%dma_start3A_124 : memref<10240x128xf32, #tpu.memory_space<vmem_shared>>) offsets(%arg13 : memref<40xi32, #tpu.memory_space<vmem>>) semaphore(%arg33 : memref<!tpu.dma_semaphore, #tpu.memory_space<semaphore_mem>>) {add = true}
    %dma_wait3A_125 = arith.constant 0 : i32
    %dma_wait3A_126 = arith.constant 0 : i32
    %dma_wait3A_127 = tpu.memref_slice %arg2[%dma_wait3A_125, %dma_wait3A_126] : memref<10000x128xf32, #tpu.memory_space<hbm>> -> memref<40x128xf32, #tpu.memory_space<hbm>>
    %dma_wait3A_128 = arith.constant 0 : i32
    %dma_wait3A_129 = arith.constant 0 : i32
    %dma_wait3A_130 = tpu.memref_slice %arg2[%dma_wait3A_128, %dma_wait3A_129] : memref<10000x128xf32, #tpu.memory_space<hbm>> -> memref<40x128xf32, #tpu.memory_space<hbm>>
    tpu.wait_dma2 semaphore(%arg28 : memref<!tpu.dma_semaphore, #tpu.memory_space<semaphore_mem>>) src(%dma_wait3A_130 : memref<40x128xf32, #tpu.memory_space<hbm>>) dst(%arg18 : memref<40x128xf32, #tpu.memory_space<vmem>>)
    %dma_wait3A_131 = arith.constant 0 : i32
    %dma_wait3A_132 = arith.constant 0 : i32
    %dma_wait3A_133 = tpu.memref_slice %arg3[%dma_wait3A_131, %dma_wait3A_132] : memref<10000x128xi32, #tpu.memory_space<hbm>> -> memref<40x128xi32, #tpu.memory_space<hbm>>
    %dma_wait3A_134 = arith.constant 0 : i32
    %dma_wait3A_135 = arith.constant 0 : i32
    %dma_wait3A_136 = tpu.memref_slice %arg3[%dma_wait3A_134, %dma_wait3A_135] : memref<10000x128xi32, #tpu.memory_space<hbm>> -> memref<40x128xi32, #tpu.memory_space<hbm>>
    tpu.wait_dma2 semaphore(%arg28 : memref<!tpu.dma_semaphore, #tpu.memory_space<semaphore_mem>>) src(%dma_wait3A_136 : memref<40x128xi32, #tpu.memory_space<hbm>>) dst(%arg20 : memref<40x128xi32, #tpu.memory_space<vmem>>)
    %dma_wait3A_137 = arith.constant 0 : i32
    %dma_wait3A_138 = arith.constant 0 : i32
    %dma_wait3A_139 = tpu.memref_slice %arg7[%dma_wait3A_137, %dma_wait3A_138] : memref<10240x128xf32, #tpu.memory_space<hbm>> -> memref<40x128xf32, #tpu.memory_space<hbm>>
    %dma_wait3A_140 = arith.constant 0 : i32
    %dma_wait3A_141 = arith.constant 0 : i32
    %dma_wait3A_142 = tpu.memref_slice %arg7[%dma_wait3A_140, %dma_wait3A_141] : memref<10240x128xf32, #tpu.memory_space<hbm>> -> memref<40x128xf32, #tpu.memory_space<hbm>>
    tpu.wait_dma2 semaphore(%arg33 : memref<!tpu.dma_semaphore, #tpu.memory_space<semaphore_mem>>) src(%dma_wait3A_142 : memref<40x128xf32, #tpu.memory_space<hbm>>) dst(%arg25 : memref<40x128xf32, #tpu.memory_space<vmem>>)
    %parallel_loop3A_143 = arith.constant 0 : i32
    %parallel_loop3A_144 = arith.constant 40 : i32
    %parallel_loop3A_145 = arith.constant 1 : i32
    %parallel_loop3A_146 = arith.constant -65536 : i32
    scf.for %parallel_loop3A_164 = %parallel_loop3A_143 to %parallel_loop3A_144 step %parallel_loop3A_145  : i32 {
      %parallel_loop3A_165 = arith.index_cast %parallel_loop3A_164 : i32 to index
      %parallel_loop3A_166 = arith.constant 0 : index
      %parallel_loop3A_167 = tpu.vector_load %arg22[%parallel_loop3A_165, %parallel_loop3A_166] {strides = array<i32>} : memref<40x64xi32, #tpu.memory_space<vmem>>, vector<1x16xi32>,
      %parallel_loop3A_168 = vector.shape_cast %parallel_loop3A_167 : vector<1x16xi32> to vector<16xi32>
      %parallel_loop3A_169 = arith.constant 16 : i32
      %parallel_loop3A_170 = vector.broadcast %parallel_loop3A_169 : i32 to vector<16xi32>
      %parallel_loop3A_171 = arith.shli %parallel_loop3A_168, %parallel_loop3A_170 : vector<16xi32>
      %parallel_loop3A_172 = tpu.bitcast %parallel_loop3A_171 : vector<16xi32> -> vector<16xf32>
      %parallel_loop3A_173 = vector.broadcast %parallel_loop3A_146 : i32 to vector<16xi32>
      %parallel_loop3A_174 = arith.andi %parallel_loop3A_168, %parallel_loop3A_173 : vector<16xi32>
      %parallel_loop3A_175 = tpu.bitcast %parallel_loop3A_174 : vector<16xi32> -> vector<16xf32>
      %parallel_loop3A_176 = arith.index_cast %parallel_loop3A_164 : i32 to index
      %parallel_loop3A_177 = arith.constant 0 : index
      %parallel_loop3A_178 = tpu.vector_load %arg20[%parallel_loop3A_176, %parallel_loop3A_177] {strides = array<i32>} : memref<40x128xi32, #tpu.memory_space<vmem>>, vector<1x16xi32>,
      %parallel_loop3A_179 = vector.shape_cast %parallel_loop3A_178 : vector<1x16xi32> to vector<16xi32>
      %parallel_loop3A_180 = arith.constant 16 : i32
      %parallel_loop3A_181 = vector.broadcast %parallel_loop3A_180 : i32 to vector<16xi32>
      %parallel_loop3A_182 = arith.shli %parallel_loop3A_179, %parallel_loop3A_181 : vector<16xi32>
      %parallel_loop3A_183 = tpu.bitcast %parallel_loop3A_182 : vector<16xi32> -> vector<16xf32>
      %parallel_loop3A_184 = vector.broadcast %parallel_loop3A_146 : i32 to vector<16xi32>
      %parallel_loop3A_185 = arith.andi %parallel_loop3A_179, %parallel_loop3A_184 : vector<16xi32>
      %parallel_loop3A_186 = tpu.bitcast %parallel_loop3A_185 : vector<16xi32> -> vector<16xf32>
      %parallel_loop3A_187 = arith.index_cast %parallel_loop3A_164 : i32 to index
      %parallel_loop3A_188 = arith.constant 64 : index
      %parallel_loop3A_189 = tpu.vector_load %arg20[%parallel_loop3A_187, %parallel_loop3A_188] {strides = array<i32>} : memref<40x128xi32, #tpu.memory_space<vmem>>, vector<1x16xi32>,
      %parallel_loop3A_190 = vector.shape_cast %parallel_loop3A_189 : vector<1x16xi32> to vector<16xi32>
      %parallel_loop3A_191 = arith.constant 16 : i32
      %parallel_loop3A_192 = vector.broadcast %parallel_loop3A_191 : i32 to vector<16xi32>
      %parallel_loop3A_193 = arith.shli %parallel_loop3A_190, %parallel_loop3A_192 : vector<16xi32>
      %parallel_loop3A_194 = tpu.bitcast %parallel_loop3A_193 : vector<16xi32> -> vector<16xf32>
      %parallel_loop3A_195 = vector.broadcast %parallel_loop3A_146 : i32 to vector<16xi32>
      %parallel_loop3A_196 = arith.andi %parallel_loop3A_190, %parallel_loop3A_195 : vector<16xi32>
      %parallel_loop3A_197 = tpu.bitcast %parallel_loop3A_196 : vector<16xi32> -> vector<16xf32>
      %parallel_loop3A_198 = arith.index_cast %parallel_loop3A_164 : i32 to index
      %parallel_loop3A_199 = arith.constant 0 : index
      %parallel_loop3A_200 = tpu.vector_load %arg18[%parallel_loop3A_198, %parallel_loop3A_199] {strides = array<i32>} : memref<40x128xf32, #tpu.memory_space<vmem>>, vector<1x16xf32>,
      %parallel_loop3A_201 = vector.shape_cast %parallel_loop3A_200 : vector<1x16xf32> to vector<16xf32>
      %parallel_loop3A_202 = arith.addf %parallel_loop3A_201, %parallel_loop3A_172 : vector<16xf32>
      %parallel_loop3A_203 = arith.addf %parallel_loop3A_202, %parallel_loop3A_183 : vector<16xf32>
      %parallel_loop3A_204 = arith.index_cast %parallel_loop3A_164 : i32 to index
      %parallel_loop3A_205 = arith.constant 16 : index
      %parallel_loop3A_206 = tpu.vector_load %arg18[%parallel_loop3A_204, %parallel_loop3A_205] {strides = array<i32>} : memref<40x128xf32, #tpu.memory_space<vmem>>, vector<1x16xf32>,
      %parallel_loop3A_207 = vector.shape_cast %parallel_loop3A_206 : vector<1x16xf32> to vector<16xf32>
      %parallel_loop3A_208 = arith.addf %parallel_loop3A_207, %parallel_loop3A_175 : vector<16xf32>
      %parallel_loop3A_209 = arith.addf %parallel_loop3A_208, %parallel_loop3A_186 : vector<16xf32>
      %parallel_loop3A_210 = arith.constant 0.000000e+00 : f32
      %parallel_loop3A_211 = vector.broadcast %parallel_loop3A_210 : f32 to vector<16xf32>
      %parallel_loop3A_212 = arith.subf %parallel_loop3A_211, %parallel_loop3A_203 : vector<16xf32>
      %parallel_loop3A_213 = math.exp %parallel_loop3A_212 : vector<16xf32>
      %parallel_loop3A_214 = arith.constant 1.000000e+00 : f32
      %parallel_loop3A_215 = vector.broadcast %parallel_loop3A_214 : f32 to vector<16xf32>
      %parallel_loop3A_216 = arith.addf %parallel_loop3A_215, %parallel_loop3A_213 : vector<16xf32>
      %parallel_loop3A_217 = arith.divf %parallel_loop3A_194, %parallel_loop3A_216 : vector<16xf32>
      %parallel_loop3A_218 = arith.index_cast %parallel_loop3A_164 : i32 to index
      %parallel_loop3A_219 = arith.constant 0 : index
      %parallel_loop3A_220 = tpu.vector_load %arg25[%parallel_loop3A_218, %parallel_loop3A_219] {strides = array<i32>} : memref<40x128xf32, #tpu.memory_space<vmem>>, vector<1x16xf32>,
      %parallel_loop3A_221 = vector.shape_cast %parallel_loop3A_220 : vector<1x16xf32> to vector<16xf32>
      %parallel_loop3A_222 = vector.shape_cast %parallel_loop3A_217 : vector<16xf32> to vector<1x16xf32>
      tpu.vector_store %arg25[%parallel_loop3A_218, %parallel_loop3A_219], %parallel_loop3A_222 {strides = array<i32>} : memref<40x128xf32, #tpu.memory_space<vmem>>, vector<1x16xf32>,
      %parallel_loop3A_223 = arith.constant 0.000000e+00 : f32
      %parallel_loop3A_224 = vector.broadcast %parallel_loop3A_223 : f32 to vector<16xf32>
      %parallel_loop3A_225 = arith.subf %parallel_loop3A_224, %parallel_loop3A_209 : vector<16xf32>
      %parallel_loop3A_226 = math.exp %parallel_loop3A_225 : vector<16xf32>
      %parallel_loop3A_227 = arith.constant 1.000000e+00 : f32
      %parallel_loop3A_228 = vector.broadcast %parallel_loop3A_227 : f32 to vector<16xf32>
      %parallel_loop3A_229 = arith.addf %parallel_loop3A_228, %parallel_loop3A_226 : vector<16xf32>
      %parallel_loop3A_230 = arith.divf %parallel_loop3A_197, %parallel_loop3A_229 : vector<16xf32>
      %parallel_loop3A_231 = arith.index_cast %parallel_loop3A_164 : i32 to index
      %parallel_loop3A_232 = arith.constant 16 : index
      %parallel_loop3A_233 = tpu.vector_load %arg25[%parallel_loop3A_231, %parallel_loop3A_232] {strides = array<i32>} : memref<40x128xf32, #tpu.memory_space<vmem>>, vector<1x16xf32>,
      %parallel_loop3A_234 = vector.shape_cast %parallel_loop3A_233 : vector<1x16xf32> to vector<16xf32>
      %parallel_loop3A_235 = vector.shape_cast %parallel_loop3A_230 : vector<16xf32> to vector<1x16xf32>
      tpu.vector_store %arg25[%parallel_loop3A_231, %parallel_loop3A_232], %parallel_loop3A_235 {strides = array<i32>} : memref<40x128xf32, #tpu.memory_space<vmem>>, vector<1x16xf32>,
      %parallel_loop3A_236 = arith.index_cast %parallel_loop3A_164 : i32 to index
      %parallel_loop3A_237 = arith.constant 16 : index
      %parallel_loop3A_238 = tpu.vector_load %arg22[%parallel_loop3A_236, %parallel_loop3A_237] {strides = array<i32>} : memref<40x64xi32, #tpu.memory_space<vmem>>, vector<1x16xi32>,
      %parallel_loop3A_239 = vector.shape_cast %parallel_loop3A_238 : vector<1x16xi32> to vector<16xi32>
      %parallel_loop3A_240 = arith.constant 16 : i32
      %parallel_loop3A_241 = vector.broadcast %parallel_loop3A_240 : i32 to vector<16xi32>
      %parallel_loop3A_242 = arith.shli %parallel_loop3A_239, %parallel_loop3A_241 : vector<16xi32>
      %parallel_loop3A_243 = tpu.bitcast %parallel_loop3A_242 : vector<16xi32> -> vector<16xf32>
      %parallel_loop3A_244 = vector.broadcast %parallel_loop3A_146 : i32 to vector<16xi32>
      %parallel_loop3A_245 = arith.andi %parallel_loop3A_239, %parallel_loop3A_244 : vector<16xi32>
      %parallel_loop3A_246 = tpu.bitcast %parallel_loop3A_245 : vector<16xi32> -> vector<16xf32>
      %parallel_loop3A_247 = arith.index_cast %parallel_loop3A_164 : i32 to index
      %parallel_loop3A_248 = arith.constant 16 : index
      %parallel_loop3A_249 = tpu.vector_load %arg20[%parallel_loop3A_247, %parallel_loop3A_248] {strides = array<i32>} : memref<40x128xi32, #tpu.memory_space<vmem>>, vector<1x16xi32>,
      %parallel_loop3A_250 = vector.shape_cast %parallel_loop3A_249 : vector<1x16xi32> to vector<16xi32>
      %parallel_loop3A_251 = arith.constant 16 : i32
      %parallel_loop3A_252 = vector.broadcast %parallel_loop3A_251 : i32 to vector<16xi32>
      %parallel_loop3A_253 = arith.shli %parallel_loop3A_250, %parallel_loop3A_252 : vector<16xi32>
      %parallel_loop3A_254 = tpu.bitcast %parallel_loop3A_253 : vector<16xi32> -> vector<16xf32>
      %parallel_loop3A_255 = vector.broadcast %parallel_loop3A_146 : i32 to vector<16xi32>
      %parallel_loop3A_256 = arith.andi %parallel_loop3A_250, %parallel_loop3A_255 : vector<16xi32>
      %parallel_loop3A_257 = tpu.bitcast %parallel_loop3A_256 : vector<16xi32> -> vector<16xf32>
      %parallel_loop3A_258 = arith.index_cast %parallel_loop3A_164 : i32 to index
      %parallel_loop3A_259 = arith.constant 80 : index
      %parallel_loop3A_260 = tpu.vector_load %arg20[%parallel_loop3A_258, %parallel_loop3A_259] {strides = array<i32>} : memref<40x128xi32, #tpu.memory_space<vmem>>, vector<1x16xi32>,
      %parallel_loop3A_261 = vector.shape_cast %parallel_loop3A_260 : vector<1x16xi32> to vector<16xi32>
      %parallel_loop3A_262 = arith.constant 16 : i32
      %parallel_loop3A_263 = vector.broadcast %parallel_loop3A_262 : i32 to vector<16xi32>
      %parallel_loop3A_264 = arith.shli %parallel_loop3A_261, %parallel_loop3A_263 : vector<16xi32>
      %parallel_loop3A_265 = tpu.bitcast %parallel_loop3A_264 : vector<16xi32> -> vector<16xf32>
      %parallel_loop3A_266 = vector.broadcast %parallel_loop3A_146 : i32 to vector<16xi32>
      %parallel_loop3A_267 = arith.andi %parallel_loop3A_261, %parallel_loop3A_266 : vector<16xi32>
      %parallel_loop3A_268 = tpu.bitcast %parallel_loop3A_267 : vector<16xi32> -> vector<16xf32>
      %parallel_loop3A_269 = arith.index_cast %parallel_loop3A_164 : i32 to index
      %parallel_loop3A_270 = arith.constant 32 : index
      %parallel_loop3A_271 = tpu.vector_load %arg18[%parallel_loop3A_269, %parallel_loop3A_270] {strides = array<i32>} : memref<40x128xf32, #tpu.memory_space<vmem>>, vector<1x16xf32>,
      %parallel_loop3A_272 = vector.shape_cast %parallel_loop3A_271 : vector<1x16xf32> to vector<16xf32>
      %parallel_loop3A_273 = arith.addf %parallel_loop3A_272, %parallel_loop3A_243 : vector<16xf32>
      %parallel_loop3A_274 = arith.addf %parallel_loop3A_273, %parallel_loop3A_254 : vector<16xf32>
      %parallel_loop3A_275 = arith.index_cast %parallel_loop3A_164 : i32 to index
      %parallel_loop3A_276 = arith.constant 48 : index
      %parallel_loop3A_277 = tpu.vector_load %arg18[%parallel_loop3A_275, %parallel_loop3A_276] {strides = array<i32>} : memref<40x128xf32, #tpu.memory_space<vmem>>, vector<1x16xf32>,
      %parallel_loop3A_278 = vector.shape_cast %parallel_loop3A_277 : vector<1x16xf32> to vector<16xf32>
      %parallel_loop3A_279 = arith.addf %parallel_loop3A_278, %parallel_loop3A_246 : vector<16xf32>
      %parallel_loop3A_280 = arith.addf %parallel_loop3A_279, %parallel_loop3A_257 : vector<16xf32>
      %parallel_loop3A_281 = arith.constant 0.000000e+00 : f32
      %parallel_loop3A_282 = vector.broadcast %parallel_loop3A_281 : f32 to vector<16xf32>
      %parallel_loop3A_283 = arith.subf %parallel_loop3A_282, %parallel_loop3A_274 : vector<16xf32>
      %parallel_loop3A_284 = math.exp %parallel_loop3A_283 : vector<16xf32>
      %parallel_loop3A_285 = arith.constant 1.000000e+00 : f32
      %parallel_loop3A_286 = vector.broadcast %parallel_loop3A_285 : f32 to vector<16xf32>
      %parallel_loop3A_287 = arith.addf %parallel_loop3A_286, %parallel_loop3A_284 : vector<16xf32>
      %parallel_loop3A_288 = arith.divf %parallel_loop3A_265, %parallel_loop3A_287 : vector<16xf32>
      %parallel_loop3A_289 = arith.index_cast %parallel_loop3A_164 : i32 to index
      %parallel_loop3A_290 = arith.constant 32 : index
      %parallel_loop3A_291 = tpu.vector_load %arg25[%parallel_loop3A_289, %parallel_loop3A_290] {strides = array<i32>} : memref<40x128xf32, #tpu.memory_space<vmem>>, vector<1x16xf32>,
      %parallel_loop3A_292 = vector.shape_cast %parallel_loop3A_291 : vector<1x16xf32> to vector<16xf32>
      %parallel_loop3A_293 = vector.shape_cast %parallel_loop3A_288 : vector<16xf32> to vector<1x16xf32>
      tpu.vector_store %arg25[%parallel_loop3A_289, %parallel_loop3A_290], %parallel_loop3A_293 {strides = array<i32>} : memref<40x128xf32, #tpu.memory_space<vmem>>, vector<1x16xf32>,
      %parallel_loop3A_294 = arith.constant 0.000000e+00 : f32
      %parallel_loop3A_295 = vector.broadcast %parallel_loop3A_294 : f32 to vector<16xf32>
      %parallel_loop3A_296 = arith.subf %parallel_loop3A_295, %parallel_loop3A_280 : vector<16xf32>
      %parallel_loop3A_297 = math.exp %parallel_loop3A_296 : vector<16xf32>
      %parallel_loop3A_298 = arith.constant 1.000000e+00 : f32
      %parallel_loop3A_299 = vector.broadcast %parallel_loop3A_298 : f32 to vector<16xf32>
      %parallel_loop3A_300 = arith.addf %parallel_loop3A_299, %parallel_loop3A_297 : vector<16xf32>
      %parallel_loop3A_301 = arith.divf %parallel_loop3A_268, %parallel_loop3A_300 : vector<16xf32>
      %parallel_loop3A_302 = arith.index_cast %parallel_loop3A_164 : i32 to index
      %parallel_loop3A_303 = arith.constant 48 : index
      %parallel_loop3A_304 = tpu.vector_load %arg25[%parallel_loop3A_302, %parallel_loop3A_303] {strides = array<i32>} : memref<40x128xf32, #tpu.memory_space<vmem>>, vector<1x16xf32>,
      %parallel_loop3A_305 = vector.shape_cast %parallel_loop3A_304 : vector<1x16xf32> to vector<16xf32>
      %parallel_loop3A_306 = vector.shape_cast %parallel_loop3A_301 : vector<16xf32> to vector<1x16xf32>
      tpu.vector_store %arg25[%parallel_loop3A_302, %parallel_loop3A_303], %parallel_loop3A_306 {strides = array<i32>} : memref<40x128xf32, #tpu.memory_space<vmem>>, vector<1x16xf32>,
      %parallel_loop3A_307 = arith.index_cast %parallel_loop3A_164 : i32 to index
      %parallel_loop3A_308 = arith.constant 32 : index
      %parallel_loop3A_309 = tpu.vector_load %arg22[%parallel_loop3A_307, %parallel_loop3A_308] {strides = array<i32>} : memref<40x64xi32, #tpu.memory_space<vmem>>, vector<1x16xi32>,
      %parallel_loop3A_310 = vector.shape_cast %parallel_loop3A_309 : vector<1x16xi32> to vector<16xi32>
      %parallel_loop3A_311 = arith.constant 16 : i32
      %parallel_loop3A_312 = vector.broadcast %parallel_loop3A_311 : i32 to vector<16xi32>
      %parallel_loop3A_313 = arith.shli %parallel_loop3A_310, %parallel_loop3A_312 : vector<16xi32>
      %parallel_loop3A_314 = tpu.bitcast %parallel_loop3A_313 : vector<16xi32> -> vector<16xf32>
      %parallel_loop3A_315 = vector.broadcast %parallel_loop3A_146 : i32 to vector<16xi32>
      %parallel_loop3A_316 = arith.andi %parallel_loop3A_310, %parallel_loop3A_315 : vector<16xi32>
      %parallel_loop3A_317 = tpu.bitcast %parallel_loop3A_316 : vector<16xi32> -> vector<16xf32>
      %parallel_loop3A_318 = arith.index_cast %parallel_loop3A_164 : i32 to index
      %parallel_loop3A_319 = arith.constant 32 : index
      %parallel_loop3A_320 = tpu.vector_load %arg20[%parallel_loop3A_318, %parallel_loop3A_319] {strides = array<i32>} : memref<40x128xi32, #tpu.memory_space<vmem>>, vector<1x16xi32>,
      %parallel_loop3A_321 = vector.shape_cast %parallel_loop3A_320 : vector<1x16xi32> to vector<16xi32>
      %parallel_loop3A_322 = arith.constant 16 : i32
      %parallel_loop3A_323 = vector.broadcast %parallel_loop3A_322 : i32 to vector<16xi32>
      %parallel_loop3A_324 = arith.shli %parallel_loop3A_321, %parallel_loop3A_323 : vector<16xi32>
      %parallel_loop3A_325 = tpu.bitcast %parallel_loop3A_324 : vector<16xi32> -> vector<16xf32>
      %parallel_loop3A_326 = vector.broadcast %parallel_loop3A_146 : i32 to vector<16xi32>
      %parallel_loop3A_327 = arith.andi %parallel_loop3A_321, %parallel_loop3A_326 : vector<16xi32>
      %parallel_loop3A_328 = tpu.bitcast %parallel_loop3A_327 : vector<16xi32> -> vector<16xf32>
      %parallel_loop3A_329 = arith.index_cast %parallel_loop3A_164 : i32 to index
      %parallel_loop3A_330 = arith.constant 96 : index
      %parallel_loop3A_331 = tpu.vector_load %arg20[%parallel_loop3A_329, %parallel_loop3A_330] {strides = array<i32>} : memref<40x128xi32, #tpu.memory_space<vmem>>, vector<1x16xi32>,
      %parallel_loop3A_332 = vector.shape_cast %parallel_loop3A_331 : vector<1x16xi32> to vector<16xi32>
      %parallel_loop3A_333 = arith.constant 16 : i32
      %parallel_loop3A_334 = vector.broadcast %parallel_loop3A_333 : i32 to vector<16xi32>
      %parallel_loop3A_335 = arith.shli %parallel_loop3A_332, %parallel_loop3A_334 : vector<16xi32>
      %parallel_loop3A_336 = tpu.bitcast %parallel_loop3A_335 : vector<16xi32> -> vector<16xf32>
      %parallel_loop3A_337 = vector.broadcast %parallel_loop3A_146 : i32 to vector<16xi32>
      %parallel_loop3A_338 = arith.andi %parallel_loop3A_332, %parallel_loop3A_337 : vector<16xi32>
      %parallel_loop3A_339 = tpu.bitcast %parallel_loop3A_338 : vector<16xi32> -> vector<16xf32>
      %parallel_loop3A_340 = arith.index_cast %parallel_loop3A_164 : i32 to index
      %parallel_loop3A_341 = arith.constant 64 : index
      %parallel_loop3A_342 = tpu.vector_load %arg18[%parallel_loop3A_340, %parallel_loop3A_341] {strides = array<i32>} : memref<40x128xf32, #tpu.memory_space<vmem>>, vector<1x16xf32>,
      %parallel_loop3A_343 = vector.shape_cast %parallel_loop3A_342 : vector<1x16xf32> to vector<16xf32>
      %parallel_loop3A_344 = arith.addf %parallel_loop3A_343, %parallel_loop3A_314 : vector<16xf32>
      %parallel_loop3A_345 = arith.addf %parallel_loop3A_344, %parallel_loop3A_325 : vector<16xf32>
      %parallel_loop3A_346 = arith.index_cast %parallel_loop3A_164 : i32 to index
      %parallel_loop3A_347 = arith.constant 80 : index
      %parallel_loop3A_348 = tpu.vector_load %arg18[%parallel_loop3A_346, %parallel_loop3A_347] {strides = array<i32>} : memref<40x128xf32, #tpu.memory_space<vmem>>, vector<1x16xf32>,
      %parallel_loop3A_349 = vector.shape_cast %parallel_loop3A_348 : vector<1x16xf32> to vector<16xf32>
      %parallel_loop3A_350 = arith.addf %parallel_loop3A_349, %parallel_loop3A_317 : vector<16xf32>
      %parallel_loop3A_351 = arith.addf %parallel_loop3A_350, %parallel_loop3A_328 : vector<16xf32>
      %parallel_loop3A_352 = arith.constant 0.000000e+00 : f32
      %parallel_loop3A_353 = vector.broadcast %parallel_loop3A_352 : f32 to vector<16xf32>
      %parallel_loop3A_354 = arith.subf %parallel_loop3A_353, %parallel_loop3A_345 : vector<16xf32>
      %parallel_loop3A_355 = math.exp %parallel_loop3A_354 : vector<16xf32>
      %parallel_loop3A_356 = arith.constant 1.000000e+00 : f32
      %parallel_loop3A_357 = vector.broadcast %parallel_loop3A_356 : f32 to vector<16xf32>
      %parallel_loop3A_358 = arith.addf %parallel_loop3A_357, %parallel_loop3A_355 : vector<16xf32>
      %parallel_loop3A_359 = arith.divf %parallel_loop3A_336, %parallel_loop3A_358 : vector<16xf32>
      %parallel_loop3A_360 = arith.index_cast %parallel_loop3A_164 : i32 to index
      %parallel_loop3A_361 = arith.constant 64 : index
      %parallel_loop3A_362 = tpu.vector_load %arg25[%parallel_loop3A_360, %parallel_loop3A_361] {strides = array<i32>} : memref<40x128xf32, #tpu.memory_space<vmem>>, vector<1x16xf32>,
      %parallel_loop3A_363 = vector.shape_cast %parallel_loop3A_362 : vector<1x16xf32> to vector<16xf32>
      %parallel_loop3A_364 = vector.shape_cast %parallel_loop3A_359 : vector<16xf32> to vector<1x16xf32>
      tpu.vector_store %arg25[%parallel_loop3A_360, %parallel_loop3A_361], %parallel_loop3A_364 {strides = array<i32>} : memref<40x128xf32, #tpu.memory_space<vmem>>, vector<1x16xf32>,
      %parallel_loop3A_365 = arith.constant 0.000000e+00 : f32
      %parallel_loop3A_366 = vector.broadcast %parallel_loop3A_365 : f32 to vector<16xf32>
      %parallel_loop3A_367 = arith.subf %parallel_loop3A_366, %parallel_loop3A_351 : vector<16xf32>
      %parallel_loop3A_368 = math.exp %parallel_loop3A_367 : vector<16xf32>
      %parallel_loop3A_369 = arith.constant 1.000000e+00 : f32
      %parallel_loop3A_370 = vector.broadcast %parallel_loop3A_369 : f32 to vector<16xf32>
      %parallel_loop3A_371 = arith.addf %parallel_loop3A_370, %parallel_loop3A_368 : vector<16xf32>
      %parallel_loop3A_372 = arith.divf %parallel_loop3A_339, %parallel_loop3A_371 : vector<16xf32>
      %parallel_loop3A_373 = arith.index_cast %parallel_loop3A_164 : i32 to index
      %parallel_loop3A_374 = arith.constant 80 : index
      %parallel_loop3A_375 = tpu.vector_load %arg25[%parallel_loop3A_373, %parallel_loop3A_374] {strides = array<i32>} : memref<40x128xf32, #tpu.memory_space<vmem>>, vector<1x16xf32>,
      %parallel_loop3A_376 = vector.shape_cast %parallel_loop3A_375 : vector<1x16xf32> to vector<16xf32>
      %parallel_loop3A_377 = vector.shape_cast %parallel_loop3A_372 : vector<16xf32> to vector<1x16xf32>
      tpu.vector_store %arg25[%parallel_loop3A_373, %parallel_loop3A_374], %parallel_loop3A_377 {strides = array<i32>} : memref<40x128xf32, #tpu.memory_space<vmem>>, vector<1x16xf32>,
      %parallel_loop3A_378 = arith.index_cast %parallel_loop3A_164 : i32 to index
      %parallel_loop3A_379 = arith.constant 48 : index
      %parallel_loop3A_380 = tpu.vector_load %arg22[%parallel_loop3A_378, %parallel_loop3A_379] {strides = array<i32>} : memref<40x64xi32, #tpu.memory_space<vmem>>, vector<1x16xi32>,
      %parallel_loop3A_381 = vector.shape_cast %parallel_loop3A_380 : vector<1x16xi32> to vector<16xi32>
      %parallel_loop3A_382 = arith.constant 16 : i32
      %parallel_loop3A_383 = vector.broadcast %parallel_loop3A_382 : i32 to vector<16xi32>
      %parallel_loop3A_384 = arith.shli %parallel_loop3A_381, %parallel_loop3A_383 : vector<16xi32>
      %parallel_loop3A_385 = tpu.bitcast %parallel_loop3A_384 : vector<16xi32> -> vector<16xf32>
      %parallel_loop3A_386 = vector.broadcast %parallel_loop3A_146 : i32 to vector<16xi32>
      %parallel_loop3A_387 = arith.andi %parallel_loop3A_381, %parallel_loop3A_386 : vector<16xi32>
      %parallel_loop3A_388 = tpu.bitcast %parallel_loop3A_387 : vector<16xi32> -> vector<16xf32>
      %parallel_loop3A_389 = arith.index_cast %parallel_loop3A_164 : i32 to index
      %parallel_loop3A_390 = arith.constant 48 : index
      %parallel_loop3A_391 = tpu.vector_load %arg20[%parallel_loop3A_389, %parallel_loop3A_390] {strides = array<i32>} : memref<40x128xi32, #tpu.memory_space<vmem>>, vector<1x16xi32>,
      %parallel_loop3A_392 = vector.shape_cast %parallel_loop3A_391 : vector<1x16xi32> to vector<16xi32>
      %parallel_loop3A_393 = arith.constant 16 : i32
      %parallel_loop3A_394 = vector.broadcast %parallel_loop3A_393 : i32 to vector<16xi32>
      %parallel_loop3A_395 = arith.shli %parallel_loop3A_392, %parallel_loop3A_394 : vector<16xi32>
      %parallel_loop3A_396 = tpu.bitcast %parallel_loop3A_395 : vector<16xi32> -> vector<16xf32>
      %parallel_loop3A_397 = vector.broadcast %parallel_loop3A_146 : i32 to vector<16xi32>
      %parallel_loop3A_398 = arith.andi %parallel_loop3A_392, %parallel_loop3A_397 : vector<16xi32>
      %parallel_loop3A_399 = tpu.bitcast %parallel_loop3A_398 : vector<16xi32> -> vector<16xf32>
      %parallel_loop3A_400 = arith.index_cast %parallel_loop3A_164 : i32 to index
      %parallel_loop3A_401 = arith.constant 112 : index
      %parallel_loop3A_402 = tpu.vector_load %arg20[%parallel_loop3A_400, %parallel_loop3A_401] {strides = array<i32>} : memref<40x128xi32, #tpu.memory_space<vmem>>, vector<1x16xi32>,
      %parallel_loop3A_403 = vector.shape_cast %parallel_loop3A_402 : vector<1x16xi32> to vector<16xi32>
      %parallel_loop3A_404 = arith.constant 16 : i32
      %parallel_loop3A_405 = vector.broadcast %parallel_loop3A_404 : i32 to vector<16xi32>
      %parallel_loop3A_406 = arith.shli %parallel_loop3A_403, %parallel_loop3A_405 : vector<16xi32>
      %parallel_loop3A_407 = tpu.bitcast %parallel_loop3A_406 : vector<16xi32> -> vector<16xf32>
      %parallel_loop3A_408 = vector.broadcast %parallel_loop3A_146 : i32 to vector<16xi32>
      %parallel_loop3A_409 = arith.andi %parallel_loop3A_403, %parallel_loop3A_408 : vector<16xi32>
      %parallel_loop3A_410 = tpu.bitcast %parallel_loop3A_409 : vector<16xi32> -> vector<16xf32>
      %parallel_loop3A_411 = arith.index_cast %parallel_loop3A_164 : i32 to index
      %parallel_loop3A_412 = arith.constant 96 : index
      %parallel_loop3A_413 = tpu.vector_load %arg18[%parallel_loop3A_411, %parallel_loop3A_412] {strides = array<i32>} : memref<40x128xf32, #tpu.memory_space<vmem>>, vector<1x16xf32>,
      %parallel_loop3A_414 = vector.shape_cast %parallel_loop3A_413 : vector<1x16xf32> to vector<16xf32>
      %parallel_loop3A_415 = arith.addf %parallel_loop3A_414, %parallel_loop3A_385 : vector<16xf32>
      %parallel_loop3A_416 = arith.addf %parallel_loop3A_415, %parallel_loop3A_396 : vector<16xf32>
      %parallel_loop3A_417 = arith.index_cast %parallel_loop3A_164 : i32 to index
      %parallel_loop3A_418 = arith.constant 112 : index
      %parallel_loop3A_419 = tpu.vector_load %arg18[%parallel_loop3A_417, %parallel_loop3A_418] {strides = array<i32>} : memref<40x128xf32, #tpu.memory_space<vmem>>, vector<1x16xf32>,
      %parallel_loop3A_420 = vector.shape_cast %parallel_loop3A_419 : vector<1x16xf32> to vector<16xf32>
      %parallel_loop3A_421 = arith.addf %parallel_loop3A_420, %parallel_loop3A_388 : vector<16xf32>
      %parallel_loop3A_422 = arith.addf %parallel_loop3A_421, %parallel_loop3A_399 : vector<16xf32>
      %parallel_loop3A_423 = arith.constant 0.000000e+00 : f32
      %parallel_loop3A_424 = vector.broadcast %parallel_loop3A_423 : f32 to vector<16xf32>
      %parallel_loop3A_425 = arith.subf %parallel_loop3A_424, %parallel_loop3A_416 : vector<16xf32>
      %parallel_loop3A_426 = math.exp %parallel_loop3A_425 : vector<16xf32>
      %parallel_loop3A_427 = arith.constant 1.000000e+00 : f32
      %parallel_loop3A_428 = vector.broadcast %parallel_loop3A_427 : f32 to vector<16xf32>
      %parallel_loop3A_429 = arith.addf %parallel_loop3A_428, %parallel_loop3A_426 : vector<16xf32>
      %parallel_loop3A_430 = arith.divf %parallel_loop3A_407, %parallel_loop3A_429 : vector<16xf32>
      %parallel_loop3A_431 = arith.index_cast %parallel_loop3A_164 : i32 to index
      %parallel_loop3A_432 = arith.constant 96 : index
      %parallel_loop3A_433 = tpu.vector_load %arg25[%parallel_loop3A_431, %parallel_loop3A_432] {strides = array<i32>} : memref<40x128xf32, #tpu.memory_space<vmem>>, vector<1x16xf32>,
      %parallel_loop3A_434 = vector.shape_cast %parallel_loop3A_433 : vector<1x16xf32> to vector<16xf32>
      %parallel_loop3A_435 = vector.shape_cast %parallel_loop3A_430 : vector<16xf32> to vector<1x16xf32>
      tpu.vector_store %arg25[%parallel_loop3A_431, %parallel_loop3A_432], %parallel_loop3A_435 {strides = array<i32>} : memref<40x128xf32, #tpu.memory_space<vmem>>, vector<1x16xf32>,
      %parallel_loop3A_436 = arith.constant 0.000000e+00 : f32
      %parallel_loop3A_437 = vector.broadcast %parallel_loop3A_436 : f32 to vector<16xf32>
      %parallel_loop3A_438 = arith.subf %parallel_loop3A_437, %parallel_loop3A_422 : vector<16xf32>
      %parallel_loop3A_439 = math.exp %parallel_loop3A_438 : vector<16xf32>
      %parallel_loop3A_440 = arith.constant 1.000000e+00 : f32
      %parallel_loop3A_441 = vector.broadcast %parallel_loop3A_440 : f32 to vector<16xf32>
      %parallel_loop3A_442 = arith.addf %parallel_loop3A_441, %parallel_loop3A_439 : vector<16xf32>
      %parallel_loop3A_443 = arith.divf %parallel_loop3A_410, %parallel_loop3A_442 : vector<16xf32>
      %parallel_loop3A_444 = arith.index_cast %parallel_loop3A_164 : i32 to index
      %parallel_loop3A_445 = arith.constant 112 : index
      %parallel_loop3A_446 = tpu.vector_load %arg25[%parallel_loop3A_444, %parallel_loop3A_445] {strides = array<i32>} : memref<40x128xf32, #tpu.memory_space<vmem>>, vector<1x16xf32>,
      %parallel_loop3A_447 = vector.shape_cast %parallel_loop3A_446 : vector<1x16xf32> to vector<16xf32>
      %parallel_loop3A_448 = vector.shape_cast %parallel_loop3A_443 : vector<16xf32> to vector<1x16xf32>
      tpu.vector_store %arg25[%parallel_loop3A_444, %parallel_loop3A_445], %parallel_loop3A_448 {strides = array<i32>} : memref<40x128xf32, #tpu.memory_space<vmem>>, vector<1x16xf32>,
    } {sc.loop_unroll_factor = 1 : i64, sc.parallel_access}
    %dma_start3A_147 = arith.constant 0 : i32
    %dma_start3A_148 = arith.constant 0 : i32
    %dma_start3A_149 = tpu.memref_slice %arg26[%dma_start3A_147, %dma_start3A_148] : memref<10240x128xf32, #tpu.memory_space<vmem_shared>> -> memref<10240x128xf32, #tpu.memory_space<vmem_shared>>
    tpu.enqueue_indirect_dma source(%arg25 : memref<40x128xf32, #tpu.memory_space<vmem>>) target(%dma_start3A_149 : memref<10240x128xf32, #tpu.memory_space<vmem_shared>>) offsets(%arg14 : memref<40xi32, #tpu.memory_space<vmem>>) semaphore(%arg33 : memref<!tpu.dma_semaphore, #tpu.memory_space<semaphore_mem>>) {add = true}
    %dma_wait3A_150 = arith.constant 0 : i32
    %dma_wait3A_151 = arith.constant 0 : i32
    %dma_wait3A_152 = tpu.memref_slice %arg7[%dma_wait3A_150, %dma_wait3A_151] : memref<10240x128xf32, #tpu.memory_space<hbm>> -> memref<40x128xf32, #tpu.memory_space<hbm>>
    %dma_wait3A_153 = arith.constant 0 : i32
    %dma_wait3A_154 = arith.constant 0 : i32
    %dma_wait3A_155 = tpu.memref_slice %arg7[%dma_wait3A_153, %dma_wait3A_154] : memref<10240x128xf32, #tpu.memory_space<hbm>> -> memref<40x128xf32, #tpu.memory_space<hbm>>
    tpu.wait_dma2 semaphore(%arg33 : memref<!tpu.dma_semaphore, #tpu.memory_space<semaphore_mem>>) src(%dma_wait3A_155 : memref<40x128xf32, #tpu.memory_space<hbm>>) dst(%arg25 : memref<40x128xf32, #tpu.memory_space<vmem>>)
    %barrier3A_156 = arith.constant 0 : index
    tpu.barrier barrier_id(%barrier3A_156)
    %eq3A = arith.constant 0 : i32
    %eq3A_157 = arith.cmpi eq, %arg0, %eq3A : i32
    %convert_element_type3A = arith.extui %eq3A_157 : i1 to i32
    %cond3A = arith.constant 0 : i32
    %cond3A_158 = arith.cmpi ne, %convert_element_type3A, %cond3A : i32
    scf.if %cond3A_158 {
      "tpu.region"() ({
        %run_scoped3A = tpu.sem_alloc : memref<!tpu.dma_semaphore, #tpu.memory_space<semaphore_mem>>
        %dma_start3A_164 = arith.constant 0 : i32
        %dma_start3A_165 = tpu.memref_slice %arg7[%multiple_of3A, %dma_start3A_164] : memref<10240x128xf32, #tpu.memory_space<hbm>> -> memref<640x128xf32, #tpu.memory_space<hbm>>
        %dma_start3A_166 = arith.constant 0 : i32
        %dma_start3A_167 = tpu.memref_slice %arg26[%multiple_of3A, %dma_start3A_166] : memref<10240x128xf32, #tpu.memory_space<vmem_shared>> -> memref<640x128xf32, #tpu.memory_space<vmem_shared>>
        tpu.enqueue_dma source(%dma_start3A_167 : memref<640x128xf32, #tpu.memory_space<vmem_shared>>) target(%dma_start3A_165 : memref<640x128xf32, #tpu.memory_space<hbm>>) target_semaphore(%run_scoped3A : memref<!tpu.dma_semaphore, #tpu.memory_space<semaphore_mem>>)
        %dma_wait3A_168 = arith.constant 0 : i32
        %dma_wait3A_169 = tpu.memref_slice %arg7[%multiple_of3A, %dma_wait3A_168] : memref<10240x128xf32, #tpu.memory_space<hbm>> -> memref<640x128xf32, #tpu.memory_space<hbm>>
        %dma_wait3A_170 = arith.constant 0 : i32
        %dma_wait3A_171 = tpu.memref_slice %arg26[%multiple_of3A, %dma_wait3A_170] : memref<10240x128xf32, #tpu.memory_space<vmem_shared>> -> memref<640x128xf32, #tpu.memory_space<vmem_shared>>
        tpu.wait_dma2 semaphore(%run_scoped3A : memref<!tpu.dma_semaphore, #tpu.memory_space<semaphore_mem>>) src(%dma_wait3A_171 : memref<640x128xf32, #tpu.memory_space<vmem_shared>>) dst(%dma_wait3A_169 : memref<640x128xf32, #tpu.memory_space<hbm>>)
        tpu.yield
      }) : () -> ()
    } else {
    }
    %eq3A_159 = arith.constant 1 : i32
    %eq3A_160 = arith.cmpi eq, %arg0, %eq3A_159 : i32
    %convert_element_type3A_161 = arith.extui %eq3A_160 : i1 to i32
    %cond3A_162 = arith.constant 0 : i32
    %cond3A_163 = arith.cmpi ne, %convert_element_type3A_161, %cond3A_162 : i32
    scf.if %cond3A_163 {
      "tpu.region"() ({
        %run_scoped3A = tpu.sem_alloc : memref<!tpu.dma_semaphore, #tpu.memory_space<semaphore_mem>>
        %dma_start3A_164 = arith.constant 0 : i32
        %dma_start3A_165 = tpu.memref_slice %arg8[%multiple_of3A, %dma_start3A_164] : memref<10240x128xf32, #tpu.memory_space<hbm>> -> memref<640x128xf32, #tpu.memory_space<hbm>>
        %dma_start3A_166 = arith.constant 0 : i32
        %dma_start3A_167 = tpu.memref_slice %arg26[%multiple_of3A, %dma_start3A_166] : memref<10240x128xf32, #tpu.memory_space<vmem_shared>> -> memref<640x128xf32, #tpu.memory_space<vmem_shared>>
        tpu.enqueue_dma source(%dma_start3A_167 : memref<640x128xf32, #tpu.memory_space<vmem_shared>>) target(%dma_start3A_165 : memref<640x128xf32, #tpu.memory_space<hbm>>) target_semaphore(%run_scoped3A : memref<!tpu.dma_semaphore, #tpu.memory_space<semaphore_mem>>)
        %dma_wait3A_168 = arith.constant 0 : i32
        %dma_wait3A_169 = tpu.memref_slice %arg8[%multiple_of3A, %dma_wait3A_168] : memref<10240x128xf32, #tpu.memory_space<hbm>> -> memref<640x128xf32, #tpu.memory_space<hbm>>
        %dma_wait3A_170 = arith.constant 0 : i32
        %dma_wait3A_171 = tpu.memref_slice %arg26[%multiple_of3A, %dma_wait3A_170] : memref<10240x128xf32, #tpu.memory_space<vmem_shared>> -> memref<640x128xf32, #tpu.memory_space<vmem_shared>>
        tpu.wait_dma2 semaphore(%run_scoped3A : memref<!tpu.dma_semaphore, #tpu.memory_space<semaphore_mem>>) src(%dma_wait3A_171 : memref<640x128xf32, #tpu.memory_space<vmem_shared>>) dst(%dma_wait3A_169 : memref<640x128xf32, #tpu.memory_space<hbm>>)
        tpu.yield
      }) : () -> ()
    } else {
    }
    return
  }
}

module attributes {stable_mosaic.version = 14 : i64} {
  func.func @_edge_mm_body(%arg0: i32, %arg1: memref<4000x16xf32, #tpu.memory_space<vmem>>, %arg2: memref<16x128xf32, #tpu.memory_space<vmem>>, %arg3: memref<1x128xf32, #tpu.memory_space<vmem>>, %arg4: memref<4000x64xi32, #tpu.memory_space<vmem>>) attributes {dimension_semantics = [#tpu.dimension_semantics<arbitrary>], iteration_bounds = array<i64: 80>, scalar_prefetch = 0 : i64, scratch_operands = 0 : i64, tpu.core_type = #tpu.core_type<tc>, window_params = [{transform_indices = @transform_0, window_bounds = array<i64: 4000, 16>}, {pipeline_mode = #tpu.pipeline_mode<synchronous>, transform_indices = @transform_1, window_bounds = array<i64: 16, 128>}, {pipeline_mode = #tpu.pipeline_mode<synchronous>, transform_indices = @transform_2, window_bounds = array<i64: 1, 128>}, {transform_indices = @transform_3, window_bounds = array<i64: 4000, 64>}]} {
    %get3A = arith.constant 0 : index
    %get3A_0 = arith.constant 0 : index
    %get3A_1 = vector.load %arg1[%get3A, %get3A_0] : memref<4000x16xf32, #tpu.memory_space<vmem>>, vector<4000x16xf32>
    %get3A_2 = arith.constant 0 : index
    %get3A_3 = arith.constant 0 : index
    %get3A_4 = vector.load %arg2[%get3A_2, %get3A_3] : memref<16x128xf32, #tpu.memory_space<vmem>>, vector<16x128xf32>
    %dot_general3A = arith.constant dense<0.000000e+00> : vector<4000x128xf32>
    %dot_general3A_5 = tpu.matmul %get3A_1, %get3A_4, %dot_general3A {dimension_numbers = #tpu.dot_dimension_numbers<[1], [0], [0], [1], [0, 0, 1, 1], [], []>, transpose_lhs_hint = false} : vector<4000x16xf32>, vector<16x128xf32>, vector<4000x128xf32> -> vector<4000x128xf32>
    %get3A_6 = arith.constant 0 : index
    %get3A_7 = arith.constant 0 : index
    %get3A_8 = vector.load %arg3[%get3A_6, %get3A_7] : memref<1x128xf32, #tpu.memory_space<vmem>>, vector<1x128xf32>
    %add3A = vector.broadcast %get3A_8 : vector<1x128xf32> to vector<4000x128xf32>
    %add3A_9 = arith.addf %dot_general3A_5, %add3A : vector<4000x128xf32>
    %slice3A = vector.extract_strided_slice %add3A_9 {offsets = [0, 0], sizes = [4000, 64], strides = [1, 1]} : vector<4000x128xf32> to vector<4000x64xf32>
    %slice3A_10 = vector.extract_strided_slice %add3A_9 {offsets = [0, 64], sizes = [4000, 64], strides = [1, 1]} : vector<4000x128xf32> to vector<4000x64xf32>
    %convert_element_type3A = arith.truncf %slice3A : vector<4000x64xf32> to vector<4000x64xbf16>
    %bitcast_convert_type3A = tpu.bitcast %convert_element_type3A : vector<4000x64xbf16> -> vector<4000x64xi16>
    %convert_element_type3A_11 = arith.truncf %slice3A_10 : vector<4000x64xf32> to vector<4000x64xbf16>
    %bitcast_convert_type3A_12 = tpu.bitcast %convert_element_type3A_11 : vector<4000x64xbf16> -> vector<4000x64xi16>
    %convert_element_type3A_13 = arith.extui %bitcast_convert_type3A : vector<4000x64xi16> to vector<4000x64xi32>
    %convert_element_type3A_14 = arith.extui %bitcast_convert_type3A_12 : vector<4000x64xi16> to vector<4000x64xi32>
    %shift_left3A = arith.constant 16 : i32
    %shift_left3A_15 = vector.broadcast %shift_left3A : i32 to vector<4000x64xi32>
    %shift_left3A_16 = arith.shli %convert_element_type3A_14, %shift_left3A_15 : vector<4000x64xi32>
    %or3A = arith.ori %convert_element_type3A_13, %shift_left3A_16 : vector<4000x64xi32>
    %bitcast_convert_type3A_17 = tpu.bitcast %or3A : vector<4000x64xi32> -> vector<4000x64xi32>
    %swap3A = arith.constant 0 : index
    %swap3A_18 = arith.constant 0 : index
    %swap3A_19 = vector.load %arg4[%swap3A, %swap3A_18] : memref<4000x64xi32, #tpu.memory_space<vmem>>, vector<4000x64xi32>
    tpu.vector_store %arg4[%swap3A, %swap3A_18], %bitcast_convert_type3A_17 {strides = array<i32>} : memref<4000x64xi32, #tpu.memory_space<vmem>>, vector<4000x64xi32>,
    return
  }
  func.func @transform_0(%arg0: i32) -> (i32, i32) {
    %c0_i32 = arith.constant 0 : i32
    %c0_i32_0 = arith.constant 0 : i32
    return %arg0, %c0_i32 : i32, i32
  }
  func.func @transform_1(%arg0: i32) -> (i32, i32) {
    %c0_i32 = arith.constant 0 : i32
    %c0_i32_0 = arith.constant 0 : i32
    %c0_i32_1 = arith.constant 0 : i32
    return %c0_i32, %c0_i32_0 : i32, i32
  }
  func.func @transform_2(%arg0: i32) -> (i32, i32) {
    %c0_i32 = arith.constant 0 : i32
    %c0_i32_0 = arith.constant 0 : i32
    %c0_i32_1 = arith.constant 0 : i32
    return %c0_i32, %c0_i32_0 : i32, i32
  }
  func.func @transform_3(%arg0: i32) -> (i32, i32) {
    %c0_i32 = arith.constant 0 : i32
    %c0_i32_0 = arith.constant 0 : i32
    return %arg0, %c0_i32 : i32, i32
  }
}

module attributes {stable_mosaic.version = 14 : i64} {
  func.func @_node_mm_body(%arg0: i32, %arg1: memref<1000x128xf32, #tpu.memory_space<vmem>>, %arg2: memref<128x512xf32, #tpu.memory_space<vmem>>, %arg3: memref<1x512xf32, #tpu.memory_space<vmem>>, %arg4: memref<1000x128xf32, #tpu.memory_space<vmem>>, %arg5: memref<1000x128xi32, #tpu.memory_space<vmem>>, %arg6: memref<1000x128xf32, #tpu.memory_space<vmem>>) attributes {dimension_semantics = [#tpu.dimension_semantics<arbitrary>], iteration_bounds = array<i64: 10>, scalar_prefetch = 0 : i64, scratch_operands = 0 : i64, tpu.core_type = #tpu.core_type<tc>, window_params = [{transform_indices = @transform_0, window_bounds = array<i64: 1000, 128>}, {pipeline_mode = #tpu.pipeline_mode<synchronous>, transform_indices = @transform_1, window_bounds = array<i64: 128, 512>}, {pipeline_mode = #tpu.pipeline_mode<synchronous>, transform_indices = @transform_2, window_bounds = array<i64: 1, 512>}, {transform_indices = @transform_3, window_bounds = array<i64: 1000, 128>}, {transform_indices = @transform_4, window_bounds = array<i64: 1000, 128>}, {transform_indices = @transform_5, window_bounds = array<i64: 1000, 128>}]} {
    %get3A = arith.constant 0 : index
    %get3A_0 = arith.constant 0 : index
    %get3A_1 = vector.load %arg1[%get3A, %get3A_0] : memref<1000x128xf32, #tpu.memory_space<vmem>>, vector<1000x128xf32>
    %get3A_2 = arith.constant 0 : index
    %get3A_3 = arith.constant 0 : index
    %get3A_4 = vector.load %arg2[%get3A_2, %get3A_3] : memref<128x512xf32, #tpu.memory_space<vmem>>, vector<128x512xf32>
    %dot_general3A = arith.constant dense<0.000000e+00> : vector<1000x512xf32>
    %dot_general3A_5 = tpu.matmul %get3A_1, %get3A_4, %dot_general3A {dimension_numbers = #tpu.dot_dimension_numbers<[1], [0], [0], [1], [0, 0, 1, 1], [], []>, transpose_lhs_hint = false} : vector<1000x128xf32>, vector<128x512xf32>, vector<1000x512xf32> -> vector<1000x512xf32>
    %get3A_6 = arith.constant 0 : index
    %get3A_7 = arith.constant 0 : index
    %get3A_8 = vector.load %arg3[%get3A_6, %get3A_7] : memref<1x512xf32, #tpu.memory_space<vmem>>, vector<1x512xf32>
    %add3A = vector.broadcast %get3A_8 : vector<1x512xf32> to vector<1000x512xf32>
    %add3A_9 = arith.addf %dot_general3A_5, %add3A : vector<1000x512xf32>
    %slice3A = vector.extract_strided_slice %add3A_9 {offsets = [0, 0], sizes = [1000, 128], strides = [1, 1]} : vector<1000x512xf32> to vector<1000x128xf32>
    %swap3A = arith.constant 0 : index
    %swap3A_10 = arith.constant 0 : index
    %swap3A_11 = vector.load %arg4[%swap3A, %swap3A_10] : memref<1000x128xf32, #tpu.memory_space<vmem>>, vector<1000x128xf32>
    tpu.vector_store %arg4[%swap3A, %swap3A_10], %slice3A {strides = array<i32>} : memref<1000x128xf32, #tpu.memory_space<vmem>>, vector<1000x128xf32>,
    %slice3A_12 = vector.extract_strided_slice %add3A_9 {offsets = [0, 128], sizes = [1000, 64], strides = [1, 1]} : vector<1000x512xf32> to vector<1000x64xf32>
    %slice3A_13 = vector.extract_strided_slice %add3A_9 {offsets = [0, 192], sizes = [1000, 64], strides = [1, 1]} : vector<1000x512xf32> to vector<1000x64xf32>
    %convert_element_type3A = arith.truncf %slice3A_12 : vector<1000x64xf32> to vector<1000x64xbf16>
    %bitcast_convert_type3A = tpu.bitcast %convert_element_type3A : vector<1000x64xbf16> -> vector<1000x64xi16>
    %convert_element_type3A_14 = arith.truncf %slice3A_13 : vector<1000x64xf32> to vector<1000x64xbf16>
    %bitcast_convert_type3A_15 = tpu.bitcast %convert_element_type3A_14 : vector<1000x64xbf16> -> vector<1000x64xi16>
    %convert_element_type3A_16 = arith.extui %bitcast_convert_type3A : vector<1000x64xi16> to vector<1000x64xi32>
    %convert_element_type3A_17 = arith.extui %bitcast_convert_type3A_15 : vector<1000x64xi16> to vector<1000x64xi32>
    %shift_left3A = arith.constant 16 : i32
    %shift_left3A_18 = vector.broadcast %shift_left3A : i32 to vector<1000x64xi32>
    %shift_left3A_19 = arith.shli %convert_element_type3A_17, %shift_left3A_18 : vector<1000x64xi32>
    %or3A = arith.ori %convert_element_type3A_16, %shift_left3A_19 : vector<1000x64xi32>
    %bitcast_convert_type3A_20 = tpu.bitcast %or3A : vector<1000x64xi32> -> vector<1000x64xi32>
    %swap3A_21 = arith.constant 0 : index
    %swap3A_22 = arith.constant 0 : index
    %swap3A_23 = vector.load %arg5[%swap3A_21, %swap3A_22] : memref<1000x128xi32, #tpu.memory_space<vmem>>, vector<1000x64xi32>
    tpu.vector_store %arg5[%swap3A_21, %swap3A_22], %bitcast_convert_type3A_20 {strides = array<i32>} : memref<1000x128xi32, #tpu.memory_space<vmem>>, vector<1000x64xi32>,
    %slice3A_24 = vector.extract_strided_slice %add3A_9 {offsets = [0, 256], sizes = [1000, 64], strides = [1, 1]} : vector<1000x512xf32> to vector<1000x64xf32>
    %slice3A_25 = vector.extract_strided_slice %add3A_9 {offsets = [0, 320], sizes = [1000, 64], strides = [1, 1]} : vector<1000x512xf32> to vector<1000x64xf32>
    %convert_element_type3A_26 = arith.truncf %slice3A_24 : vector<1000x64xf32> to vector<1000x64xbf16>
    %bitcast_convert_type3A_27 = tpu.bitcast %convert_element_type3A_26 : vector<1000x64xbf16> -> vector<1000x64xi16>
    %convert_element_type3A_28 = arith.truncf %slice3A_25 : vector<1000x64xf32> to vector<1000x64xbf16>
    %bitcast_convert_type3A_29 = tpu.bitcast %convert_element_type3A_28 : vector<1000x64xbf16> -> vector<1000x64xi16>
    %convert_element_type3A_30 = arith.extui %bitcast_convert_type3A_27 : vector<1000x64xi16> to vector<1000x64xi32>
    %convert_element_type3A_31 = arith.extui %bitcast_convert_type3A_29 : vector<1000x64xi16> to vector<1000x64xi32>
    %shift_left3A_32 = arith.constant 16 : i32
    %shift_left3A_33 = vector.broadcast %shift_left3A_32 : i32 to vector<1000x64xi32>
    %shift_left3A_34 = arith.shli %convert_element_type3A_31, %shift_left3A_33 : vector<1000x64xi32>
    %or3A_35 = arith.ori %convert_element_type3A_30, %shift_left3A_34 : vector<1000x64xi32>
    %bitcast_convert_type3A_36 = tpu.bitcast %or3A_35 : vector<1000x64xi32> -> vector<1000x64xi32>
    %swap3A_37 = arith.constant 0 : index
    %swap3A_38 = arith.constant 64 : index
    %swap3A_39 = vector.load %arg5[%swap3A_37, %swap3A_38] : memref<1000x128xi32, #tpu.memory_space<vmem>>, vector<1000x64xi32>
    tpu.vector_store %arg5[%swap3A_37, %swap3A_38], %bitcast_convert_type3A_36 {strides = array<i32>} : memref<1000x128xi32, #tpu.memory_space<vmem>>, vector<1000x64xi32>,
    %slice3A_40 = vector.extract_strided_slice %add3A_9 {offsets = [0, 384], sizes = [1000, 128], strides = [1, 1]} : vector<1000x512xf32> to vector<1000x128xf32>
    %swap3A_41 = arith.constant 0 : index
    %swap3A_42 = arith.constant 0 : index
    %swap3A_43 = vector.load %arg6[%swap3A_41, %swap3A_42] : memref<1000x128xf32, #tpu.memory_space<vmem>>, vector<1000x128xf32>
    tpu.vector_store %arg6[%swap3A_41, %swap3A_42], %slice3A_40 {strides = array<i32>} : memref<1000x128xf32, #tpu.memory_space<vmem>>, vector<1000x128xf32>,
    return
  }
  func.func @transform_0(%arg0: i32) -> (i32, i32) {
    %c0_i32 = arith.constant 0 : i32
    %c0_i32_0 = arith.constant 0 : i32
    return %arg0, %c0_i32 : i32, i32
  }
  func.func @transform_1(%arg0: i32) -> (i32, i32) {
    %c0_i32 = arith.constant 0 : i32
    %c0_i32_0 = arith.constant 0 : i32
    %c0_i32_1 = arith.constant 0 : i32
    return %c0_i32, %c0_i32_0 : i32, i32
  }
  func.func @transform_2(%arg0: i32) -> (i32, i32) {
    %c0_i32 = arith.constant 0 : i32
    %c0_i32_0 = arith.constant 0 : i32
    %c0_i32_1 = arith.constant 0 : i32
    return %c0_i32, %c0_i32_0 : i32, i32
  }
  func.func @transform_3(%arg0: i32) -> (i32, i32) {
    %c0_i32 = arith.constant 0 : i32
    %c0_i32_0 = arith.constant 0 : i32
    return %arg0, %c0_i32 : i32, i32
  }
  func.func @transform_4(%arg0: i32) -> (i32, i32) {
    %c0_i32 = arith.constant 0 : i32
    %c0_i32_0 = arith.constant 0 : i32
    return %arg0, %c0_i32 : i32, i32
  }
  func.func @transform_5(%arg0: i32) -> (i32, i32) {
    %c0_i32 = arith.constant 0 : i32
    %c0_i32_0 = arith.constant 0 : i32
    return %arg0, %c0_i32 : i32, i32
  }
}

module attributes {stable_mosaic.version = 14 : i64} {
  func.func @_epilogue_body(%arg0: i32, %arg1: memref<1000x128xf32, #tpu.memory_space<vmem>>, %arg2: memref<1000x128xf32, #tpu.memory_space<vmem>>, %arg3: memref<1000x128xf32, #tpu.memory_space<vmem>>, %arg4: memref<1x128xf32, #tpu.memory_space<vmem>>, %arg5: memref<1x128xf32, #tpu.memory_space<vmem>>, %arg6: memref<1000x128xf32, #tpu.memory_space<vmem>>) attributes {dimension_semantics = [#tpu.dimension_semantics<arbitrary>], iteration_bounds = array<i64: 10>, scalar_prefetch = 0 : i64, scratch_operands = 0 : i64, tpu.core_type = #tpu.core_type<tc>, window_params = [{transform_indices = @transform_0, window_bounds = array<i64: 1000, 128>}, {transform_indices = @transform_1, window_bounds = array<i64: 1000, 128>}, {transform_indices = @transform_2, window_bounds = array<i64: 1000, 128>}, {pipeline_mode = #tpu.pipeline_mode<synchronous>, transform_indices = @transform_3, window_bounds = array<i64: 1, 128>}, {pipeline_mode = #tpu.pipeline_mode<synchronous>, transform_indices = @transform_4, window_bounds = array<i64: 1, 128>}, {transform_indices = @transform_5, window_bounds = array<i64: 1000, 128>}]} {
    %get3A = arith.constant 0 : index
    %get3A_0 = arith.constant 0 : index
    %get3A_1 = vector.load %arg1[%get3A, %get3A_0] : memref<1000x128xf32, #tpu.memory_space<vmem>>, vector<1000x128xf32>
    %get3A_2 = arith.constant 0 : index
    %get3A_3 = arith.constant 0 : index
    %get3A_4 = vector.load %arg2[%get3A_2, %get3A_3] : memref<1000x128xf32, #tpu.memory_space<vmem>>, vector<1000x128xf32>
    %add3A = arith.addf %get3A_1, %get3A_4 : vector<1000x128xf32>
    %get3A_5 = arith.constant 0 : index
    %get3A_6 = arith.constant 0 : index
    %get3A_7 = vector.load %arg3[%get3A_5, %get3A_6] : memref<1000x128xf32, #tpu.memory_space<vmem>>, vector<1000x128xf32>
    %add3A_8 = arith.addf %add3A, %get3A_7 : vector<1000x128xf32>
    %reduce_sum3A = arith.constant dense<0.000000e+00> : vector<1000xf32>
    %reduce_sum3A_9 = vector.multi_reduction <add>, %add3A_8, %reduce_sum3A [1] : vector<1000x128xf32> to vector<1000xf32>
    %broadcast_in_dim3A = vector.shape_cast %reduce_sum3A_9 : vector<1000xf32> to vector<1000x1xf32>
    %div3A = arith.constant 1.280000e+02 : f32
    %div3A_10 = vector.broadcast %div3A : f32 to vector<1000x1xf32>
    %div3A_11 = arith.divf %broadcast_in_dim3A, %div3A_10 : vector<1000x1xf32>
    %sub3A = vector.broadcast %div3A_11 : vector<1000x1xf32> to vector<1000x128xf32>
    %sub3A_12 = arith.subf %add3A_8, %sub3A : vector<1000x128xf32>
    %integer_pow3A = arith.mulf %sub3A_12, %sub3A_12 : vector<1000x128xf32>
    %reduce_sum3A_13 = arith.constant dense<0.000000e+00> : vector<1000xf32>
    %reduce_sum3A_14 = vector.multi_reduction <add>, %integer_pow3A, %reduce_sum3A_13 [1] : vector<1000x128xf32> to vector<1000xf32>
    %broadcast_in_dim3A_15 = vector.shape_cast %reduce_sum3A_14 : vector<1000xf32> to vector<1000x1xf32>
    %div3A_16 = arith.constant 1.280000e+02 : f32
    %div3A_17 = vector.broadcast %div3A_16 : f32 to vector<1000x1xf32>
    %div3A_18 = arith.divf %broadcast_in_dim3A_15, %div3A_17 : vector<1000x1xf32>
    %sub3A_19 = vector.broadcast %div3A_11 : vector<1000x1xf32> to vector<1000x128xf32>
    %sub3A_20 = arith.subf %add3A_8, %sub3A_19 : vector<1000x128xf32>
    %add3A_21 = arith.constant 9.99999974E-6 : f32
    %add3A_22 = vector.broadcast %add3A_21 : f32 to vector<1000x1xf32>
    %add3A_23 = arith.addf %div3A_18, %add3A_22 : vector<1000x1xf32>
    %rsqrt3A = math.rsqrt %add3A_23 : vector<1000x1xf32>
    %mul3A = vector.broadcast %rsqrt3A : vector<1000x1xf32> to vector<1000x128xf32>
    %mul3A_24 = arith.mulf %sub3A_20, %mul3A : vector<1000x128xf32>
    %get3A_25 = arith.constant 0 : index
    %get3A_26 = arith.constant 0 : index
    %get3A_27 = vector.load %arg4[%get3A_25, %get3A_26] : memref<1x128xf32, #tpu.memory_space<vmem>>, vector<1x128xf32>
    %mul3A_28 = vector.broadcast %get3A_27 : vector<1x128xf32> to vector<1000x128xf32>
    %mul3A_29 = arith.mulf %mul3A_24, %mul3A_28 : vector<1000x128xf32>
    %get3A_30 = arith.constant 0 : index
    %get3A_31 = arith.constant 0 : index
    %get3A_32 = vector.load %arg5[%get3A_30, %get3A_31] : memref<1x128xf32, #tpu.memory_space<vmem>>, vector<1x128xf32>
    %add3A_33 = vector.broadcast %get3A_32 : vector<1x128xf32> to vector<1000x128xf32>
    %add3A_34 = arith.addf %mul3A_29, %add3A_33 : vector<1000x128xf32>
    %mul3A_35 = arith.constant 5.000000e-01 : f32
    %mul3A_36 = vector.broadcast %mul3A_35 : f32 to vector<1000x128xf32>
    %mul3A_37 = arith.mulf %add3A_34, %mul3A_36 : vector<1000x128xf32>
    %sqrt3A = arith.constant 2.000000e+00 : f32
    %sqrt3A_38 = math.sqrt %sqrt3A : f32
    %div3A_39 = vector.broadcast %sqrt3A_38 : f32 to vector<1000x128xf32>
    %div3A_40 = arith.divf %add3A_34, %div3A_39 : vector<1000x128xf32>
    %erf3A = math.erf %div3A_40 : vector<1000x128xf32>
    %add3A_41 = arith.constant 1.000000e+00 : f32
    %add3A_42 = vector.broadcast %add3A_41 : f32 to vector<1000x128xf32>
    %add3A_43 = arith.addf %add3A_42, %erf3A : vector<1000x128xf32>
    %mul3A_44 = arith.mulf %mul3A_37, %add3A_43 : vector<1000x128xf32>
    %swap3A = arith.constant 0 : index
    %swap3A_45 = arith.constant 0 : index
    %swap3A_46 = vector.load %arg6[%swap3A, %swap3A_45] : memref<1000x128xf32, #tpu.memory_space<vmem>>, vector<1000x128xf32>
    tpu.vector_store %arg6[%swap3A, %swap3A_45], %mul3A_44 {strides = array<i32>} : memref<1000x128xf32, #tpu.memory_space<vmem>>, vector<1000x128xf32>,
    return
  }
  func.func @transform_0(%arg0: i32) -> (i32, i32) {
    %c0_i32 = arith.constant 0 : i32
    %c0_i32_0 = arith.constant 0 : i32
    return %arg0, %c0_i32 : i32, i32
  }
  func.func @transform_1(%arg0: i32) -> (i32, i32) {
    %c0_i32 = arith.constant 0 : i32
    %c0_i32_0 = arith.constant 0 : i32
    return %arg0, %c0_i32 : i32, i32
  }
  func.func @transform_2(%arg0: i32) -> (i32, i32) {
    %c0_i32 = arith.constant 0 : i32
    %c0_i32_0 = arith.constant 0 : i32
    return %arg0, %c0_i32 : i32, i32
  }
  func.func @transform_3(%arg0: i32) -> (i32, i32) {
    %c0_i32 = arith.constant 0 : i32
    %c0_i32_0 = arith.constant 0 : i32
    %c0_i32_1 = arith.constant 0 : i32
    return %c0_i32, %c0_i32_0 : i32, i32
  }
  func.func @transform_4(%arg0: i32) -> (i32, i32) {
    %c0_i32 = arith.constant 0 : i32
    %c0_i32_0 = arith.constant 0 : i32
    %c0_i32_1 = arith.constant 0 : i32
    return %c0_i32, %c0_i32_0 : i32, i32
  }
  func.func @transform_5(%arg0: i32) -> (i32, i32) {
    %c0_i32 = arith.constant 0 : i32
    %c0_i32_0 = arith.constant 0 : i32
    return %arg0, %c0_i32 : i32, i32
  }
}

</mosaic_0001>

<sc_bundles>
// kernel: kernel.6.cloned.1.call-start
scs
__scs_entry_jumppad:
0x0: {  	(pc) =	sbr.rel $0x88, $3  }
0x1: {  	(tag) =	ssettag $0x0;
	lr =	simm.s32 $0x1  }
0x2: {  	[smem:$0x3F92] =	sst lr;
	_ =	strace $0xD0000000  }
0x3: {  	_ = 	snop  }
0x4: {  	_ = 	snop  }
0x5: {  	_ = 	snop  }
0x6: {  	_ = 	snop  }
0x7: {  	_ = 	snop  }
__scs_overlays_trampoline_lowered:
0x8: {  	[smem:$0x3FA1] =	sst s0  }
0x9: {  	[smem:$0x3FA2] =	sst s1  }
0xa: {  	[smem:$0x3FA3] =	sst s2  }
0xb: {  	[smem:$0x3FA4] =	sst s3  }
0xc: {  	[smem:$0x3FA5] =	sst s4  }
0xd: {  	[smem:$0x3FA6] =	sst s5  }
0xe: {  	[smem:$0x3FA7] =	sst s6  }
0xf: {  	[smem:$0x3FA8] =	sst s7  }
0x10: {  	[smem:$0x3FA9] =	sst s8  }
0x11: {  	[smem:$0x3FAA] =	sst s9;
	s0 =	simm.s32 @!p0 $0x0  }
0x12: {  	s1 =	sld [smem:$0x3F90];
	s0 =	simm.s32 @p0 $0x1  }
0x13: {  	[smem:$0x3FAB] =	sst s0;
	s0 =	simm.s32 @!p1 $0x0  }
0x14: {  	s2 =	sld [smem:$0x3F8F];
	s0 =	simm.s32 @p1 $0x1  }
0x15: {  	[smem:$0x3FAC] =	sst s0;
	s0 =	simm.s32 @!p2 $0x0  }
0x16: {  	s3 =	sld [smem:$0x3FDB];
	s0 =	simm.s32 @p2 $0x1  }
0x17: {  	s4 =	simm.s32 $0x1BF5;
	[smem:$0x3FAE] =	sst s0  }
0x18: {  	s0 =	sld [smem:$0x3F91];
	_ =	swait.ge [sflag:s4], $0x0  }
0x19: {  	s7 =	sld [smem:$0x3F92]  }
0x1a: {  	s8 =	sadd.s32 $0xFFFFE003, lr  }
0x1b: {  	s9 =	sadd.s32 $0xFFFFFEF7, lr;
	s5 =	simm.s32 $0xFFFFFFFF;
	p2 =	slt.u32 s8, $0xFFFFF086  }
0x1c: {  	p1 =	slt.u32 s9, $0xF7A;
	s5 =	simm.s32 @!p2 $0x0  }
0x1d: {  	s5 =	simm.s32 @p1 $0x1;
	p0 =	seq.s32 s7, s2  }
0x1e: {  	s7 =	smul.u32 @!p0 $0xF7A, s2;
	p2 =	seq.s32 @!p0 s5, $0x0  }
0x1f: {  	s9 =	smul.u32 $0xF7A, s1;
	s8 =	simm.s32 @!p0 $0x1BF5;
	p2 =	por !p2, p0  }
0x20: {  	[sflag:s8] =	ssyncset.s32 @!p0 $0xFFFFF086;
	s6 =	sadd.s32 @!p0 s3, s7;
	s7 =	simm.s32 @!p0 $0x108  }
0x21: {  	s3 =	sadd.s32 s3, s9;
	s6 =	sadd.s32 @!p0 $0x88, s6;
	s7 =	simm.s32 @p2 $0x1082  }
0x22: {  	[simem:s7], [sflag:s8] =	dma.local @!p0 [hbm:s6], $0xF7A  }
0x23: {  	s9 =	sor.u32 $0xD0000000, s2;
	s6 =	simm.s32 $0x108;
	_ =	swait.ge @!p0 [sflag:s8], $0x0  }
0x24: {  	s3 =	sadd.s32 $0x88, s3;
	s6 =	simm.s32 @!p1 $0x1082;
	[sflag:s4] =	ssyncset.s32 $0xFFFFF086  }
0x25: {  	[simem:s6], [sflag:s4] =	dma.local [hbm:s3], $0xF7A  }
0x26: {  	[smem:$0x3F92] =	sst s1;
	(tag) =	ssettag s2;
	_ =	strace s9  }
0x27: {  	s1 =	sld [smem:$0x3FA2]  }
0x28: {  	s2 =	sld [smem:$0x3FA3]  }
0x29: {  	s4 =	sld [smem:$0x3FA5]  }
0x2a: {  	p0 =	seq.s32 s5, $0x0;
	s5 =	sld [smem:$0x3FA6]  }
0x2b: {  	s6 =	sld [smem:$0x3FA7]  }
0x2c: {  	s7 =	sld [smem:$0x3FA8]  }
0x2d: {  	s3 =	simm.s32 $0x108;
	s8 =	sld [smem:$0x3FA9]  }
0x2e: {  	s3 =	simm.s32 @!p0 $0x1082;
	s9 =	sld [smem:$0x3FAA]  }
0x2f: {  	lr =	sadd.s32 s0, s3;
	s0 =	sld [smem:$0x3FA1]  }
0x30: {  	s3 =	sld [smem:$0x3FA4]  }
0x31: {  	[smem:$0x3FAD] =	sst s10  }
0x32: {  	s10 =	sld [smem:$0x3FAB];
	_ =	sdelay $0x3  }
0x33: {  	p0 =	seq.s32 s10, $0x1;
	s10 =	sld [smem:$0x3FAD];
	_ =	sdelay $0x3  }
0x34: {  	[smem:$0x3FAD] =	sst s10  }
0x35: {  	s10 =	sld [smem:$0x3FAC];
	_ =	sdelay $0x3  }
0x36: {  	p1 =	seq.s32 s10, $0x1;
	s10 =	sld [smem:$0x3FAD];
	_ =	sdelay $0x3  }
0x37: {  	[smem:$0x3FAD] =	sst s10  }
0x38: {  	s10 =	sld [smem:$0x3FAE]  }
0x39: {  	_ = 	snop;
	(pc) =	sbr.ind lr, $3  }
0x3a: {  	_ = 	snop  }
0x3b: {  	_ = 	snop  }
0x3c: {  	p2 =	seq.s32 s10, $0x1;
	s10 =	sld [smem:$0x3FAD]  }
0x3d: {  	_ =	shalt  }
0x3e: {  	_ =	shalt  }
0x3f: {  	_ =	shalt  }
0x40: {  	_ =	shalt  }
0x41: {  	_ =	shalt  }
0x42: {  	_ =	shalt  }
0x43: {  	_ =	shalt  }
0x44: {  	_ =	shalt  }
0x45: {  	_ =	shalt  }
0x46: {  	_ =	shalt  }
0x47: {  	_ =	shalt  }
0x48: {  	_ =	shalt  }
0x49: {  	_ =	shalt  }
0x4a: {  	_ =	shalt  }
0x4b: {  	_ =	shalt  }
0x4c: {  	_ =	shalt  }
0x4d: {  	_ =	shalt  }
0x4e: {  	_ =	shalt  }
0x4f: {  	_ =	shalt  }
0x50: {  	_ =	shalt  }
0x51: {  	_ =	shalt  }
0x52: {  	_ =	shalt  }
0x53: {  	_ =	shalt  }
0x54: {  	_ =	shalt  }
0x55: {  	_ =	shalt  }
0x56: {  	_ =	shalt  }
0x57: {  	_ =	shalt  }
0x58: {  	_ =	shalt  }
0x59: {  	_ =	shalt  }
0x5a: {  	_ =	shalt  }
0x5b: {  	_ =	shalt  }
0x5c: {  	_ =	shalt  }
0x5d: {  	_ =	shalt  }
0x5e: {  	_ =	shalt  }
0x5f: {  	_ =	shalt  }
0x60: {  	_ =	shalt  }
0x61: {  	_ =	shalt  }
0x62: {  	_ =	shalt  }
0x63: {  	_ =	shalt  }
0x64: {  	_ =	shalt  }
0x65: {  	_ =	shalt  }
0x66: {  	_ =	shalt  }
0x67: {  	_ =	shalt  }
0x68: {  	_ =	shalt  }
0x69: {  	_ =	shalt  }
0x6a: {  	_ =	shalt  }
0x6b: {  	_ =	shalt  }
0x6c: {  	_ =	shalt  }
0x6d: {  	_ =	shalt  }
0x6e: {  	_ =	shalt  }
0x6f: {  	_ =	shalt  }
0x70: {  	_ =	shalt  }
0x71: {  	_ =	shalt  }
0x72: {  	_ =	shalt  }
0x73: {  	_ =	shalt  }
0x74: {  	_ =	shalt  }
0x75: {  	_ =	shalt  }
0x76: {  	_ =	shalt  }
0x77: {  	_ =	shalt  }
0x78: {  	_ =	shalt  }
0x79: {  	_ =	shalt  }
0x7a: {  	_ =	shalt  }
0x7b: {  	_ =	shalt  }
0x7c: {  	_ =	shalt  }
0x7d: {  	_ =	shalt  }
0x7e: {  	_ =	shalt  }
0x7f: {  	_ =	shalt  }
0x80: {  	_ =	shalt  }
0x81: {  	_ =	shalt  }
0x82: {  	_ =	shalt  }
0x83: {  	_ =	shalt  }
0x84: {  	_ =	shalt  }
0x85: {  	_ =	shalt  }
0x86: {  	_ =	shalt  }
0x87: {  	_ =	shalt  }
.Lfunc_end0:
.L_simem_size_0:
called_computation_lowered:
.L_overlay_start_0:
0x88: {  	s2 =	sld [smem:$0x3FD9]  }
0x89: {  	s3 =	sld [smem:$0x3FFE];
	_ =	sdelay $0x1  }
0x8a: {  	s1 =	srdreg.scid  }
0x8b: {  	s0 =	sand.u32 $0x1, s1  }
0x8c: {  	s17 =	sshll.u32 s0, $0xA;
	s2 =	sadd.s32 s3, s2  }
0x8d: {  	s2 =	sadd.s32 s2, s17  }
0x8e: {  	[smem:$0x3FB9] =	sst s2  }
0x8f: {  	_ = 	snop  }
0x90: {  	s2 =	sld [smem:$0x3FD0];
	(tm) =	ssettm $0x1  }
0x91: {  	s18 =	sld [smem:$0x3FFB];
	_ =	sdelay $0x3  }
0x92: {  	_ =	strace s18  }
0x93: {  	s3 =	sld [smem:$0x3FFC];
	_ =	sdelay $0x3  }
0x94: {  	_ =	strace s3  }
0x95: {  	s3 =	sld [smem:$0x3FFD];
	_ =	sdelay $0x3  }
0x96: {  	_ =	strace s3  }
0x97: {  	_ =	strace $0x8FFFFFFF  }
0x98: {  	s19 =	sld [smem:$0x3FDB];
	_ =	sdelay $0x1  }
0x99: {  	s4 =	simm.s32 $_scs_section_size  }
0x9a: {  	s5 =	simm.s32 $_size__tile_overlayer_lowered;
	s6 =	simm.s32 $_tile_overlayer_lowered  }
0x9b: {  	s22 =	simm.s32 $0x1BFF;
	s21 =	sshll.u32 s6, $0x1;
	s3 =	sadd.s32 s4, s19  }
0x9c: {  	s7 =	simm.s32 $0x0;
	s20 =	sshll.u32 s5, $0x1;
	s5 =	sadd.s32 s21, s3  }
0x9d: {  	[timem:s7], [sflag:s22] =	dma.local [hbm:s5], s20  }
0x9e: {  	_ =	swait.ge [sflag:s22], s20  }
0x9f: {  	s4 =	ssub.s32 $0x0, s20;
	[sflag:s22] =	ssyncset.done $0x0  }
0xa0: {  	[sflag:s22] =	ssyncadd.s32 s4;
	_ =	sdelay $0x1  }
0xa1: {  	s23 =	simm.s32 $0x1B8B  }
0xa2: {  	_ =	swait.ge [sflag:s23], $0x1  }
0xa3: {  	[sflag:s23] =	ssyncset.done $0x0  }
0xa4: {  	s25 =	simm.s32 $0x1B8E;
	s24 =	sld [smem:$0x3FFE];
	[sflag:s23] =	ssyncadd.s32 $0xFFFFFFFF  }
0xa5: {  	s26 =	simm.s32 $execute0_lowered;
	[smem:$0x3FD2] =	sst s25  }
0xa6: {  	s5 =	sshll.u32 s26, $0x1;
	_ =	strace $0x80000046;
	[dreg:$0x1] =	wrdreg $0xFFFFFFFF  }
0xa7: {  	s28 =	simm.s32 $_size_execute0_lowered;
	s3 =	sadd.s32 s3, s5;
	[dreg:$0x0] =	wrdreg $0x0  }
0xa8: {  	s5 =	sshll.u32 s28, $0x1;
	[dreg:$0x2] =	wrdreg s3  }
0xa9: {  	[dreg:$0x3] =	wrdreg s5  }
0xaa: {  	[dreg:$0x4] =	wrdreg $0xC0  }
0xab: {  	_ =	task [dreg:s7], $0x5FFFF  }
0xac: {  	[dreg:$0x1] =	wrdreg $0xFFFFFFFF  }
0xad: {  	[dreg:$0x0] =	wrdreg $0x60  }
0xae: {  	[dreg:$0x2] =	wrdreg s2  }
0xaf: {  	[dreg:$0x3] =	wrdreg s24  }
0xb0: {  	[dreg:$0x4] =	wrdreg $0xB8000  }
0xb1: {  	[dreg:$0x5] =	wrdreg $0x9  }
0xb2: {  	_ =	task.clear_ibuf [dreg:s7], $0x6FFFF;
	_ =	strace $0x90000046  }
0xb3: {  	s29 =	simm.s32 $0x9;
	_ =	strace $0x80000048  }
0xb4: {  	_ =	swait.ge [sflag:s29], $0x1  }
0xb5: {  	[sflag:s29] =	ssyncadd.s32 $0xFFFFFFFF  }
0xb6: {  	_ =	strace $0x90000048  }
0xb7: {  	_ =	sfence  }
0xb8: {  	s30 =	sld [smem:$0x0];
	_ =	sdelay $0x2  }
0xb9: {  	s31 =	sshll.u32 s1, $0xD;
	s1 =	sshrl.u32 s1, $0x2  }
0xba: {  	s3 =	sand.u32 $0x4000, s31;
	s1 =	sadd.s32 s1, s30  }
0xbb: {  	s0 =	sor.u32 s3, s0;
	s1 =	sshll.u32 s1, $0x11  }
0xbc: {  	s0 =	sor.u32 s1, s0  }
0xbd: {  	s0 =	sadd.s32 $0x8F2B, s0  }
0xbe: {  	[sflag:s0] =	ssyncadd.remote.s32 $0x1  }
0xbf: {  	_ =	sfence.sel $0xFFFF  }
0xc0: {  	[dreg:$0x0] =	wrdreg $0xFFFFFFFF;
	(pc) =	sbr.abs _section_cstart, $3  }
0xc1: {  	[dreg:$0x1] =	wrdreg $0xFFFFFFFF  }
0xc2: {  	_ =	task.clear_ibuf [dreg:s7], $0x2FFFF;
	_ =	strace $0x9FFFFFFF  }
0xc3: {  	(tm) =	ssettm $0x7FFFFFFF  }
tec
execute0_lowered:
.L_overlay_start_1:
0x0: {  	(tag) =	ssettag $0x1  }
0x1: {  	s1 =	rddreg [dreg:$0x0]  }
0x2: {  	s0 =	rddreg [dreg:$0x1]  }
0x3: {  	s2 =	rddreg [dreg:$0x2]  }
0x4: {  	s17 =	simm.s32 $0x0;
	s3 =	srdreg.scid;
	s13 =	stileid.u32  }
0x5: {  	s29 =	simm.s32 $0x80;
	s30 =	simm.s32 $0x280;
	[smem:$0x7FF] =	sst s17  }
0x6: {  	s6 =	sadd.s32 $0x546600, s0;
	s14 =	sadd.s32 $0x2600, s0;
	s5 =	smul.u32 $0x50000, s13  }
0x7: {  	s3 =	sand.u32 $0x1, s3;
	s10 =	sshll.u32 s13, $0x1;
	_ =	strace $0x80000047  }
0x8: {  	s9 =	ssub.s32 $0x2, s3;
	s10 =	sor.u32 s3, s10;
	s5 =	sshrl.u32 s5, $0x2  }
0x9: {  	[dreg:$0x5] =	wrdreg s14;
	s11 =	sshrl.u32 s9, $0x1;
	s20 =	sadd.s32 s5, s2  }
0xa: {  	s9 =	ssub.s32 s9, s11;
	s5 =	sadd.s32 $0x1400, s20;
	[dreg:$0x6] =	wrdreg s20  }
0xb: {  	s11 =	smul.u32 $0x2710, s10;
	s16 =	sadd.s32 $0x2800, s20;
	[dreg:$0x7] =	wrdreg s5  }
0xc: {  	s10 =	smul.u32 $0x27100, s10;
	s18 =	sadd.s32 $0x3C00, s20;
	[dreg:$0x8] =	wrdreg s16  }
0xd: {  	s24 =	smul.u32 $0x2800, s13;
	s13 =	sadd.s32 $0x5000, s20;
	[dreg:$0x9] =	wrdreg s18  }
0xe: {  	s31 =	simm.s32 $0x4;
	s10 =	sadd.s32 s6, s10;
	[dreg:$0x16] =	wrdreg s13  }
0xf: {  	s28 =	simm.s32 $0x3;
	s25 =	sadd.s32 $0x50, s11;
	[dreg:$0xc] =	wrdreg s10  }
0x10: {  	s7 =	sadd.s32 $0x4EE400, s0;
	s26 =	sadd.s32 $0x78, s11;
	[dreg:$0x10] =	wrdreg s25  }
0x11: {  	s8 =	sadd.s32 $0x4E4600, s0;
	s16 =	sadd.s32 $0x8C00, s20;
	[dreg:$0x11] =	wrdreg s26  }
0x12: {  	s19 =	sshrl.u32 s11, $0x3;
	s18 =	sadd.s32 $0xA000, s20;
	[dreg:$0x19] =	wrdreg s16  }
0x13: {  	s12 =	sadd.s32 $0x28, s11;
	s15 =	sadd.s32 s7, s19;
	[dreg:$0x1a] =	wrdreg s18  }
0x14: {  	s5 =	sadd.s32 s8, s19;
	s21 =	sshll.u32 s12, $0x4;
	[dreg:$0xa] =	wrdreg s15  }
0x15: {  	s22 =	sshrl.u32 s12, $0x3;
	s12 =	smax.u32 s9, $0x1;
	[dreg:$0xb] =	wrdreg s5  }
0x16: {  	s10 =	smov.u32 s14;
	s14 =	sadd.s32 $0x6400, s20;
	[dreg:$0x15] =	wrdreg s12  }
0x17: {  	s4 =	sadd.s32 $0x4F8200, s0;
	s19 =	sadd.s32 $0xB400, s20;
	[dreg:$0x17] =	wrdreg s14  }
0x18: {  	s0 =	sadd.s32 $0x2A600, s0;
	s25 =	sadd.s32 $0x11800, s20;
	[dreg:$0x1b] =	wrdreg s19  }
0x19: {  	p0 =	seq.s32 s3, $0x1;
	s26 =	sadd.s32 $0x12C00, s20;
	[smem:$0x7FC] =	sst s25  }
0x1a: {  	s13 =	simm.s32 $0x300;
	s5 =	sadd.s32 s6, s21;
	[smem:$0x7FD] =	sst s26  }
0x1b: {  	s16 =	simm.s32 $0xA400;
	s23 =	sadd.s32 s7, s22;
	[dreg:$0xd] =	wrdreg s5  }
0x1c: {  	s18 =	simm.s32 $0x200;
	s15 =	sadd.s32 $0x7800, s20;
	[dreg:$0xe] =	wrdreg s23  }
0x1d: {  	s9 =	simm.s32 $0x5;
	s21 =	sadd.s32 $0xC800, s20;
	[dreg:$0x18] =	wrdreg s15  }
0x1e: {  	s10 =	smov.u32 @p0 s0;
	s5 =	sadd.s32 s8, s22;
	[dreg:$0x1c] =	wrdreg s21  }
0x1f: {  	s25 =	simm.s32 $0x400;
	s22 =	sadd.s32 $0xDC00, s20;
	[dreg:$0xf] =	wrdreg s5  }
0x20: {  	s26 =	simm.s32 $0x2C00;
	s23 =	sadd.s32 $0xF000, s20;
	[dreg:$0x1d] =	wrdreg s22  }
0x21: {  	s0 =	simm.s32 $0x1800;
	s5 =	sadd.s32 s10, s24;
	[dreg:$0x1e] =	wrdreg s23  }
0x22: {  	s14 =	simm.s32 $0x1;
	s10 =	sadd.s32 $0xA0, s11;
	[dreg:$0x12] =	wrdreg s5  }
0x23: {  	s19 =	simm.s32 $0x6;
	s11 =	sadd.s32 $0xC8, s11;
	[dreg:$0x13] =	wrdreg s10  }
0x24: {  	s21 =	simm.s32 $0x8;
	s24 =	sadd.s32 $0x10400, s20;
	[dreg:$0x14] =	wrdreg s11  }
0x25: {  	s15 =	simm.s32 $0x7;
	s22 =	simm.s32 $0x28;
	[dreg:$0x1f] =	wrdreg s24  }
0x26: {  	v0 =	vimm.f32 $0.0e+00;
	s5 =	simm.s32 $0x4000;
	s11 =	simm.s32 $0x380;
	s10 =	simm.s32 $0x2  }
.LBB2_1:
0x27: {  	[dreg:$0x4] =	wrdreg s17;
	s3 =	simm.s32 $0x0;
	s12 =	simm.s32 $0x200  }
.LBB2_2:
0x28: {  	p0 =	sne.s32 s12, $0x4E00;
	[tilespmem:s3+$0xA470] =	vst v0  }
0x29: {  	[tilespmem:s3+$0xA400] =	vst v0  }
0x2a: {  	[tilespmem:s3+$0xA410] =	vst v0  }
.Ltmp0:
0x2b: {  	[tilespmem:s3+$0xA420] =	vst v0;
	(pc) =	sbr.rel @p0 .LBB2_2-.Ltmp0, $4  }
0x2c: {  	[tilespmem:s3+$0xA430] =	vst v0  }
0x2d: {  	[tilespmem:s3+$0xA440] =	vst v0  }
0x2e: {  	[tilespmem:s3+$0xA450] =	vst v0  }
0x2f: {  	[tilespmem:s3+$0xA460] =	vst v0;
	s3 =	sshra.s32 s12, $0x2;
	s12 =	sadd.s32 $0x200, s12  }
0x30: {  	[tilespmem:s3+$0xA470] =	vst v0  }
0x31: {  	[tilespmem:s3+$0xA400] =	vst v0  }
0x32: {  	[tilespmem:s3+$0xA410] =	vst v0  }
0x33: {  	[tilespmem:s3+$0xA420] =	vst v0  }
0x34: {  	[tilespmem:s3+$0xA430] =	vst v0  }
0x35: {  	[tilespmem:s3+$0xA440] =	vst v0  }
0x36: {  	[tilespmem:s3+$0xA450] =	vst v0  }
0x37: {  	[tilespmem:s3+$0xA460] =	vst v0  }
0x38: {  	[spmem:s20] =	stream.linear.scatter [tilespmem:s16], [sflag:$0x8], $0x1400, $0x38;
	[tilespmem:$0x1F800] =	vst v63  }
0x39: {  	_ =	swait.ge [sflag:s21], $0x1400  }
0x3a: {  	[sflag:s21] =	ssyncset.done $0x0  }
0x3b: {  	s20 =	rddreg [dreg:$0x7];
	[sflag:s21] =	ssyncadd.s32 $0xFFFFEC00  }
0x3c: {  	[spmem:s20] =	stream.linear.scatter [tilespmem:s16], [sflag:$0x8], $0x1400, $0x38;
	[tilespmem:$0x1F800] =	vst v63  }
0x3d: {  	_ =	swait.ge [sflag:s21], $0x1400  }
0x3e: {  	[sflag:s21] =	ssyncset.done $0x0  }
0x3f: {  	s23 =	rddreg [dreg:$0x8];
	[sflag:s21] =	ssyncadd.s32 $0xFFFFEC00  }
0x40: {  	[spmem:s23] =	stream.linear.scatter [tilespmem:s16], [sflag:$0x8], $0x1400, $0x38;
	[tilespmem:$0x1F800] =	vst v63  }
0x41: {  	_ =	swait.ge [sflag:s21], $0x1400  }
0x42: {  	[sflag:s21] =	ssyncset.done $0x0  }
0x43: {  	s24 =	rddreg [dreg:$0x9];
	[sflag:s21] =	ssyncadd.s32 $0xFFFFEC00  }
0x44: {  	[spmem:s24] =	stream.linear.scatter [tilespmem:s16], [sflag:$0x8], $0x1400, $0x38;
	[tilespmem:$0x1F800] =	vst v63  }
0x45: {  	_ =	swait.ge [sflag:s21], $0x1400  }
0x46: {  	[sflag:s21] =	ssyncset.done $0x0  }
0x47: {  	s12 =	rddreg [dreg:$0x16];
	[sflag:s21] =	ssyncadd.s32 $0xFFFFEC00  }
0x48: {  	[spmem:s12] =	stream.linear.scatter [tilespmem:s16], [sflag:$0x8], $0x1400, $0x38;
	[tilespmem:$0x1F800] =	vst v63  }
0x49: {  	_ =	swait.ge [sflag:s21], $0x1400  }
0x4a: {  	[sflag:s21] =	ssyncset.done $0x0  }
0x4b: {  	s17 =	rddreg [dreg:$0x17];
	[sflag:s21] =	ssyncadd.s32 $0xFFFFEC00  }
0x4c: {  	[spmem:s17] =	stream.linear.scatter [tilespmem:s16], [sflag:$0x8], $0x1400, $0x38;
	[tilespmem:$0x1F800] =	vst v63  }
0x4d: {  	_ =	swait.ge [sflag:s21], $0x1400  }
0x4e: {  	[sflag:s21] =	ssyncset.done $0x0  }
0x4f: {  	s20 =	rddreg [dreg:$0x18];
	[sflag:s21] =	ssyncadd.s32 $0xFFFFEC00  }
0x50: {  	[spmem:s20] =	stream.linear.scatter [tilespmem:s16], [sflag:$0x8], $0x1400, $0x38;
	[tilespmem:$0x1F800] =	vst v63  }
0x51: {  	_ =	swait.ge [sflag:s21], $0x1400  }
0x52: {  	[sflag:s21] =	ssyncset.done $0x0  }
0x53: {  	s23 =	rddreg [dreg:$0x19];
	[sflag:s21] =	ssyncadd.s32 $0xFFFFEC00  }
0x54: {  	[spmem:s23] =	stream.linear.scatter [tilespmem:s16], [sflag:$0x8], $0x1400, $0x38;
	[tilespmem:$0x1F800] =	vst v63  }
0x55: {  	_ =	swait.ge [sflag:s21], $0x1400  }
0x56: {  	[sflag:s21] =	ssyncset.done $0x0  }
0x57: {  	s24 =	rddreg [dreg:$0x1a];
	[sflag:s21] =	ssyncadd.s32 $0xFFFFEC00  }
0x58: {  	[spmem:s24] =	stream.linear.scatter [tilespmem:s16], [sflag:$0x8], $0x1400, $0x38;
	[tilespmem:$0x1F800] =	vst v63  }
0x59: {  	_ =	swait.ge [sflag:s21], $0x1400  }
0x5a: {  	[sflag:s21] =	ssyncset.done $0x0  }
0x5b: {  	s12 =	rddreg [dreg:$0x1b];
	[sflag:s21] =	ssyncadd.s32 $0xFFFFEC00  }
0x5c: {  	[spmem:s12] =	stream.linear.scatter [tilespmem:s16], [sflag:$0x8], $0x1400, $0x38;
	[tilespmem:$0x1F800] =	vst v63  }
0x5d: {  	_ =	swait.ge [sflag:s21], $0x1400  }
0x5e: {  	[sflag:s21] =	ssyncset.done $0x0  }
0x5f: {  	s17 =	rddreg [dreg:$0x1c];
	[sflag:s21] =	ssyncadd.s32 $0xFFFFEC00  }
0x60: {  	[spmem:s17] =	stream.linear.scatter [tilespmem:s16], [sflag:$0x8], $0x1400, $0x38;
	[tilespmem:$0x1F800] =	vst v63  }
0x61: {  	_ =	swait.ge [sflag:s21], $0x1400  }
0x62: {  	[sflag:s21] =	ssyncset.done $0x0  }
0x63: {  	s20 =	rddreg [dreg:$0x1d];
	[sflag:s21] =	ssyncadd.s32 $0xFFFFEC00  }
0x64: {  	[spmem:s20] =	stream.linear.scatter [tilespmem:s16], [sflag:$0x8], $0x1400, $0x38;
	[tilespmem:$0x1F800] =	vst v63  }
0x65: {  	_ =	swait.ge [sflag:s21], $0x1400  }
0x66: {  	[sflag:s21] =	ssyncset.done $0x0  }
0x67: {  	s23 =	rddreg [dreg:$0x1e];
	[sflag:s21] =	ssyncadd.s32 $0xFFFFEC00  }
0x68: {  	[spmem:s23] =	stream.linear.scatter [tilespmem:s16], [sflag:$0x8], $0x1400, $0x38;
	[tilespmem:$0x1F800] =	vst v63  }
0x69: {  	_ =	swait.ge [sflag:s21], $0x1400  }
0x6a: {  	[sflag:s21] =	ssyncset.done $0x0  }
0x6b: {  	s24 =	rddreg [dreg:$0x1f];
	[sflag:s21] =	ssyncadd.s32 $0xFFFFEC00  }
0x6c: {  	[spmem:s24] =	stream.linear.scatter [tilespmem:s16], [sflag:$0x8], $0x1400, $0x38;
	[tilespmem:$0x1F800] =	vst v63  }
0x6d: {  	_ =	swait.ge [sflag:s21], $0x1400  }
0x6e: {  	s12 =	sld [smem:$0x7FC]  }
0x6f: {  	[sflag:s21] =	ssyncset.done $0x0  }
0x70: {  	[sflag:s21] =	ssyncadd.s32 $0xFFFFEC00  }
0x71: {  	[spmem:s12] =	stream.linear.scatter [tilespmem:s16], [sflag:$0x8], $0x1400, $0x38;
	[tilespmem:$0x1F800] =	vst v63  }
0x72: {  	_ =	swait.ge [sflag:s21], $0x1400  }
0x73: {  	s17 =	sld [smem:$0x7FD]  }
0x74: {  	[sflag:s21] =	ssyncset.done $0x0  }
0x75: {  	[sflag:s21] =	ssyncadd.s32 $0xFFFFEC00  }
0x76: {  	[spmem:s17] =	stream.linear.scatter [tilespmem:s16], [sflag:$0x8], $0x1400, $0x38;
	[tilespmem:$0x1F800] =	vst v63  }
0x77: {  	_ =	swait.ge [sflag:s21], $0x1400  }
0x78: {  	[sflag:s21] =	ssyncset.done $0x0  }
0x79: {  	[sflag:s21] =	ssyncadd.s32 $0xFFFFEC00  }
0x7a: {  	[bflag:$0x0] =	sbarrier.arrive $0xFFFF  }
0x7b: {  	s17 =	simm.s32 $0x0;
	s20 =	rddreg [dreg:$0xa]  }
0x7c: {  	[tilespmem:s17], [sflag:$0x8] =	stream.linear.gather [hbm4b:s20+s17], $0x28, $0x38;
	[tilespmem:$0x1F800] =	vst v63  }
0x7d: {  	_ =	swait.ge [sflag:s21], $0x28  }
0x7e: {  	[sflag:s21] =	ssyncset.done $0x0  }
0x7f: {  	s23 =	rddreg [dreg:$0xb];
	[sflag:s21] =	ssyncadd.s32 $0xFFFFFFD8  }
0x80: {  	[tilespmem:s18], [sflag:$0x8] =	stream.linear.gather [hbm4b:s23+s17], $0x28, $0x38;
	[tilespmem:$0x1F800] =	vst v63  }
0x81: {  	_ =	swait.ge [sflag:s21], $0x28  }
0x82: {  	[sflag:s21] =	ssyncset.done $0x0  }
0x83: {  	s12 =	simm.s32 $0x5400;
	s24 =	rddreg [dreg:$0xc];
	[sflag:s21] =	ssyncadd.s32 $0xFFFFFFD8  }
0x84: {  	[tilespmem:s12], [sflag:$0x8] =	stream.linear.gather [hbm4b:s24+s17], $0x1400, $0x38;
	[tilespmem:$0x1F800] =	vst v63  }
0x85: {  	_ =	swait.ge [sflag:s21], $0x1400  }
0x86: {  	[sflag:s21] =	ssyncset.done $0x0  }
0x87: {  	[sflag:s21] =	ssyncadd.s32 $0xFFFFEC00  }
0x88: {  	[tilespmem:s25], [sflag:$0x1] =	stream.indirect.gather [hbm4b:s1+s22], $0x80, s18, s22, $0xb8;
	[tilespmem:$0x1F800] =	vst v63  }
0x89: {  	_ = 	snop  }
0x8a: {  	[tilespmem:s26], [sflag:$0x1] =	stream.indirect.gather [hbm4b:s4+s22], $0x80, s17, s22, $0xb8;
	[tilespmem:$0x1F800] =	vst v63  }
0x8b: {  	s20 =	simm.s32 $0x6800;
	s12 =	rddreg [dreg:$0xd]  }
0x8c: {  	[tilespmem:s20], [sflag:$0x4] =	stream.linear.gather [hbm4b:s12+s17], $0x1400, $0x38;
	[tilespmem:$0x1F800] =	vst v63  }
0x8d: {  	s21 =	rddreg [dreg:$0xe]  }
0x8e: {  	[tilespmem:s29], [sflag:$0x4] =	stream.linear.gather [hbm4b:s21+s17], $0x28, $0x38;
	[tilespmem:$0x1F800] =	vst v63  }
0x8f: {  	s23 =	rddreg [dreg:$0xf]  }
0x90: {  	[tilespmem:s30], [sflag:$0x4] =	stream.linear.gather [hbm4b:s23+s17], $0x28, $0x38;
	[tilespmem:$0x1F800] =	vst v63  }
0x91: {  	s24 =	rddreg [dreg:$0x5];
	s20 =	simm.s32 $0x0  }
0x92: {  	[tilespmem:s16], [sflag:$0x7] =	stream.linear.gather [hbm4b:s24+s17], $0x1400, $0x38;
	[tilespmem:$0x1F800] =	vst v63  }
.LBB2_4:
0x93: {  	_ =	swait.ge [sflag:s31], $0x1400  }
0x94: {  	[sflag:s31] =	ssyncset.done $0x0  }
0x95: {  	[sflag:s31] =	ssyncadd.s32 $0xFFFFEC00  }
0x96: {  	_ =	swait.ge [sflag:s31], $0x28  }
0x97: {  	[sflag:s31] =	ssyncset.done $0x0  }
0x98: {  	[sflag:s31] =	ssyncadd.s32 $0xFFFFFFD8  }
0x99: {  	s21 =	smul.u32 $0xA0, s20;
	_ =	swait.ge [sflag:s31], $0x28  }
0x9a: {  	[sflag:s31] =	ssyncset.done $0x0;
	s3 =	rddreg [dreg:$0x10]  }
0x9b: {  	[sflag:s31] =	ssyncadd.s32 $0xFFFFFFD8;
	s3 =	sadd.s32 s21, s3  }
0x9c: {  	[tilespmem:s0], [sflag:$0x2] =	stream.indirect.gather [hbm4b:s1+s22], $0x80, s30, s22, $0xb8;
	[tilespmem:$0x1F800] =	vst v63  }
0x9d: {  	s12 =	sshll.u32 s3, $0x4  }
0x9e: {  	[tilespmem:s5], [sflag:$0x2] =	stream.indirect.gather [hbm4b:s4+s22], $0x80, s29, s22, $0xb8;
	[tilespmem:$0x1F800] =	vst v63  }
0x9f: {  	s23 =	simm.s32 $0x7C00;
	s3 =	sshrl.u32 s3, $0x3;
	s12 =	sadd.s32 s6, s12  }
0xa0: {  	[tilespmem:s23], [sflag:$0x5] =	stream.linear.gather [hbm4b:s12+s17], $0x1400, $0x38;
	[tilespmem:$0x1F800] =	vst v63  }
0xa1: {  	s24 =	simm.s32 $0x100;
	s23 =	sadd.s32 s7, s3  }
0xa2: {  	[tilespmem:s24], [sflag:$0x5] =	stream.linear.gather [hbm4b:s23+s17], $0x28, $0x38;
	[tilespmem:$0x1F800] =	vst v63  }
0xa3: {  	s3 =	sadd.s32 s8, s3  }
0xa4: {  	[tilespmem:s13], [sflag:$0x5] =	stream.linear.gather [hbm4b:s3+s17], $0x28, $0x38;
	[tilespmem:$0x1F800] =	vst v63  }
0xa5: {  	_ =	swait.ge [sflag:s14], $0x1400  }
0xa6: {  	[sflag:s14] =	ssyncset.done $0x0  }
0xa7: {  	[sflag:s14] =	ssyncadd.s32 $0xFFFFEC00  }
0xa8: {  	_ =	swait.ge [sflag:s14], $0x1400  }
0xa9: {  	[sflag:s14] =	ssyncset.done $0x0  }
0xaa: {  	[sflag:s14] =	ssyncadd.s32 $0xFFFFEC00  }
0xab: {  	_ =	swait.ge [sflag:s15], $0x1400  }
0xac: {  	[sflag:s15] =	ssyncset.done $0x0  }
0xad: {  	s23 =	simm.s32 $0x0;
	[sflag:s15] =	ssyncadd.s32 $0xFFFFEC00  }
0xae: {  	v1 =	vld [tilespmem:s23+$0x460]  }
0xaf: {  	v2 =	vld [tilespmem:s23+$0x470]  }
0xb0: {  	v3 =	vld [tilespmem:s23+$0x5430]  }
0xb1: {  	v4 =	vld [tilespmem:s23+$0x2C30]  }
0xb2: {  	v5 =	vld [tilespmem:s23+$0x5400]  }
0xb3: {  	v6 =	vld [tilespmem:s23+$0x410]  }
0xb4: {  	v7 =	vld [tilespmem:s23+$0x2C00]  }
0xb5: {  	v8 =	vshll.u32 v3, $0x10  }
0xb6: {  	v3 =	vand.u32 $0xFFFF0000, v3;
	v1 =	vadd.f32 v8, v1  }
0xb7: {  	v9 =	vshll.u32 v4, $0x10;
	v10 =	vand.u32 $0xFFFF0000, v5;
	v8 =	vld [tilespmem:s23+$0x400];
	v2 =	vadd.f32 v3, v2  }
0xb8: {  	v4 =	vand.u32 $0xFFFF0000, v4;
	v3 =	vld [tilespmem:s23+$0x5420];
	v6 =	vadd.f32 v10, v6;
	v1 =	vadd.f32 v9, v1  }
0xb9: {  	v10 =	vld [tilespmem:s23+$0x2C20];
	v9 =	vand.u32 $0xFFFF0000, v7;
	v2 =	vadd.f32 v4, v2  }
0xba: {  	v6 =	vadd.f32 v9, v6;
	v9 =	vld [tilespmem:s23+$0x450];
	v1 =	vsub.f32 $0.0e+00, v1  }
0xbb: {  	v5 =	vshll.u32 v5, $0x10;
	v4 =	vld [tilespmem:s23+$0x440]  }
0xbc: {  	v7 =	vshll.u32 v7, $0x10;
	v2 =	vsub.f32 $0.0e+00, v2;
	v1 =	vmul.f32 $1.442695020e+00, v1  }
0xbd: {  	v6 =	vsub.f32 $0.0e+00, v6;
	v12 =	vshll.u32 v3, $0x10;
	v5 =	vadd.f32 v5, v8;
	v8 =	vld [tilespmem:s23+$0x5410]  }
0xbe: {  	v13 =	vld [tilespmem:s23+$0x430];
	v2 =	vmul.f32 $1.442695020e+00, v2;
	(erf) = vpow2.f32 v1;
	v1 =	vand.u32 $0xFFFF0000, v3  }
0xbf: {  	v11 =	vld [tilespmem:s23+$0x2C10];
	v6 =	vmul.f32 $1.442695020e+00, v6;
	v3 =	vadd.f32 v7, v5;
	v5 =	vadd.f32 v1, v9  }
0xc0: {  	v4 =	vadd.f32 v12, v4;
	v7 =	vand.u32 $0xFFFF0000, v10;
	(erf) = vpow2.f32 v2  }
0xc1: {  	v2 =	vld [tilespmem:s23+$0x420];
	(erf) = vpow2.f32 v6;
	v6 =	vshll.u32 v10, $0x10;
	v5 =	vadd.f32 v7, v5  }
0xc2: {  	s24 =	simm.s32 $0x80;
	v3 =	vsub.f32 $0.0e+00, v3;
	v7 =	vand.u32 $0xFFFF0000, v8;
	v4 =	vadd.f32 v6, v4  }
0xc3: {  	v14 =	vld [tilespmem:s24+$0x5420];
	v7 =	vadd.f32 v7, v13;
	v5 =	vsub.f32 $0.0e+00, v5  }
0xc4: {  	v16 =	vld [tilespmem:s24+$0x5410];
	v10 =	vand.u32 $0xFFFF0000, v11;
	v8 =	vshll.u32 v8, $0x10;
	v4 =	vsub.f32 $0.0e+00, v4  }
0xc5: {  	v18 =	vld [tilespmem:s24+$0x2C30];
	v3 =	vmul.f32 $1.442695020e+00, v3;
	v7 =	vadd.f32 v10, v7;
	v5 =	vmul.f32 $1.442695020e+00, v5  }
0xc6: {  	v19 =	vld [tilespmem:s24+$0x5400];
	v2 =	vadd.f32 v8, v2  }
0xc7: {  	v61 =	vld [tilespmem:s24+$0x440];
	(erf) = vpow2.f32 v3;
	v3 =	vshll.u32 v11, $0x10;
	v7 =	vsub.f32 $0.0e+00, v7  }
0xc8: {  	v10 =	vld [tilespmem:s24+$0x2C10];
	v2 =	vadd.f32 v3, v2;
	v3 =	vmul.f32 $1.442695020e+00, v4;
	v4 =	vpop (erf)  }
0xc9: {  	v9 =	vld [tilespmem:s23+$0x2C70];
	(erf) = vpow2.f32 v5;
	v4 =	vadd.f32 $1.000000000e+00, v4;
	v5 =	vpop (erf)  }
0xca: {  	v6 =	vld [tilespmem:s23+$0x2C40];
	v2 =	vsub.f32 $0.0e+00, v2;
	(erf) = vpow2.f32 v3;
	v3 =	vadd.f32 $1.000000000e+00, v5  }
0xcb: {  	v23 =	vshll.u32 v16, $0x10;
	v13 =	vld [tilespmem:s24+$0x2C20];
	v5 =	vmul.f32 $1.442695020e+00, v7;
	v7 =	vpop (erf);
	(erf) = vrcp.f32 v4  }
0xcc: {  	v24 =	vshll.u32 v14, $0x10;
	v12 =	vld [tilespmem:s24+$0x420];
	v17 =	vmul.f32 $1.442695020e+00, v2;
	(erf) = vrcp.f32 v3  }
0xcd: {  	v4 =	vand.u32 $0xFFFF0000, v10;
	(erf) = vpow2.f32 v5;
	v5 =	vshll.u32 v10, $0x10;
	v10 =	vld [tilespmem:s24+$0x5430]  }
0xce: {  	v58 =	vshll.u32 v18, $0x10;
	v18 =	vand.u32 $0xFFFF0000, v18;
	v63 =	vadd.f32 v24, v61;
	v8 =	vld [tilespmem:s24+$0x460]  }
0xcf: {  	v11 =	vld [tilespmem:s24+$0x470];
	v21 =	vshll.u32 v9, $0x10;
	v20 =	vshll.u32 v6, $0x10;
	(erf) = vpow2.f32 v17  }
0xd0: {  	v22 =	vld [tilespmem:s24+$0x410];
	v15 =	vshll.u32 v13, $0x10;
	v7 =	vadd.f32 $1.000000000e+00, v7;
	v3 =	vand.u32 $0xFFFF0000, v6;
	v6 =	vpop (erf)  }
0xd1: {  	v9 =	vand.u32 $0xFFFF0000, v9;
	v15 =	vadd.f32 v15, v63;
	v17 =	vld [tilespmem:s24+$0x2C00];
	v25 =	vadd.f32 $1.000000000e+00, v6  }
0xd2: {  	v6 =	vadd.f32 v23, v12;
	(erf) = vrcp.f32 v7;
	v12 =	vpop (erf);
	v26 =	vshll.u32 v10, $0x10  }
0xd3: {  	v1 =	vld [tilespmem:s23+$0x2C60];
	v7 =	vand.u32 $0xFFFF0000, v16;
	v59 =	vpop (erf);
	v10 =	vand.u32 $0xFFFF0000, v10;
	v8 =	vadd.f32 v26, v8  }
0xd4: {  	v16 =	vshll.u32 v19, $0x10;
	(erf) = vrcp.f32 v25;
	v27 =	vpop (erf);
	v10 =	vadd.f32 v10, v11  }
0xd5: {  	v19 =	vand.u32 $0xFFFF0000, v19;
	v60 =	vadd.f32 $1.000000000e+00, v12;
	v12 =	vpop (erf);
	v8 =	vadd.f32 v58, v8  }
0xd6: {  	v19 =	vadd.f32 v19, v22;
	v28 =	vshll.u32 v17, $0x10;
	v11 =	vld [tilespmem:s24+$0x400];
	v10 =	vadd.f32 v18, v10;
	v18 =	vpop (erf)  }
0xd7: {  	v17 =	vand.u32 $0xFFFF0000, v17;
	v18 =	vadd.f32 $1.000000000e+00, v18;
	v8 =	vsub.f32 $0.0e+00, v8  }
0xd8: {  	v2 =	vand.u32 $0xFFFF0000, v1;
	v17 =	vadd.f32 v17, v19;
	v9 =	vmul.f32 v9, v12;
	v12 =	vpop (erf)  }
0xd9: {  	v62 =	vld [tilespmem:s24+$0x450];
	v12 =	vadd.f32 $1.000000000e+00, v12;
	(erf) = vrcp.f32 v18;
	v8 =	vmul.f32 $1.442695020e+00, v8  }
0xda: {  	v19 =	vmul.f32 v21, v27;
	v17 =	vsub.f32 $0.0e+00, v17;
	v10 =	vsub.f32 $0.0e+00, v10  }
0xdb: {  	v16 =	vadd.f32 v16, v11;
	v18 =	vadd.f32 $1.000000000e+00, v59;
	(erf) = vrcp.f32 v12  }
0xdc: {  	v11 =	vpop (erf);
	[tilespmem:s23+$0xA470] =	vst v9;
	v9 =	vand.u32 $0xFFFF0000, v14;
	v14 =	vld [tilespmem:s24+$0x430];
	v10 =	vmul.f32 $1.442695020e+00, v10;
	(erf) = vpow2.f32 v8  }
0xdd: {  	v17 =	vmul.f32 $1.442695020e+00, v17;
	v16 =	vadd.f32 v28, v16;
	v12 =	vld [tilespmem:s23+$0x2C50];
	(erf) = vrcp.f32 v18;
	v8 =	vpop (erf)  }
0xde: {  	v18 =	vadd.f32 v9, v62;
	(erf) = vpow2.f32 v10;
	v10 =	vmul.f32 v20, v8  }
0xdf: {  	[tilespmem:s23+$0xA460] =	vst v19;
	v19 =	vand.u32 $0xFFFF0000, v13;
	v13 =	vsub.f32 $0.0e+00, v15;
	v9 =	vld [tilespmem:s24+$0x2C70];
	(erf) = vpow2.f32 v17  }
0xe0: {  	s12 =	simm.s32 $0x400;
	v15 =	vsub.f32 $0.0e+00, v16;
	v8 =	vld [tilespmem:s24+$0x2C60];
	v16 =	vadd.f32 v19, v18;
	(erf) = vrcp.f32 v60;
	[tilespmem:s23+$0xA400] =	vst v10  }
.LBB2_5:
0xe1: {  	s3 =	sshra.s32 s12, $0x2;
	p0 =	sne.s32 s12, $0x4E00;
	s12 =	sadd.s32 $0x200, s12;
	v17 =	vld [tilespmem:s24+$0x2C40];
	v5 =	vadd.f32 v5, v6;
	v6 =	vadd.f32 v7, v14;
	v3 =	vmul.f32 v3, v11  }
0xe2: {  	v10 =	vld [tilespmem:s3+$0x2C20];
	v7 =	vmul.f32 $1.442695020e+00, v15;
	v11 =	vsub.f32 $0.0e+00, v16;
	v14 =	vand.u32 $0xFFFF0000, v12;
	v15 =	vpop (erf)  }
0xe3: {  	v16 =	vld [tilespmem:s3+$0x460];
	v4 =	vadd.f32 v4, v6;
	v5 =	vsub.f32 $0.0e+00, v5;
	[tilespmem:s23+$0xA410] =	vst v3;
	v3 =	vmul.f32 v14, v15  }
0xe4: {  	v6 =	vld [tilespmem:s3+$0x2C10];
	v18 =	vmul.f32 $1.442695020e+00, v11;
	(erf) = vpow2.f32 v7;
	v7 =	vshll.u32 v12, $0x10;
	v12 =	vpop (erf)  }
0xe5: {  	v19 =	vmul.f32 $1.442695020e+00, v13;
	v14 =	vld [tilespmem:s3+$0x400];
	v4 =	vsub.f32 $0.0e+00, v4;
	v15 =	vpop (erf);
	v7 =	vmul.f32 v7, v12;
	[tilespmem:s23+$0xA430] =	vst v3  }
0xe6: {  	v1 =	vshll.u32 v1, $0x10;
	v12 =	vld [tilespmem:s3+$0x470];
	v21 =	vadd.f32 $1.000000000e+00, v15;
	(erf) = vpow2.f32 v18;
	v11 =	vpop (erf)  }
0xe7: {  	v15 =	vld [tilespmem:s3+$0x420];
	v18 =	vshll.u32 v10, $0x10;
	(erf) = vpow2.f32 v19;
	v13 =	vpop (erf);
	[tilespmem:s23+$0xA420] =	vst v7;
	v22 =	vmul.f32 v1, v11  }
0xe8: {  	v4 =	vmul.f32 $1.442695020e+00, v4;
	v19 =	vld [tilespmem:s3+$0x5420];
	v7 =	vadd.f32 $1.000000000e+00, v13;
	v11 =	vpop (erf);
	(erf) = vrcp.f32 v21  }
0xe9: {  	v20 =	vmul.f32 $1.442695020e+00, v5;
	v1 =	vmov v8;
	v13 =	vld [tilespmem:s3+$0x5410];
	v11 =	vadd.f32 $1.000000000e+00, v11;
	[tilespmem:s23+$0xA440] =	vst v22;
	v3 =	vpop (erf)  }
0xea: {  	v8 =	vld [tilespmem:s3+$0x2C30];
	(erf) = vrcp.f32 v7;
	v7 =	vmul.f32 v2, v3  }
0xeb: {  	v3 =	vand.u32 $0xFFFF0000, v17;
	v2 =	vand.u32 $0xFFFF0000, v1;
	v21 =	vld [tilespmem:s3+$0x5400];
	(erf) = vpow2.f32 v4  }
0xec: {  	v5 =	vshll.u32 v6, $0x10;
	v4 =	vand.u32 $0xFFFF0000, v6;
	v22 =	vld [tilespmem:s3+$0x5430];
	(erf) = vpow2.f32 v20;
	[tilespmem:s23+$0xA450] =	vst v7;
	s23 =	smov.u32 s24;
	s24 =	smov.u32 s3  }
0xed: {  	v23 =	vshll.u32 v9, $0x10;
	v17 =	vshll.u32 v17, $0x10;
	v20 =	vld [tilespmem:s24+$0x2C00];
	v6 =	vpop (erf);
	(erf) = vrcp.f32 v11  }
0xee: {  	v25 =	vshll.u32 v19, $0x10;
	v11 =	vld [tilespmem:s24+$0x410];
	v24 =	vshll.u32 v13, $0x10;
	v27 =	vadd.f32 $1.000000000e+00, v6  }
0xef: {  	v9 =	vand.u32 $0xFFFF0000, v9;
	v7 =	vand.u32 $0xFFFF0000, v13;
	v6 =	vadd.f32 v24, v15;
	v13 =	vpop (erf)  }
0xf0: {  	v24 =	vshll.u32 v8, $0x10;
	v15 =	vshll.u32 v21, $0x10;
	(erf) = vrcp.f32 v27;
	v26 =	vpop (erf)  }
0xf1: {  	v21 =	vand.u32 $0xFFFF0000, v21;
	v27 =	vshll.u32 v22, $0x10;
	v22 =	vand.u32 $0xFFFF0000, v22;
	v28 =	vpop (erf)  }
0xf2: {  	v29 =	vshll.u32 v20, $0x10;
	v16 =	vadd.f32 v27, v16;
	v27 =	vadd.f32 v22, v12  }
0xf3: {  	v8 =	vand.u32 $0xFFFF0000, v8;
	v30 =	vadd.f32 v21, v11;
	v21 =	vadd.f32 $1.000000000e+00, v13;
	v13 =	vpop (erf)  }
0xf4: {  	v20 =	vand.u32 $0xFFFF0000, v20;
	v22 =	vld [tilespmem:s24+$0x440];
	v16 =	vadd.f32 v24, v16;
	v8 =	vadd.f32 v8, v27;
	v12 =	vpop (erf)  }
0xf5: {  	v9 =	vmul.f32 v9, v13;
	v20 =	vadd.f32 v20, v30;
	v12 =	vadd.f32 $1.000000000e+00, v12;
	v13 =	vpop (erf)  }
0xf6: {  	v23 =	vmul.f32 v23, v28;
	v16 =	vsub.f32 $0.0e+00, v16;
	v8 =	vsub.f32 $0.0e+00, v8;
	v11 =	vpop (erf)  }
0xf7: {  	v13 =	vadd.f32 $1.000000000e+00, v13;
	v20 =	vsub.f32 $0.0e+00, v20;
	v24 =	vld [tilespmem:s24+$0x450];
	[tilespmem:s23+$0xA470] =	vst v9;
	(erf) = vrcp.f32 v12  }
0xf8: {  	v9 =	vadd.f32 v15, v14;
	v15 =	vadd.f32 $1.000000000e+00, v26;
	v12 =	vmul.f32 $1.442695020e+00, v16;
	[tilespmem:s23+$0xA460] =	vst v23  }
0xf9: {  	v16 =	vmul.f32 $1.442695020e+00, v20;
	v20 =	vadd.f32 v25, v22;
	v22 =	vpop (erf);
	(erf) = vrcp.f32 v13  }
.Ltmp1:
0xfa: {  	v8 =	vmul.f32 $1.442695020e+00, v8;
	v13 =	vand.u32 $0xFFFF0000, v19;
	v14 =	vld [tilespmem:s24+$0x430];
	(erf) = vpow2.f32 v12;
	(pc) =	sbr.rel @p0 .LBB2_5-.Ltmp1, $4  }
0xfb: {  	v19 =	vadd.f32 v29, v9;
	v9 =	vadd.f32 v18, v20;
	v12 =	vld [tilespmem:s23+$0x2C50];
	(erf) = vrcp.f32 v15  }
0xfc: {  	v17 =	vmul.f32 v17, v22;
	v18 =	vadd.f32 v13, v24;
	(erf) = vpow2.f32 v8  }
0xfd: {  	v10 =	vand.u32 $0xFFFF0000, v10;
	v13 =	vsub.f32 $0.0e+00, v9;
	v9 =	vld [tilespmem:s24+$0x2C70];
	(erf) = vpow2.f32 v16  }
0xfe: {  	v15 =	vsub.f32 $0.0e+00, v19;
	v8 =	vld [tilespmem:s24+$0x2C60];
	v16 =	vadd.f32 v10, v18;
	[tilespmem:s23+$0xA400] =	vst v17;
	(erf) = vrcp.f32 v21  }
0xff: {  	_ = 	snop  }
0x100: {  	v7 =	vadd.f32 v7, v14;
	v10 =	vsub.f32 $0.0e+00, v16;
	_ =	sdelay $0x1  }
0x101: {  	v14 =	vpop (erf);
	v4 =	vadd.f32 v4, v7;
	v7 =	vmul.f32 $1.442695020e+00, v10  }
0x102: {  	v15 =	vmul.f32 $1.442695020e+00, v15;
	v16 =	vpop (erf)  }
0x103: {  	v10 =	vpop (erf)  }
0x104: {  	v5 =	vadd.f32 v5, v6;
	v6 =	vmul.f32 $1.442695020e+00, v13;
	(erf) = vpow2.f32 v15;
	v13 =	vpop (erf)  }
0x105: {  	v4 =	vsub.f32 $0.0e+00, v4;
	(erf) = vpow2.f32 v7;
	v10 =	vadd.f32 $1.000000000e+00, v10;
	v7 =	vpop (erf)  }
0x106: {  	v5 =	vsub.f32 $0.0e+00, v5;
	(erf) = vpow2.f32 v6;
	v6 =	vadd.f32 $1.000000000e+00, v7  }
0x107: {  	v4 =	vmul.f32 $1.442695020e+00, v4;
	(erf) = vrcp.f32 v10  }
0x108: {  	v5 =	vmul.f32 $1.442695020e+00, v5;
	(erf) = vrcp.f32 v6  }
0x109: {  	(erf) = vpow2.f32 v4  }
0x10a: {  	(erf) = vpow2.f32 v5  }
0x10b: {  	v4 =	vpop (erf)  }
0x10c: {  	v5 =	vpop (erf)  }
0x10d: {  	v6 =	vpop (erf)  }
0x10e: {  	v4 =	vadd.f32 $1.000000000e+00, v4;
	v7 =	vpop (erf)  }
0x10f: {  	v6 =	vadd.f32 $1.000000000e+00, v6;
	v10 =	vpop (erf)  }
0x110: {  	v15 =	vpop (erf)  }
0x111: {  	v17 =	vpop (erf)  }
0x112: {  	(erf) = vrcp.f32 v4;
	v4 =	vpop (erf)  }
0x113: {  	(erf) = vrcp.f32 v6;
	v4 =	vadd.f32 $1.000000000e+00, v4;
	v6 =	vpop (erf)  }
0x114: {  	v6 =	vadd.f32 $1.000000000e+00, v6  }
0x115: {  	(erf) = vrcp.f32 v4;
	v4 =	vadd.f32 $1.000000000e+00, v10  }
0x116: {  	(erf) = vrcp.f32 v6  }
0x117: {  	(erf) = vrcp.f32 v4;
	v4 =	vand.u32 $0xFFFF0000, v12  }
0x118: {  	v7 =	vadd.f32 $1.000000000e+00, v7;
	v10 =	vld [tilespmem:s24+$0x2C40];
	v4 =	vmul.f32 v4, v14  }
0x119: {  	v3 =	vmul.f32 v3, v11  }
0x11a: {  	v6 =	vshll.u32 v12, $0x10;
	(erf) = vrcp.f32 v7;
	v7 =	vld [tilespmem:s24+$0x2C50]  }
0x11b: {  	v1 =	vshll.u32 v1, $0x10;
	[tilespmem:s23+$0xA410] =	vst v3;
	v3 =	vmul.f32 v6, v16  }
0x11c: {  	v1 =	vmul.f32 v1, v13;
	[tilespmem:s23+$0xA430] =	vst v4;
	v4 =	vpop (erf)  }
0x11d: {  	v2 =	vmul.f32 v2, v5;
	[tilespmem:s23+$0xA420] =	vst v3;
	v3 =	vshll.u32 v10, $0x10;
	v5 =	vpop (erf)  }
0x11e: {  	v18 =	vshll.u32 v9, $0x10;
	[tilespmem:s23+$0xA440] =	vst v1;
	v1 =	vand.u32 $0xFFFF0000, v10;
	v3 =	vmul.f32 v3, v5  }
0x11f: {  	v9 =	vand.u32 $0xFFFF0000, v9;
	[tilespmem:s23+$0xA450] =	vst v2;
	v1 =	vmul.f32 v1, v4;
	v2 =	vand.u32 $0xFFFF0000, v7;
	v4 =	vpop (erf)  }
0x120: {  	v15 =	vmul.f32 v18, v15;
	v2 =	vmul.f32 v2, v4;
	v4 =	vpop (erf);
	[tilespmem:s24+$0xA400] =	vst v3;
	v3 =	vshll.u32 v7, $0x10  }
0x121: {  	v9 =	vmul.f32 v9, v17;
	[tilespmem:s24+$0xA410] =	vst v1;
	v1 =	vmul.f32 v3, v4;
	v3 =	vshll.u32 v8, $0x10  }
0x122: {  	[tilespmem:s24+$0xA460] =	vst v15  }
0x123: {  	[tilespmem:s24+$0xA470] =	vst v9;
	v4 =	vpop (erf)  }
0x124: {  	v5 =	vand.u32 $0xFFFF0000, v8;
	[tilespmem:s24+$0xA430] =	vst v2;
	v2 =	vmul.f32 v3, v4;
	v3 =	vpop (erf)  }
0x125: {  	[tilespmem:s24+$0xA420] =	vst v1;
	v1 =	vmul.f32 v5, v3  }
0x126: {  	[tilespmem:s24+$0xA440] =	vst v2  }
0x127: {  	[tilespmem:s24+$0xA450] =	vst v1  }
0x128: {  	[spmem:s2] =	stream.indirect.scatter.add.f32 [tilespmem:s16], [sflag:$0x7], $0x80, s18, s22, $0xb8;
	[tilespmem:$0x1F800] =	vst v63  }
0x129: {  	_ =	swait.ge [sflag:s9], $0x1400  }
0x12a: {  	[sflag:s9] =	ssyncset.done $0x0  }
0x12b: {  	[sflag:s9] =	ssyncadd.s32 $0xFFFFEC00  }
0x12c: {  	_ =	swait.ge [sflag:s9], $0x28  }
0x12d: {  	[sflag:s9] =	ssyncset.done $0x0  }
0x12e: {  	[sflag:s9] =	ssyncadd.s32 $0xFFFFFFD8  }
0x12f: {  	_ =	swait.ge [sflag:s9], $0x28  }
0x130: {  	[sflag:s9] =	ssyncset.done $0x0  }
0x131: {  	[sflag:s9] =	ssyncadd.s32 $0xFFFFFFD8  }
0x132: {  	[tilespmem:s25], [sflag:$0x1] =	stream.indirect.gather [hbm4b:s1+s22], $0x80, s13, s22, $0xb8;
	[tilespmem:$0x1F800] =	vst v63  }
0x133: {  	s3 =	simm.s32 $0x100;
	s24 =	rddreg [dreg:$0x11]  }
0x134: {  	[tilespmem:s26], [sflag:$0x1] =	stream.indirect.gather [hbm4b:s4+s22], $0x80, s3, s22, $0xb8;
	[tilespmem:$0x1F800] =	vst v63  }
0x135: {  	s3 =	sadd.s32 s21, s24  }
0x136: {  	s23 =	simm.s32 $0x0;
	s12 =	sshll.u32 s3, $0x4  }
0x137: {  	s24 =	simm.s32 $0x9000;
	s3 =	sshrl.u32 s3, $0x3;
	s12 =	sadd.s32 s6, s12  }
0x138: {  	[tilespmem:s24], [sflag:$0x6] =	stream.linear.gather [hbm4b:s12+s23], $0x1400, $0x38;
	[tilespmem:$0x1F800] =	vst v63  }
0x139: {  	s12 =	sadd.s32 s7, s3;
	s24 =	simm.s32 $0x180  }
0x13a: {  	[tilespmem:s24], [sflag:$0x6] =	stream.linear.gather [hbm4b:s12+s23], $0x28, $0x38;
	[tilespmem:$0x1F800] =	vst v63  }
0x13b: {  	s3 =	sadd.s32 s8, s3  }
0x13c: {  	[tilespmem:s11], [sflag:$0x6] =	stream.linear.gather [hbm4b:s3+s23], $0x28, $0x38;
	[tilespmem:$0x1F800] =	vst v63  }
0x13d: {  	_ =	swait.ge [sflag:s10], $0x1400  }
0x13e: {  	[sflag:s10] =	ssyncset.done $0x0  }
0x13f: {  	[sflag:s10] =	ssyncadd.s32 $0xFFFFEC00  }
0x140: {  	_ =	swait.ge [sflag:s10], $0x1400  }
0x141: {  	[sflag:s10] =	ssyncset.done $0x0  }
0x142: {  	[sflag:s10] =	ssyncadd.s32 $0xFFFFEC00  }
0x143: {  	_ =	swait.ge [sflag:s15], $0x1400  }
0x144: {  	[sflag:s15] =	ssyncset.done $0x0  }
0x145: {  	s23 =	simm.s32 $0x0;
	[sflag:s15] =	ssyncadd.s32 $0xFFFFEC00  }
0x146: {  	v1 =	vld [tilespmem:s23+$0x1860]  }
0x147: {  	v2 =	vld [tilespmem:s23+$0x1870]  }
0x148: {  	v3 =	vld [tilespmem:s23+$0x6830]  }
0x149: {  	v4 =	vld [tilespmem:s23+$0x4030]  }
0x14a: {  	v5 =	vld [tilespmem:s23+$0x6800]  }
0x14b: {  	v6 =	vld [tilespmem:s23+$0x1810]  }
0x14c: {  	v7 =	vld [tilespmem:s23+$0x4000]  }
0x14d: {  	v8 =	vshll.u32 v3, $0x10  }
0x14e: {  	v3 =	vand.u32 $0xFFFF0000, v3;
	v1 =	vadd.f32 v8, v1  }
0x14f: {  	v9 =	vshll.u32 v4, $0x10;
	v10 =	vand.u32 $0xFFFF0000, v5;
	v8 =	vld [tilespmem:s23+$0x1800];
	v2 =	vadd.f32 v3, v2  }
0x150: {  	v4 =	vand.u32 $0xFFFF0000, v4;
	v3 =	vld [tilespmem:s23+$0x6820];
	v6 =	vadd.f32 v10, v6;
	v1 =	vadd.f32 v9, v1  }
0x151: {  	v10 =	vld [tilespmem:s23+$0x4020];
	v9 =	vand.u32 $0xFFFF0000, v7;
	v2 =	vadd.f32 v4, v2  }
0x152: {  	v6 =	vadd.f32 v9, v6;
	v9 =	vld [tilespmem:s23+$0x1850];
	v1 =	vsub.f32 $0.0e+00, v1  }
0x153: {  	v5 =	vshll.u32 v5, $0x10;
	v4 =	vld [tilespmem:s23+$0x1840]  }
0x154: {  	v7 =	vshll.u32 v7, $0x10;
	v2 =	vsub.f32 $0.0e+00, v2;
	v1 =	vmul.f32 $1.442695020e+00, v1  }
0x155: {  	v6 =	vsub.f32 $0.0e+00, v6;
	v12 =	vshll.u32 v3, $0x10;
	v5 =	vadd.f32 v5, v8  }
0x156: {  	v11 =	vld [tilespmem:s23+$0x4010];
	v2 =	vmul.f32 $1.442695020e+00, v2;
	(erf) = vpow2.f32 v1;
	v1 =	vand.u32 $0xFFFF0000, v3  }
0x157: {  	v8 =	vld [tilespmem:s23+$0x6810];
	v6 =	vmul.f32 $1.442695020e+00, v6;
	v3 =	vadd.f32 v7, v5;
	v5 =	vadd.f32 v1, v9  }
0x158: {  	v13 =	vld [tilespmem:s23+$0x1830];
	v4 =	vadd.f32 v12, v4;
	v7 =	vand.u32 $0xFFFF0000, v10;
	(erf) = vpow2.f32 v2  }
0x159: {  	v2 =	vld [tilespmem:s23+$0x1820];
	(erf) = vpow2.f32 v6;
	v6 =	vshll.u32 v10, $0x10;
	v5 =	vadd.f32 v7, v5  }
0x15a: {  	s24 =	simm.s32 $0x80;
	v4 =	vadd.f32 v6, v4  }
0x15b: {  	v14 =	vld [tilespmem:s24+$0x6820];
	v3 =	vsub.f32 $0.0e+00, v3;
	v5 =	vsub.f32 $0.0e+00, v5  }
0x15c: {  	v16 =	vld [tilespmem:s24+$0x6810];
	v7 =	vand.u32 $0xFFFF0000, v8;
	v8 =	vshll.u32 v8, $0x10;
	v4 =	vsub.f32 $0.0e+00, v4  }
0x15d: {  	v18 =	vld [tilespmem:s24+$0x4030];
	v3 =	vmul.f32 $1.442695020e+00, v3;
	v7 =	vadd.f32 v7, v13;
	v5 =	vmul.f32 $1.442695020e+00, v5  }
0x15e: {  	v19 =	vld [tilespmem:s24+$0x6800];
	v10 =	vand.u32 $0xFFFF0000, v11;
	v2 =	vadd.f32 v8, v2  }
0x15f: {  	v61 =	vld [tilespmem:s24+$0x1840];
	(erf) = vpow2.f32 v3;
	v3 =	vshll.u32 v11, $0x10;
	v7 =	vadd.f32 v10, v7  }
0x160: {  	v10 =	vld [tilespmem:s24+$0x4010];
	v2 =	vadd.f32 v3, v2;
	v3 =	vmul.f32 $1.442695020e+00, v4;
	v4 =	vpop (erf)  }
0x161: {  	v9 =	vld [tilespmem:s23+$0x4070];
	v7 =	vsub.f32 $0.0e+00, v7;
	(erf) = vpow2.f32 v5;
	v4 =	vadd.f32 $1.000000000e+00, v4;
	v5 =	vpop (erf)  }
0x162: {  	v6 =	vld [tilespmem:s23+$0x4040];
	v2 =	vsub.f32 $0.0e+00, v2;
	(erf) = vpow2.f32 v3;
	v3 =	vadd.f32 $1.000000000e+00, v5  }
0x163: {  	v23 =	vshll.u32 v16, $0x10;
	v13 =	vld [tilespmem:s24+$0x4020];
	v5 =	vmul.f32 $1.442695020e+00, v7;
	(erf) = vrcp.f32 v4  }
0x164: {  	v24 =	vshll.u32 v14, $0x10;
	v12 =	vld [tilespmem:s24+$0x1820];
	v17 =	vmul.f32 $1.442695020e+00, v2;
	(erf) = vrcp.f32 v3  }
0x165: {  	v4 =	vand.u32 $0xFFFF0000, v10;
	(erf) = vpow2.f32 v5;
	v5 =	vshll.u32 v10, $0x10;
	v10 =	vld [tilespmem:s24+$0x6830]  }
0x166: {  	v58 =	vshll.u32 v18, $0x10;
	v18 =	vand.u32 $0xFFFF0000, v18;
	v63 =	vadd.f32 v24, v61;
	v8 =	vld [tilespmem:s24+$0x1860]  }
0x167: {  	v11 =	vld [tilespmem:s24+$0x1870];
	v21 =	vshll.u32 v9, $0x10;
	v20 =	vshll.u32 v6, $0x10;
	v7 =	vpop (erf);
	(erf) = vpow2.f32 v17  }
0x168: {  	v22 =	vld [tilespmem:s24+$0x1810];
	v15 =	vshll.u32 v13, $0x10;
	v7 =	vadd.f32 $1.000000000e+00, v7;
	v3 =	vand.u32 $0xFFFF0000, v6;
	v6 =	vpop (erf)  }
0x169: {  	v9 =	vand.u32 $0xFFFF0000, v9;
	v15 =	vadd.f32 v15, v63;
	v17 =	vld [tilespmem:s24+$0x4000];
	v25 =	vadd.f32 $1.000000000e+00, v6  }
0x16a: {  	v6 =	vadd.f32 v23, v12;
	(erf) = vrcp.f32 v7;
	v12 =	vpop (erf);
	v26 =	vshll.u32 v10, $0x10  }
0x16b: {  	v1 =	vld [tilespmem:s23+$0x4060];
	v7 =	vand.u32 $0xFFFF0000, v16;
	v59 =	vpop (erf);
	v10 =	vand.u32 $0xFFFF0000, v10;
	v8 =	vadd.f32 v26, v8  }
0x16c: {  	v16 =	vshll.u32 v19, $0x10;
	(erf) = vrcp.f32 v25;
	v27 =	vpop (erf);
	v10 =	vadd.f32 v10, v11  }
0x16d: {  	v19 =	vand.u32 $0xFFFF0000, v19;
	v60 =	vadd.f32 $1.000000000e+00, v12;
	v12 =	vpop (erf);
	v8 =	vadd.f32 v58, v8  }
0x16e: {  	v19 =	vadd.f32 v19, v22;
	v28 =	vshll.u32 v17, $0x10;
	v11 =	vld [tilespmem:s24+$0x1800];
	v10 =	vadd.f32 v18, v10;
	v18 =	vpop (erf)  }
0x16f: {  	v17 =	vand.u32 $0xFFFF0000, v17;
	v18 =	vadd.f32 $1.000000000e+00, v18;
	v8 =	vsub.f32 $0.0e+00, v8  }
0x170: {  	v2 =	vand.u32 $0xFFFF0000, v1;
	v17 =	vadd.f32 v17, v19;
	v9 =	vmul.f32 v9, v12;
	v12 =	vpop (erf)  }
0x171: {  	v62 =	vld [tilespmem:s24+$0x1850];
	v12 =	vadd.f32 $1.000000000e+00, v12;
	(erf) = vrcp.f32 v18;
	v8 =	vmul.f32 $1.442695020e+00, v8  }
0x172: {  	v19 =	vmul.f32 v21, v27;
	v17 =	vsub.f32 $0.0e+00, v17;
	v10 =	vsub.f32 $0.0e+00, v10  }
0x173: {  	v16 =	vadd.f32 v16, v11;
	v18 =	vadd.f32 $1.000000000e+00, v59;
	(erf) = vrcp.f32 v12  }
0x174: {  	v11 =	vpop (erf);
	[tilespmem:s23+$0xA470] =	vst v9;
	v9 =	vand.u32 $0xFFFF0000, v14;
	v14 =	vld [tilespmem:s24+$0x1830];
	v10 =	vmul.f32 $1.442695020e+00, v10;
	(erf) = vpow2.f32 v8  }
0x175: {  	v17 =	vmul.f32 $1.442695020e+00, v17;
	v16 =	vadd.f32 v28, v16;
	v12 =	vld [tilespmem:s23+$0x4050];
	(erf) = vrcp.f32 v18;
	v8 =	vpop (erf)  }
0x176: {  	v18 =	vadd.f32 v9, v62;
	(erf) = vpow2.f32 v10;
	v10 =	vmul.f32 v20, v8  }
0x177: {  	[tilespmem:s23+$0xA460] =	vst v19;
	v19 =	vand.u32 $0xFFFF0000, v13;
	v13 =	vsub.f32 $0.0e+00, v15;
	v9 =	vld [tilespmem:s24+$0x4070];
	(erf) = vpow2.f32 v17  }
0x178: {  	s12 =	simm.s32 $0x400;
	v15 =	vsub.f32 $0.0e+00, v16;
	v8 =	vld [tilespmem:s24+$0x4060];
	v16 =	vadd.f32 v19, v18;
	(erf) = vrcp.f32 v60;
	[tilespmem:s23+$0xA400] =	vst v10  }
.LBB2_7:
0x179: {  	s3 =	sshra.s32 s12, $0x2;
	p0 =	sne.s32 s12, $0x4E00;
	s12 =	sadd.s32 $0x200, s12;
	v17 =	vld [tilespmem:s24+$0x4040];
	v5 =	vadd.f32 v5, v6;
	v6 =	vadd.f32 v7, v14;
	v3 =	vmul.f32 v3, v11  }
0x17a: {  	v10 =	vld [tilespmem:s3+$0x4020];
	v7 =	vmul.f32 $1.442695020e+00, v15;
	v11 =	vsub.f32 $0.0e+00, v16;
	v14 =	vand.u32 $0xFFFF0000, v12;
	v15 =	vpop (erf)  }
0x17b: {  	v16 =	vld [tilespmem:s3+$0x1860];
	v4 =	vadd.f32 v4, v6;
	v5 =	vsub.f32 $0.0e+00, v5;
	[tilespmem:s23+$0xA410] =	vst v3;
	v3 =	vmul.f32 v14, v15  }
0x17c: {  	v6 =	vld [tilespmem:s3+$0x4010];
	v18 =	vmul.f32 $1.442695020e+00, v11;
	(erf) = vpow2.f32 v7;
	v7 =	vshll.u32 v12, $0x10;
	v12 =	vpop (erf)  }
0x17d: {  	v19 =	vmul.f32 $1.442695020e+00, v13;
	v14 =	vld [tilespmem:s3+$0x1800];
	v4 =	vsub.f32 $0.0e+00, v4;
	v15 =	vpop (erf);
	v7 =	vmul.f32 v7, v12;
	[tilespmem:s23+$0xA430] =	vst v3  }
0x17e: {  	v1 =	vshll.u32 v1, $0x10;
	v12 =	vld [tilespmem:s3+$0x1870];
	v21 =	vadd.f32 $1.000000000e+00, v15;
	(erf) = vpow2.f32 v18;
	v11 =	vpop (erf)  }
0x17f: {  	v15 =	vld [tilespmem:s3+$0x1820];
	v18 =	vshll.u32 v10, $0x10;
	(erf) = vpow2.f32 v19;
	v13 =	vpop (erf);
	[tilespmem:s23+$0xA420] =	vst v7;
	v22 =	vmul.f32 v1, v11  }
0x180: {  	v4 =	vmul.f32 $1.442695020e+00, v4;
	v19 =	vld [tilespmem:s3+$0x6820];
	v7 =	vadd.f32 $1.000000000e+00, v13;
	v11 =	vpop (erf);
	(erf) = vrcp.f32 v21  }
0x181: {  	v20 =	vmul.f32 $1.442695020e+00, v5;
	v1 =	vmov v8;
	v13 =	vld [tilespmem:s3+$0x6810];
	v11 =	vadd.f32 $1.000000000e+00, v11;
	[tilespmem:s23+$0xA440] =	vst v22;
	v3 =	vpop (erf)  }
0x182: {  	v8 =	vld [tilespmem:s3+$0x4030];
	(erf) = vrcp.f32 v7;
	v7 =	vmul.f32 v2, v3  }
0x183: {  	v3 =	vand.u32 $0xFFFF0000, v17;
	v2 =	vand.u32 $0xFFFF0000, v1;
	v21 =	vld [tilespmem:s3+$0x6800];
	(erf) = vpow2.f32 v4  }
0x184: {  	v5 =	vshll.u32 v6, $0x10;
	v4 =	vand.u32 $0xFFFF0000, v6;
	v22 =	vld [tilespmem:s3+$0x6830];
	(erf) = vpow2.f32 v20;
	[tilespmem:s23+$0xA450] =	vst v7;
	s23 =	smov.u32 s24;
	s24 =	smov.u32 s3  }
0x185: {  	v23 =	vshll.u32 v9, $0x10;
	v17 =	vshll.u32 v17, $0x10;
	v20 =	vld [tilespmem:s24+$0x4000];
	v6 =	vpop (erf);
	(erf) = vrcp.f32 v11  }
0x186: {  	v25 =	vshll.u32 v19, $0x10;
	v11 =	vld [tilespmem:s24+$0x1810];
	v24 =	vshll.u32 v13, $0x10;
	v27 =	vadd.f32 $1.000000000e+00, v6  }
0x187: {  	v9 =	vand.u32 $0xFFFF0000, v9;
	v7 =	vand.u32 $0xFFFF0000, v13;
	v6 =	vadd.f32 v24, v15;
	v13 =	vpop (erf)  }
0x188: {  	v24 =	vshll.u32 v8, $0x10;
	v15 =	vshll.u32 v21, $0x10;
	(erf) = vrcp.f32 v27;
	v26 =	vpop (erf)  }
0x189: {  	v21 =	vand.u32 $0xFFFF0000, v21;
	v27 =	vshll.u32 v22, $0x10;
	v22 =	vand.u32 $0xFFFF0000, v22;
	v28 =	vpop (erf)  }
0x18a: {  	v29 =	vshll.u32 v20, $0x10;
	v16 =	vadd.f32 v27, v16;
	v27 =	vadd.f32 v22, v12  }
0x18b: {  	v8 =	vand.u32 $0xFFFF0000, v8;
	v30 =	vadd.f32 v21, v11;
	v21 =	vadd.f32 $1.000000000e+00, v13;
	v13 =	vpop (erf)  }
0x18c: {  	v20 =	vand.u32 $0xFFFF0000, v20;
	v22 =	vld [tilespmem:s24+$0x1840];
	v16 =	vadd.f32 v24, v16;
	v8 =	vadd.f32 v8, v27;
	v12 =	vpop (erf)  }
0x18d: {  	v9 =	vmul.f32 v9, v13;
	v20 =	vadd.f32 v20, v30;
	v12 =	vadd.f32 $1.000000000e+00, v12;
	v13 =	vpop (erf)  }
0x18e: {  	v23 =	vmul.f32 v23, v28;
	v16 =	vsub.f32 $0.0e+00, v16;
	v8 =	vsub.f32 $0.0e+00, v8;
	v11 =	vpop (erf)  }
0x18f: {  	v13 =	vadd.f32 $1.000000000e+00, v13;
	v20 =	vsub.f32 $0.0e+00, v20;
	v24 =	vld [tilespmem:s24+$0x1850];
	[tilespmem:s23+$0xA470] =	vst v9;
	(erf) = vrcp.f32 v12  }
0x190: {  	v9 =	vadd.f32 v15, v14;
	v15 =	vadd.f32 $1.000000000e+00, v26;
	v12 =	vmul.f32 $1.442695020e+00, v16;
	[tilespmem:s23+$0xA460] =	vst v23  }
0x191: {  	v16 =	vmul.f32 $1.442695020e+00, v20;
	v20 =	vadd.f32 v25, v22;
	v22 =	vpop (erf);
	(erf) = vrcp.f32 v13  }
.Ltmp2:
0x192: {  	v8 =	vmul.f32 $1.442695020e+00, v8;
	v13 =	vand.u32 $0xFFFF0000, v19;
	v14 =	vld [tilespmem:s24+$0x1830];
	(erf) = vpow2.f32 v12;
	(pc) =	sbr.rel @p0 .LBB2_7-.Ltmp2, $4  }
0x193: {  	v19 =	vadd.f32 v29, v9;
	v9 =	vadd.f32 v18, v20;
	v12 =	vld [tilespmem:s23+$0x4050];
	(erf) = vrcp.f32 v15  }
0x194: {  	v17 =	vmul.f32 v17, v22;
	v18 =	vadd.f32 v13, v24;
	(erf) = vpow2.f32 v8  }
0x195: {  	v10 =	vand.u32 $0xFFFF0000, v10;
	v13 =	vsub.f32 $0.0e+00, v9;
	v9 =	vld [tilespmem:s24+$0x4070];
	(erf) = vpow2.f32 v16  }
0x196: {  	v15 =	vsub.f32 $0.0e+00, v19;
	v8 =	vld [tilespmem:s24+$0x4060];
	v16 =	vadd.f32 v10, v18;
	[tilespmem:s23+$0xA400] =	vst v17;
	(erf) = vrcp.f32 v21  }
0x197: {  	_ = 	snop  }
0x198: {  	v7 =	vadd.f32 v7, v14;
	v10 =	vsub.f32 $0.0e+00, v16;
	_ =	sdelay $0x1  }
0x199: {  	v14 =	vpop (erf);
	v4 =	vadd.f32 v4, v7;
	v7 =	vmul.f32 $1.442695020e+00, v10  }
0x19a: {  	v15 =	vmul.f32 $1.442695020e+00, v15;
	v16 =	vpop (erf)  }
0x19b: {  	v10 =	vpop (erf)  }
0x19c: {  	v5 =	vadd.f32 v5, v6;
	v6 =	vmul.f32 $1.442695020e+00, v13;
	(erf) = vpow2.f32 v15;
	v13 =	vpop (erf)  }
0x19d: {  	v4 =	vsub.f32 $0.0e+00, v4;
	(erf) = vpow2.f32 v7;
	v10 =	vadd.f32 $1.000000000e+00, v10;
	v7 =	vpop (erf)  }
0x19e: {  	v5 =	vsub.f32 $0.0e+00, v5;
	(erf) = vpow2.f32 v6;
	v6 =	vadd.f32 $1.000000000e+00, v7  }
0x19f: {  	v4 =	vmul.f32 $1.442695020e+00, v4;
	(erf) = vrcp.f32 v10  }
0x1a0: {  	v5 =	vmul.f32 $1.442695020e+00, v5;
	(erf) = vrcp.f32 v6  }
0x1a1: {  	(erf) = vpow2.f32 v4  }
0x1a2: {  	(erf) = vpow2.f32 v5  }
0x1a3: {  	v4 =	vpop (erf)  }
0x1a4: {  	v5 =	vpop (erf)  }
0x1a5: {  	v6 =	vpop (erf)  }
0x1a6: {  	v4 =	vadd.f32 $1.000000000e+00, v4;
	v7 =	vpop (erf)  }
0x1a7: {  	v6 =	vadd.f32 $1.000000000e+00, v6;
	v10 =	vpop (erf)  }
0x1a8: {  	v15 =	vpop (erf)  }
0x1a9: {  	v17 =	vpop (erf)  }
0x1aa: {  	(erf) = vrcp.f32 v4;
	v4 =	vpop (erf)  }
0x1ab: {  	(erf) = vrcp.f32 v6;
	v4 =	vadd.f32 $1.000000000e+00, v4;
	v6 =	vpop (erf)  }
0x1ac: {  	v6 =	vadd.f32 $1.000000000e+00, v6  }
0x1ad: {  	(erf) = vrcp.f32 v4;
	v4 =	vadd.f32 $1.000000000e+00, v10  }
0x1ae: {  	(erf) = vrcp.f32 v6  }
0x1af: {  	(erf) = vrcp.f32 v4;
	v4 =	vand.u32 $0xFFFF0000, v12  }
0x1b0: {  	v7 =	vadd.f32 $1.000000000e+00, v7;
	v10 =	vld [tilespmem:s24+$0x4040];
	v4 =	vmul.f32 v4, v14  }
0x1b1: {  	v3 =	vmul.f32 v3, v11  }
0x1b2: {  	v6 =	vshll.u32 v12, $0x10;
	(erf) = vrcp.f32 v7;
	v7 =	vld [tilespmem:s24+$0x4050]  }
0x1b3: {  	v1 =	vshll.u32 v1, $0x10;
	[tilespmem:s23+$0xA410] =	vst v3;
	v3 =	vmul.f32 v6, v16  }
0x1b4: {  	v1 =	vmul.f32 v1, v13;
	[tilespmem:s23+$0xA430] =	vst v4;
	v4 =	vpop (erf)  }
0x1b5: {  	v2 =	vmul.f32 v2, v5;
	[tilespmem:s23+$0xA420] =	vst v3;
	v3 =	vshll.u32 v10, $0x10;
	v5 =	vpop (erf)  }
0x1b6: {  	v18 =	vshll.u32 v9, $0x10;
	[tilespmem:s23+$0xA440] =	vst v1;
	v1 =	vand.u32 $0xFFFF0000, v10;
	v3 =	vmul.f32 v3, v5  }
0x1b7: {  	v9 =	vand.u32 $0xFFFF0000, v9;
	[tilespmem:s23+$0xA450] =	vst v2;
	v1 =	vmul.f32 v1, v4;
	v2 =	vand.u32 $0xFFFF0000, v7;
	v4 =	vpop (erf)  }
0x1b8: {  	v15 =	vmul.f32 v18, v15;
	v2 =	vmul.f32 v2, v4;
	v4 =	vpop (erf);
	[tilespmem:s24+$0xA400] =	vst v3;
	v3 =	vshll.u32 v7, $0x10  }
0x1b9: {  	v9 =	vmul.f32 v9, v17;
	[tilespmem:s24+$0xA410] =	vst v1;
	v1 =	vmul.f32 v3, v4;
	v3 =	vshll.u32 v8, $0x10  }
0x1ba: {  	[tilespmem:s24+$0xA460] =	vst v15  }
0x1bb: {  	[tilespmem:s24+$0xA470] =	vst v9;
	v4 =	vpop (erf)  }
0x1bc: {  	v5 =	vand.u32 $0xFFFF0000, v8;
	[tilespmem:s24+$0xA430] =	vst v2;
	v2 =	vmul.f32 v3, v4;
	v3 =	vpop (erf)  }
0x1bd: {  	[tilespmem:s24+$0xA420] =	vst v1;
	v1 =	vmul.f32 v5, v3  }
0x1be: {  	[tilespmem:s24+$0xA440] =	vst v2  }
0x1bf: {  	[tilespmem:s24+$0xA450] =	vst v1  }
0x1c0: {  	[spmem:s2] =	stream.indirect.scatter.add.f32 [tilespmem:s16], [sflag:$0x7], $0x80, s30, s22, $0xb8;
	[tilespmem:$0x1F800] =	vst v63  }
0x1c1: {  	_ =	swait.ge [sflag:s19], $0x1400  }
0x1c2: {  	[sflag:s19] =	ssyncset.done $0x0  }
0x1c3: {  	[sflag:s19] =	ssyncadd.s32 $0xFFFFEC00  }
0x1c4: {  	_ =	swait.ge [sflag:s19], $0x28  }
0x1c5: {  	[sflag:s19] =	ssyncset.done $0x0  }
0x1c6: {  	[sflag:s19] =	ssyncadd.s32 $0xFFFFFFD8  }
0x1c7: {  	_ =	swait.ge [sflag:s19], $0x28  }
0x1c8: {  	[sflag:s19] =	ssyncset.done $0x0  }
0x1c9: {  	[sflag:s19] =	ssyncadd.s32 $0xFFFFFFD8  }
0x1ca: {  	[tilespmem:s0], [sflag:$0x2] =	stream.indirect.gather [hbm4b:s1+s22], $0x80, s11, s22, $0xb8;
	[tilespmem:$0x1F800] =	vst v63  }
0x1cb: {  	s3 =	simm.s32 $0x180;
	s23 =	rddreg [dreg:$0x13]  }
0x1cc: {  	[tilespmem:s5], [sflag:$0x2] =	stream.indirect.gather [hbm4b:s4+s22], $0x80, s3, s22, $0xb8;
	[tilespmem:$0x1F800] =	vst v63  }
0x1cd: {  	s3 =	sadd.s32 s21, s23  }
0x1ce: {  	s24 =	simm.s32 $0x5400;
	s12 =	sshll.u32 s3, $0x4  }
0x1cf: {  	s23 =	simm.s32 $0x0;
	s3 =	sshrl.u32 s3, $0x3;
	s12 =	sadd.s32 s6, s12  }
0x1d0: {  	[tilespmem:s24], [sflag:$0x3] =	stream.linear.gather [hbm4b:s12+s23], $0x1400, $0x38;
	[tilespmem:$0x1F800] =	vst v63  }
0x1d1: {  	s24 =	sadd.s32 s7, s3  }
0x1d2: {  	[tilespmem:s23], [sflag:$0x3] =	stream.linear.gather [hbm4b:s24+s23], $0x28, $0x38;
	[tilespmem:$0x1F800] =	vst v63  }
0x1d3: {  	s3 =	sadd.s32 s8, s3  }
0x1d4: {  	[tilespmem:s18], [sflag:$0x3] =	stream.linear.gather [hbm4b:s3+s23], $0x28, $0x38;
	[tilespmem:$0x1F800] =	vst v63  }
0x1d5: {  	_ =	swait.ge [sflag:s14], $0x1400  }
0x1d6: {  	[sflag:s14] =	ssyncset.done $0x0  }
0x1d7: {  	[sflag:s14] =	ssyncadd.s32 $0xFFFFEC00  }
0x1d8: {  	_ =	swait.ge [sflag:s14], $0x1400  }
0x1d9: {  	[sflag:s14] =	ssyncset.done $0x0  }
0x1da: {  	[sflag:s14] =	ssyncadd.s32 $0xFFFFEC00  }
0x1db: {  	_ =	swait.ge [sflag:s15], $0x1400  }
0x1dc: {  	[sflag:s15] =	ssyncset.done $0x0  }
0x1dd: {  	s23 =	simm.s32 $0x0;
	[sflag:s15] =	ssyncadd.s32 $0xFFFFEC00  }
0x1de: {  	v1 =	vld [tilespmem:s23+$0x460]  }
0x1df: {  	v2 =	vld [tilespmem:s23+$0x470]  }
0x1e0: {  	v3 =	vld [tilespmem:s23+$0x7C30]  }
0x1e1: {  	v4 =	vld [tilespmem:s23+$0x2C30]  }
0x1e2: {  	v5 =	vld [tilespmem:s23+$0x7C00]  }
0x1e3: {  	v6 =	vld [tilespmem:s23+$0x410]  }
0x1e4: {  	v7 =	vld [tilespmem:s23+$0x2C00]  }
0x1e5: {  	v8 =	vshll.u32 v3, $0x10  }
0x1e6: {  	v3 =	vand.u32 $0xFFFF0000, v3;
	v1 =	vadd.f32 v8, v1  }
0x1e7: {  	v9 =	vshll.u32 v4, $0x10;
	v10 =	vand.u32 $0xFFFF0000, v5;
	v8 =	vld [tilespmem:s23+$0x400];
	v2 =	vadd.f32 v3, v2  }
0x1e8: {  	v4 =	vand.u32 $0xFFFF0000, v4;
	v3 =	vld [tilespmem:s23+$0x7C20];
	v6 =	vadd.f32 v10, v6;
	v1 =	vadd.f32 v9, v1  }
0x1e9: {  	v10 =	vld [tilespmem:s23+$0x2C20];
	v9 =	vand.u32 $0xFFFF0000, v7;
	v2 =	vadd.f32 v4, v2  }
0x1ea: {  	v6 =	vadd.f32 v9, v6;
	v9 =	vld [tilespmem:s23+$0x450];
	v1 =	vsub.f32 $0.0e+00, v1  }
0x1eb: {  	v5 =	vshll.u32 v5, $0x10;
	v4 =	vld [tilespmem:s23+$0x440]  }
0x1ec: {  	v7 =	vshll.u32 v7, $0x10;
	v2 =	vsub.f32 $0.0e+00, v2;
	v1 =	vmul.f32 $1.442695020e+00, v1  }
0x1ed: {  	v6 =	vsub.f32 $0.0e+00, v6;
	v12 =	vshll.u32 v3, $0x10;
	v5 =	vadd.f32 v5, v8  }
0x1ee: {  	v11 =	vld [tilespmem:s23+$0x2C10];
	v2 =	vmul.f32 $1.442695020e+00, v2;
	(erf) = vpow2.f32 v1;
	v1 =	vand.u32 $0xFFFF0000, v3  }
0x1ef: {  	v8 =	vld [tilespmem:s23+$0x7C10];
	v6 =	vmul.f32 $1.442695020e+00, v6;
	v3 =	vadd.f32 v7, v5;
	v5 =	vadd.f32 v1, v9  }
0x1f0: {  	v13 =	vld [tilespmem:s23+$0x430];
	v4 =	vadd.f32 v12, v4;
	v7 =	vand.u32 $0xFFFF0000, v10;
	(erf) = vpow2.f32 v2  }
0x1f1: {  	v2 =	vld [tilespmem:s23+$0x420];
	(erf) = vpow2.f32 v6;
	v6 =	vshll.u32 v10, $0x10;
	v5 =	vadd.f32 v7, v5  }
0x1f2: {  	s24 =	simm.s32 $0x80;
	v4 =	vadd.f32 v6, v4  }
0x1f3: {  	v14 =	vld [tilespmem:s24+$0x7C20];
	v3 =	vsub.f32 $0.0e+00, v3;
	v5 =	vsub.f32 $0.0e+00, v5  }
0x1f4: {  	v16 =	vld [tilespmem:s24+$0x7C10];
	v7 =	vand.u32 $0xFFFF0000, v8;
	v8 =	vshll.u32 v8, $0x10;
	v4 =	vsub.f32 $0.0e+00, v4  }
0x1f5: {  	v18 =	vld [tilespmem:s24+$0x2C30];
	v3 =	vmul.f32 $1.442695020e+00, v3;
	v7 =	vadd.f32 v7, v13;
	v5 =	vmul.f32 $1.442695020e+00, v5  }
0x1f6: {  	v19 =	vld [tilespmem:s24+$0x7C00];
	v10 =	vand.u32 $0xFFFF0000, v11;
	v2 =	vadd.f32 v8, v2  }
0x1f7: {  	v61 =	vld [tilespmem:s24+$0x440];
	(erf) = vpow2.f32 v3;
	v3 =	vshll.u32 v11, $0x10;
	v7 =	vadd.f32 v10, v7  }
0x1f8: {  	v10 =	vld [tilespmem:s24+$0x2C10];
	v2 =	vadd.f32 v3, v2;
	v3 =	vmul.f32 $1.442695020e+00, v4;
	v4 =	vpop (erf)  }
0x1f9: {  	v9 =	vld [tilespmem:s23+$0x2C70];
	v7 =	vsub.f32 $0.0e+00, v7;
	(erf) = vpow2.f32 v5;
	v4 =	vadd.f32 $1.000000000e+00, v4;
	v5 =	vpop (erf)  }
0x1fa: {  	v6 =	vld [tilespmem:s23+$0x2C40];
	v2 =	vsub.f32 $0.0e+00, v2;
	(erf) = vpow2.f32 v3;
	v3 =	vadd.f32 $1.000000000e+00, v5  }
0x1fb: {  	v23 =	vshll.u32 v16, $0x10;
	v13 =	vld [tilespmem:s24+$0x2C20];
	v5 =	vmul.f32 $1.442695020e+00, v7;
	(erf) = vrcp.f32 v4  }
0x1fc: {  	v24 =	vshll.u32 v14, $0x10;
	v12 =	vld [tilespmem:s24+$0x420];
	v17 =	vmul.f32 $1.442695020e+00, v2;
	(erf) = vrcp.f32 v3  }
0x1fd: {  	v4 =	vand.u32 $0xFFFF0000, v10;
	(erf) = vpow2.f32 v5;
	v5 =	vshll.u32 v10, $0x10;
	v10 =	vld [tilespmem:s24+$0x7C30]  }
0x1fe: {  	v58 =	vshll.u32 v18, $0x10;
	v18 =	vand.u32 $0xFFFF0000, v18;
	v63 =	vadd.f32 v24, v61;
	v8 =	vld [tilespmem:s24+$0x460]  }
0x1ff: {  	v11 =	vld [tilespmem:s24+$0x470];
	v21 =	vshll.u32 v9, $0x10;
	v20 =	vshll.u32 v6, $0x10;
	v7 =	vpop (erf);
	(erf) = vpow2.f32 v17  }
0x200: {  	v22 =	vld [tilespmem:s24+$0x410];
	v15 =	vshll.u32 v13, $0x10;
	v7 =	vadd.f32 $1.000000000e+00, v7;
	v3 =	vand.u32 $0xFFFF0000, v6;
	v6 =	vpop (erf)  }
0x201: {  	v9 =	vand.u32 $0xFFFF0000, v9;
	v15 =	vadd.f32 v15, v63;
	v17 =	vld [tilespmem:s24+$0x2C00];
	v25 =	vadd.f32 $1.000000000e+00, v6  }
0x202: {  	v6 =	vadd.f32 v23, v12;
	(erf) = vrcp.f32 v7;
	v12 =	vpop (erf);
	v26 =	vshll.u32 v10, $0x10  }
0x203: {  	v1 =	vld [tilespmem:s23+$0x2C60];
	v7 =	vand.u32 $0xFFFF0000, v16;
	v59 =	vpop (erf);
	v10 =	vand.u32 $0xFFFF0000, v10;
	v8 =	vadd.f32 v26, v8  }
0x204: {  	v16 =	vshll.u32 v19, $0x10;
	(erf) = vrcp.f32 v25;
	v27 =	vpop (erf);
	v10 =	vadd.f32 v10, v11  }
0x205: {  	v19 =	vand.u32 $0xFFFF0000, v19;
	v60 =	vadd.f32 $1.000000000e+00, v12;
	v12 =	vpop (erf);
	v8 =	vadd.f32 v58, v8  }
0x206: {  	v19 =	vadd.f32 v19, v22;
	v28 =	vshll.u32 v17, $0x10;
	v11 =	vld [tilespmem:s24+$0x400];
	v10 =	vadd.f32 v18, v10;
	v18 =	vpop (erf)  }
0x207: {  	v17 =	vand.u32 $0xFFFF0000, v17;
	v18 =	vadd.f32 $1.000000000e+00, v18;
	v8 =	vsub.f32 $0.0e+00, v8  }
0x208: {  	v2 =	vand.u32 $0xFFFF0000, v1;
	v17 =	vadd.f32 v17, v19;
	v9 =	vmul.f32 v9, v12;
	v12 =	vpop (erf)  }
0x209: {  	v62 =	vld [tilespmem:s24+$0x450];
	v12 =	vadd.f32 $1.000000000e+00, v12;
	(erf) = vrcp.f32 v18;
	v8 =	vmul.f32 $1.442695020e+00, v8  }
0x20a: {  	v19 =	vmul.f32 v21, v27;
	v17 =	vsub.f32 $0.0e+00, v17;
	v10 =	vsub.f32 $0.0e+00, v10  }
0x20b: {  	v16 =	vadd.f32 v16, v11;
	v18 =	vadd.f32 $1.000000000e+00, v59;
	(erf) = vrcp.f32 v12  }
0x20c: {  	v11 =	vpop (erf);
	[tilespmem:s23+$0xA470] =	vst v9;
	v9 =	vand.u32 $0xFFFF0000, v14;
	v14 =	vld [tilespmem:s24+$0x430];
	v10 =	vmul.f32 $1.442695020e+00, v10;
	(erf) = vpow2.f32 v8  }
0x20d: {  	v17 =	vmul.f32 $1.442695020e+00, v17;
	v16 =	vadd.f32 v28, v16;
	v12 =	vld [tilespmem:s23+$0x2C50];
	(erf) = vrcp.f32 v18;
	v8 =	vpop (erf)  }
0x20e: {  	v18 =	vadd.f32 v9, v62;
	(erf) = vpow2.f32 v10;
	v10 =	vmul.f32 v20, v8  }
0x20f: {  	[tilespmem:s23+$0xA460] =	vst v19;
	v19 =	vand.u32 $0xFFFF0000, v13;
	v13 =	vsub.f32 $0.0e+00, v15;
	v9 =	vld [tilespmem:s24+$0x2C70];
	(erf) = vpow2.f32 v17  }
0x210: {  	s12 =	simm.s32 $0x400;
	v15 =	vsub.f32 $0.0e+00, v16;
	v8 =	vld [tilespmem:s24+$0x2C60];
	v16 =	vadd.f32 v19, v18;
	(erf) = vrcp.f32 v60;
	[tilespmem:s23+$0xA400] =	vst v10  }
.LBB2_9:
0x211: {  	s3 =	sshra.s32 s12, $0x2;
	p0 =	sne.s32 s12, $0x4E00;
	s12 =	sadd.s32 $0x200, s12;
	v17 =	vld [tilespmem:s24+$0x2C40];
	v5 =	vadd.f32 v5, v6;
	v6 =	vadd.f32 v7, v14;
	v3 =	vmul.f32 v3, v11  }
0x212: {  	v10 =	vld [tilespmem:s3+$0x2C20];
	v7 =	vmul.f32 $1.442695020e+00, v15;
	v11 =	vsub.f32 $0.0e+00, v16;
	v14 =	vand.u32 $0xFFFF0000, v12;
	v15 =	vpop (erf)  }
0x213: {  	v16 =	vld [tilespmem:s3+$0x460];
	v4 =	vadd.f32 v4, v6;
	v5 =	vsub.f32 $0.0e+00, v5;
	[tilespmem:s23+$0xA410] =	vst v3;
	v3 =	vmul.f32 v14, v15  }
0x214: {  	v6 =	vld [tilespmem:s3+$0x2C10];
	v18 =	vmul.f32 $1.442695020e+00, v11;
	(erf) = vpow2.f32 v7;
	v7 =	vshll.u32 v12, $0x10;
	v12 =	vpop (erf)  }
0x215: {  	v19 =	vmul.f32 $1.442695020e+00, v13;
	v14 =	vld [tilespmem:s3+$0x400];
	v4 =	vsub.f32 $0.0e+00, v4;
	v15 =	vpop (erf);
	v7 =	vmul.f32 v7, v12;
	[tilespmem:s23+$0xA430] =	vst v3  }
0x216: {  	v1 =	vshll.u32 v1, $0x10;
	v12 =	vld [tilespmem:s3+$0x470];
	v21 =	vadd.f32 $1.000000000e+00, v15;
	(erf) = vpow2.f32 v18;
	v11 =	vpop (erf)  }
0x217: {  	v15 =	vld [tilespmem:s3+$0x420];
	v18 =	vshll.u32 v10, $0x10;
	(erf) = vpow2.f32 v19;
	v13 =	vpop (erf);
	[tilespmem:s23+$0xA420] =	vst v7;
	v22 =	vmul.f32 v1, v11  }
0x218: {  	v4 =	vmul.f32 $1.442695020e+00, v4;
	v19 =	vld [tilespmem:s3+$0x7C20];
	v7 =	vadd.f32 $1.000000000e+00, v13;
	v11 =	vpop (erf);
	(erf) = vrcp.f32 v21  }
0x219: {  	v20 =	vmul.f32 $1.442695020e+00, v5;
	v1 =	vmov v8;
	v13 =	vld [tilespmem:s3+$0x7C10];
	v11 =	vadd.f32 $1.000000000e+00, v11;
	[tilespmem:s23+$0xA440] =	vst v22;
	v3 =	vpop (erf)  }
0x21a: {  	v8 =	vld [tilespmem:s3+$0x2C30];
	(erf) = vrcp.f32 v7;
	v7 =	vmul.f32 v2, v3  }
0x21b: {  	v3 =	vand.u32 $0xFFFF0000, v17;
	v2 =	vand.u32 $0xFFFF0000, v1;
	v21 =	vld [tilespmem:s3+$0x7C00];
	(erf) = vpow2.f32 v4  }
0x21c: {  	v5 =	vshll.u32 v6, $0x10;
	v4 =	vand.u32 $0xFFFF0000, v6;
	v22 =	vld [tilespmem:s3+$0x7C30];
	(erf) = vpow2.f32 v20;
	[tilespmem:s23+$0xA450] =	vst v7;
	s23 =	smov.u32 s24;
	s24 =	smov.u32 s3  }
0x21d: {  	v23 =	vshll.u32 v9, $0x10;
	v17 =	vshll.u32 v17, $0x10;
	v20 =	vld [tilespmem:s24+$0x2C00];
	v6 =	vpop (erf);
	(erf) = vrcp.f32 v11  }
0x21e: {  	v25 =	vshll.u32 v19, $0x10;
	v11 =	vld [tilespmem:s24+$0x410];
	v24 =	vshll.u32 v13, $0x10;
	v27 =	vadd.f32 $1.000000000e+00, v6  }
0x21f: {  	v9 =	vand.u32 $0xFFFF0000, v9;
	v7 =	vand.u32 $0xFFFF0000, v13;
	v6 =	vadd.f32 v24, v15;
	v13 =	vpop (erf)  }
0x220: {  	v24 =	vshll.u32 v8, $0x10;
	v15 =	vshll.u32 v21, $0x10;
	(erf) = vrcp.f32 v27;
	v26 =	vpop (erf)  }
0x221: {  	v21 =	vand.u32 $0xFFFF0000, v21;
	v27 =	vshll.u32 v22, $0x10;
	v22 =	vand.u32 $0xFFFF0000, v22;
	v28 =	vpop (erf)  }
0x222: {  	v29 =	vshll.u32 v20, $0x10;
	v16 =	vadd.f32 v27, v16;
	v27 =	vadd.f32 v22, v12  }
0x223: {  	v8 =	vand.u32 $0xFFFF0000, v8;
	v30 =	vadd.f32 v21, v11;
	v21 =	vadd.f32 $1.000000000e+00, v13;
	v13 =	vpop (erf)  }
0x224: {  	v20 =	vand.u32 $0xFFFF0000, v20;
	v22 =	vld [tilespmem:s24+$0x440];
	v16 =	vadd.f32 v24, v16;
	v8 =	vadd.f32 v8, v27;
	v12 =	vpop (erf)  }
0x225: {  	v9 =	vmul.f32 v9, v13;
	v20 =	vadd.f32 v20, v30;
	v12 =	vadd.f32 $1.000000000e+00, v12;
	v13 =	vpop (erf)  }
0x226: {  	v23 =	vmul.f32 v23, v28;
	v16 =	vsub.f32 $0.0e+00, v16;
	v8 =	vsub.f32 $0.0e+00, v8;
	v11 =	vpop (erf)  }
0x227: {  	v13 =	vadd.f32 $1.000000000e+00, v13;
	v20 =	vsub.f32 $0.0e+00, v20;
	v24 =	vld [tilespmem:s24+$0x450];
	[tilespmem:s23+$0xA470] =	vst v9;
	(erf) = vrcp.f32 v12  }
0x228: {  	v9 =	vadd.f32 v15, v14;
	v15 =	vadd.f32 $1.000000000e+00, v26;
	v12 =	vmul.f32 $1.442695020e+00, v16;
	[tilespmem:s23+$0xA460] =	vst v23  }
0x229: {  	v16 =	vmul.f32 $1.442695020e+00, v20;
	v20 =	vadd.f32 v25, v22;
	v22 =	vpop (erf);
	(erf) = vrcp.f32 v13  }
.Ltmp3:
0x22a: {  	v8 =	vmul.f32 $1.442695020e+00, v8;
	v13 =	vand.u32 $0xFFFF0000, v19;
	v14 =	vld [tilespmem:s24+$0x430];
	(erf) = vpow2.f32 v12;
	(pc) =	sbr.rel @p0 .LBB2_9-.Ltmp3, $4  }
0x22b: {  	v19 =	vadd.f32 v29, v9;
	v9 =	vadd.f32 v18, v20;
	v12 =	vld [tilespmem:s23+$0x2C50];
	(erf) = vrcp.f32 v15  }
0x22c: {  	v17 =	vmul.f32 v17, v22;
	v18 =	vadd.f32 v13, v24;
	(erf) = vpow2.f32 v8  }
0x22d: {  	v10 =	vand.u32 $0xFFFF0000, v10;
	v13 =	vsub.f32 $0.0e+00, v9;
	v9 =	vld [tilespmem:s24+$0x2C70];
	(erf) = vpow2.f32 v16  }
0x22e: {  	v15 =	vsub.f32 $0.0e+00, v19;
	v8 =	vld [tilespmem:s24+$0x2C60];
	v16 =	vadd.f32 v10, v18;
	[tilespmem:s23+$0xA400] =	vst v17;
	(erf) = vrcp.f32 v21  }
0x22f: {  	_ = 	snop  }
0x230: {  	v7 =	vadd.f32 v7, v14;
	v10 =	vsub.f32 $0.0e+00, v16;
	_ =	sdelay $0x1  }
0x231: {  	v14 =	vpop (erf);
	v4 =	vadd.f32 v4, v7;
	v7 =	vmul.f32 $1.442695020e+00, v10  }
0x232: {  	v15 =	vmul.f32 $1.442695020e+00, v15;
	v16 =	vpop (erf)  }
0x233: {  	v10 =	vpop (erf)  }
0x234: {  	v5 =	vadd.f32 v5, v6;
	v6 =	vmul.f32 $1.442695020e+00, v13;
	(erf) = vpow2.f32 v15;
	v13 =	vpop (erf)  }
0x235: {  	v4 =	vsub.f32 $0.0e+00, v4;
	(erf) = vpow2.f32 v7;
	v10 =	vadd.f32 $1.000000000e+00, v10;
	v7 =	vpop (erf)  }
0x236: {  	v5 =	vsub.f32 $0.0e+00, v5;
	(erf) = vpow2.f32 v6;
	v6 =	vadd.f32 $1.000000000e+00, v7  }
0x237: {  	v4 =	vmul.f32 $1.442695020e+00, v4;
	(erf) = vrcp.f32 v10  }
0x238: {  	v5 =	vmul.f32 $1.442695020e+00, v5;
	(erf) = vrcp.f32 v6  }
0x239: {  	(erf) = vpow2.f32 v4  }
0x23a: {  	(erf) = vpow2.f32 v5  }
0x23b: {  	v4 =	vpop (erf)  }
0x23c: {  	v5 =	vpop (erf)  }
0x23d: {  	v6 =	vpop (erf)  }
0x23e: {  	v4 =	vadd.f32 $1.000000000e+00, v4;
	v7 =	vpop (erf)  }
0x23f: {  	v6 =	vadd.f32 $1.000000000e+00, v6;
	v10 =	vpop (erf)  }
0x240: {  	v15 =	vpop (erf)  }
0x241: {  	v17 =	vpop (erf)  }
0x242: {  	(erf) = vrcp.f32 v4;
	v4 =	vpop (erf)  }
0x243: {  	(erf) = vrcp.f32 v6;
	v4 =	vadd.f32 $1.000000000e+00, v4;
	v6 =	vpop (erf)  }
0x244: {  	v6 =	vadd.f32 $1.000000000e+00, v6  }
0x245: {  	(erf) = vrcp.f32 v4;
	v4 =	vadd.f32 $1.000000000e+00, v10  }
0x246: {  	(erf) = vrcp.f32 v6  }
0x247: {  	(erf) = vrcp.f32 v4;
	v4 =	vand.u32 $0xFFFF0000, v12  }
0x248: {  	v7 =	vadd.f32 $1.000000000e+00, v7;
	v10 =	vld [tilespmem:s24+$0x2C40];
	v4 =	vmul.f32 v4, v14  }
0x249: {  	v3 =	vmul.f32 v3, v11  }
0x24a: {  	v6 =	vshll.u32 v12, $0x10;
	(erf) = vrcp.f32 v7;
	v7 =	vld [tilespmem:s24+$0x2C50]  }
0x24b: {  	v1 =	vshll.u32 v1, $0x10;
	[tilespmem:s23+$0xA410] =	vst v3;
	v3 =	vmul.f32 v6, v16  }
0x24c: {  	v1 =	vmul.f32 v1, v13;
	[tilespmem:s23+$0xA430] =	vst v4;
	v4 =	vpop (erf)  }
0x24d: {  	v2 =	vmul.f32 v2, v5;
	[tilespmem:s23+$0xA420] =	vst v3;
	v3 =	vshll.u32 v10, $0x10;
	v5 =	vpop (erf)  }
0x24e: {  	v18 =	vshll.u32 v9, $0x10;
	[tilespmem:s23+$0xA440] =	vst v1;
	v1 =	vand.u32 $0xFFFF0000, v10;
	v3 =	vmul.f32 v3, v5  }
0x24f: {  	v9 =	vand.u32 $0xFFFF0000, v9;
	[tilespmem:s23+$0xA450] =	vst v2;
	v1 =	vmul.f32 v1, v4;
	v2 =	vand.u32 $0xFFFF0000, v7;
	v4 =	vpop (erf)  }
0x250: {  	v15 =	vmul.f32 v18, v15;
	v2 =	vmul.f32 v2, v4;
	v4 =	vpop (erf);
	[tilespmem:s24+$0xA400] =	vst v3;
	v3 =	vshll.u32 v7, $0x10  }
0x251: {  	v9 =	vmul.f32 v9, v17;
	[tilespmem:s24+$0xA410] =	vst v1;
	v1 =	vmul.f32 v3, v4;
	v3 =	vshll.u32 v8, $0x10  }
0x252: {  	[tilespmem:s24+$0xA460] =	vst v15  }
0x253: {  	[tilespmem:s24+$0xA470] =	vst v9;
	v4 =	vpop (erf)  }
0x254: {  	v5 =	vand.u32 $0xFFFF0000, v8;
	[tilespmem:s24+$0xA430] =	vst v2;
	v2 =	vmul.f32 v3, v4;
	v3 =	vpop (erf)  }
0x255: {  	[tilespmem:s24+$0xA420] =	vst v1;
	v1 =	vmul.f32 v5, v3  }
0x256: {  	[tilespmem:s24+$0xA440] =	vst v2  }
0x257: {  	[tilespmem:s24+$0xA450] =	vst v1  }
0x258: {  	[spmem:s2] =	stream.indirect.scatter.add.f32 [tilespmem:s16], [sflag:$0x7], $0x80, s13, s22, $0xb8;
	[tilespmem:$0x1F800] =	vst v63  }
0x259: {  	_ =	swait.ge [sflag:s28], $0x1400  }
0x25a: {  	[sflag:s28] =	ssyncset.done $0x0  }
0x25b: {  	[sflag:s28] =	ssyncadd.s32 $0xFFFFEC00  }
0x25c: {  	_ =	swait.ge [sflag:s28], $0x28  }
0x25d: {  	[sflag:s28] =	ssyncset.done $0x0  }
0x25e: {  	[sflag:s28] =	ssyncadd.s32 $0xFFFFFFD8  }
0x25f: {  	_ =	swait.ge [sflag:s28], $0x28  }
0x260: {  	[sflag:s28] =	ssyncset.done $0x0;
	s12 =	rddreg [dreg:$0x14]  }
0x261: {  	[sflag:s28] =	ssyncadd.s32 $0xFFFFFFD8;
	s12 =	sadd.s32 s21, s12  }
0x262: {  	[tilespmem:s25], [sflag:$0x1] =	stream.indirect.gather [hbm4b:s1+s22], $0x80, s18, s22, $0xb8;
	[tilespmem:$0x1F800] =	vst v63  }
0x263: {  	s3 =	simm.s32 $0x0;
	s21 =	sshll.u32 s12, $0x4  }
0x264: {  	[tilespmem:s26], [sflag:$0x1] =	stream.indirect.gather [hbm4b:s4+s22], $0x80, s3, s22, $0xb8;
	[tilespmem:$0x1F800] =	vst v63  }
0x265: {  	s24 =	simm.s32 $0x6800;
	s12 =	sshrl.u32 s12, $0x3;
	s21 =	sadd.s32 s6, s21  }
0x266: {  	[tilespmem:s24], [sflag:$0x4] =	stream.linear.gather [hbm4b:s21+s3], $0x1400, $0x38;
	[tilespmem:$0x1F800] =	vst v63  }
0x267: {  	s24 =	sadd.s32 s7, s12  }
0x268: {  	[tilespmem:s29], [sflag:$0x4] =	stream.linear.gather [hbm4b:s24+s3], $0x28, $0x38;
	[tilespmem:$0x1F800] =	vst v63  }
0x269: {  	s12 =	sadd.s32 s8, s12  }
0x26a: {  	[tilespmem:s30], [sflag:$0x4] =	stream.linear.gather [hbm4b:s12+s3], $0x28, $0x38;
	[tilespmem:$0x1F800] =	vst v63  }
0x26b: {  	_ =	swait.ge [sflag:s10], $0x1400  }
0x26c: {  	[sflag:s10] =	ssyncset.done $0x0  }
0x26d: {  	[sflag:s10] =	ssyncadd.s32 $0xFFFFEC00  }
0x26e: {  	_ =	swait.ge [sflag:s10], $0x1400  }
0x26f: {  	[sflag:s10] =	ssyncset.done $0x0  }
0x270: {  	[sflag:s10] =	ssyncadd.s32 $0xFFFFEC00  }
0x271: {  	_ =	swait.ge [sflag:s15], $0x1400  }
0x272: {  	[sflag:s15] =	ssyncset.done $0x0  }
0x273: {  	s21 =	simm.s32 $0x0;
	[sflag:s15] =	ssyncadd.s32 $0xFFFFEC00  }
0x274: {  	v1 =	vld [tilespmem:s21+$0x1860]  }
0x275: {  	v2 =	vld [tilespmem:s21+$0x1870]  }
0x276: {  	v3 =	vld [tilespmem:s21+$0x9030]  }
0x277: {  	v4 =	vld [tilespmem:s21+$0x4030]  }
0x278: {  	v5 =	vld [tilespmem:s21+$0x9000]  }
0x279: {  	v6 =	vld [tilespmem:s21+$0x1810]  }
0x27a: {  	v7 =	vld [tilespmem:s21+$0x4000]  }
0x27b: {  	v8 =	vshll.u32 v3, $0x10  }
0x27c: {  	v3 =	vand.u32 $0xFFFF0000, v3;
	v1 =	vadd.f32 v8, v1  }
0x27d: {  	v9 =	vshll.u32 v4, $0x10;
	v10 =	vand.u32 $0xFFFF0000, v5;
	v8 =	vld [tilespmem:s21+$0x1800];
	v2 =	vadd.f32 v3, v2  }
0x27e: {  	v4 =	vand.u32 $0xFFFF0000, v4;
	v3 =	vld [tilespmem:s21+$0x9020];
	v6 =	vadd.f32 v10, v6;
	v1 =	vadd.f32 v9, v1  }
0x27f: {  	v10 =	vld [tilespmem:s21+$0x4020];
	v9 =	vand.u32 $0xFFFF0000, v7;
	v2 =	vadd.f32 v4, v2  }
0x280: {  	v6 =	vadd.f32 v9, v6;
	v9 =	vld [tilespmem:s21+$0x1850];
	v1 =	vsub.f32 $0.0e+00, v1  }
0x281: {  	v5 =	vshll.u32 v5, $0x10;
	v4 =	vld [tilespmem:s21+$0x1840]  }
0x282: {  	v7 =	vshll.u32 v7, $0x10;
	v2 =	vsub.f32 $0.0e+00, v2;
	v1 =	vmul.f32 $1.442695020e+00, v1  }
0x283: {  	v6 =	vsub.f32 $0.0e+00, v6;
	v12 =	vshll.u32 v3, $0x10;
	v5 =	vadd.f32 v5, v8  }
0x284: {  	v11 =	vld [tilespmem:s21+$0x4010];
	v2 =	vmul.f32 $1.442695020e+00, v2;
	(erf) = vpow2.f32 v1;
	v1 =	vand.u32 $0xFFFF0000, v3  }
0x285: {  	v8 =	vld [tilespmem:s21+$0x9010];
	v6 =	vmul.f32 $1.442695020e+00, v6;
	v3 =	vadd.f32 v7, v5;
	v5 =	vadd.f32 v1, v9  }
0x286: {  	v13 =	vld [tilespmem:s21+$0x1830];
	v4 =	vadd.f32 v12, v4;
	v7 =	vand.u32 $0xFFFF0000, v10;
	(erf) = vpow2.f32 v2  }
0x287: {  	v2 =	vld [tilespmem:s21+$0x1820];
	(erf) = vpow2.f32 v6;
	v6 =	vshll.u32 v10, $0x10;
	v5 =	vadd.f32 v7, v5  }
0x288: {  	s23 =	simm.s32 $0x80;
	v4 =	vadd.f32 v6, v4  }
0x289: {  	v14 =	vld [tilespmem:s23+$0x9020];
	v3 =	vsub.f32 $0.0e+00, v3;
	v5 =	vsub.f32 $0.0e+00, v5  }
0x28a: {  	v16 =	vld [tilespmem:s23+$0x9010];
	v7 =	vand.u32 $0xFFFF0000, v8;
	v8 =	vshll.u32 v8, $0x10;
	v4 =	vsub.f32 $0.0e+00, v4  }
0x28b: {  	v18 =	vld [tilespmem:s23+$0x4030];
	v3 =	vmul.f32 $1.442695020e+00, v3;
	v7 =	vadd.f32 v7, v13;
	v5 =	vmul.f32 $1.442695020e+00, v5  }
0x28c: {  	v19 =	vld [tilespmem:s23+$0x9000];
	v10 =	vand.u32 $0xFFFF0000, v11;
	v2 =	vadd.f32 v8, v2  }
0x28d: {  	v61 =	vld [tilespmem:s23+$0x1840];
	(erf) = vpow2.f32 v3;
	v3 =	vshll.u32 v11, $0x10;
	v7 =	vadd.f32 v10, v7  }
0x28e: {  	v10 =	vld [tilespmem:s23+$0x4010];
	v2 =	vadd.f32 v3, v2;
	v3 =	vmul.f32 $1.442695020e+00, v4;
	v4 =	vpop (erf)  }
0x28f: {  	v9 =	vld [tilespmem:s21+$0x4070];
	v7 =	vsub.f32 $0.0e+00, v7;
	(erf) = vpow2.f32 v5;
	v4 =	vadd.f32 $1.000000000e+00, v4;
	v5 =	vpop (erf)  }
0x290: {  	v6 =	vld [tilespmem:s21+$0x4040];
	v2 =	vsub.f32 $0.0e+00, v2;
	(erf) = vpow2.f32 v3;
	v3 =	vadd.f32 $1.000000000e+00, v5  }
0x291: {  	v23 =	vshll.u32 v16, $0x10;
	v13 =	vld [tilespmem:s23+$0x4020];
	v5 =	vmul.f32 $1.442695020e+00, v7;
	(erf) = vrcp.f32 v4  }
0x292: {  	v24 =	vshll.u32 v14, $0x10;
	v12 =	vld [tilespmem:s23+$0x1820];
	v17 =	vmul.f32 $1.442695020e+00, v2;
	(erf) = vrcp.f32 v3  }
0x293: {  	v4 =	vand.u32 $0xFFFF0000, v10;
	(erf) = vpow2.f32 v5;
	v5 =	vshll.u32 v10, $0x10;
	v10 =	vld [tilespmem:s23+$0x9030]  }
0x294: {  	v58 =	vshll.u32 v18, $0x10;
	v18 =	vand.u32 $0xFFFF0000, v18;
	v63 =	vadd.f32 v24, v61;
	v8 =	vld [tilespmem:s23+$0x1860]  }
0x295: {  	v11 =	vld [tilespmem:s23+$0x1870];
	v21 =	vshll.u32 v9, $0x10;
	v20 =	vshll.u32 v6, $0x10;
	v7 =	vpop (erf);
	(erf) = vpow2.f32 v17  }
0x296: {  	v22 =	vld [tilespmem:s23+$0x1810];
	v15 =	vshll.u32 v13, $0x10;
	v7 =	vadd.f32 $1.000000000e+00, v7;
	v3 =	vand.u32 $0xFFFF0000, v6;
	v6 =	vpop (erf)  }
0x297: {  	v9 =	vand.u32 $0xFFFF0000, v9;
	v15 =	vadd.f32 v15, v63;
	v17 =	vld [tilespmem:s23+$0x4000];
	v25 =	vadd.f32 $1.000000000e+00, v6  }
0x298: {  	v6 =	vadd.f32 v23, v12;
	(erf) = vrcp.f32 v7;
	v12 =	vpop (erf);
	v26 =	vshll.u32 v10, $0x10  }
0x299: {  	v1 =	vld [tilespmem:s21+$0x4060];
	v7 =	vand.u32 $0xFFFF0000, v16;
	v59 =	vpop (erf);
	v10 =	vand.u32 $0xFFFF0000, v10;
	v8 =	vadd.f32 v26, v8  }
0x29a: {  	v16 =	vshll.u32 v19, $0x10;
	(erf) = vrcp.f32 v25;
	v27 =	vpop (erf);
	v10 =	vadd.f32 v10, v11  }
0x29b: {  	v19 =	vand.u32 $0xFFFF0000, v19;
	v60 =	vadd.f32 $1.000000000e+00, v12;
	v12 =	vpop (erf);
	v8 =	vadd.f32 v58, v8  }
0x29c: {  	v19 =	vadd.f32 v19, v22;
	v28 =	vshll.u32 v17, $0x10;
	v11 =	vld [tilespmem:s23+$0x1800];
	v10 =	vadd.f32 v18, v10;
	v18 =	vpop (erf)  }
0x29d: {  	v17 =	vand.u32 $0xFFFF0000, v17;
	v18 =	vadd.f32 $1.000000000e+00, v18;
	v8 =	vsub.f32 $0.0e+00, v8  }
0x29e: {  	v2 =	vand.u32 $0xFFFF0000, v1;
	v17 =	vadd.f32 v17, v19;
	v9 =	vmul.f32 v9, v12;
	v12 =	vpop (erf)  }
0x29f: {  	v62 =	vld [tilespmem:s23+$0x1850];
	v12 =	vadd.f32 $1.000000000e+00, v12;
	(erf) = vrcp.f32 v18;
	v8 =	vmul.f32 $1.442695020e+00, v8  }
0x2a0: {  	v19 =	vmul.f32 v21, v27;
	v17 =	vsub.f32 $0.0e+00, v17;
	v10 =	vsub.f32 $0.0e+00, v10  }
0x2a1: {  	v16 =	vadd.f32 v16, v11;
	v18 =	vadd.f32 $1.000000000e+00, v59;
	(erf) = vrcp.f32 v12  }
0x2a2: {  	v11 =	vpop (erf);
	[tilespmem:s21+$0xA470] =	vst v9;
	v9 =	vand.u32 $0xFFFF0000, v14;
	v14 =	vld [tilespmem:s23+$0x1830];
	v10 =	vmul.f32 $1.442695020e+00, v10;
	(erf) = vpow2.f32 v8  }
0x2a3: {  	v17 =	vmul.f32 $1.442695020e+00, v17;
	v16 =	vadd.f32 v28, v16;
	v12 =	vld [tilespmem:s21+$0x4050];
	(erf) = vrcp.f32 v18;
	v8 =	vpop (erf)  }
0x2a4: {  	v18 =	vadd.f32 v9, v62;
	(erf) = vpow2.f32 v10;
	v10 =	vmul.f32 v20, v8  }
0x2a5: {  	[tilespmem:s21+$0xA460] =	vst v19;
	v19 =	vand.u32 $0xFFFF0000, v13;
	v13 =	vsub.f32 $0.0e+00, v15;
	v9 =	vld [tilespmem:s23+$0x4070];
	(erf) = vpow2.f32 v17  }
0x2a6: {  	s12 =	simm.s32 $0x400;
	v15 =	vsub.f32 $0.0e+00, v16;
	v8 =	vld [tilespmem:s23+$0x4060];
	v16 =	vadd.f32 v19, v18;
	(erf) = vrcp.f32 v60;
	[tilespmem:s21+$0xA400] =	vst v10  }
.LBB2_11:
0x2a7: {  	s3 =	sshra.s32 s12, $0x2;
	p0 =	sne.s32 s12, $0x4E00;
	s12 =	sadd.s32 $0x200, s12;
	v17 =	vld [tilespmem:s23+$0x4040];
	v5 =	vadd.f32 v5, v6;
	v6 =	vadd.f32 v7, v14;
	v3 =	vmul.f32 v3, v11  }
0x2a8: {  	v10 =	vld [tilespmem:s3+$0x4020];
	v7 =	vmul.f32 $1.442695020e+00, v15;
	v11 =	vsub.f32 $0.0e+00, v16;
	v14 =	vand.u32 $0xFFFF0000, v12;
	v15 =	vpop (erf)  }
0x2a9: {  	v16 =	vld [tilespmem:s3+$0x1860];
	v4 =	vadd.f32 v4, v6;
	v5 =	vsub.f32 $0.0e+00, v5;
	[tilespmem:s21+$0xA410] =	vst v3;
	v3 =	vmul.f32 v14, v15  }
0x2aa: {  	v6 =	vld [tilespmem:s3+$0x4010];
	v18 =	vmul.f32 $1.442695020e+00, v11;
	(erf) = vpow2.f32 v7;
	v7 =	vshll.u32 v12, $0x10;
	v12 =	vpop (erf)  }
0x2ab: {  	v19 =	vmul.f32 $1.442695020e+00, v13;
	v14 =	vld [tilespmem:s3+$0x1800];
	v4 =	vsub.f32 $0.0e+00, v4;
	v15 =	vpop (erf);
	v7 =	vmul.f32 v7, v12;
	[tilespmem:s21+$0xA430] =	vst v3  }
0x2ac: {  	v1 =	vshll.u32 v1, $0x10;
	v12 =	vld [tilespmem:s3+$0x1870];
	v21 =	vadd.f32 $1.000000000e+00, v15;
	(erf) = vpow2.f32 v18;
	v11 =	vpop (erf)  }
0x2ad: {  	v15 =	vld [tilespmem:s3+$0x1820];
	v18 =	vshll.u32 v10, $0x10;
	(erf) = vpow2.f32 v19;
	v13 =	vpop (erf);
	[tilespmem:s21+$0xA420] =	vst v7;
	v22 =	vmul.f32 v1, v11  }
0x2ae: {  	v4 =	vmul.f32 $1.442695020e+00, v4;
	v19 =	vld [tilespmem:s3+$0x9020];
	v7 =	vadd.f32 $1.000000000e+00, v13;
	v11 =	vpop (erf);
	(erf) = vrcp.f32 v21  }
0x2af: {  	v20 =	vmul.f32 $1.442695020e+00, v5;
	v1 =	vmov v8;
	v13 =	vld [tilespmem:s3+$0x9010];
	v11 =	vadd.f32 $1.000000000e+00, v11;
	[tilespmem:s21+$0xA440] =	vst v22;
	v3 =	vpop (erf)  }
0x2b0: {  	v8 =	vld [tilespmem:s3+$0x4030];
	(erf) = vrcp.f32 v7;
	v7 =	vmul.f32 v2, v3  }
0x2b1: {  	v3 =	vand.u32 $0xFFFF0000, v17;
	v2 =	vand.u32 $0xFFFF0000, v1;
	v21 =	vld [tilespmem:s3+$0x9000];
	(erf) = vpow2.f32 v4  }
0x2b2: {  	v5 =	vshll.u32 v6, $0x10;
	v4 =	vand.u32 $0xFFFF0000, v6;
	v22 =	vld [tilespmem:s3+$0x9030];
	(erf) = vpow2.f32 v20;
	[tilespmem:s21+$0xA450] =	vst v7;
	s21 =	smov.u32 s23;
	s23 =	smov.u32 s3  }
0x2b3: {  	v23 =	vshll.u32 v9, $0x10;
	v17 =	vshll.u32 v17, $0x10;
	v20 =	vld [tilespmem:s23+$0x4000];
	v6 =	vpop (erf);
	(erf) = vrcp.f32 v11  }
0x2b4: {  	v25 =	vshll.u32 v19, $0x10;
	v11 =	vld [tilespmem:s23+$0x1810];
	v24 =	vshll.u32 v13, $0x10;
	v27 =	vadd.f32 $1.000000000e+00, v6  }
0x2b5: {  	v9 =	vand.u32 $0xFFFF0000, v9;
	v7 =	vand.u32 $0xFFFF0000, v13;
	v6 =	vadd.f32 v24, v15;
	v13 =	vpop (erf)  }
0x2b6: {  	v24 =	vshll.u32 v8, $0x10;
	v15 =	vshll.u32 v21, $0x10;
	(erf) = vrcp.f32 v27;
	v26 =	vpop (erf)  }
0x2b7: {  	v21 =	vand.u32 $0xFFFF0000, v21;
	v27 =	vshll.u32 v22, $0x10;
	v22 =	vand.u32 $0xFFFF0000, v22;
	v28 =	vpop (erf)  }
0x2b8: {  	v29 =	vshll.u32 v20, $0x10;
	v16 =	vadd.f32 v27, v16;
	v27 =	vadd.f32 v22, v12  }
0x2b9: {  	v8 =	vand.u32 $0xFFFF0000, v8;
	v30 =	vadd.f32 v21, v11;
	v21 =	vadd.f32 $1.000000000e+00, v13;
	v13 =	vpop (erf)  }
0x2ba: {  	v20 =	vand.u32 $0xFFFF0000, v20;
	v22 =	vld [tilespmem:s23+$0x1840];
	v16 =	vadd.f32 v24, v16;
	v8 =	vadd.f32 v8, v27;
	v12 =	vpop (erf)  }
0x2bb: {  	v9 =	vmul.f32 v9, v13;
	v20 =	vadd.f32 v20, v30;
	v12 =	vadd.f32 $1.000000000e+00, v12;
	v13 =	vpop (erf)  }
0x2bc: {  	v23 =	vmul.f32 v23, v28;
	v16 =	vsub.f32 $0.0e+00, v16;
	v8 =	vsub.f32 $0.0e+00, v8;
	v11 =	vpop (erf)  }
0x2bd: {  	v13 =	vadd.f32 $1.000000000e+00, v13;
	v20 =	vsub.f32 $0.0e+00, v20;
	v24 =	vld [tilespmem:s23+$0x1850];
	[tilespmem:s21+$0xA470] =	vst v9;
	(erf) = vrcp.f32 v12  }
0x2be: {  	v9 =	vadd.f32 v15, v14;
	v15 =	vadd.f32 $1.000000000e+00, v26;
	v12 =	vmul.f32 $1.442695020e+00, v16;
	[tilespmem:s21+$0xA460] =	vst v23  }
0x2bf: {  	v16 =	vmul.f32 $1.442695020e+00, v20;
	v20 =	vadd.f32 v25, v22;
	v22 =	vpop (erf);
	(erf) = vrcp.f32 v13  }
.Ltmp4:
0x2c0: {  	v8 =	vmul.f32 $1.442695020e+00, v8;
	v13 =	vand.u32 $0xFFFF0000, v19;
	v14 =	vld [tilespmem:s23+$0x1830];
	(erf) = vpow2.f32 v12;
	(pc) =	sbr.rel @p0 .LBB2_11-.Ltmp4, $4  }
0x2c1: {  	v19 =	vadd.f32 v29, v9;
	v9 =	vadd.f32 v18, v20;
	v12 =	vld [tilespmem:s21+$0x4050];
	(erf) = vrcp.f32 v15  }
0x2c2: {  	v17 =	vmul.f32 v17, v22;
	v18 =	vadd.f32 v13, v24;
	(erf) = vpow2.f32 v8  }
0x2c3: {  	v10 =	vand.u32 $0xFFFF0000, v10;
	v13 =	vsub.f32 $0.0e+00, v9;
	v9 =	vld [tilespmem:s23+$0x4070];
	(erf) = vpow2.f32 v16  }
0x2c4: {  	v15 =	vsub.f32 $0.0e+00, v19;
	v8 =	vld [tilespmem:s23+$0x4060];
	v16 =	vadd.f32 v10, v18;
	[tilespmem:s21+$0xA400] =	vst v17;
	(erf) = vrcp.f32 v21  }
0x2c5: {  	_ =	sdelay $0x1  }
0x2c6: {  	v7 =	vadd.f32 v7, v14;
	v10 =	vsub.f32 $0.0e+00, v16;
	v35 =	vpop (erf)  }
0x2c7: {  	v15 =	vmul.f32 $1.442695020e+00, v15;
	v36 =	vpop (erf)  }
0x2c8: {  	v4 =	vadd.f32 v4, v7;
	v37 =	vmul.f32 $1.442695020e+00, v10;
	v38 =	vpop (erf)  }
0x2c9: {  	v5 =	vadd.f32 v5, v6;
	v39 =	vmul.f32 $1.442695020e+00, v13;
	(erf) = vpow2.f32 v15;
	v40 =	vpop (erf)  }
0x2ca: {  	v4 =	vsub.f32 $0.0e+00, v4;
	v10 =	vadd.f32 $1.000000000e+00, v38;
	(erf) = vpow2.f32 v37;
	v41 =	vpop (erf)  }
0x2cb: {  	v5 =	vsub.f32 $0.0e+00, v5;
	(erf) = vpow2.f32 v39;
	v42 =	vadd.f32 $1.000000000e+00, v41  }
0x2cc: {  	v4 =	vmul.f32 $1.442695020e+00, v4;
	(erf) = vrcp.f32 v10  }
0x2cd: {  	v5 =	vmul.f32 $1.442695020e+00, v5;
	(erf) = vrcp.f32 v42  }
0x2ce: {  	(erf) = vpow2.f32 v4  }
0x2cf: {  	(erf) = vpow2.f32 v5  }
0x2d0: {  	v43 =	vpop (erf)  }
0x2d1: {  	v44 =	vpop (erf)  }
0x2d2: {  	v45 =	vpop (erf)  }
0x2d3: {  	v46 =	vpop (erf)  }
0x2d4: {  	v47 =	vpop (erf)  }
0x2d5: {  	v4 =	vadd.f32 $1.000000000e+00, v43;
	v48 =	vpop (erf)  }
0x2d6: {  	v6 =	vadd.f32 $1.000000000e+00, v45;
	v17 =	vpop (erf)  }
0x2d7: {  	(erf) = vrcp.f32 v4;
	v49 =	vpop (erf)  }
0x2d8: {  	(erf) = vrcp.f32 v6;
	v4 =	vadd.f32 $1.000000000e+00, v49;
	v50 =	vpop (erf)  }
0x2d9: {  	v6 =	vadd.f32 $1.000000000e+00, v50  }
0x2da: {  	(erf) = vrcp.f32 v4  }
0x2db: {  	(erf) = vrcp.f32 v6  }
0x2dc: {  	v53 =	vld [tilespmem:s23+$0x4040];
	v52 =	vadd.f32 $1.000000000e+00, v47  }
0x2dd: {  	v3 =	vmul.f32 v3, v11;
	v54 =	vand.u32 $0xFFFF0000, v12;
	v7 =	vadd.f32 $1.000000000e+00, v46  }
0x2de: {  	v56 =	vshll.u32 v12, $0x10;
	v55 =	vmul.f32 v54, v35;
	(erf) = vrcp.f32 v52  }
0x2df: {  	v57 =	vld [tilespmem:s23+$0x4050];
	v1 =	vshll.u32 v1, $0x10;
	[tilespmem:s21+$0xA410] =	vst v3;
	v3 =	vmul.f32 v56, v36;
	(erf) = vrcp.f32 v7  }
0x2e0: {  	[tilespmem:s21+$0xA430] =	vst v55;
	v1 =	vmul.f32 v1, v40;
	v58 =	vpop (erf)  }
0x2e1: {  	[tilespmem:s21+$0xA420] =	vst v3;
	v3 =	vshll.u32 v53, $0x10;
	v2 =	vmul.f32 v2, v44;
	v59 =	vpop (erf)  }
0x2e2: {  	[tilespmem:s21+$0xA440] =	vst v1;
	v1 =	vand.u32 $0xFFFF0000, v53;
	v3 =	vmul.f32 v3, v59  }
0x2e3: {  	v18 =	vand.u32 $0xFFFF0000, v9;
	v51 =	vshll.u32 v9, $0x10;
	[tilespmem:s21+$0xA450] =	vst v2;
	v1 =	vmul.f32 v1, v58;
	v60 =	vpop (erf)  }
0x2e4: {  	v2 =	vand.u32 $0xFFFF0000, v57;
	v17 =	vmul.f32 v18, v17;
	[tilespmem:s23+$0xA400] =	vst v3;
	v3 =	vshll.u32 v57, $0x10;
	v61 =	vpop (erf)  }
0x2e5: {  	v4 =	vmul.f32 v51, v48;
	[tilespmem:s23+$0xA410] =	vst v1;
	v1 =	vmul.f32 v3, v61;
	v3 =	vshll.u32 v8, $0x10  }
0x2e6: {  	s20 =	sadd.s32 $0x1, s20;
	[tilespmem:s23+$0xA470] =	vst v17;
	v2 =	vmul.f32 v2, v60  }
0x2e7: {  	p0 =	sne.s32 s20, $0x3E;
	[tilespmem:s23+$0xA460] =	vst v4;
	v62 =	vpop (erf)  }
.Ltmp5:
0x2e8: {  	v63 =	vand.u32 $0xFFFF0000, v8;
	[tilespmem:s23+$0xA430] =	vst v2;
	v2 =	vmul.f32 v3, v62;
	v3 =	vpop (erf);
	(pc) =	sbr.rel @p0 .LBB2_4-.Ltmp5, $4  }
0x2e9: {  	[tilespmem:s23+$0xA420] =	vst v1;
	v1 =	vmul.f32 v63, v3  }
0x2ea: {  	[tilespmem:s23+$0xA440] =	vst v2  }
0x2eb: {  	[tilespmem:s23+$0xA450] =	vst v1  }
0x2ec: {  	[spmem:s2] =	stream.indirect.scatter.add.f32 [tilespmem:s16], [sflag:$0x7], $0x80, s11, s22, $0xb8;
	[tilespmem:$0x1F800] =	vst v63  }
0x2ed: {  	_ =	swait.ge [sflag:s31], $0x1400  }
0x2ee: {  	[sflag:s31] =	ssyncset.done $0x0  }
0x2ef: {  	[sflag:s31] =	ssyncadd.s32 $0xFFFFEC00  }
0x2f0: {  	_ =	swait.ge [sflag:s31], $0x28  }
0x2f1: {  	[sflag:s31] =	ssyncset.done $0x0  }
0x2f2: {  	[sflag:s31] =	ssyncadd.s32 $0xFFFFFFD8  }
0x2f3: {  	_ =	swait.ge [sflag:s31], $0x28  }
0x2f4: {  	[sflag:s31] =	ssyncset.done $0x0  }
0x2f5: {  	[sflag:s31] =	ssyncadd.s32 $0xFFFFFFD8  }
0x2f6: {  	[tilespmem:s0], [sflag:$0x2] =	stream.indirect.gather [hbm4b:s1+s22], $0x80, s30, s22, $0xb8;
	[tilespmem:$0x1F800] =	vst v63  }
0x2f7: {  	_ = 	snop  }
0x2f8: {  	[tilespmem:s5], [sflag:$0x2] =	stream.indirect.gather [hbm4b:s4+s22], $0x80, s29, s22, $0xb8;
	[tilespmem:$0x1F800] =	vst v63  }
0x2f9: {  	_ =	swait.ge [sflag:s14], $0x1400  }
0x2fa: {  	[sflag:s14] =	ssyncset.done $0x0  }
0x2fb: {  	[sflag:s14] =	ssyncadd.s32 $0xFFFFEC00  }
0x2fc: {  	_ =	swait.ge [sflag:s14], $0x1400  }
0x2fd: {  	[sflag:s14] =	ssyncset.done $0x0  }
0x2fe: {  	[sflag:s14] =	ssyncadd.s32 $0xFFFFEC00  }
0x2ff: {  	_ =	swait.ge [sflag:s15], $0x1400  }
0x300: {  	[sflag:s15] =	ssyncset.done $0x0  }
0x301: {  	s17 =	simm.s32 $0x0;
	[sflag:s15] =	ssyncadd.s32 $0xFFFFEC00  }
0x302: {  	v1 =	vld [tilespmem:s17+$0x460]  }
0x303: {  	v2 =	vld [tilespmem:s17+$0x470]  }
0x304: {  	v3 =	vld [tilespmem:s17+$0x5430]  }
0x305: {  	v4 =	vld [tilespmem:s17+$0x2C30]  }
0x306: {  	v5 =	vld [tilespmem:s17+$0x5400]  }
0x307: {  	v6 =	vld [tilespmem:s17+$0x410]  }
0x308: {  	v7 =	vld [tilespmem:s17+$0x2C00]  }
0x309: {  	v8 =	vshll.u32 v3, $0x10  }
0x30a: {  	v3 =	vand.u32 $0xFFFF0000, v3;
	v1 =	vadd.f32 v8, v1  }
0x30b: {  	v9 =	vshll.u32 v4, $0x10;
	v10 =	vand.u32 $0xFFFF0000, v5;
	v8 =	vld [tilespmem:s17+$0x400];
	v2 =	vadd.f32 v3, v2  }
0x30c: {  	v4 =	vand.u32 $0xFFFF0000, v4;
	v3 =	vld [tilespmem:s17+$0x5420];
	v6 =	vadd.f32 v10, v6;
	v1 =	vadd.f32 v9, v1  }
0x30d: {  	v10 =	vld [tilespmem:s17+$0x2C20];
	v9 =	vand.u32 $0xFFFF0000, v7;
	v2 =	vadd.f32 v4, v2  }
0x30e: {  	v6 =	vadd.f32 v9, v6;
	v9 =	vld [tilespmem:s17+$0x450];
	v1 =	vsub.f32 $0.0e+00, v1  }
0x30f: {  	v5 =	vshll.u32 v5, $0x10;
	v4 =	vld [tilespmem:s17+$0x440]  }
0x310: {  	v7 =	vshll.u32 v7, $0x10;
	v2 =	vsub.f32 $0.0e+00, v2;
	v1 =	vmul.f32 $1.442695020e+00, v1  }
0x311: {  	v6 =	vsub.f32 $0.0e+00, v6;
	v12 =	vshll.u32 v3, $0x10;
	v5 =	vadd.f32 v5, v8;
	v8 =	vld [tilespmem:s17+$0x5410]  }
0x312: {  	v13 =	vld [tilespmem:s17+$0x430];
	v2 =	vmul.f32 $1.442695020e+00, v2;
	(erf) = vpow2.f32 v1;
	v1 =	vand.u32 $0xFFFF0000, v3  }
0x313: {  	v11 =	vld [tilespmem:s17+$0x2C10];
	v6 =	vmul.f32 $1.442695020e+00, v6;
	v3 =	vadd.f32 v7, v5;
	v5 =	vadd.f32 v1, v9  }
0x314: {  	v4 =	vadd.f32 v12, v4;
	v7 =	vand.u32 $0xFFFF0000, v10;
	(erf) = vpow2.f32 v2  }
0x315: {  	v2 =	vld [tilespmem:s17+$0x420];
	(erf) = vpow2.f32 v6;
	v6 =	vshll.u32 v10, $0x10;
	v5 =	vadd.f32 v7, v5  }
0x316: {  	s20 =	simm.s32 $0x80;
	v3 =	vsub.f32 $0.0e+00, v3;
	v7 =	vand.u32 $0xFFFF0000, v8;
	v4 =	vadd.f32 v6, v4  }
0x317: {  	v14 =	vld [tilespmem:s20+$0x5420];
	v7 =	vadd.f32 v7, v13;
	v5 =	vsub.f32 $0.0e+00, v5  }
0x318: {  	v16 =	vld [tilespmem:s20+$0x5410];
	v10 =	vand.u32 $0xFFFF0000, v11;
	v8 =	vshll.u32 v8, $0x10;
	v4 =	vsub.f32 $0.0e+00, v4  }
0x319: {  	v18 =	vld [tilespmem:s20+$0x2C30];
	v3 =	vmul.f32 $1.442695020e+00, v3;
	v7 =	vadd.f32 v10, v7;
	v5 =	vmul.f32 $1.442695020e+00, v5  }
0x31a: {  	v19 =	vld [tilespmem:s20+$0x5400];
	v2 =	vadd.f32 v8, v2  }
0x31b: {  	v61 =	vld [tilespmem:s20+$0x440];
	(erf) = vpow2.f32 v3;
	v3 =	vshll.u32 v11, $0x10;
	v7 =	vsub.f32 $0.0e+00, v7  }
0x31c: {  	v10 =	vld [tilespmem:s20+$0x2C10];
	v2 =	vadd.f32 v3, v2;
	v3 =	vmul.f32 $1.442695020e+00, v4;
	v4 =	vpop (erf)  }
0x31d: {  	v9 =	vld [tilespmem:s17+$0x2C70];
	(erf) = vpow2.f32 v5;
	v4 =	vadd.f32 $1.000000000e+00, v4;
	v5 =	vpop (erf)  }
0x31e: {  	v6 =	vld [tilespmem:s17+$0x2C40];
	v2 =	vsub.f32 $0.0e+00, v2;
	(erf) = vpow2.f32 v3;
	v3 =	vadd.f32 $1.000000000e+00, v5  }
0x31f: {  	v23 =	vshll.u32 v16, $0x10;
	v13 =	vld [tilespmem:s20+$0x2C20];
	v5 =	vmul.f32 $1.442695020e+00, v7;
	v7 =	vpop (erf);
	(erf) = vrcp.f32 v4  }
0x320: {  	v24 =	vshll.u32 v14, $0x10;
	v12 =	vld [tilespmem:s20+$0x420];
	v17 =	vmul.f32 $1.442695020e+00, v2;
	(erf) = vrcp.f32 v3  }
0x321: {  	v4 =	vand.u32 $0xFFFF0000, v10;
	(erf) = vpow2.f32 v5;
	v5 =	vshll.u32 v10, $0x10;
	v10 =	vld [tilespmem:s20+$0x5430]  }
0x322: {  	v58 =	vshll.u32 v18, $0x10;
	v18 =	vand.u32 $0xFFFF0000, v18;
	v63 =	vadd.f32 v24, v61;
	v8 =	vld [tilespmem:s20+$0x460]  }
0x323: {  	v11 =	vld [tilespmem:s20+$0x470];
	v21 =	vshll.u32 v9, $0x10;
	v20 =	vshll.u32 v6, $0x10;
	(erf) = vpow2.f32 v17  }
0x324: {  	v22 =	vld [tilespmem:s20+$0x410];
	v15 =	vshll.u32 v13, $0x10;
	v7 =	vadd.f32 $1.000000000e+00, v7;
	v3 =	vand.u32 $0xFFFF0000, v6;
	v6 =	vpop (erf)  }
0x325: {  	v9 =	vand.u32 $0xFFFF0000, v9;
	v15 =	vadd.f32 v15, v63;
	v17 =	vld [tilespmem:s20+$0x2C00];
	v25 =	vadd.f32 $1.000000000e+00, v6  }
0x326: {  	v6 =	vadd.f32 v23, v12;
	(erf) = vrcp.f32 v7;
	v12 =	vpop (erf);
	v26 =	vshll.u32 v10, $0x10  }
0x327: {  	v1 =	vld [tilespmem:s17+$0x2C60];
	v7 =	vand.u32 $0xFFFF0000, v16;
	v59 =	vpop (erf);
	v10 =	vand.u32 $0xFFFF0000, v10;
	v8 =	vadd.f32 v26, v8  }
0x328: {  	v16 =	vshll.u32 v19, $0x10;
	(erf) = vrcp.f32 v25;
	v27 =	vpop (erf);
	v10 =	vadd.f32 v10, v11  }
0x329: {  	v19 =	vand.u32 $0xFFFF0000, v19;
	v60 =	vadd.f32 $1.000000000e+00, v12;
	v12 =	vpop (erf);
	v8 =	vadd.f32 v58, v8  }
0x32a: {  	v19 =	vadd.f32 v19, v22;
	v28 =	vshll.u32 v17, $0x10;
	v11 =	vld [tilespmem:s20+$0x400];
	v10 =	vadd.f32 v18, v10;
	v18 =	vpop (erf)  }
0x32b: {  	v17 =	vand.u32 $0xFFFF0000, v17;
	v18 =	vadd.f32 $1.000000000e+00, v18;
	v8 =	vsub.f32 $0.0e+00, v8  }
0x32c: {  	v2 =	vand.u32 $0xFFFF0000, v1;
	v17 =	vadd.f32 v17, v19;
	v9 =	vmul.f32 v9, v12;
	v12 =	vpop (erf)  }
0x32d: {  	v62 =	vld [tilespmem:s20+$0x450];
	v12 =	vadd.f32 $1.000000000e+00, v12;
	(erf) = vrcp.f32 v18;
	v8 =	vmul.f32 $1.442695020e+00, v8  }
0x32e: {  	v19 =	vmul.f32 v21, v27;
	v17 =	vsub.f32 $0.0e+00, v17;
	v10 =	vsub.f32 $0.0e+00, v10  }
0x32f: {  	v16 =	vadd.f32 v16, v11;
	v18 =	vadd.f32 $1.000000000e+00, v59;
	(erf) = vrcp.f32 v12  }
0x330: {  	v11 =	vpop (erf);
	[tilespmem:s17+$0xA470] =	vst v9;
	v9 =	vand.u32 $0xFFFF0000, v14;
	v14 =	vld [tilespmem:s20+$0x430];
	v10 =	vmul.f32 $1.442695020e+00, v10;
	(erf) = vpow2.f32 v8  }
0x331: {  	v17 =	vmul.f32 $1.442695020e+00, v17;
	v16 =	vadd.f32 v28, v16;
	v12 =	vld [tilespmem:s17+$0x2C50];
	(erf) = vrcp.f32 v18;
	v8 =	vpop (erf)  }
0x332: {  	v18 =	vadd.f32 v9, v62;
	(erf) = vpow2.f32 v10;
	v10 =	vmul.f32 v20, v8  }
0x333: {  	[tilespmem:s17+$0xA460] =	vst v19;
	v19 =	vand.u32 $0xFFFF0000, v13;
	v13 =	vsub.f32 $0.0e+00, v15;
	v9 =	vld [tilespmem:s20+$0x2C70];
	(erf) = vpow2.f32 v17  }
0x334: {  	s12 =	simm.s32 $0x400;
	v15 =	vsub.f32 $0.0e+00, v16;
	v8 =	vld [tilespmem:s20+$0x2C60];
	v16 =	vadd.f32 v19, v18;
	(erf) = vrcp.f32 v60;
	[tilespmem:s17+$0xA400] =	vst v10  }
.LBB2_14:
0x335: {  	s3 =	sshra.s32 s12, $0x2;
	p0 =	sne.s32 s12, $0x4E00;
	s12 =	sadd.s32 $0x200, s12;
	v17 =	vld [tilespmem:s20+$0x2C40];
	v5 =	vadd.f32 v5, v6;
	v6 =	vadd.f32 v7, v14;
	v3 =	vmul.f32 v3, v11  }
0x336: {  	v10 =	vld [tilespmem:s3+$0x2C20];
	v7 =	vmul.f32 $1.442695020e+00, v15;
	v11 =	vsub.f32 $0.0e+00, v16;
	v14 =	vand.u32 $0xFFFF0000, v12;
	v15 =	vpop (erf)  }
0x337: {  	v16 =	vld [tilespmem:s3+$0x460];
	v4 =	vadd.f32 v4, v6;
	v5 =	vsub.f32 $0.0e+00, v5;
	[tilespmem:s17+$0xA410] =	vst v3;
	v3 =	vmul.f32 v14, v15  }
0x338: {  	v6 =	vld [tilespmem:s3+$0x2C10];
	v18 =	vmul.f32 $1.442695020e+00, v11;
	(erf) = vpow2.f32 v7;
	v7 =	vshll.u32 v12, $0x10;
	v12 =	vpop (erf)  }
0x339: {  	v19 =	vmul.f32 $1.442695020e+00, v13;
	v14 =	vld [tilespmem:s3+$0x400];
	v4 =	vsub.f32 $0.0e+00, v4;
	v15 =	vpop (erf);
	v7 =	vmul.f32 v7, v12;
	[tilespmem:s17+$0xA430] =	vst v3  }
0x33a: {  	v1 =	vshll.u32 v1, $0x10;
	v12 =	vld [tilespmem:s3+$0x470];
	v21 =	vadd.f32 $1.000000000e+00, v15;
	(erf) = vpow2.f32 v18;
	v11 =	vpop (erf)  }
0x33b: {  	v15 =	vld [tilespmem:s3+$0x420];
	v18 =	vshll.u32 v10, $0x10;
	(erf) = vpow2.f32 v19;
	v13 =	vpop (erf);
	[tilespmem:s17+$0xA420] =	vst v7;
	v22 =	vmul.f32 v1, v11  }
0x33c: {  	v4 =	vmul.f32 $1.442695020e+00, v4;
	v19 =	vld [tilespmem:s3+$0x5420];
	v7 =	vadd.f32 $1.000000000e+00, v13;
	v11 =	vpop (erf);
	(erf) = vrcp.f32 v21  }
0x33d: {  	v20 =	vmul.f32 $1.442695020e+00, v5;
	v1 =	vmov v8;
	v13 =	vld [tilespmem:s3+$0x5410];
	v11 =	vadd.f32 $1.000000000e+00, v11;
	[tilespmem:s17+$0xA440] =	vst v22;
	v3 =	vpop (erf)  }
0x33e: {  	v8 =	vld [tilespmem:s3+$0x2C30];
	(erf) = vrcp.f32 v7;
	v7 =	vmul.f32 v2, v3  }
0x33f: {  	v3 =	vand.u32 $0xFFFF0000, v17;
	v2 =	vand.u32 $0xFFFF0000, v1;
	v21 =	vld [tilespmem:s3+$0x5400];
	(erf) = vpow2.f32 v4  }
0x340: {  	v5 =	vshll.u32 v6, $0x10;
	v4 =	vand.u32 $0xFFFF0000, v6;
	v22 =	vld [tilespmem:s3+$0x5430];
	(erf) = vpow2.f32 v20;
	[tilespmem:s17+$0xA450] =	vst v7;
	s17 =	smov.u32 s20;
	s20 =	smov.u32 s3  }
0x341: {  	v23 =	vshll.u32 v9, $0x10;
	v17 =	vshll.u32 v17, $0x10;
	v20 =	vld [tilespmem:s20+$0x2C00];
	v6 =	vpop (erf);
	(erf) = vrcp.f32 v11  }
0x342: {  	v25 =	vshll.u32 v19, $0x10;
	v11 =	vld [tilespmem:s20+$0x410];
	v24 =	vshll.u32 v13, $0x10;
	v27 =	vadd.f32 $1.000000000e+00, v6  }
0x343: {  	v9 =	vand.u32 $0xFFFF0000, v9;
	v7 =	vand.u32 $0xFFFF0000, v13;
	v6 =	vadd.f32 v24, v15;
	v13 =	vpop (erf)  }
0x344: {  	v24 =	vshll.u32 v8, $0x10;
	v15 =	vshll.u32 v21, $0x10;
	(erf) = vrcp.f32 v27;
	v26 =	vpop (erf)  }
0x345: {  	v21 =	vand.u32 $0xFFFF0000, v21;
	v27 =	vshll.u32 v22, $0x10;
	v22 =	vand.u32 $0xFFFF0000, v22;
	v28 =	vpop (erf)  }
0x346: {  	v29 =	vshll.u32 v20, $0x10;
	v16 =	vadd.f32 v27, v16;
	v27 =	vadd.f32 v22, v12  }
0x347: {  	v8 =	vand.u32 $0xFFFF0000, v8;
	v30 =	vadd.f32 v21, v11;
	v21 =	vadd.f32 $1.000000000e+00, v13;
	v13 =	vpop (erf)  }
0x348: {  	v20 =	vand.u32 $0xFFFF0000, v20;
	v22 =	vld [tilespmem:s20+$0x440];
	v16 =	vadd.f32 v24, v16;
	v8 =	vadd.f32 v8, v27;
	v12 =	vpop (erf)  }
0x349: {  	v9 =	vmul.f32 v9, v13;
	v20 =	vadd.f32 v20, v30;
	v12 =	vadd.f32 $1.000000000e+00, v12;
	v13 =	vpop (erf)  }
0x34a: {  	v23 =	vmul.f32 v23, v28;
	v16 =	vsub.f32 $0.0e+00, v16;
	v8 =	vsub.f32 $0.0e+00, v8;
	v11 =	vpop (erf)  }
0x34b: {  	v13 =	vadd.f32 $1.000000000e+00, v13;
	v20 =	vsub.f32 $0.0e+00, v20;
	v24 =	vld [tilespmem:s20+$0x450];
	[tilespmem:s17+$0xA470] =	vst v9;
	(erf) = vrcp.f32 v12  }
0x34c: {  	v9 =	vadd.f32 v15, v14;
	v15 =	vadd.f32 $1.000000000e+00, v26;
	v12 =	vmul.f32 $1.442695020e+00, v16;
	[tilespmem:s17+$0xA460] =	vst v23  }
0x34d: {  	v16 =	vmul.f32 $1.442695020e+00, v20;
	v20 =	vadd.f32 v25, v22;
	v22 =	vpop (erf);
	(erf) = vrcp.f32 v13  }
.Ltmp6:
0x34e: {  	v8 =	vmul.f32 $1.442695020e+00, v8;
	v13 =	vand.u32 $0xFFFF0000, v19;
	v14 =	vld [tilespmem:s20+$0x430];
	(erf) = vpow2.f32 v12;
	(pc) =	sbr.rel @p0 .LBB2_14-.Ltmp6, $4  }
0x34f: {  	v19 =	vadd.f32 v29, v9;
	v9 =	vadd.f32 v18, v20;
	v12 =	vld [tilespmem:s17+$0x2C50];
	(erf) = vrcp.f32 v15  }
0x350: {  	v17 =	vmul.f32 v17, v22;
	v18 =	vadd.f32 v13, v24;
	(erf) = vpow2.f32 v8  }
0x351: {  	v10 =	vand.u32 $0xFFFF0000, v10;
	v13 =	vsub.f32 $0.0e+00, v9;
	v9 =	vld [tilespmem:s20+$0x2C70];
	(erf) = vpow2.f32 v16  }
0x352: {  	v15 =	vsub.f32 $0.0e+00, v19;
	v8 =	vld [tilespmem:s20+$0x2C60];
	v16 =	vadd.f32 v10, v18;
	[tilespmem:s17+$0xA400] =	vst v17;
	(erf) = vrcp.f32 v21  }
0x353: {  	_ = 	snop  }
0x354: {  	v7 =	vadd.f32 v7, v14;
	v10 =	vsub.f32 $0.0e+00, v16;
	_ =	sdelay $0x1  }
0x355: {  	v14 =	vpop (erf);
	v4 =	vadd.f32 v4, v7;
	v7 =	vmul.f32 $1.442695020e+00, v10  }
0x356: {  	v15 =	vmul.f32 $1.442695020e+00, v15;
	v16 =	vpop (erf)  }
0x357: {  	v10 =	vpop (erf)  }
0x358: {  	v5 =	vadd.f32 v5, v6;
	v6 =	vmul.f32 $1.442695020e+00, v13;
	(erf) = vpow2.f32 v15;
	v13 =	vpop (erf)  }
0x359: {  	v4 =	vsub.f32 $0.0e+00, v4;
	(erf) = vpow2.f32 v7;
	v10 =	vadd.f32 $1.000000000e+00, v10;
	v7 =	vpop (erf)  }
0x35a: {  	v5 =	vsub.f32 $0.0e+00, v5;
	(erf) = vpow2.f32 v6;
	v6 =	vadd.f32 $1.000000000e+00, v7  }
0x35b: {  	v4 =	vmul.f32 $1.442695020e+00, v4;
	(erf) = vrcp.f32 v10  }
0x35c: {  	v5 =	vmul.f32 $1.442695020e+00, v5;
	(erf) = vrcp.f32 v6  }
0x35d: {  	(erf) = vpow2.f32 v4  }
0x35e: {  	(erf) = vpow2.f32 v5  }
0x35f: {  	v4 =	vpop (erf)  }
0x360: {  	v5 =	vpop (erf)  }
0x361: {  	v6 =	vpop (erf)  }
0x362: {  	v4 =	vadd.f32 $1.000000000e+00, v4;
	v7 =	vpop (erf)  }
0x363: {  	v6 =	vadd.f32 $1.000000000e+00, v6;
	v10 =	vpop (erf)  }
0x364: {  	v15 =	vpop (erf)  }
0x365: {  	v17 =	vpop (erf)  }
0x366: {  	(erf) = vrcp.f32 v4;
	v4 =	vpop (erf)  }
0x367: {  	(erf) = vrcp.f32 v6;
	v4 =	vadd.f32 $1.000000000e+00, v4;
	v6 =	vpop (erf)  }
0x368: {  	v6 =	vadd.f32 $1.000000000e+00, v6  }
0x369: {  	(erf) = vrcp.f32 v4;
	v4 =	vadd.f32 $1.000000000e+00, v10  }
0x36a: {  	(erf) = vrcp.f32 v6  }
0x36b: {  	(erf) = vrcp.f32 v4;
	v4 =	vand.u32 $0xFFFF0000, v12  }
0x36c: {  	v7 =	vadd.f32 $1.000000000e+00, v7;
	v10 =	vld [tilespmem:s20+$0x2C40];
	v4 =	vmul.f32 v4, v14  }
0x36d: {  	v3 =	vmul.f32 v3, v11  }
0x36e: {  	v6 =	vshll.u32 v12, $0x10;
	(erf) = vrcp.f32 v7;
	v7 =	vld [tilespmem:s20+$0x2C50]  }
0x36f: {  	v1 =	vshll.u32 v1, $0x10;
	[tilespmem:s17+$0xA410] =	vst v3;
	v3 =	vmul.f32 v6, v16  }
0x370: {  	v1 =	vmul.f32 v1, v13;
	[tilespmem:s17+$0xA430] =	vst v4;
	v4 =	vpop (erf)  }
0x371: {  	v2 =	vmul.f32 v2, v5;
	[tilespmem:s17+$0xA420] =	vst v3;
	v3 =	vshll.u32 v10, $0x10;
	v5 =	vpop (erf)  }
0x372: {  	v18 =	vshll.u32 v9, $0x10;
	[tilespmem:s17+$0xA440] =	vst v1;
	v1 =	vand.u32 $0xFFFF0000, v10;
	v3 =	vmul.f32 v3, v5  }
0x373: {  	v9 =	vand.u32 $0xFFFF0000, v9;
	[tilespmem:s17+$0xA450] =	vst v2;
	v1 =	vmul.f32 v1, v4;
	v2 =	vand.u32 $0xFFFF0000, v7;
	v4 =	vpop (erf)  }
0x374: {  	v15 =	vmul.f32 v18, v15;
	v2 =	vmul.f32 v2, v4;
	v4 =	vpop (erf);
	[tilespmem:s20+$0xA400] =	vst v3;
	v3 =	vshll.u32 v7, $0x10  }
0x375: {  	v9 =	vmul.f32 v9, v17;
	[tilespmem:s20+$0xA410] =	vst v1;
	v1 =	vmul.f32 v3, v4;
	v3 =	vshll.u32 v8, $0x10  }
0x376: {  	[tilespmem:s20+$0xA460] =	vst v15  }
0x377: {  	[tilespmem:s20+$0xA470] =	vst v9;
	v4 =	vpop (erf)  }
0x378: {  	v5 =	vand.u32 $0xFFFF0000, v8;
	[tilespmem:s20+$0xA430] =	vst v2;
	v2 =	vmul.f32 v3, v4;
	v3 =	vpop (erf)  }
0x379: {  	[tilespmem:s20+$0xA420] =	vst v1;
	v1 =	vmul.f32 v5, v3  }
0x37a: {  	[tilespmem:s20+$0xA440] =	vst v2  }
0x37b: {  	[tilespmem:s20+$0xA450] =	vst v1  }
0x37c: {  	[spmem:s2] =	stream.indirect.scatter.add.f32 [tilespmem:s16], [sflag:$0x7], $0x80, s18, s22, $0xb8;
	[tilespmem:$0x1F800] =	vst v63  }
0x37d: {  	_ =	swait.ge [sflag:s10], $0x1400  }
0x37e: {  	[sflag:s10] =	ssyncset.done $0x0  }
0x37f: {  	[sflag:s10] =	ssyncadd.s32 $0xFFFFEC00  }
0x380: {  	_ =	swait.ge [sflag:s10], $0x1400  }
0x381: {  	[sflag:s10] =	ssyncset.done $0x0  }
0x382: {  	[sflag:s10] =	ssyncadd.s32 $0xFFFFEC00  }
0x383: {  	_ =	swait.ge [sflag:s15], $0x1400  }
0x384: {  	[sflag:s15] =	ssyncset.done $0x0  }
0x385: {  	s17 =	simm.s32 $0x0;
	[sflag:s15] =	ssyncadd.s32 $0xFFFFEC00  }
0x386: {  	v1 =	vld [tilespmem:s17+$0x1860]  }
0x387: {  	v2 =	vld [tilespmem:s17+$0x1870]  }
0x388: {  	v3 =	vld [tilespmem:s17+$0x6830]  }
0x389: {  	v4 =	vld [tilespmem:s17+$0x4030]  }
0x38a: {  	v5 =	vld [tilespmem:s17+$0x6800]  }
0x38b: {  	v6 =	vld [tilespmem:s17+$0x1810]  }
0x38c: {  	v7 =	vld [tilespmem:s17+$0x4000]  }
0x38d: {  	v8 =	vshll.u32 v3, $0x10  }
0x38e: {  	v3 =	vand.u32 $0xFFFF0000, v3;
	v1 =	vadd.f32 v8, v1  }
0x38f: {  	v9 =	vshll.u32 v4, $0x10;
	v10 =	vand.u32 $0xFFFF0000, v5;
	v8 =	vld [tilespmem:s17+$0x1800];
	v2 =	vadd.f32 v3, v2  }
0x390: {  	v4 =	vand.u32 $0xFFFF0000, v4;
	v3 =	vld [tilespmem:s17+$0x6820];
	v6 =	vadd.f32 v10, v6;
	v1 =	vadd.f32 v9, v1  }
0x391: {  	v10 =	vld [tilespmem:s17+$0x4020];
	v9 =	vand.u32 $0xFFFF0000, v7;
	v2 =	vadd.f32 v4, v2  }
0x392: {  	v6 =	vadd.f32 v9, v6;
	v9 =	vld [tilespmem:s17+$0x1850];
	v1 =	vsub.f32 $0.0e+00, v1  }
0x393: {  	v5 =	vshll.u32 v5, $0x10;
	v4 =	vld [tilespmem:s17+$0x1840]  }
0x394: {  	v7 =	vshll.u32 v7, $0x10;
	v2 =	vsub.f32 $0.0e+00, v2;
	v1 =	vmul.f32 $1.442695020e+00, v1  }
0x395: {  	v6 =	vsub.f32 $0.0e+00, v6;
	v12 =	vshll.u32 v3, $0x10;
	v5 =	vadd.f32 v5, v8  }
0x396: {  	v11 =	vld [tilespmem:s17+$0x4010];
	v2 =	vmul.f32 $1.442695020e+00, v2;
	(erf) = vpow2.f32 v1;
	v1 =	vand.u32 $0xFFFF0000, v3  }
0x397: {  	v8 =	vld [tilespmem:s17+$0x6810];
	v6 =	vmul.f32 $1.442695020e+00, v6;
	v3 =	vadd.f32 v7, v5;
	v5 =	vadd.f32 v1, v9  }
0x398: {  	v13 =	vld [tilespmem:s17+$0x1830];
	v4 =	vadd.f32 v12, v4;
	v7 =	vand.u32 $0xFFFF0000, v10;
	(erf) = vpow2.f32 v2  }
0x399: {  	v2 =	vld [tilespmem:s17+$0x1820];
	(erf) = vpow2.f32 v6;
	v6 =	vshll.u32 v10, $0x10;
	v5 =	vadd.f32 v7, v5  }
0x39a: {  	s20 =	simm.s32 $0x80;
	v4 =	vadd.f32 v6, v4  }
0x39b: {  	v14 =	vld [tilespmem:s20+$0x6820];
	v3 =	vsub.f32 $0.0e+00, v3;
	v5 =	vsub.f32 $0.0e+00, v5  }
0x39c: {  	v16 =	vld [tilespmem:s20+$0x6810];
	v7 =	vand.u32 $0xFFFF0000, v8;
	v8 =	vshll.u32 v8, $0x10;
	v4 =	vsub.f32 $0.0e+00, v4  }
0x39d: {  	v18 =	vld [tilespmem:s20+$0x4030];
	v3 =	vmul.f32 $1.442695020e+00, v3;
	v7 =	vadd.f32 v7, v13;
	v5 =	vmul.f32 $1.442695020e+00, v5  }
0x39e: {  	v19 =	vld [tilespmem:s20+$0x6800];
	v10 =	vand.u32 $0xFFFF0000, v11;
	v2 =	vadd.f32 v8, v2  }
0x39f: {  	v61 =	vld [tilespmem:s20+$0x1840];
	(erf) = vpow2.f32 v3;
	v3 =	vshll.u32 v11, $0x10;
	v7 =	vadd.f32 v10, v7  }
0x3a0: {  	v10 =	vld [tilespmem:s20+$0x4010];
	v2 =	vadd.f32 v3, v2;
	v3 =	vmul.f32 $1.442695020e+00, v4;
	v4 =	vpop (erf)  }
0x3a1: {  	v9 =	vld [tilespmem:s17+$0x4070];
	v7 =	vsub.f32 $0.0e+00, v7;
	(erf) = vpow2.f32 v5;
	v4 =	vadd.f32 $1.000000000e+00, v4;
	v5 =	vpop (erf)  }
0x3a2: {  	v6 =	vld [tilespmem:s17+$0x4040];
	v2 =	vsub.f32 $0.0e+00, v2;
	(erf) = vpow2.f32 v3;
	v3 =	vadd.f32 $1.000000000e+00, v5  }
0x3a3: {  	v23 =	vshll.u32 v16, $0x10;
	v13 =	vld [tilespmem:s20+$0x4020];
	v5 =	vmul.f32 $1.442695020e+00, v7;
	(erf) = vrcp.f32 v4  }
0x3a4: {  	v24 =	vshll.u32 v14, $0x10;
	v12 =	vld [tilespmem:s20+$0x1820];
	v17 =	vmul.f32 $1.442695020e+00, v2;
	(erf) = vrcp.f32 v3  }
0x3a5: {  	v4 =	vand.u32 $0xFFFF0000, v10;
	(erf) = vpow2.f32 v5;
	v5 =	vshll.u32 v10, $0x10;
	v10 =	vld [tilespmem:s20+$0x6830]  }
0x3a6: {  	v58 =	vshll.u32 v18, $0x10;
	v18 =	vand.u32 $0xFFFF0000, v18;
	v63 =	vadd.f32 v24, v61;
	v8 =	vld [tilespmem:s20+$0x1860]  }
0x3a7: {  	v11 =	vld [tilespmem:s20+$0x1870];
	v21 =	vshll.u32 v9, $0x10;
	v20 =	vshll.u32 v6, $0x10;
	v7 =	vpop (erf);
	(erf) = vpow2.f32 v17  }
0x3a8: {  	v22 =	vld [tilespmem:s20+$0x1810];
	v15 =	vshll.u32 v13, $0x10;
	v7 =	vadd.f32 $1.000000000e+00, v7;
	v3 =	vand.u32 $0xFFFF0000, v6;
	v6 =	vpop (erf)  }
0x3a9: {  	v9 =	vand.u32 $0xFFFF0000, v9;
	v15 =	vadd.f32 v15, v63;
	v17 =	vld [tilespmem:s20+$0x4000];
	v25 =	vadd.f32 $1.000000000e+00, v6  }
0x3aa: {  	v6 =	vadd.f32 v23, v12;
	(erf) = vrcp.f32 v7;
	v12 =	vpop (erf);
	v26 =	vshll.u32 v10, $0x10  }
0x3ab: {  	v1 =	vld [tilespmem:s17+$0x4060];
	v7 =	vand.u32 $0xFFFF0000, v16;
	v59 =	vpop (erf);
	v10 =	vand.u32 $0xFFFF0000, v10;
	v8 =	vadd.f32 v26, v8  }
0x3ac: {  	v16 =	vshll.u32 v19, $0x10;
	(erf) = vrcp.f32 v25;
	v27 =	vpop (erf);
	v10 =	vadd.f32 v10, v11  }
0x3ad: {  	v19 =	vand.u32 $0xFFFF0000, v19;
	v60 =	vadd.f32 $1.000000000e+00, v12;
	v12 =	vpop (erf);
	v8 =	vadd.f32 v58, v8  }
0x3ae: {  	v19 =	vadd.f32 v19, v22;
	v28 =	vshll.u32 v17, $0x10;
	v11 =	vld [tilespmem:s20+$0x1800];
	v10 =	vadd.f32 v18, v10;
	v18 =	vpop (erf)  }
0x3af: {  	v17 =	vand.u32 $0xFFFF0000, v17;
	v18 =	vadd.f32 $1.000000000e+00, v18;
	v8 =	vsub.f32 $0.0e+00, v8  }
0x3b0: {  	v2 =	vand.u32 $0xFFFF0000, v1;
	v17 =	vadd.f32 v17, v19;
	v9 =	vmul.f32 v9, v12;
	v12 =	vpop (erf)  }
0x3b1: {  	v62 =	vld [tilespmem:s20+$0x1850];
	v12 =	vadd.f32 $1.000000000e+00, v12;
	(erf) = vrcp.f32 v18;
	v8 =	vmul.f32 $1.442695020e+00, v8  }
0x3b2: {  	v19 =	vmul.f32 v21, v27;
	v17 =	vsub.f32 $0.0e+00, v17;
	v10 =	vsub.f32 $0.0e+00, v10  }
0x3b3: {  	v16 =	vadd.f32 v16, v11;
	v18 =	vadd.f32 $1.000000000e+00, v59;
	(erf) = vrcp.f32 v12  }
0x3b4: {  	v11 =	vpop (erf);
	[tilespmem:s17+$0xA470] =	vst v9;
	v9 =	vand.u32 $0xFFFF0000, v14;
	v14 =	vld [tilespmem:s20+$0x1830];
	v10 =	vmul.f32 $1.442695020e+00, v10;
	(erf) = vpow2.f32 v8  }
0x3b5: {  	v17 =	vmul.f32 $1.442695020e+00, v17;
	v16 =	vadd.f32 v28, v16;
	v12 =	vld [tilespmem:s17+$0x4050];
	(erf) = vrcp.f32 v18;
	v8 =	vpop (erf)  }
0x3b6: {  	v18 =	vadd.f32 v9, v62;
	(erf) = vpow2.f32 v10;
	v10 =	vmul.f32 v20, v8  }
0x3b7: {  	[tilespmem:s17+$0xA460] =	vst v19;
	v19 =	vand.u32 $0xFFFF0000, v13;
	v13 =	vsub.f32 $0.0e+00, v15;
	v9 =	vld [tilespmem:s20+$0x4070];
	(erf) = vpow2.f32 v17  }
0x3b8: {  	s12 =	simm.s32 $0x400;
	s21 =	simm.s32 $0x8;
	v15 =	vsub.f32 $0.0e+00, v16;
	v8 =	vld [tilespmem:s20+$0x4060];
	v16 =	vadd.f32 v19, v18;
	(erf) = vrcp.f32 v60;
	[tilespmem:s17+$0xA400] =	vst v10  }
.LBB2_16:
0x3b9: {  	s3 =	sshra.s32 s12, $0x2;
	p0 =	sne.s32 s12, $0x4E00;
	s12 =	sadd.s32 $0x200, s12;
	v17 =	vld [tilespmem:s20+$0x4040];
	v5 =	vadd.f32 v5, v6;
	v6 =	vadd.f32 v7, v14;
	v3 =	vmul.f32 v3, v11  }
0x3ba: {  	v10 =	vld [tilespmem:s3+$0x4020];
	v7 =	vmul.f32 $1.442695020e+00, v15;
	v11 =	vsub.f32 $0.0e+00, v16;
	v14 =	vand.u32 $0xFFFF0000, v12;
	v15 =	vpop (erf)  }
0x3bb: {  	v16 =	vld [tilespmem:s3+$0x1860];
	v4 =	vadd.f32 v4, v6;
	v5 =	vsub.f32 $0.0e+00, v5;
	[tilespmem:s17+$0xA410] =	vst v3;
	v3 =	vmul.f32 v14, v15  }
0x3bc: {  	v6 =	vld [tilespmem:s3+$0x4010];
	v18 =	vmul.f32 $1.442695020e+00, v11;
	(erf) = vpow2.f32 v7;
	v7 =	vshll.u32 v12, $0x10;
	v12 =	vpop (erf)  }
0x3bd: {  	v19 =	vmul.f32 $1.442695020e+00, v13;
	v14 =	vld [tilespmem:s3+$0x1800];
	v4 =	vsub.f32 $0.0e+00, v4;
	v15 =	vpop (erf);
	v7 =	vmul.f32 v7, v12;
	[tilespmem:s17+$0xA430] =	vst v3  }
0x3be: {  	v1 =	vshll.u32 v1, $0x10;
	v12 =	vld [tilespmem:s3+$0x1870];
	v21 =	vadd.f32 $1.000000000e+00, v15;
	(erf) = vpow2.f32 v18;
	v11 =	vpop (erf)  }
0x3bf: {  	v15 =	vld [tilespmem:s3+$0x1820];
	v18 =	vshll.u32 v10, $0x10;
	(erf) = vpow2.f32 v19;
	v13 =	vpop (erf);
	[tilespmem:s17+$0xA420] =	vst v7;
	v22 =	vmul.f32 v1, v11  }
0x3c0: {  	v4 =	vmul.f32 $1.442695020e+00, v4;
	v19 =	vld [tilespmem:s3+$0x6820];
	v7 =	vadd.f32 $1.000000000e+00, v13;
	v11 =	vpop (erf);
	(erf) = vrcp.f32 v21  }
0x3c1: {  	v20 =	vmul.f32 $1.442695020e+00, v5;
	v1 =	vmov v8;
	v13 =	vld [tilespmem:s3+$0x6810];
	v11 =	vadd.f32 $1.000000000e+00, v11;
	[tilespmem:s17+$0xA440] =	vst v22;
	v3 =	vpop (erf)  }
0x3c2: {  	v8 =	vld [tilespmem:s3+$0x4030];
	(erf) = vrcp.f32 v7;
	v7 =	vmul.f32 v2, v3  }
0x3c3: {  	v3 =	vand.u32 $0xFFFF0000, v17;
	v2 =	vand.u32 $0xFFFF0000, v1;
	v21 =	vld [tilespmem:s3+$0x6800];
	(erf) = vpow2.f32 v4  }
0x3c4: {  	v5 =	vshll.u32 v6, $0x10;
	v4 =	vand.u32 $0xFFFF0000, v6;
	v22 =	vld [tilespmem:s3+$0x6830];
	(erf) = vpow2.f32 v20;
	[tilespmem:s17+$0xA450] =	vst v7;
	s17 =	smov.u32 s20;
	s20 =	smov.u32 s3  }
0x3c5: {  	v23 =	vshll.u32 v9, $0x10;
	v17 =	vshll.u32 v17, $0x10;
	v20 =	vld [tilespmem:s20+$0x4000];
	v6 =	vpop (erf);
	(erf) = vrcp.f32 v11  }
0x3c6: {  	v25 =	vshll.u32 v19, $0x10;
	v11 =	vld [tilespmem:s20+$0x1810];
	v24 =	vshll.u32 v13, $0x10;
	v27 =	vadd.f32 $1.000000000e+00, v6  }
0x3c7: {  	v9 =	vand.u32 $0xFFFF0000, v9;
	v7 =	vand.u32 $0xFFFF0000, v13;
	v6 =	vadd.f32 v24, v15;
	v13 =	vpop (erf)  }
0x3c8: {  	v24 =	vshll.u32 v8, $0x10;
	v15 =	vshll.u32 v21, $0x10;
	(erf) = vrcp.f32 v27;
	v26 =	vpop (erf)  }
0x3c9: {  	v21 =	vand.u32 $0xFFFF0000, v21;
	v27 =	vshll.u32 v22, $0x10;
	v22 =	vand.u32 $0xFFFF0000, v22;
	v28 =	vpop (erf)  }
0x3ca: {  	v29 =	vshll.u32 v20, $0x10;
	v16 =	vadd.f32 v27, v16;
	v27 =	vadd.f32 v22, v12  }
0x3cb: {  	v8 =	vand.u32 $0xFFFF0000, v8;
	v30 =	vadd.f32 v21, v11;
	v21 =	vadd.f32 $1.000000000e+00, v13;
	v13 =	vpop (erf)  }
0x3cc: {  	v20 =	vand.u32 $0xFFFF0000, v20;
	v22 =	vld [tilespmem:s20+$0x1840];
	v16 =	vadd.f32 v24, v16;
	v8 =	vadd.f32 v8, v27;
	v12 =	vpop (erf)  }
0x3cd: {  	v9 =	vmul.f32 v9, v13;
	v20 =	vadd.f32 v20, v30;
	v12 =	vadd.f32 $1.000000000e+00, v12;
	v13 =	vpop (erf)  }
0x3ce: {  	v23 =	vmul.f32 v23, v28;
	v16 =	vsub.f32 $0.0e+00, v16;
	v8 =	vsub.f32 $0.0e+00, v8;
	v11 =	vpop (erf)  }
0x3cf: {  	v13 =	vadd.f32 $1.000000000e+00, v13;
	v20 =	vsub.f32 $0.0e+00, v20;
	v24 =	vld [tilespmem:s20+$0x1850];
	[tilespmem:s17+$0xA470] =	vst v9;
	(erf) = vrcp.f32 v12  }
0x3d0: {  	v9 =	vadd.f32 v15, v14;
	v15 =	vadd.f32 $1.000000000e+00, v26;
	v12 =	vmul.f32 $1.442695020e+00, v16;
	[tilespmem:s17+$0xA460] =	vst v23  }
0x3d1: {  	v16 =	vmul.f32 $1.442695020e+00, v20;
	v20 =	vadd.f32 v25, v22;
	v22 =	vpop (erf);
	(erf) = vrcp.f32 v13  }
.Ltmp7:
0x3d2: {  	v8 =	vmul.f32 $1.442695020e+00, v8;
	v13 =	vand.u32 $0xFFFF0000, v19;
	v14 =	vld [tilespmem:s20+$0x1830];
	(erf) = vpow2.f32 v12;
	(pc) =	sbr.rel @p0 .LBB2_16-.Ltmp7, $4  }
0x3d3: {  	v19 =	vadd.f32 v29, v9;
	v9 =	vadd.f32 v18, v20;
	v12 =	vld [tilespmem:s17+$0x4050];
	(erf) = vrcp.f32 v15  }
0x3d4: {  	v17 =	vmul.f32 v17, v22;
	v18 =	vadd.f32 v13, v24;
	(erf) = vpow2.f32 v8  }
0x3d5: {  	v10 =	vand.u32 $0xFFFF0000, v10;
	v13 =	vsub.f32 $0.0e+00, v9;
	v9 =	vld [tilespmem:s20+$0x4070];
	(erf) = vpow2.f32 v16  }
0x3d6: {  	v15 =	vsub.f32 $0.0e+00, v19;
	v8 =	vld [tilespmem:s20+$0x4060];
	v16 =	vadd.f32 v10, v18;
	[tilespmem:s17+$0xA400] =	vst v17;
	(erf) = vrcp.f32 v21  }
0x3d7: {  	_ =	sdelay $0x1  }
0x3d8: {  	v7 =	vadd.f32 v7, v14;
	v10 =	vsub.f32 $0.0e+00, v16;
	v35 =	vpop (erf)  }
0x3d9: {  	v15 =	vmul.f32 $1.442695020e+00, v15;
	v36 =	vpop (erf)  }
0x3da: {  	v4 =	vadd.f32 v4, v7;
	v37 =	vmul.f32 $1.442695020e+00, v10;
	v38 =	vpop (erf)  }
0x3db: {  	v5 =	vadd.f32 v5, v6;
	v39 =	vmul.f32 $1.442695020e+00, v13;
	(erf) = vpow2.f32 v15;
	v40 =	vpop (erf)  }
0x3dc: {  	v4 =	vsub.f32 $0.0e+00, v4;
	v10 =	vadd.f32 $1.000000000e+00, v38;
	(erf) = vpow2.f32 v37;
	v41 =	vpop (erf)  }
0x3dd: {  	v5 =	vsub.f32 $0.0e+00, v5;
	(erf) = vpow2.f32 v39;
	v42 =	vadd.f32 $1.000000000e+00, v41  }
0x3de: {  	v4 =	vmul.f32 $1.442695020e+00, v4;
	(erf) = vrcp.f32 v10  }
0x3df: {  	v5 =	vmul.f32 $1.442695020e+00, v5;
	(erf) = vrcp.f32 v42  }
0x3e0: {  	(erf) = vpow2.f32 v4  }
0x3e1: {  	(erf) = vpow2.f32 v5  }
0x3e2: {  	v43 =	vpop (erf)  }
0x3e3: {  	v44 =	vpop (erf)  }
0x3e4: {  	v45 =	vpop (erf)  }
0x3e5: {  	v46 =	vpop (erf)  }
0x3e6: {  	v47 =	vpop (erf)  }
0x3e7: {  	v4 =	vadd.f32 $1.000000000e+00, v43;
	v48 =	vpop (erf)  }
0x3e8: {  	v6 =	vadd.f32 $1.000000000e+00, v45;
	v17 =	vpop (erf)  }
0x3e9: {  	(erf) = vrcp.f32 v4;
	v49 =	vpop (erf)  }
0x3ea: {  	(erf) = vrcp.f32 v6;
	v4 =	vadd.f32 $1.000000000e+00, v49;
	v50 =	vpop (erf)  }
0x3eb: {  	v6 =	vadd.f32 $1.000000000e+00, v50  }
0x3ec: {  	(erf) = vrcp.f32 v4  }
0x3ed: {  	(erf) = vrcp.f32 v6  }
0x3ee: {  	v53 =	vld [tilespmem:s20+$0x4040];
	v52 =	vadd.f32 $1.000000000e+00, v47  }
0x3ef: {  	v3 =	vmul.f32 v3, v11;
	v54 =	vand.u32 $0xFFFF0000, v12;
	v7 =	vadd.f32 $1.000000000e+00, v46  }
0x3f0: {  	v56 =	vshll.u32 v12, $0x10;
	v55 =	vmul.f32 v54, v35;
	(erf) = vrcp.f32 v52  }
0x3f1: {  	v57 =	vld [tilespmem:s20+$0x4050];
	v1 =	vshll.u32 v1, $0x10;
	[tilespmem:s17+$0xA410] =	vst v3;
	v3 =	vmul.f32 v56, v36;
	(erf) = vrcp.f32 v7  }
0x3f2: {  	[tilespmem:s17+$0xA430] =	vst v55;
	v1 =	vmul.f32 v1, v40;
	v58 =	vpop (erf)  }
0x3f3: {  	[tilespmem:s17+$0xA420] =	vst v3;
	v3 =	vshll.u32 v53, $0x10;
	v2 =	vmul.f32 v2, v44;
	v59 =	vpop (erf)  }
0x3f4: {  	[tilespmem:s17+$0xA440] =	vst v1;
	v1 =	vand.u32 $0xFFFF0000, v53;
	v3 =	vmul.f32 v3, v59  }
0x3f5: {  	v18 =	vand.u32 $0xFFFF0000, v9;
	v51 =	vshll.u32 v9, $0x10;
	[tilespmem:s17+$0xA450] =	vst v2;
	v1 =	vmul.f32 v1, v58;
	v60 =	vpop (erf)  }
0x3f6: {  	v2 =	vand.u32 $0xFFFF0000, v57;
	v17 =	vmul.f32 v18, v17;
	[tilespmem:s20+$0xA400] =	vst v3;
	v3 =	vshll.u32 v57, $0x10;
	v61 =	vpop (erf)  }
0x3f7: {  	v4 =	vmul.f32 v51, v48;
	[tilespmem:s20+$0xA410] =	vst v1;
	v1 =	vmul.f32 v3, v61;
	v3 =	vshll.u32 v8, $0x10  }
0x3f8: {  	[tilespmem:s20+$0xA470] =	vst v17;
	v2 =	vmul.f32 v2, v60  }
0x3f9: {  	[tilespmem:s20+$0xA460] =	vst v4;
	v62 =	vpop (erf)  }
0x3fa: {  	v63 =	vand.u32 $0xFFFF0000, v8;
	[tilespmem:s20+$0xA430] =	vst v2;
	v2 =	vmul.f32 v3, v62;
	v3 =	vpop (erf)  }
0x3fb: {  	[tilespmem:s20+$0xA420] =	vst v1;
	v1 =	vmul.f32 v63, v3  }
0x3fc: {  	[tilespmem:s20+$0xA440] =	vst v2  }
0x3fd: {  	[tilespmem:s20+$0xA450] =	vst v1  }
0x3fe: {  	[spmem:s2] =	stream.indirect.scatter.add.f32 [tilespmem:s16], [sflag:$0x7], $0x80, s30, s22, $0xb8;
	[tilespmem:$0x1F800] =	vst v63  }
0x3ff: {  	_ =	swait.ge [sflag:s15], $0x1400  }
0x400: {  	[sflag:s15] =	ssyncset.done $0x0  }
0x401: {  	[sflag:s15] =	ssyncadd.s32 $0xFFFFEC00  }
0x402: {  	s3 =	stileid.u32;
	[bflag:$0x0] =	sbarrier.arrive $0xFFFF  }
0x403: {  	s3 =	sshll.u32 s3, $0x6;
	s20 =	rddreg [dreg:$0x6]  }
0x404: {  	s3 =	sor.u32 $0x1C08, s3;
	s24 =	rddreg [dreg:$0x12];
	s12 =	sshrl.u32 s20, $0x3  }
0x405: {  	[hbm:s24], [sflag:s3] =	dma.local [spmem:s12], $0x2800  }
0x406: {  	_ =	swait.ge [sflag:s21], $0x2800  }
0x407: {  	s23 =	rddreg [dreg:$0x4]  }
0x408: {  	s24 =	rddreg [dreg:$0x15];
	s17 =	sadd.s32 $0x1, s23  }
0x409: {  	p0 =	sne.s32 s17, s24  }
.Ltmp8:
0x40a: {  	_ = 	snop;
	(pc) =	sbr.rel @p0 .LBB2_1-.Ltmp8, $3  }
0x40b: {  	_ =	sdelay $0x1  }
0x40c: {  	[sflag:s21] =	ssyncset.done $0x0  }
0x40d: {  	[sflag:s21] =	ssyncadd.s32 $0xFFFFD800  }
0x40e: {  	_ =	sfence.sel $0x180000  }
0x40f: {  	[bflag:$0x0] =	sbarrier.arrive $0xFFFF  }
0x410: {  	_ =	strace $0x90000047  }
0x411: {  	s0 =	stileid.u32;
	[bflag:$0x2] =	sbarrier.arrive $0xFFFF  }
0x412: {  	p0 =	sne.s32 s0, $0x0;
	s0 =	rddreg [dreg:$0x3]  }
0x413: {  	s0 =	sadd.s32 @!p0 $0x100000, s0  }
0x414: {  	[sflag:s0] =	ssyncadd.tile.s32 @!p0 $0x1;
	_ =	shalt  }
.Lfunc_end2:
_tile_overlayer_lowered:
.L_overlay_start_2:
0x415: {  	(tag) =	ssettag $0x2  }
0x416: {  	s0 =	rddreg [dreg:$0x0];
	s2 =	stileid.u32  }
0x417: {  	s1 =	rddreg [dreg:$0x1];
	p0 =	sne.s32 s2, $0x0  }
0x418: {  	s3 =	rddreg [dreg:$0x2];
	[bflag:$0x3] =	sbarrier.arrive $0xFFFF;
	s2 =	simm.s32 @!p0 $0x1C08  }
0x419: {  	[timem:s3], [sflag:s2] =	dma.local @!p0 [hbm:s0], s1  }
0x41a: {  	s0 =	simm.s32 @!p0 $0x8  }
0x41b: {  	_ =	swait.ge @!p0 [sflag:s0], s1  }
0x41c: {  	s1 =	ssub.s32 @!p0 $0x0, s1;
	[sflag:s0] =	ssyncset.done @!p0 $0x0  }
0x41d: {  	[sflag:s0] =	ssyncadd.s32 @!p0 s1  }
0x41e: {  	[bflag:$0x3] =	sbarrier.arrive $0xFFFF  }
0x41f: {  	_ =	shalt  }

</sc_bundles>
